<compile_context>
chip_gen: v7x
topology: tpu7x:2x2x1
jax: 0.10.2.dev20260603
libtpu: 0.0.44.dev20260713+nightly
codegen_flags: <defaults>
</compile_context>

<pallas_src>
import functools

import jax
import jax.numpy as jnp
from jax import lax
from jax.experimental import pallas as pl
from jax.experimental.pallas import tpu as pltpu
from jax.experimental.pallas import tpu_sc as plsc

K = 12
D = 64
N_ROWS = 19
B = 1024
L = 200

NC, NS = 2, 16
NW = NC * NS
L_UNITS_MAX = (L + NW - 1) // NW + 1
UNIT = 2 * 8 * 8 * 128
SLAB = D * B


def _table_body(vc_ref, cc_ref, wv_ref, wc_ref, out_ref):
    zero = jnp.zeros((1, K), jnp.float32)
    aug_v = jnp.concatenate([zero, vc_ref[...]], axis=0)
    aug_c = jnp.concatenate([zero, cc_ref[...]], axis=0)
    tv = jnp.dot(aug_v, wv_ref[...], preferred_element_type=jnp.float32,
                 precision=jax.lax.Precision.HIGHEST)
    tc = jnp.dot(aug_c, wc_ref[...], preferred_element_type=jnp.float32,
                 precision=jax.lax.Precision.HIGHEST)
    out_ref[...] = jnp.concatenate([tv, tc], axis=-1)


def _build_table(vc, cc, wv, wc):
    return pl.pallas_call(
        _table_body,
        out_shape=jax.ShapeDtypeStruct((N_ROWS, D), jnp.float32),
    )(vc, cc, wv, wc)


def _sc_body(table_hbm, idx_hbm, out_hbm,
             table_v, icol, svtab, stag_a, stag_b, sem_a, sem_b, isem):
    w = lax.axis_index("s") * NC + lax.axis_index("c")
    pltpu.sync_copy(table_hbm, table_v)

    iota = lax.iota(jnp.int32, 16)
    for d in range(16):
        cr = (iota + d) & 15
        svtab[pl.ds(d * 16, 16)] = (cr >> 3) * 8192 + (cr & 7) * 128 + iota

    lo = w * 25
    hi = lo + 25
    stags = (stag_a, stag_b)
    sems = (sem_a, sem_b)

    l0 = lo >> 2
    for bb in range(8):
        pltpu.async_copy(
            idx_hbm.at[l0 >> 3, bb, l0 & 7],
            icol.at[l0 & 1, pl.ds(bb * 128, 128)],
            isem,
        )

    def _unit(u, carry):
        l = u >> 2
        cq = u & 3
        isel = l & 1

        @pl.when((cq == 0) | (u == lo))
        def _drain_icol():
            for bb in range(8):
                pltpu.make_async_copy(
                    idx_hbm.at[0, 0, 0],
                    icol.at[isel, pl.ds(bb * 128, 128)],
                    isem,
                ).wait()

        @pl.when(((cq == 3) | (u == hi - 1)) & (u + 1 < hi))
        def _prefetch():
            nxt = l + 1
            for bb in range(8):
                pltpu.async_copy(
                    idx_hbm.at[nxt >> 3, bb, nxt & 7],
                    icol.at[1 - isel, pl.ds(bb * 128, 128)],
                    isem,
                )

        for par in range(2):
            stag = stags[par]
            sem = sems[par]

            @pl.when((u & 1) == par)
            def _do(_stag=stag, _sem=sem, _par=par):
                @pl.when(u >= lo + 2)
                def _drain():
                    pltpu.make_async_copy(out_hbm.at[0], _stag, _sem).wait()

                @plsc.parallel_loop(0, 64, unroll=2)
                def _group(g, _stag=_stag):
                    v = icol[isel, pl.ds(g * 16, 16)]
                    v64 = v * D
                    goff = (g >> 3) * 1024 + (g & 7) * 16
                    tb = cq * 16
                    dg = iota
                    for d in range(16):
                        vals = plsc.load_gather(
                            table_v.at[pl.ds(tb, (N_ROWS - 1) * D + 16)],
                            [v64 + dg],
                        )
                        sv = svtab[pl.ds(d * 16, 16)]
                        plsc.store_scatter(
                            _stag.at[pl.ds(goff, 8192 + 896 + 16)], [sv], vals
                        )
                        dg = (dg + 1) & 15

                pltpu.async_copy(_stag, out_hbm.at[u], _sem)
        return carry

    lax.fori_loop(lo, hi, _unit, 0)
    for par in range(2):
        pltpu.make_async_copy(out_hbm.at[0], stags[par], sems[par]).wait()


_gather_rows = functools.partial(
    pl.kernel,
    out_type=jax.ShapeDtypeStruct((L * 4, UNIT), jnp.float32),
    mesh=plsc.VectorSubcoreMesh(core_axis_name="c", subcore_axis_name="s"),
    scratch_types=[
        pltpu.VMEM((N_ROWS * D,), jnp.float32),
        pltpu.VMEM((2, 1024), jnp.int32),
        pltpu.VMEM((256,), jnp.int32),
        pltpu.VMEM((UNIT,), jnp.float32),
        pltpu.VMEM((UNIT,), jnp.float32),
        pltpu.SemaphoreType.DMA,
        pltpu.SemaphoreType.DMA,
        pltpu.SemaphoreType.DMA,
    ],
    compiler_params=pltpu.CompilerParams(
        use_tc_tiling_on_sc=False, needs_layout_passes=False
    ),
)(_sc_body)


def kernel(atom_indices, valence_configs, core_configs, W_valence, W_core):
    table = _build_table(valence_configs, core_configs, W_valence, W_core)
    idx4 = (
        atom_indices.astype(jnp.int32)
        .reshape(8, 128, L // 8, 8)
        .transpose(2, 0, 3, 1)
    )
    out = _gather_rows(table.reshape(N_ROWS * D), idx4)
    return (
        out.reshape(L, 8, 8, 8, 128)
        .transpose(2, 4, 0, 1, 3)
        .reshape(B, L, D)
    )

# --- scband reference (transcript-rebuilt; emitter-appended) ---
"""Pipeline reference for scband-subshell-valence-embedding-19447611916350 (READ-ONLY COPY).

The authoritative reference and input builder live on the scoring server;
editing this copy changes nothing except your own understanding.
"""

import jax, jax.numpy as jnp
import numpy as np

N_ATOMS = 18
K = 12  # n_max * l_max = 4 * 3
EMBED_DIM = 32
B, L = 1024, 200


def setup_inputs(seed: int = 0) -> dict:
    key = jax.random.key(seed)
    k1, k2, k3 = jax.random.split(key, 3)
    atom_indices = jax.random.randint(k1, (B, L), 0, N_ATOMS + 1)  # 0 = padding row
    # deterministic occupancy configs, matching the init_kwargs literals:
    # valence[i,k] = (7*i + k) % 3 ; core[i,k] = (5*i + k) % 3
    valence_configs = ((7 * jnp.arange(N_ATOMS)[:, None] + jnp.arange(K)[None, :]) % 3).astype(jnp.float32)
    core_configs = ((5 * jnp.arange(N_ATOMS)[:, None] + jnp.arange(K)[None, :]) % 3).astype(jnp.float32)
    W_valence = jax.random.normal(k2, (K, EMBED_DIM), dtype=jnp.float32)
    W_core = jax.random.normal(k3, (K, EMBED_DIM), dtype=jnp.float32)
    return {
        "atom_indices": atom_indices,
        "valence_configs": valence_configs,
        "core_configs": core_configs,
        "W_valence": W_valence,
        "W_core": W_core,
    }


def _subshell_embed(atom_indices, configs, W):
    # augment with a zero row at index 0 (padding / unknown atom)
    augmented = jnp.concatenate([jnp.zeros((1, configs.shape[1]), dtype=configs.dtype), configs], axis=0)
    atom_repr = augmented[atom_indices]  # [B, L, K] gather (SparseCore-style)
    # (atom_repr.unsqueeze(-1) * W.view(1,1,K,D)).sum(dim=-2)
    atom_vectors = (atom_repr[..., None] * W[None, None, :, :]).sum(axis=-2)  # [B, L, D]
    return atom_vectors


def reference(atom_indices, valence_configs, core_configs, W_valence, W_core):
    valence_vectors = _subshell_embed(atom_indices, valence_configs, W_valence)
    core_vectors = _subshell_embed(atom_indices, core_configs, W_core)
    return jnp.concatenate([valence_vectors, core_vectors], axis=-1)  # [B, L, 2*D]

if __name__ == "__main__":
    import jax
    _d = setup_inputs()
    print(jax.jit(kernel)(*tuple(_d.values())))

</pallas_src>

<mosaic_0001>
#map = affine_map<(d0, d1) -> (0)>
#map1 = affine_map<(d0, d1) -> (0, 0, 0, 0)>
#map2 = affine_map<(d0, d1) -> (0, 0)>
module attributes {stable_mosaic.version = 14 : i64} {
  func.func @_sc_body(%arg0: i32, %arg1: i32, %arg2: memref<1216xf32, #tpu.memory_space<hbm>>, %arg3: memref<25x8x8x128xi32, #tpu.memory_space<hbm>>, %arg4: memref<800x16384xf32, #tpu.memory_space<hbm>>, %arg5: memref<1216xf32, #tpu.memory_space<vmem>>, %arg6: memref<2x1024xi32, #tpu.memory_space<vmem>>, %arg7: memref<256xi32, #tpu.memory_space<vmem>>, %arg8: memref<16384xf32, #tpu.memory_space<vmem>>, %arg9: memref<16384xf32, #tpu.memory_space<vmem>>, %arg10: memref<!tpu.dma_semaphore, #tpu.memory_space<semaphore_mem>>, %arg11: memref<!tpu.dma_semaphore, #tpu.memory_space<semaphore_mem>>, %arg12: memref<!tpu.dma_semaphore, #tpu.memory_space<semaphore_mem>>) attributes {dimension_semantics = [#tpu.dimension_semantics<core_parallel>, #tpu.dimension_semantics<subcore_parallel>], iteration_bounds = array<i64: 2, 16>, scalar_prefetch = 0 : i64, scratch_operands = 8 : i64, tpu.core_type = #tpu.core_type<sc_vector_subcore>, window_params = [{transform_indices = #map}, {transform_indices = #map1}, {transform_indices = #map2}]} {
    %mul3A = arith.constant 2 : i32
    %mul3A_0 = arith.muli %arg1, %mul3A : i32
    %add3A = arith.addi %mul3A_0, %arg0 : i32
    "tpu.region"() ({
      %run_scoped3A = tpu.sem_alloc : memref<!tpu.dma_semaphore, #tpu.memory_space<semaphore_mem>>
      tpu.enqueue_dma source(%arg2 : memref<1216xf32, #tpu.memory_space<hbm>>) target(%arg5 : memref<1216xf32, #tpu.memory_space<vmem>>) target_semaphore(%run_scoped3A : memref<!tpu.dma_semaphore, #tpu.memory_space<semaphore_mem>>)
      tpu.wait_dma2 semaphore(%run_scoped3A : memref<!tpu.dma_semaphore, #tpu.memory_space<semaphore_mem>>) src(%arg2 : memref<1216xf32, #tpu.memory_space<hbm>>) dst(%arg5 : memref<1216xf32, #tpu.memory_space<vmem>>)
      tpu.yield
    }) : () -> ()
    %iota3A = tpu.iota {dimensions = array<i32: 0>} : vector<16xi32>
    %add3A_1 = arith.constant 0 : i32
    %add3A_2 = vector.broadcast %add3A_1 : i32 to vector<16xi32>
    %add3A_3 = arith.addi %iota3A, %add3A_2 : vector<16xi32>
    %and3A = arith.constant 15 : i32
    %and3A_4 = vector.broadcast %and3A : i32 to vector<16xi32>
    %and3A_5 = arith.andi %add3A_3, %and3A_4 : vector<16xi32>
    %shift_right_arithmetic3A = arith.constant 3 : i32
    %shift_right_arithmetic3A_6 = vector.broadcast %shift_right_arithmetic3A : i32 to vector<16xi32>
    %shift_right_arithmetic3A_7 = arith.shrsi %and3A_5, %shift_right_arithmetic3A_6 : vector<16xi32>
    %mul3A_8 = arith.constant 8192 : i32
    %mul3A_9 = vector.broadcast %mul3A_8 : i32 to vector<16xi32>
    %mul3A_10 = arith.muli %shift_right_arithmetic3A_7, %mul3A_9 : vector<16xi32>
    %and3A_11 = arith.constant 7 : i32
    %and3A_12 = vector.broadcast %and3A_11 : i32 to vector<16xi32>
    %and3A_13 = arith.andi %and3A_5, %and3A_12 : vector<16xi32>
    %mul3A_14 = arith.constant 128 : i32
    %mul3A_15 = vector.broadcast %mul3A_14 : i32 to vector<16xi32>
    %mul3A_16 = arith.muli %and3A_13, %mul3A_15 : vector<16xi32>
    %add3A_17 = arith.addi %mul3A_10, %mul3A_16 : vector<16xi32>
    %add3A_18 = arith.addi %add3A_17, %iota3A : vector<16xi32>
    %swap3A = arith.constant 0 : index
    %swap3A_19 = tpu.vector_load %arg7[%swap3A] {strides = array<i32>} : memref<256xi32, #tpu.memory_space<vmem>>, vector<16xi32>,
    tpu.vector_store %arg7[%swap3A], %add3A_18 {strides = array<i32>} : memref<256xi32, #tpu.memory_space<vmem>>, vector<16xi32>,
    %add3A_20 = arith.constant 1 : i32
    %add3A_21 = vector.broadcast %add3A_20 : i32 to vector<16xi32>
    %add3A_22 = arith.addi %iota3A, %add3A_21 : vector<16xi32>
    %and3A_23 = arith.constant 15 : i32
    %and3A_24 = vector.broadcast %and3A_23 : i32 to vector<16xi32>
    %and3A_25 = arith.andi %add3A_22, %and3A_24 : vector<16xi32>
    %shift_right_arithmetic3A_26 = arith.constant 3 : i32
    %shift_right_arithmetic3A_27 = vector.broadcast %shift_right_arithmetic3A_26 : i32 to vector<16xi32>
    %shift_right_arithmetic3A_28 = arith.shrsi %and3A_25, %shift_right_arithmetic3A_27 : vector<16xi32>
    %mul3A_29 = arith.constant 8192 : i32
    %mul3A_30 = vector.broadcast %mul3A_29 : i32 to vector<16xi32>
    %mul3A_31 = arith.muli %shift_right_arithmetic3A_28, %mul3A_30 : vector<16xi32>
    %and3A_32 = arith.constant 7 : i32
    %and3A_33 = vector.broadcast %and3A_32 : i32 to vector<16xi32>
    %and3A_34 = arith.andi %and3A_25, %and3A_33 : vector<16xi32>
    %mul3A_35 = arith.constant 128 : i32
    %mul3A_36 = vector.broadcast %mul3A_35 : i32 to vector<16xi32>
    %mul3A_37 = arith.muli %and3A_34, %mul3A_36 : vector<16xi32>
    %add3A_38 = arith.addi %mul3A_31, %mul3A_37 : vector<16xi32>
    %add3A_39 = arith.addi %add3A_38, %iota3A : vector<16xi32>
    %swap3A_40 = arith.constant 16 : index
    %swap3A_41 = tpu.vector_load %arg7[%swap3A_40] {strides = array<i32>} : memref<256xi32, #tpu.memory_space<vmem>>, vector<16xi32>,
    tpu.vector_store %arg7[%swap3A_40], %add3A_39 {strides = array<i32>} : memref<256xi32, #tpu.memory_space<vmem>>, vector<16xi32>,
    %add3A_42 = arith.constant 2 : i32
    %add3A_43 = vector.broadcast %add3A_42 : i32 to vector<16xi32>
    %add3A_44 = arith.addi %iota3A, %add3A_43 : vector<16xi32>
    %and3A_45 = arith.constant 15 : i32
    %and3A_46 = vector.broadcast %and3A_45 : i32 to vector<16xi32>
    %and3A_47 = arith.andi %add3A_44, %and3A_46 : vector<16xi32>
    %shift_right_arithmetic3A_48 = arith.constant 3 : i32
    %shift_right_arithmetic3A_49 = vector.broadcast %shift_right_arithmetic3A_48 : i32 to vector<16xi32>
    %shift_right_arithmetic3A_50 = arith.shrsi %and3A_47, %shift_right_arithmetic3A_49 : vector<16xi32>
    %mul3A_51 = arith.constant 8192 : i32
    %mul3A_52 = vector.broadcast %mul3A_51 : i32 to vector<16xi32>
    %mul3A_53 = arith.muli %shift_right_arithmetic3A_50, %mul3A_52 : vector<16xi32>
    %and3A_54 = arith.constant 7 : i32
    %and3A_55 = vector.broadcast %and3A_54 : i32 to vector<16xi32>
    %and3A_56 = arith.andi %and3A_47, %and3A_55 : vector<16xi32>
    %mul3A_57 = arith.constant 128 : i32
    %mul3A_58 = vector.broadcast %mul3A_57 : i32 to vector<16xi32>
    %mul3A_59 = arith.muli %and3A_56, %mul3A_58 : vector<16xi32>
    %add3A_60 = arith.addi %mul3A_53, %mul3A_59 : vector<16xi32>
    %add3A_61 = arith.addi %add3A_60, %iota3A : vector<16xi32>
    %swap3A_62 = arith.constant 32 : index
    %swap3A_63 = tpu.vector_load %arg7[%swap3A_62] {strides = array<i32>} : memref<256xi32, #tpu.memory_space<vmem>>, vector<16xi32>,
    tpu.vector_store %arg7[%swap3A_62], %add3A_61 {strides = array<i32>} : memref<256xi32, #tpu.memory_space<vmem>>, vector<16xi32>,
    %add3A_64 = arith.constant 3 : i32
    %add3A_65 = vector.broadcast %add3A_64 : i32 to vector<16xi32>
    %add3A_66 = arith.addi %iota3A, %add3A_65 : vector<16xi32>
    %and3A_67 = arith.constant 15 : i32
    %and3A_68 = vector.broadcast %and3A_67 : i32 to vector<16xi32>
    %and3A_69 = arith.andi %add3A_66, %and3A_68 : vector<16xi32>
    %shift_right_arithmetic3A_70 = arith.constant 3 : i32
    %shift_right_arithmetic3A_71 = vector.broadcast %shift_right_arithmetic3A_70 : i32 to vector<16xi32>
    %shift_right_arithmetic3A_72 = arith.shrsi %and3A_69, %shift_right_arithmetic3A_71 : vector<16xi32>
    %mul3A_73 = arith.constant 8192 : i32
    %mul3A_74 = vector.broadcast %mul3A_73 : i32 to vector<16xi32>
    %mul3A_75 = arith.muli %shift_right_arithmetic3A_72, %mul3A_74 : vector<16xi32>
    %and3A_76 = arith.constant 7 : i32
    %and3A_77 = vector.broadcast %and3A_76 : i32 to vector<16xi32>
    %and3A_78 = arith.andi %and3A_69, %and3A_77 : vector<16xi32>
    %mul3A_79 = arith.constant 128 : i32
    %mul3A_80 = vector.broadcast %mul3A_79 : i32 to vector<16xi32>
    %mul3A_81 = arith.muli %and3A_78, %mul3A_80 : vector<16xi32>
    %add3A_82 = arith.addi %mul3A_75, %mul3A_81 : vector<16xi32>
    %add3A_83 = arith.addi %add3A_82, %iota3A : vector<16xi32>
    %swap3A_84 = arith.constant 48 : index
    %swap3A_85 = tpu.vector_load %arg7[%swap3A_84] {strides = array<i32>} : memref<256xi32, #tpu.memory_space<vmem>>, vector<16xi32>,
    tpu.vector_store %arg7[%swap3A_84], %add3A_83 {strides = array<i32>} : memref<256xi32, #tpu.memory_space<vmem>>, vector<16xi32>,
    %add3A_86 = arith.constant 4 : i32
    %add3A_87 = vector.broadcast %add3A_86 : i32 to vector<16xi32>
    %add3A_88 = arith.addi %iota3A, %add3A_87 : vector<16xi32>
    %and3A_89 = arith.constant 15 : i32
    %and3A_90 = vector.broadcast %and3A_89 : i32 to vector<16xi32>
    %and3A_91 = arith.andi %add3A_88, %and3A_90 : vector<16xi32>
    %shift_right_arithmetic3A_92 = arith.constant 3 : i32
    %shift_right_arithmetic3A_93 = vector.broadcast %shift_right_arithmetic3A_92 : i32 to vector<16xi32>
    %shift_right_arithmetic3A_94 = arith.shrsi %and3A_91, %shift_right_arithmetic3A_93 : vector<16xi32>
    %mul3A_95 = arith.constant 8192 : i32
    %mul3A_96 = vector.broadcast %mul3A_95 : i32 to vector<16xi32>
    %mul3A_97 = arith.muli %shift_right_arithmetic3A_94, %mul3A_96 : vector<16xi32>
    %and3A_98 = arith.constant 7 : i32
    %and3A_99 = vector.broadcast %and3A_98 : i32 to vector<16xi32>
    %and3A_100 = arith.andi %and3A_91, %and3A_99 : vector<16xi32>
    %mul3A_101 = arith.constant 128 : i32
    %mul3A_102 = vector.broadcast %mul3A_101 : i32 to vector<16xi32>
    %mul3A_103 = arith.muli %and3A_100, %mul3A_102 : vector<16xi32>
    %add3A_104 = arith.addi %mul3A_97, %mul3A_103 : vector<16xi32>
    %add3A_105 = arith.addi %add3A_104, %iota3A : vector<16xi32>
    %swap3A_106 = arith.constant 64 : index
    %swap3A_107 = tpu.vector_load %arg7[%swap3A_106] {strides = array<i32>} : memref<256xi32, #tpu.memory_space<vmem>>, vector<16xi32>,
    tpu.vector_store %arg7[%swap3A_106], %add3A_105 {strides = array<i32>} : memref<256xi32, #tpu.memory_space<vmem>>, vector<16xi32>,
    %add3A_108 = arith.constant 5 : i32
    %add3A_109 = vector.broadcast %add3A_108 : i32 to vector<16xi32>
    %add3A_110 = arith.addi %iota3A, %add3A_109 : vector<16xi32>
    %and3A_111 = arith.constant 15 : i32
    %and3A_112 = vector.broadcast %and3A_111 : i32 to vector<16xi32>
    %and3A_113 = arith.andi %add3A_110, %and3A_112 : vector<16xi32>
    %shift_right_arithmetic3A_114 = arith.constant 3 : i32
    %shift_right_arithmetic3A_115 = vector.broadcast %shift_right_arithmetic3A_114 : i32 to vector<16xi32>
    %shift_right_arithmetic3A_116 = arith.shrsi %and3A_113, %shift_right_arithmetic3A_115 : vector<16xi32>
    %mul3A_117 = arith.constant 8192 : i32
    %mul3A_118 = vector.broadcast %mul3A_117 : i32 to vector<16xi32>
    %mul3A_119 = arith.muli %shift_right_arithmetic3A_116, %mul3A_118 : vector<16xi32>
    %and3A_120 = arith.constant 7 : i32
    %and3A_121 = vector.broadcast %and3A_120 : i32 to vector<16xi32>
    %and3A_122 = arith.andi %and3A_113, %and3A_121 : vector<16xi32>
    %mul3A_123 = arith.constant 128 : i32
    %mul3A_124 = vector.broadcast %mul3A_123 : i32 to vector<16xi32>
    %mul3A_125 = arith.muli %and3A_122, %mul3A_124 : vector<16xi32>
    %add3A_126 = arith.addi %mul3A_119, %mul3A_125 : vector<16xi32>
    %add3A_127 = arith.addi %add3A_126, %iota3A : vector<16xi32>
    %swap3A_128 = arith.constant 80 : index
    %swap3A_129 = tpu.vector_load %arg7[%swap3A_128] {strides = array<i32>} : memref<256xi32, #tpu.memory_space<vmem>>, vector<16xi32>,
    tpu.vector_store %arg7[%swap3A_128], %add3A_127 {strides = array<i32>} : memref<256xi32, #tpu.memory_space<vmem>>, vector<16xi32>,
    %add3A_130 = arith.constant 6 : i32
    %add3A_131 = vector.broadcast %add3A_130 : i32 to vector<16xi32>
    %add3A_132 = arith.addi %iota3A, %add3A_131 : vector<16xi32>
    %and3A_133 = arith.constant 15 : i32
    %and3A_134 = vector.broadcast %and3A_133 : i32 to vector<16xi32>
    %and3A_135 = arith.andi %add3A_132, %and3A_134 : vector<16xi32>
    %shift_right_arithmetic3A_136 = arith.constant 3 : i32
    %shift_right_arithmetic3A_137 = vector.broadcast %shift_right_arithmetic3A_136 : i32 to vector<16xi32>
    %shift_right_arithmetic3A_138 = arith.shrsi %and3A_135, %shift_right_arithmetic3A_137 : vector<16xi32>
    %mul3A_139 = arith.constant 8192 : i32
    %mul3A_140 = vector.broadcast %mul3A_139 : i32 to vector<16xi32>
    %mul3A_141 = arith.muli %shift_right_arithmetic3A_138, %mul3A_140 : vector<16xi32>
    %and3A_142 = arith.constant 7 : i32
    %and3A_143 = vector.broadcast %and3A_142 : i32 to vector<16xi32>
    %and3A_144 = arith.andi %and3A_135, %and3A_143 : vector<16xi32>
    %mul3A_145 = arith.constant 128 : i32
    %mul3A_146 = vector.broadcast %mul3A_145 : i32 to vector<16xi32>
    %mul3A_147 = arith.muli %and3A_144, %mul3A_146 : vector<16xi32>
    %add3A_148 = arith.addi %mul3A_141, %mul3A_147 : vector<16xi32>
    %add3A_149 = arith.addi %add3A_148, %iota3A : vector<16xi32>
    %swap3A_150 = arith.constant 96 : index
    %swap3A_151 = tpu.vector_load %arg7[%swap3A_150] {strides = array<i32>} : memref<256xi32, #tpu.memory_space<vmem>>, vector<16xi32>,
    tpu.vector_store %arg7[%swap3A_150], %add3A_149 {strides = array<i32>} : memref<256xi32, #tpu.memory_space<vmem>>, vector<16xi32>,
    %add3A_152 = arith.constant 7 : i32
    %add3A_153 = vector.broadcast %add3A_152 : i32 to vector<16xi32>
    %add3A_154 = arith.addi %iota3A, %add3A_153 : vector<16xi32>
    %and3A_155 = arith.constant 15 : i32
    %and3A_156 = vector.broadcast %and3A_155 : i32 to vector<16xi32>
    %and3A_157 = arith.andi %add3A_154, %and3A_156 : vector<16xi32>
    %shift_right_arithmetic3A_158 = arith.constant 3 : i32
    %shift_right_arithmetic3A_159 = vector.broadcast %shift_right_arithmetic3A_158 : i32 to vector<16xi32>
    %shift_right_arithmetic3A_160 = arith.shrsi %and3A_157, %shift_right_arithmetic3A_159 : vector<16xi32>
    %mul3A_161 = arith.constant 8192 : i32
    %mul3A_162 = vector.broadcast %mul3A_161 : i32 to vector<16xi32>
    %mul3A_163 = arith.muli %shift_right_arithmetic3A_160, %mul3A_162 : vector<16xi32>
    %and3A_164 = arith.constant 7 : i32
    %and3A_165 = vector.broadcast %and3A_164 : i32 to vector<16xi32>
    %and3A_166 = arith.andi %and3A_157, %and3A_165 : vector<16xi32>
    %mul3A_167 = arith.constant 128 : i32
    %mul3A_168 = vector.broadcast %mul3A_167 : i32 to vector<16xi32>
    %mul3A_169 = arith.muli %and3A_166, %mul3A_168 : vector<16xi32>
    %add3A_170 = arith.addi %mul3A_163, %mul3A_169 : vector<16xi32>
    %add3A_171 = arith.addi %add3A_170, %iota3A : vector<16xi32>
    %swap3A_172 = arith.constant 112 : index
    %swap3A_173 = tpu.vector_load %arg7[%swap3A_172] {strides = array<i32>} : memref<256xi32, #tpu.memory_space<vmem>>, vector<16xi32>,
    tpu.vector_store %arg7[%swap3A_172], %add3A_171 {strides = array<i32>} : memref<256xi32, #tpu.memory_space<vmem>>, vector<16xi32>,
    %add3A_174 = arith.constant 8 : i32
    %add3A_175 = vector.broadcast %add3A_174 : i32 to vector<16xi32>
    %add3A_176 = arith.addi %iota3A, %add3A_175 : vector<16xi32>
    %and3A_177 = arith.constant 15 : i32
    %and3A_178 = vector.broadcast %and3A_177 : i32 to vector<16xi32>
    %and3A_179 = arith.andi %add3A_176, %and3A_178 : vector<16xi32>
    %shift_right_arithmetic3A_180 = arith.constant 3 : i32
    %shift_right_arithmetic3A_181 = vector.broadcast %shift_right_arithmetic3A_180 : i32 to vector<16xi32>
    %shift_right_arithmetic3A_182 = arith.shrsi %and3A_179, %shift_right_arithmetic3A_181 : vector<16xi32>
    %mul3A_183 = arith.constant 8192 : i32
    %mul3A_184 = vector.broadcast %mul3A_183 : i32 to vector<16xi32>
    %mul3A_185 = arith.muli %shift_right_arithmetic3A_182, %mul3A_184 : vector<16xi32>
    %and3A_186 = arith.constant 7 : i32
    %and3A_187 = vector.broadcast %and3A_186 : i32 to vector<16xi32>
    %and3A_188 = arith.andi %and3A_179, %and3A_187 : vector<16xi32>
    %mul3A_189 = arith.constant 128 : i32
    %mul3A_190 = vector.broadcast %mul3A_189 : i32 to vector<16xi32>
    %mul3A_191 = arith.muli %and3A_188, %mul3A_190 : vector<16xi32>
    %add3A_192 = arith.addi %mul3A_185, %mul3A_191 : vector<16xi32>
    %add3A_193 = arith.addi %add3A_192, %iota3A : vector<16xi32>
    %swap3A_194 = arith.constant 128 : index
    %swap3A_195 = tpu.vector_load %arg7[%swap3A_194] {strides = array<i32>} : memref<256xi32, #tpu.memory_space<vmem>>, vector<16xi32>,
    tpu.vector_store %arg7[%swap3A_194], %add3A_193 {strides = array<i32>} : memref<256xi32, #tpu.memory_space<vmem>>, vector<16xi32>,
    %add3A_196 = arith.constant 9 : i32
    %add3A_197 = vector.broadcast %add3A_196 : i32 to vector<16xi32>
    %add3A_198 = arith.addi %iota3A, %add3A_197 : vector<16xi32>
    %and3A_199 = arith.constant 15 : i32
    %and3A_200 = vector.broadcast %and3A_199 : i32 to vector<16xi32>
    %and3A_201 = arith.andi %add3A_198, %and3A_200 : vector<16xi32>
    %shift_right_arithmetic3A_202 = arith.constant 3 : i32
    %shift_right_arithmetic3A_203 = vector.broadcast %shift_right_arithmetic3A_202 : i32 to vector<16xi32>
    %shift_right_arithmetic3A_204 = arith.shrsi %and3A_201, %shift_right_arithmetic3A_203 : vector<16xi32>
    %mul3A_205 = arith.constant 8192 : i32
    %mul3A_206 = vector.broadcast %mul3A_205 : i32 to vector<16xi32>
    %mul3A_207 = arith.muli %shift_right_arithmetic3A_204, %mul3A_206 : vector<16xi32>
    %and3A_208 = arith.constant 7 : i32
    %and3A_209 = vector.broadcast %and3A_208 : i32 to vector<16xi32>
    %and3A_210 = arith.andi %and3A_201, %and3A_209 : vector<16xi32>
    %mul3A_211 = arith.constant 128 : i32
    %mul3A_212 = vector.broadcast %mul3A_211 : i32 to vector<16xi32>
    %mul3A_213 = arith.muli %and3A_210, %mul3A_212 : vector<16xi32>
    %add3A_214 = arith.addi %mul3A_207, %mul3A_213 : vector<16xi32>
    %add3A_215 = arith.addi %add3A_214, %iota3A : vector<16xi32>
    %swap3A_216 = arith.constant 144 : index
    %swap3A_217 = tpu.vector_load %arg7[%swap3A_216] {strides = array<i32>} : memref<256xi32, #tpu.memory_space<vmem>>, vector<16xi32>,
    tpu.vector_store %arg7[%swap3A_216], %add3A_215 {strides = array<i32>} : memref<256xi32, #tpu.memory_space<vmem>>, vector<16xi32>,
    %add3A_218 = arith.constant 10 : i32
    %add3A_219 = vector.broadcast %add3A_218 : i32 to vector<16xi32>
    %add3A_220 = arith.addi %iota3A, %add3A_219 : vector<16xi32>
    %and3A_221 = arith.constant 15 : i32
    %and3A_222 = vector.broadcast %and3A_221 : i32 to vector<16xi32>
    %and3A_223 = arith.andi %add3A_220, %and3A_222 : vector<16xi32>
    %shift_right_arithmetic3A_224 = arith.constant 3 : i32
    %shift_right_arithmetic3A_225 = vector.broadcast %shift_right_arithmetic3A_224 : i32 to vector<16xi32>
    %shift_right_arithmetic3A_226 = arith.shrsi %and3A_223, %shift_right_arithmetic3A_225 : vector<16xi32>
    %mul3A_227 = arith.constant 8192 : i32
    %mul3A_228 = vector.broadcast %mul3A_227 : i32 to vector<16xi32>
    %mul3A_229 = arith.muli %shift_right_arithmetic3A_226, %mul3A_228 : vector<16xi32>
    %and3A_230 = arith.constant 7 : i32
    %and3A_231 = vector.broadcast %and3A_230 : i32 to vector<16xi32>
    %and3A_232 = arith.andi %and3A_223, %and3A_231 : vector<16xi32>
    %mul3A_233 = arith.constant 128 : i32
    %mul3A_234 = vector.broadcast %mul3A_233 : i32 to vector<16xi32>
    %mul3A_235 = arith.muli %and3A_232, %mul3A_234 : vector<16xi32>
    %add3A_236 = arith.addi %mul3A_229, %mul3A_235 : vector<16xi32>
    %add3A_237 = arith.addi %add3A_236, %iota3A : vector<16xi32>
    %swap3A_238 = arith.constant 160 : index
    %swap3A_239 = tpu.vector_load %arg7[%swap3A_238] {strides = array<i32>} : memref<256xi32, #tpu.memory_space<vmem>>, vector<16xi32>,
    tpu.vector_store %arg7[%swap3A_238], %add3A_237 {strides = array<i32>} : memref<256xi32, #tpu.memory_space<vmem>>, vector<16xi32>,
    %add3A_240 = arith.constant 11 : i32
    %add3A_241 = vector.broadcast %add3A_240 : i32 to vector<16xi32>
    %add3A_242 = arith.addi %iota3A, %add3A_241 : vector<16xi32>
    %and3A_243 = arith.constant 15 : i32
    %and3A_244 = vector.broadcast %and3A_243 : i32 to vector<16xi32>
    %and3A_245 = arith.andi %add3A_242, %and3A_244 : vector<16xi32>
    %shift_right_arithmetic3A_246 = arith.constant 3 : i32
    %shift_right_arithmetic3A_247 = vector.broadcast %shift_right_arithmetic3A_246 : i32 to vector<16xi32>
    %shift_right_arithmetic3A_248 = arith.shrsi %and3A_245, %shift_right_arithmetic3A_247 : vector<16xi32>
    %mul3A_249 = arith.constant 8192 : i32
    %mul3A_250 = vector.broadcast %mul3A_249 : i32 to vector<16xi32>
    %mul3A_251 = arith.muli %shift_right_arithmetic3A_248, %mul3A_250 : vector<16xi32>
    %and3A_252 = arith.constant 7 : i32
    %and3A_253 = vector.broadcast %and3A_252 : i32 to vector<16xi32>
    %and3A_254 = arith.andi %and3A_245, %and3A_253 : vector<16xi32>
    %mul3A_255 = arith.constant 128 : i32
    %mul3A_256 = vector.broadcast %mul3A_255 : i32 to vector<16xi32>
    %mul3A_257 = arith.muli %and3A_254, %mul3A_256 : vector<16xi32>
    %add3A_258 = arith.addi %mul3A_251, %mul3A_257 : vector<16xi32>
    %add3A_259 = arith.addi %add3A_258, %iota3A : vector<16xi32>
    %swap3A_260 = arith.constant 176 : index
    %swap3A_261 = tpu.vector_load %arg7[%swap3A_260] {strides = array<i32>} : memref<256xi32, #tpu.memory_space<vmem>>, vector<16xi32>,
    tpu.vector_store %arg7[%swap3A_260], %add3A_259 {strides = array<i32>} : memref<256xi32, #tpu.memory_space<vmem>>, vector<16xi32>,
    %add3A_262 = arith.constant 12 : i32
    %add3A_263 = vector.broadcast %add3A_262 : i32 to vector<16xi32>
    %add3A_264 = arith.addi %iota3A, %add3A_263 : vector<16xi32>
    %and3A_265 = arith.constant 15 : i32
    %and3A_266 = vector.broadcast %and3A_265 : i32 to vector<16xi32>
    %and3A_267 = arith.andi %add3A_264, %and3A_266 : vector<16xi32>
    %shift_right_arithmetic3A_268 = arith.constant 3 : i32
    %shift_right_arithmetic3A_269 = vector.broadcast %shift_right_arithmetic3A_268 : i32 to vector<16xi32>
    %shift_right_arithmetic3A_270 = arith.shrsi %and3A_267, %shift_right_arithmetic3A_269 : vector<16xi32>
    %mul3A_271 = arith.constant 8192 : i32
    %mul3A_272 = vector.broadcast %mul3A_271 : i32 to vector<16xi32>
    %mul3A_273 = arith.muli %shift_right_arithmetic3A_270, %mul3A_272 : vector<16xi32>
    %and3A_274 = arith.constant 7 : i32
    %and3A_275 = vector.broadcast %and3A_274 : i32 to vector<16xi32>
    %and3A_276 = arith.andi %and3A_267, %and3A_275 : vector<16xi32>
    %mul3A_277 = arith.constant 128 : i32
    %mul3A_278 = vector.broadcast %mul3A_277 : i32 to vector<16xi32>
    %mul3A_279 = arith.muli %and3A_276, %mul3A_278 : vector<16xi32>
    %add3A_280 = arith.addi %mul3A_273, %mul3A_279 : vector<16xi32>
    %add3A_281 = arith.addi %add3A_280, %iota3A : vector<16xi32>
    %swap3A_282 = arith.constant 192 : index
    %swap3A_283 = tpu.vector_load %arg7[%swap3A_282] {strides = array<i32>} : memref<256xi32, #tpu.memory_space<vmem>>, vector<16xi32>,
    tpu.vector_store %arg7[%swap3A_282], %add3A_281 {strides = array<i32>} : memref<256xi32, #tpu.memory_space<vmem>>, vector<16xi32>,
    %add3A_284 = arith.constant 13 : i32
    %add3A_285 = vector.broadcast %add3A_284 : i32 to vector<16xi32>
    %add3A_286 = arith.addi %iota3A, %add3A_285 : vector<16xi32>
    %and3A_287 = arith.constant 15 : i32
    %and3A_288 = vector.broadcast %and3A_287 : i32 to vector<16xi32>
    %and3A_289 = arith.andi %add3A_286, %and3A_288 : vector<16xi32>
    %shift_right_arithmetic3A_290 = arith.constant 3 : i32
    %shift_right_arithmetic3A_291 = vector.broadcast %shift_right_arithmetic3A_290 : i32 to vector<16xi32>
    %shift_right_arithmetic3A_292 = arith.shrsi %and3A_289, %shift_right_arithmetic3A_291 : vector<16xi32>
    %mul3A_293 = arith.constant 8192 : i32
    %mul3A_294 = vector.broadcast %mul3A_293 : i32 to vector<16xi32>
    %mul3A_295 = arith.muli %shift_right_arithmetic3A_292, %mul3A_294 : vector<16xi32>
    %and3A_296 = arith.constant 7 : i32
    %and3A_297 = vector.broadcast %and3A_296 : i32 to vector<16xi32>
    %and3A_298 = arith.andi %and3A_289, %and3A_297 : vector<16xi32>
    %mul3A_299 = arith.constant 128 : i32
    %mul3A_300 = vector.broadcast %mul3A_299 : i32 to vector<16xi32>
    %mul3A_301 = arith.muli %and3A_298, %mul3A_300 : vector<16xi32>
    %add3A_302 = arith.addi %mul3A_295, %mul3A_301 : vector<16xi32>
    %add3A_303 = arith.addi %add3A_302, %iota3A : vector<16xi32>
    %swap3A_304 = arith.constant 208 : index
    %swap3A_305 = tpu.vector_load %arg7[%swap3A_304] {strides = array<i32>} : memref<256xi32, #tpu.memory_space<vmem>>, vector<16xi32>,
    tpu.vector_store %arg7[%swap3A_304], %add3A_303 {strides = array<i32>} : memref<256xi32, #tpu.memory_space<vmem>>, vector<16xi32>,
    %add3A_306 = arith.constant 14 : i32
    %add3A_307 = vector.broadcast %add3A_306 : i32 to vector<16xi32>
    %add3A_308 = arith.addi %iota3A, %add3A_307 : vector<16xi32>
    %and3A_309 = arith.constant 15 : i32
    %and3A_310 = vector.broadcast %and3A_309 : i32 to vector<16xi32>
    %and3A_311 = arith.andi %add3A_308, %and3A_310 : vector<16xi32>
    %shift_right_arithmetic3A_312 = arith.constant 3 : i32
    %shift_right_arithmetic3A_313 = vector.broadcast %shift_right_arithmetic3A_312 : i32 to vector<16xi32>
    %shift_right_arithmetic3A_314 = arith.shrsi %and3A_311, %shift_right_arithmetic3A_313 : vector<16xi32>
    %mul3A_315 = arith.constant 8192 : i32
    %mul3A_316 = vector.broadcast %mul3A_315 : i32 to vector<16xi32>
    %mul3A_317 = arith.muli %shift_right_arithmetic3A_314, %mul3A_316 : vector<16xi32>
    %and3A_318 = arith.constant 7 : i32
    %and3A_319 = vector.broadcast %and3A_318 : i32 to vector<16xi32>
    %and3A_320 = arith.andi %and3A_311, %and3A_319 : vector<16xi32>
    %mul3A_321 = arith.constant 128 : i32
    %mul3A_322 = vector.broadcast %mul3A_321 : i32 to vector<16xi32>
    %mul3A_323 = arith.muli %and3A_320, %mul3A_322 : vector<16xi32>
    %add3A_324 = arith.addi %mul3A_317, %mul3A_323 : vector<16xi32>
    %add3A_325 = arith.addi %add3A_324, %iota3A : vector<16xi32>
    %swap3A_326 = arith.constant 224 : index
    %swap3A_327 = tpu.vector_load %arg7[%swap3A_326] {strides = array<i32>} : memref<256xi32, #tpu.memory_space<vmem>>, vector<16xi32>,
    tpu.vector_store %arg7[%swap3A_326], %add3A_325 {strides = array<i32>} : memref<256xi32, #tpu.memory_space<vmem>>, vector<16xi32>,
    %add3A_328 = arith.constant 15 : i32
    %add3A_329 = vector.broadcast %add3A_328 : i32 to vector<16xi32>
    %add3A_330 = arith.addi %iota3A, %add3A_329 : vector<16xi32>
    %and3A_331 = arith.constant 15 : i32
    %and3A_332 = vector.broadcast %and3A_331 : i32 to vector<16xi32>
    %and3A_333 = arith.andi %add3A_330, %and3A_332 : vector<16xi32>
    %shift_right_arithmetic3A_334 = arith.constant 3 : i32
    %shift_right_arithmetic3A_335 = vector.broadcast %shift_right_arithmetic3A_334 : i32 to vector<16xi32>
    %shift_right_arithmetic3A_336 = arith.shrsi %and3A_333, %shift_right_arithmetic3A_335 : vector<16xi32>
    %mul3A_337 = arith.constant 8192 : i32
    %mul3A_338 = vector.broadcast %mul3A_337 : i32 to vector<16xi32>
    %mul3A_339 = arith.muli %shift_right_arithmetic3A_336, %mul3A_338 : vector<16xi32>
    %and3A_340 = arith.constant 7 : i32
    %and3A_341 = vector.broadcast %and3A_340 : i32 to vector<16xi32>
    %and3A_342 = arith.andi %and3A_333, %and3A_341 : vector<16xi32>
    %mul3A_343 = arith.constant 128 : i32
    %mul3A_344 = vector.broadcast %mul3A_343 : i32 to vector<16xi32>
    %mul3A_345 = arith.muli %and3A_342, %mul3A_344 : vector<16xi32>
    %add3A_346 = arith.addi %mul3A_339, %mul3A_345 : vector<16xi32>
    %add3A_347 = arith.addi %add3A_346, %iota3A : vector<16xi32>
    %swap3A_348 = arith.constant 240 : index
    %swap3A_349 = tpu.vector_load %arg7[%swap3A_348] {strides = array<i32>} : memref<256xi32, #tpu.memory_space<vmem>>, vector<16xi32>,
    tpu.vector_store %arg7[%swap3A_348], %add3A_347 {strides = array<i32>} : memref<256xi32, #tpu.memory_space<vmem>>, vector<16xi32>,
    %mul3A_350 = arith.constant 25 : i32
    %mul3A_351 = arith.muli %add3A, %mul3A_350 : i32
    %add3A_352 = arith.constant 25 : i32
    %add3A_353 = arith.addi %mul3A_351, %add3A_352 : i32
    %shift_right_arithmetic3A_354 = arith.constant 2 : i32
    %shift_right_arithmetic3A_355 = arith.shrsi %mul3A_351, %shift_right_arithmetic3A_354 : i32
    %shift_right_arithmetic3A_356 = arith.constant 3 : i32
    %shift_right_arithmetic3A_357 = arith.shrsi %shift_right_arithmetic3A_355, %shift_right_arithmetic3A_356 : i32
    %and3A_358 = arith.constant 7 : i32
    %and3A_359 = arith.andi %shift_right_arithmetic3A_355, %and3A_358 : i32
    %and3A_360 = arith.constant 1 : i32
    %and3A_361 = arith.andi %shift_right_arithmetic3A_355, %and3A_360 : i32
    %dma_start3A = arith.constant 0 : i32
    %dma_start3A_362 = arith.constant 0 : i32
    %dma_start3A_363 = tpu.memref_slice %arg6[%and3A_361, %dma_start3A_362] : memref<2x1024xi32, #tpu.memory_space<vmem>> -> memref<1x128xi32, #tpu.memory_space<vmem>>
    %dma_start3A_364 = tpu.memref_squeeze %dma_start3A_363 : memref<1x128xi32, #tpu.memory_space<vmem>> -> memref<128xi32, #tpu.memory_space<vmem>>
    %dma_start3A_365 = arith.constant 0 : i32
    %dma_start3A_366 = tpu.memref_slice %arg3[%shift_right_arithmetic3A_357, %dma_start3A, %and3A_359, %dma_start3A_365] : memref<25x8x8x128xi32, #tpu.memory_space<hbm>> -> memref<1x1x1x128xi32, #tpu.memory_space<hbm>>
    %dma_start3A_367 = tpu.memref_squeeze %dma_start3A_366 : memref<1x1x1x128xi32, #tpu.memory_space<hbm>> -> memref<128xi32, #tpu.memory_space<hbm>>
    %dma_start3A_368 = arith.constant 0 : i32
    %dma_start3A_369 = tpu.memref_slice %arg6[%and3A_361, %dma_start3A_368] : memref<2x1024xi32, #tpu.memory_space<vmem>> -> memref<1x128xi32, #tpu.memory_space<vmem>>
    %dma_start3A_370 = tpu.memref_squeeze %dma_start3A_369 : memref<1x128xi32, #tpu.memory_space<vmem>> -> memref<128xi32, #tpu.memory_space<vmem>>
    %dma_start3A_371 = arith.constant 0 : i32
    %dma_start3A_372 = tpu.memref_slice %arg3[%shift_right_arithmetic3A_357, %dma_start3A, %and3A_359, %dma_start3A_371] : memref<25x8x8x128xi32, #tpu.memory_space<hbm>> -> memref<1x1x1x128xi32, #tpu.memory_space<hbm>>
    %dma_start3A_373 = tpu.memref_squeeze %dma_start3A_372 : memref<1x1x1x128xi32, #tpu.memory_space<hbm>> -> memref<128xi32, #tpu.memory_space<hbm>>
    tpu.enqueue_dma source(%dma_start3A_373 : memref<128xi32, #tpu.memory_space<hbm>>) target(%dma_start3A_370 : memref<128xi32, #tpu.memory_space<vmem>>) target_semaphore(%arg12 : memref<!tpu.dma_semaphore, #tpu.memory_space<semaphore_mem>>)
    %shift_right_arithmetic3A_374 = arith.constant 3 : i32
    %shift_right_arithmetic3A_375 = arith.shrsi %shift_right_arithmetic3A_355, %shift_right_arithmetic3A_374 : i32
    %and3A_376 = arith.constant 7 : i32
    %and3A_377 = arith.andi %shift_right_arithmetic3A_355, %and3A_376 : i32
    %and3A_378 = arith.constant 1 : i32
    %and3A_379 = arith.andi %shift_right_arithmetic3A_355, %and3A_378 : i32
    %dma_start3A_380 = arith.constant 1 : i32
    %dma_start3A_381 = arith.constant 128 : i32
    %dma_start3A_382 = tpu.memref_slice %arg6[%and3A_379, %dma_start3A_381] : memref<2x1024xi32, #tpu.memory_space<vmem>> -> memref<1x128xi32, #tpu.memory_space<vmem>>
    %dma_start3A_383 = tpu.memref_squeeze %dma_start3A_382 : memref<1x128xi32, #tpu.memory_space<vmem>> -> memref<128xi32, #tpu.memory_space<vmem>>
    %dma_start3A_384 = arith.constant 0 : i32
    %dma_start3A_385 = tpu.memref_slice %arg3[%shift_right_arithmetic3A_375, %dma_start3A_380, %and3A_377, %dma_start3A_384] : memref<25x8x8x128xi32, #tpu.memory_space<hbm>> -> memref<1x1x1x128xi32, #tpu.memory_space<hbm>>
    %dma_start3A_386 = tpu.memref_squeeze %dma_start3A_385 : memref<1x1x1x128xi32, #tpu.memory_space<hbm>> -> memref<128xi32, #tpu.memory_space<hbm>>
    %dma_start3A_387 = arith.constant 128 : i32
    %dma_start3A_388 = tpu.memref_slice %arg6[%and3A_379, %dma_start3A_387] : memref<2x1024xi32, #tpu.memory_space<vmem>> -> memref<1x128xi32, #tpu.memory_space<vmem>>
    %dma_start3A_389 = tpu.memref_squeeze %dma_start3A_388 : memref<1x128xi32, #tpu.memory_space<vmem>> -> memref<128xi32, #tpu.memory_space<vmem>>
    %dma_start3A_390 = arith.constant 0 : i32
    %dma_start3A_391 = tpu.memref_slice %arg3[%shift_right_arithmetic3A_375, %dma_start3A_380, %and3A_377, %dma_start3A_390] : memref<25x8x8x128xi32, #tpu.memory_space<hbm>> -> memref<1x1x1x128xi32, #tpu.memory_space<hbm>>
    %dma_start3A_392 = tpu.memref_squeeze %dma_start3A_391 : memref<1x1x1x128xi32, #tpu.memory_space<hbm>> -> memref<128xi32, #tpu.memory_space<hbm>>
    tpu.enqueue_dma source(%dma_start3A_392 : memref<128xi32, #tpu.memory_space<hbm>>) target(%dma_start3A_389 : memref<128xi32, #tpu.memory_space<vmem>>) target_semaphore(%arg12 : memref<!tpu.dma_semaphore, #tpu.memory_space<semaphore_mem>>)
    %shift_right_arithmetic3A_393 = arith.constant 3 : i32
    %shift_right_arithmetic3A_394 = arith.shrsi %shift_right_arithmetic3A_355, %shift_right_arithmetic3A_393 : i32
    %and3A_395 = arith.constant 7 : i32
    %and3A_396 = arith.andi %shift_right_arithmetic3A_355, %and3A_395 : i32
    %and3A_397 = arith.constant 1 : i32
    %and3A_398 = arith.andi %shift_right_arithmetic3A_355, %and3A_397 : i32
    %dma_start3A_399 = arith.constant 2 : i32
    %dma_start3A_400 = arith.constant 256 : i32
    %dma_start3A_401 = tpu.memref_slice %arg6[%and3A_398, %dma_start3A_400] : memref<2x1024xi32, #tpu.memory_space<vmem>> -> memref<1x128xi32, #tpu.memory_space<vmem>>
    %dma_start3A_402 = tpu.memref_squeeze %dma_start3A_401 : memref<1x128xi32, #tpu.memory_space<vmem>> -> memref<128xi32, #tpu.memory_space<vmem>>
    %dma_start3A_403 = arith.constant 0 : i32
    %dma_start3A_404 = tpu.memref_slice %arg3[%shift_right_arithmetic3A_394, %dma_start3A_399, %and3A_396, %dma_start3A_403] : memref<25x8x8x128xi32, #tpu.memory_space<hbm>> -> memref<1x1x1x128xi32, #tpu.memory_space<hbm>>
    %dma_start3A_405 = tpu.memref_squeeze %dma_start3A_404 : memref<1x1x1x128xi32, #tpu.memory_space<hbm>> -> memref<128xi32, #tpu.memory_space<hbm>>
    %dma_start3A_406 = arith.constant 256 : i32
    %dma_start3A_407 = tpu.memref_slice %arg6[%and3A_398, %dma_start3A_406] : memref<2x1024xi32, #tpu.memory_space<vmem>> -> memref<1x128xi32, #tpu.memory_space<vmem>>
    %dma_start3A_408 = tpu.memref_squeeze %dma_start3A_407 : memref<1x128xi32, #tpu.memory_space<vmem>> -> memref<128xi32, #tpu.memory_space<vmem>>
    %dma_start3A_409 = arith.constant 0 : i32
    %dma_start3A_410 = tpu.memref_slice %arg3[%shift_right_arithmetic3A_394, %dma_start3A_399, %and3A_396, %dma_start3A_409] : memref<25x8x8x128xi32, #tpu.memory_space<hbm>> -> memref<1x1x1x128xi32, #tpu.memory_space<hbm>>
    %dma_start3A_411 = tpu.memref_squeeze %dma_start3A_410 : memref<1x1x1x128xi32, #tpu.memory_space<hbm>> -> memref<128xi32, #tpu.memory_space<hbm>>
    tpu.enqueue_dma source(%dma_start3A_411 : memref<128xi32, #tpu.memory_space<hbm>>) target(%dma_start3A_408 : memref<128xi32, #tpu.memory_space<vmem>>) target_semaphore(%arg12 : memref<!tpu.dma_semaphore, #tpu.memory_space<semaphore_mem>>)
    %shift_right_arithmetic3A_412 = arith.constant 3 : i32
    %shift_right_arithmetic3A_413 = arith.shrsi %shift_right_arithmetic3A_355, %shift_right_arithmetic3A_412 : i32
    %and3A_414 = arith.constant 7 : i32
    %and3A_415 = arith.andi %shift_right_arithmetic3A_355, %and3A_414 : i32
    %and3A_416 = arith.constant 1 : i32
    %and3A_417 = arith.andi %shift_right_arithmetic3A_355, %and3A_416 : i32
    %dma_start3A_418 = arith.constant 3 : i32
    %dma_start3A_419 = arith.constant 384 : i32
    %dma_start3A_420 = tpu.memref_slice %arg6[%and3A_417, %dma_start3A_419] : memref<2x1024xi32, #tpu.memory_space<vmem>> -> memref<1x128xi32, #tpu.memory_space<vmem>>
    %dma_start3A_421 = tpu.memref_squeeze %dma_start3A_420 : memref<1x128xi32, #tpu.memory_space<vmem>> -> memref<128xi32, #tpu.memory_space<vmem>>
    %dma_start3A_422 = arith.constant 0 : i32
    %dma_start3A_423 = tpu.memref_slice %arg3[%shift_right_arithmetic3A_413, %dma_start3A_418, %and3A_415, %dma_start3A_422] : memref<25x8x8x128xi32, #tpu.memory_space<hbm>> -> memref<1x1x1x128xi32, #tpu.memory_space<hbm>>
    %dma_start3A_424 = tpu.memref_squeeze %dma_start3A_423 : memref<1x1x1x128xi32, #tpu.memory_space<hbm>> -> memref<128xi32, #tpu.memory_space<hbm>>
    %dma_start3A_425 = arith.constant 384 : i32
    %dma_start3A_426 = tpu.memref_slice %arg6[%and3A_417, %dma_start3A_425] : memref<2x1024xi32, #tpu.memory_space<vmem>> -> memref<1x128xi32, #tpu.memory_space<vmem>>
    %dma_start3A_427 = tpu.memref_squeeze %dma_start3A_426 : memref<1x128xi32, #tpu.memory_space<vmem>> -> memref<128xi32, #tpu.memory_space<vmem>>
    %dma_start3A_428 = arith.constant 0 : i32
    %dma_start3A_429 = tpu.memref_slice %arg3[%shift_right_arithmetic3A_413, %dma_start3A_418, %and3A_415, %dma_start3A_428] : memref<25x8x8x128xi32, #tpu.memory_space<hbm>> -> memref<1x1x1x128xi32, #tpu.memory_space<hbm>>
    %dma_start3A_430 = tpu.memref_squeeze %dma_start3A_429 : memref<1x1x1x128xi32, #tpu.memory_space<hbm>> -> memref<128xi32, #tpu.memory_space<hbm>>
    tpu.enqueue_dma source(%dma_start3A_430 : memref<128xi32, #tpu.memory_space<hbm>>) target(%dma_start3A_427 : memref<128xi32, #tpu.memory_space<vmem>>) target_semaphore(%arg12 : memref<!tpu.dma_semaphore, #tpu.memory_space<semaphore_mem>>)
    %shift_right_arithmetic3A_431 = arith.constant 3 : i32
    %shift_right_arithmetic3A_432 = arith.shrsi %shift_right_arithmetic3A_355, %shift_right_arithmetic3A_431 : i32
    %and3A_433 = arith.constant 7 : i32
    %and3A_434 = arith.andi %shift_right_arithmetic3A_355, %and3A_433 : i32
    %and3A_435 = arith.constant 1 : i32
    %and3A_436 = arith.andi %shift_right_arithmetic3A_355, %and3A_435 : i32
    %dma_start3A_437 = arith.constant 4 : i32
    %dma_start3A_438 = arith.constant 512 : i32
    %dma_start3A_439 = tpu.memref_slice %arg6[%and3A_436, %dma_start3A_438] : memref<2x1024xi32, #tpu.memory_space<vmem>> -> memref<1x128xi32, #tpu.memory_space<vmem>>
    %dma_start3A_440 = tpu.memref_squeeze %dma_start3A_439 : memref<1x128xi32, #tpu.memory_space<vmem>> -> memref<128xi32, #tpu.memory_space<vmem>>
    %dma_start3A_441 = arith.constant 0 : i32
    %dma_start3A_442 = tpu.memref_slice %arg3[%shift_right_arithmetic3A_432, %dma_start3A_437, %and3A_434, %dma_start3A_441] : memref<25x8x8x128xi32, #tpu.memory_space<hbm>> -> memref<1x1x1x128xi32, #tpu.memory_space<hbm>>
    %dma_start3A_443 = tpu.memref_squeeze %dma_start3A_442 : memref<1x1x1x128xi32, #tpu.memory_space<hbm>> -> memref<128xi32, #tpu.memory_space<hbm>>
    %dma_start3A_444 = arith.constant 512 : i32
    %dma_start3A_445 = tpu.memref_slice %arg6[%and3A_436, %dma_start3A_444] : memref<2x1024xi32, #tpu.memory_space<vmem>> -> memref<1x128xi32, #tpu.memory_space<vmem>>
    %dma_start3A_446 = tpu.memref_squeeze %dma_start3A_445 : memref<1x128xi32, #tpu.memory_space<vmem>> -> memref<128xi32, #tpu.memory_space<vmem>>
    %dma_start3A_447 = arith.constant 0 : i32
    %dma_start3A_448 = tpu.memref_slice %arg3[%shift_right_arithmetic3A_432, %dma_start3A_437, %and3A_434, %dma_start3A_447] : memref<25x8x8x128xi32, #tpu.memory_space<hbm>> -> memref<1x1x1x128xi32, #tpu.memory_space<hbm>>
    %dma_start3A_449 = tpu.memref_squeeze %dma_start3A_448 : memref<1x1x1x128xi32, #tpu.memory_space<hbm>> -> memref<128xi32, #tpu.memory_space<hbm>>
    tpu.enqueue_dma source(%dma_start3A_449 : memref<128xi32, #tpu.memory_space<hbm>>) target(%dma_start3A_446 : memref<128xi32, #tpu.memory_space<vmem>>) target_semaphore(%arg12 : memref<!tpu.dma_semaphore, #tpu.memory_space<semaphore_mem>>)
    %shift_right_arithmetic3A_450 = arith.constant 3 : i32
    %shift_right_arithmetic3A_451 = arith.shrsi %shift_right_arithmetic3A_355, %shift_right_arithmetic3A_450 : i32
    %and3A_452 = arith.constant 7 : i32
    %and3A_453 = arith.andi %shift_right_arithmetic3A_355, %and3A_452 : i32
    %and3A_454 = arith.constant 1 : i32
    %and3A_455 = arith.andi %shift_right_arithmetic3A_355, %and3A_454 : i32
    %dma_start3A_456 = arith.constant 5 : i32
    %dma_start3A_457 = arith.constant 640 : i32
    %dma_start3A_458 = tpu.memref_slice %arg6[%and3A_455, %dma_start3A_457] : memref<2x1024xi32, #tpu.memory_space<vmem>> -> memref<1x128xi32, #tpu.memory_space<vmem>>
    %dma_start3A_459 = tpu.memref_squeeze %dma_start3A_458 : memref<1x128xi32, #tpu.memory_space<vmem>> -> memref<128xi32, #tpu.memory_space<vmem>>
    %dma_start3A_460 = arith.constant 0 : i32
    %dma_start3A_461 = tpu.memref_slice %arg3[%shift_right_arithmetic3A_451, %dma_start3A_456, %and3A_453, %dma_start3A_460] : memref<25x8x8x128xi32, #tpu.memory_space<hbm>> -> memref<1x1x1x128xi32, #tpu.memory_space<hbm>>
    %dma_start3A_462 = tpu.memref_squeeze %dma_start3A_461 : memref<1x1x1x128xi32, #tpu.memory_space<hbm>> -> memref<128xi32, #tpu.memory_space<hbm>>
    %dma_start3A_463 = arith.constant 640 : i32
    %dma_start3A_464 = tpu.memref_slice %arg6[%and3A_455, %dma_start3A_463] : memref<2x1024xi32, #tpu.memory_space<vmem>> -> memref<1x128xi32, #tpu.memory_space<vmem>>
    %dma_start3A_465 = tpu.memref_squeeze %dma_start3A_464 : memref<1x128xi32, #tpu.memory_space<vmem>> -> memref<128xi32, #tpu.memory_space<vmem>>
    %dma_start3A_466 = arith.constant 0 : i32
    %dma_start3A_467 = tpu.memref_slice %arg3[%shift_right_arithmetic3A_451, %dma_start3A_456, %and3A_453, %dma_start3A_466] : memref<25x8x8x128xi32, #tpu.memory_space<hbm>> -> memref<1x1x1x128xi32, #tpu.memory_space<hbm>>
    %dma_start3A_468 = tpu.memref_squeeze %dma_start3A_467 : memref<1x1x1x128xi32, #tpu.memory_space<hbm>> -> memref<128xi32, #tpu.memory_space<hbm>>
    tpu.enqueue_dma source(%dma_start3A_468 : memref<128xi32, #tpu.memory_space<hbm>>) target(%dma_start3A_465 : memref<128xi32, #tpu.memory_space<vmem>>) target_semaphore(%arg12 : memref<!tpu.dma_semaphore, #tpu.memory_space<semaphore_mem>>)
    %shift_right_arithmetic3A_469 = arith.constant 3 : i32
    %shift_right_arithmetic3A_470 = arith.shrsi %shift_right_arithmetic3A_355, %shift_right_arithmetic3A_469 : i32
    %and3A_471 = arith.constant 7 : i32
    %and3A_472 = arith.andi %shift_right_arithmetic3A_355, %and3A_471 : i32
    %and3A_473 = arith.constant 1 : i32
    %and3A_474 = arith.andi %shift_right_arithmetic3A_355, %and3A_473 : i32
    %dma_start3A_475 = arith.constant 6 : i32
    %dma_start3A_476 = arith.constant 768 : i32
    %dma_start3A_477 = tpu.memref_slice %arg6[%and3A_474, %dma_start3A_476] : memref<2x1024xi32, #tpu.memory_space<vmem>> -> memref<1x128xi32, #tpu.memory_space<vmem>>
    %dma_start3A_478 = tpu.memref_squeeze %dma_start3A_477 : memref<1x128xi32, #tpu.memory_space<vmem>> -> memref<128xi32, #tpu.memory_space<vmem>>
    %dma_start3A_479 = arith.constant 0 : i32
    %dma_start3A_480 = tpu.memref_slice %arg3[%shift_right_arithmetic3A_470, %dma_start3A_475, %and3A_472, %dma_start3A_479] : memref<25x8x8x128xi32, #tpu.memory_space<hbm>> -> memref<1x1x1x128xi32, #tpu.memory_space<hbm>>
    %dma_start3A_481 = tpu.memref_squeeze %dma_start3A_480 : memref<1x1x1x128xi32, #tpu.memory_space<hbm>> -> memref<128xi32, #tpu.memory_space<hbm>>
    %dma_start3A_482 = arith.constant 768 : i32
    %dma_start3A_483 = tpu.memref_slice %arg6[%and3A_474, %dma_start3A_482] : memref<2x1024xi32, #tpu.memory_space<vmem>> -> memref<1x128xi32, #tpu.memory_space<vmem>>
    %dma_start3A_484 = tpu.memref_squeeze %dma_start3A_483 : memref<1x128xi32, #tpu.memory_space<vmem>> -> memref<128xi32, #tpu.memory_space<vmem>>
    %dma_start3A_485 = arith.constant 0 : i32
    %dma_start3A_486 = tpu.memref_slice %arg3[%shift_right_arithmetic3A_470, %dma_start3A_475, %and3A_472, %dma_start3A_485] : memref<25x8x8x128xi32, #tpu.memory_space<hbm>> -> memref<1x1x1x128xi32, #tpu.memory_space<hbm>>
    %dma_start3A_487 = tpu.memref_squeeze %dma_start3A_486 : memref<1x1x1x128xi32, #tpu.memory_space<hbm>> -> memref<128xi32, #tpu.memory_space<hbm>>
    tpu.enqueue_dma source(%dma_start3A_487 : memref<128xi32, #tpu.memory_space<hbm>>) target(%dma_start3A_484 : memref<128xi32, #tpu.memory_space<vmem>>) target_semaphore(%arg12 : memref<!tpu.dma_semaphore, #tpu.memory_space<semaphore_mem>>)
    %shift_right_arithmetic3A_488 = arith.constant 3 : i32
    %shift_right_arithmetic3A_489 = arith.shrsi %shift_right_arithmetic3A_355, %shift_right_arithmetic3A_488 : i32
    %and3A_490 = arith.constant 7 : i32
    %and3A_491 = arith.andi %shift_right_arithmetic3A_355, %and3A_490 : i32
    %and3A_492 = arith.constant 1 : i32
    %and3A_493 = arith.andi %shift_right_arithmetic3A_355, %and3A_492 : i32
    %dma_start3A_494 = arith.constant 7 : i32
    %dma_start3A_495 = arith.constant 896 : i32
    %dma_start3A_496 = tpu.memref_slice %arg6[%and3A_493, %dma_start3A_495] : memref<2x1024xi32, #tpu.memory_space<vmem>> -> memref<1x128xi32, #tpu.memory_space<vmem>>
    %dma_start3A_497 = tpu.memref_squeeze %dma_start3A_496 : memref<1x128xi32, #tpu.memory_space<vmem>> -> memref<128xi32, #tpu.memory_space<vmem>>
    %dma_start3A_498 = arith.constant 0 : i32
    %dma_start3A_499 = tpu.memref_slice %arg3[%shift_right_arithmetic3A_489, %dma_start3A_494, %and3A_491, %dma_start3A_498] : memref<25x8x8x128xi32, #tpu.memory_space<hbm>> -> memref<1x1x1x128xi32, #tpu.memory_space<hbm>>
    %dma_start3A_500 = tpu.memref_squeeze %dma_start3A_499 : memref<1x1x1x128xi32, #tpu.memory_space<hbm>> -> memref<128xi32, #tpu.memory_space<hbm>>
    %dma_start3A_501 = arith.constant 896 : i32
    %dma_start3A_502 = tpu.memref_slice %arg6[%and3A_493, %dma_start3A_501] : memref<2x1024xi32, #tpu.memory_space<vmem>> -> memref<1x128xi32, #tpu.memory_space<vmem>>
    %dma_start3A_503 = tpu.memref_squeeze %dma_start3A_502 : memref<1x128xi32, #tpu.memory_space<vmem>> -> memref<128xi32, #tpu.memory_space<vmem>>
    %dma_start3A_504 = arith.constant 0 : i32
    %dma_start3A_505 = tpu.memref_slice %arg3[%shift_right_arithmetic3A_489, %dma_start3A_494, %and3A_491, %dma_start3A_504] : memref<25x8x8x128xi32, #tpu.memory_space<hbm>> -> memref<1x1x1x128xi32, #tpu.memory_space<hbm>>
    %dma_start3A_506 = tpu.memref_squeeze %dma_start3A_505 : memref<1x1x1x128xi32, #tpu.memory_space<hbm>> -> memref<128xi32, #tpu.memory_space<hbm>>
    tpu.enqueue_dma source(%dma_start3A_506 : memref<128xi32, #tpu.memory_space<hbm>>) target(%dma_start3A_503 : memref<128xi32, #tpu.memory_space<vmem>>) target_semaphore(%arg12 : memref<!tpu.dma_semaphore, #tpu.memory_space<semaphore_mem>>)
    %while3A = arith.constant 0 : i32
    %while3A_507 = arith.subi %add3A_353, %mul3A_351 : i32
    %while3A_508 = arith.addi %mul3A_351, %while3A_507 : i32
    %while3A_509 = arith.constant 1 : i32
    %while3A_510 = arith.divsi %while3A_507, %while3A_509 : i32
    %while3A_511 = arith.muli %while3A_510, %while3A_509 : i32
    %while3A_512 = arith.addi %mul3A_351, %while3A_511 : i32
    %while3A_513 = arith.constant 1 : i32
    scf.for %while3A_528 = %mul3A_351 to %while3A_512 step %while3A_513  : i32 {
      %shift_right_arithmetic3A_529 = arith.constant 2 : i32
      %shift_right_arithmetic3A_530 = arith.shrsi %while3A_528, %shift_right_arithmetic3A_529 : i32
      %and3A_531 = arith.constant 3 : i32
      %and3A_532 = arith.andi %while3A_528, %and3A_531 : i32
      %and3A_533 = arith.constant 1 : i32
      %and3A_534 = arith.andi %shift_right_arithmetic3A_530, %and3A_533 : i32
      %eq3A = arith.constant 0 : i32
      %eq3A_535 = arith.cmpi eq, %and3A_532, %eq3A : i32
      %eq3A_536 = arith.cmpi eq, %while3A_528, %mul3A_351 : i32
      %or3A = arith.ori %eq3A_535, %eq3A_536 : i1
      %convert_element_type3A = arith.extui %or3A : i1 to i32
      %cond3A = arith.constant 0 : i32
      %cond3A_537 = arith.cmpi ne, %convert_element_type3A, %cond3A : i32
      scf.if %cond3A_537 {
        %dma_wait3A_563 = arith.constant 0 : i32
        %dma_wait3A_564 = arith.constant 0 : i32
        %dma_wait3A_565 = arith.constant 0 : i32
        %dma_wait3A_566 = arith.constant 0 : i32
        %dma_wait3A_567 = tpu.memref_slice %arg6[%and3A_534, %dma_wait3A_566] : memref<2x1024xi32, #tpu.memory_space<vmem>> -> memref<1x128xi32, #tpu.memory_space<vmem>>
        %dma_wait3A_568 = tpu.memref_squeeze %dma_wait3A_567 : memref<1x128xi32, #tpu.memory_space<vmem>> -> memref<128xi32, #tpu.memory_space<vmem>>
        %dma_wait3A_569 = arith.constant 0 : i32
        %dma_wait3A_570 = tpu.memref_slice %arg3[%dma_wait3A_563, %dma_wait3A_564, %dma_wait3A_565, %dma_wait3A_569] : memref<25x8x8x128xi32, #tpu.memory_space<hbm>> -> memref<1x1x1x128xi32, #tpu.memory_space<hbm>>
        %dma_wait3A_571 = tpu.memref_squeeze %dma_wait3A_570 : memref<1x1x1x128xi32, #tpu.memory_space<hbm>> -> memref<128xi32, #tpu.memory_space<hbm>>
        %dma_wait3A_572 = arith.constant 0 : i32
        %dma_wait3A_573 = tpu.memref_slice %arg6[%and3A_534, %dma_wait3A_572] : memref<2x1024xi32, #tpu.memory_space<vmem>> -> memref<1x128xi32, #tpu.memory_space<vmem>>
        %dma_wait3A_574 = tpu.memref_squeeze %dma_wait3A_573 : memref<1x128xi32, #tpu.memory_space<vmem>> -> memref<128xi32, #tpu.memory_space<vmem>>
        %dma_wait3A_575 = arith.constant 0 : i32
        %dma_wait3A_576 = tpu.memref_slice %arg3[%dma_wait3A_563, %dma_wait3A_564, %dma_wait3A_565, %dma_wait3A_575] : memref<25x8x8x128xi32, #tpu.memory_space<hbm>> -> memref<1x1x1x128xi32, #tpu.memory_space<hbm>>
        %dma_wait3A_577 = tpu.memref_squeeze %dma_wait3A_576 : memref<1x1x1x128xi32, #tpu.memory_space<hbm>> -> memref<128xi32, #tpu.memory_space<hbm>>
        tpu.wait_dma2 semaphore(%arg12 : memref<!tpu.dma_semaphore, #tpu.memory_space<semaphore_mem>>) src(%dma_wait3A_577 : memref<128xi32, #tpu.memory_space<hbm>>) dst(%dma_wait3A_574 : memref<128xi32, #tpu.memory_space<vmem>>)
        %dma_wait3A_578 = arith.constant 0 : i32
        %dma_wait3A_579 = arith.constant 0 : i32
        %dma_wait3A_580 = arith.constant 0 : i32
        %dma_wait3A_581 = arith.constant 128 : i32
        %dma_wait3A_582 = tpu.memref_slice %arg6[%and3A_534, %dma_wait3A_581] : memref<2x1024xi32, #tpu.memory_space<vmem>> -> memref<1x128xi32, #tpu.memory_space<vmem>>
        %dma_wait3A_583 = tpu.memref_squeeze %dma_wait3A_582 : memref<1x128xi32, #tpu.memory_space<vmem>> -> memref<128xi32, #tpu.memory_space<vmem>>
        %dma_wait3A_584 = arith.constant 0 : i32
        %dma_wait3A_585 = tpu.memref_slice %arg3[%dma_wait3A_578, %dma_wait3A_579, %dma_wait3A_580, %dma_wait3A_584] : memref<25x8x8x128xi32, #tpu.memory_space<hbm>> -> memref<1x1x1x128xi32, #tpu.memory_space<hbm>>
        %dma_wait3A_586 = tpu.memref_squeeze %dma_wait3A_585 : memref<1x1x1x128xi32, #tpu.memory_space<hbm>> -> memref<128xi32, #tpu.memory_space<hbm>>
        %dma_wait3A_587 = arith.constant 128 : i32
        %dma_wait3A_588 = tpu.memref_slice %arg6[%and3A_534, %dma_wait3A_587] : memref<2x1024xi32, #tpu.memory_space<vmem>> -> memref<1x128xi32, #tpu.memory_space<vmem>>
        %dma_wait3A_589 = tpu.memref_squeeze %dma_wait3A_588 : memref<1x128xi32, #tpu.memory_space<vmem>> -> memref<128xi32, #tpu.memory_space<vmem>>
        %dma_wait3A_590 = arith.constant 0 : i32
        %dma_wait3A_591 = tpu.memref_slice %arg3[%dma_wait3A_578, %dma_wait3A_579, %dma_wait3A_580, %dma_wait3A_590] : memref<25x8x8x128xi32, #tpu.memory_space<hbm>> -> memref<1x1x1x128xi32, #tpu.memory_space<hbm>>
        %dma_wait3A_592 = tpu.memref_squeeze %dma_wait3A_591 : memref<1x1x1x128xi32, #tpu.memory_space<hbm>> -> memref<128xi32, #tpu.memory_space<hbm>>
        tpu.wait_dma2 semaphore(%arg12 : memref<!tpu.dma_semaphore, #tpu.memory_space<semaphore_mem>>) src(%dma_wait3A_592 : memref<128xi32, #tpu.memory_space<hbm>>) dst(%dma_wait3A_589 : memref<128xi32, #tpu.memory_space<vmem>>)
        %dma_wait3A_593 = arith.constant 0 : i32
        %dma_wait3A_594 = arith.constant 0 : i32
        %dma_wait3A_595 = arith.constant 0 : i32
        %dma_wait3A_596 = arith.constant 256 : i32
        %dma_wait3A_597 = tpu.memref_slice %arg6[%and3A_534, %dma_wait3A_596] : memref<2x1024xi32, #tpu.memory_space<vmem>> -> memref<1x128xi32, #tpu.memory_space<vmem>>
        %dma_wait3A_598 = tpu.memref_squeeze %dma_wait3A_597 : memref<1x128xi32, #tpu.memory_space<vmem>> -> memref<128xi32, #tpu.memory_space<vmem>>
        %dma_wait3A_599 = arith.constant 0 : i32
        %dma_wait3A_600 = tpu.memref_slice %arg3[%dma_wait3A_593, %dma_wait3A_594, %dma_wait3A_595, %dma_wait3A_599] : memref<25x8x8x128xi32, #tpu.memory_space<hbm>> -> memref<1x1x1x128xi32, #tpu.memory_space<hbm>>
        %dma_wait3A_601 = tpu.memref_squeeze %dma_wait3A_600 : memref<1x1x1x128xi32, #tpu.memory_space<hbm>> -> memref<128xi32, #tpu.memory_space<hbm>>
        %dma_wait3A_602 = arith.constant 256 : i32
        %dma_wait3A_603 = tpu.memref_slice %arg6[%and3A_534, %dma_wait3A_602] : memref<2x1024xi32, #tpu.memory_space<vmem>> -> memref<1x128xi32, #tpu.memory_space<vmem>>
        %dma_wait3A_604 = tpu.memref_squeeze %dma_wait3A_603 : memref<1x128xi32, #tpu.memory_space<vmem>> -> memref<128xi32, #tpu.memory_space<vmem>>
        %dma_wait3A_605 = arith.constant 0 : i32
        %dma_wait3A_606 = tpu.memref_slice %arg3[%dma_wait3A_593, %dma_wait3A_594, %dma_wait3A_595, %dma_wait3A_605] : memref<25x8x8x128xi32, #tpu.memory_space<hbm>> -> memref<1x1x1x128xi32, #tpu.memory_space<hbm>>
        %dma_wait3A_607 = tpu.memref_squeeze %dma_wait3A_606 : memref<1x1x1x128xi32, #tpu.memory_space<hbm>> -> memref<128xi32, #tpu.memory_space<hbm>>
        tpu.wait_dma2 semaphore(%arg12 : memref<!tpu.dma_semaphore, #tpu.memory_space<semaphore_mem>>) src(%dma_wait3A_607 : memref<128xi32, #tpu.memory_space<hbm>>) dst(%dma_wait3A_604 : memref<128xi32, #tpu.memory_space<vmem>>)
        %dma_wait3A_608 = arith.constant 0 : i32
        %dma_wait3A_609 = arith.constant 0 : i32
        %dma_wait3A_610 = arith.constant 0 : i32
        %dma_wait3A_611 = arith.constant 384 : i32
        %dma_wait3A_612 = tpu.memref_slice %arg6[%and3A_534, %dma_wait3A_611] : memref<2x1024xi32, #tpu.memory_space<vmem>> -> memref<1x128xi32, #tpu.memory_space<vmem>>
        %dma_wait3A_613 = tpu.memref_squeeze %dma_wait3A_612 : memref<1x128xi32, #tpu.memory_space<vmem>> -> memref<128xi32, #tpu.memory_space<vmem>>
        %dma_wait3A_614 = arith.constant 0 : i32
        %dma_wait3A_615 = tpu.memref_slice %arg3[%dma_wait3A_608, %dma_wait3A_609, %dma_wait3A_610, %dma_wait3A_614] : memref<25x8x8x128xi32, #tpu.memory_space<hbm>> -> memref<1x1x1x128xi32, #tpu.memory_space<hbm>>
        %dma_wait3A_616 = tpu.memref_squeeze %dma_wait3A_615 : memref<1x1x1x128xi32, #tpu.memory_space<hbm>> -> memref<128xi32, #tpu.memory_space<hbm>>
        %dma_wait3A_617 = arith.constant 384 : i32
        %dma_wait3A_618 = tpu.memref_slice %arg6[%and3A_534, %dma_wait3A_617] : memref<2x1024xi32, #tpu.memory_space<vmem>> -> memref<1x128xi32, #tpu.memory_space<vmem>>
        %dma_wait3A_619 = tpu.memref_squeeze %dma_wait3A_618 : memref<1x128xi32, #tpu.memory_space<vmem>> -> memref<128xi32, #tpu.memory_space<vmem>>
        %dma_wait3A_620 = arith.constant 0 : i32
        %dma_wait3A_621 = tpu.memref_slice %arg3[%dma_wait3A_608, %dma_wait3A_609, %dma_wait3A_610, %dma_wait3A_620] : memref<25x8x8x128xi32, #tpu.memory_space<hbm>> -> memref<1x1x1x128xi32, #tpu.memory_space<hbm>>
        %dma_wait3A_622 = tpu.memref_squeeze %dma_wait3A_621 : memref<1x1x1x128xi32, #tpu.memory_space<hbm>> -> memref<128xi32, #tpu.memory_space<hbm>>
        tpu.wait_dma2 semaphore(%arg12 : memref<!tpu.dma_semaphore, #tpu.memory_space<semaphore_mem>>) src(%dma_wait3A_622 : memref<128xi32, #tpu.memory_space<hbm>>) dst(%dma_wait3A_619 : memref<128xi32, #tpu.memory_space<vmem>>)
        %dma_wait3A_623 = arith.constant 0 : i32
        %dma_wait3A_624 = arith.constant 0 : i32
        %dma_wait3A_625 = arith.constant 0 : i32
        %dma_wait3A_626 = arith.constant 512 : i32
        %dma_wait3A_627 = tpu.memref_slice %arg6[%and3A_534, %dma_wait3A_626] : memref<2x1024xi32, #tpu.memory_space<vmem>> -> memref<1x128xi32, #tpu.memory_space<vmem>>
        %dma_wait3A_628 = tpu.memref_squeeze %dma_wait3A_627 : memref<1x128xi32, #tpu.memory_space<vmem>> -> memref<128xi32, #tpu.memory_space<vmem>>
        %dma_wait3A_629 = arith.constant 0 : i32
        %dma_wait3A_630 = tpu.memref_slice %arg3[%dma_wait3A_623, %dma_wait3A_624, %dma_wait3A_625, %dma_wait3A_629] : memref<25x8x8x128xi32, #tpu.memory_space<hbm>> -> memref<1x1x1x128xi32, #tpu.memory_space<hbm>>
        %dma_wait3A_631 = tpu.memref_squeeze %dma_wait3A_630 : memref<1x1x1x128xi32, #tpu.memory_space<hbm>> -> memref<128xi32, #tpu.memory_space<hbm>>
        %dma_wait3A_632 = arith.constant 512 : i32
        %dma_wait3A_633 = tpu.memref_slice %arg6[%and3A_534, %dma_wait3A_632] : memref<2x1024xi32, #tpu.memory_space<vmem>> -> memref<1x128xi32, #tpu.memory_space<vmem>>
        %dma_wait3A_634 = tpu.memref_squeeze %dma_wait3A_633 : memref<1x128xi32, #tpu.memory_space<vmem>> -> memref<128xi32, #tpu.memory_space<vmem>>
        %dma_wait3A_635 = arith.constant 0 : i32
        %dma_wait3A_636 = tpu.memref_slice %arg3[%dma_wait3A_623, %dma_wait3A_624, %dma_wait3A_625, %dma_wait3A_635] : memref<25x8x8x128xi32, #tpu.memory_space<hbm>> -> memref<1x1x1x128xi32, #tpu.memory_space<hbm>>
        %dma_wait3A_637 = tpu.memref_squeeze %dma_wait3A_636 : memref<1x1x1x128xi32, #tpu.memory_space<hbm>> -> memref<128xi32, #tpu.memory_space<hbm>>
        tpu.wait_dma2 semaphore(%arg12 : memref<!tpu.dma_semaphore, #tpu.memory_space<semaphore_mem>>) src(%dma_wait3A_637 : memref<128xi32, #tpu.memory_space<hbm>>) dst(%dma_wait3A_634 : memref<128xi32, #tpu.memory_space<vmem>>)
        %dma_wait3A_638 = arith.constant 0 : i32
        %dma_wait3A_639 = arith.constant 0 : i32
        %dma_wait3A_640 = arith.constant 0 : i32
        %dma_wait3A_641 = arith.constant 640 : i32
        %dma_wait3A_642 = tpu.memref_slice %arg6[%and3A_534, %dma_wait3A_641] : memref<2x1024xi32, #tpu.memory_space<vmem>> -> memref<1x128xi32, #tpu.memory_space<vmem>>
        %dma_wait3A_643 = tpu.memref_squeeze %dma_wait3A_642 : memref<1x128xi32, #tpu.memory_space<vmem>> -> memref<128xi32, #tpu.memory_space<vmem>>
        %dma_wait3A_644 = arith.constant 0 : i32
        %dma_wait3A_645 = tpu.memref_slice %arg3[%dma_wait3A_638, %dma_wait3A_639, %dma_wait3A_640, %dma_wait3A_644] : memref<25x8x8x128xi32, #tpu.memory_space<hbm>> -> memref<1x1x1x128xi32, #tpu.memory_space<hbm>>
        %dma_wait3A_646 = tpu.memref_squeeze %dma_wait3A_645 : memref<1x1x1x128xi32, #tpu.memory_space<hbm>> -> memref<128xi32, #tpu.memory_space<hbm>>
        %dma_wait3A_647 = arith.constant 640 : i32
        %dma_wait3A_648 = tpu.memref_slice %arg6[%and3A_534, %dma_wait3A_647] : memref<2x1024xi32, #tpu.memory_space<vmem>> -> memref<1x128xi32, #tpu.memory_space<vmem>>
        %dma_wait3A_649 = tpu.memref_squeeze %dma_wait3A_648 : memref<1x128xi32, #tpu.memory_space<vmem>> -> memref<128xi32, #tpu.memory_space<vmem>>
        %dma_wait3A_650 = arith.constant 0 : i32
        %dma_wait3A_651 = tpu.memref_slice %arg3[%dma_wait3A_638, %dma_wait3A_639, %dma_wait3A_640, %dma_wait3A_650] : memref<25x8x8x128xi32, #tpu.memory_space<hbm>> -> memref<1x1x1x128xi32, #tpu.memory_space<hbm>>
        %dma_wait3A_652 = tpu.memref_squeeze %dma_wait3A_651 : memref<1x1x1x128xi32, #tpu.memory_space<hbm>> -> memref<128xi32, #tpu.memory_space<hbm>>
        tpu.wait_dma2 semaphore(%arg12 : memref<!tpu.dma_semaphore, #tpu.memory_space<semaphore_mem>>) src(%dma_wait3A_652 : memref<128xi32, #tpu.memory_space<hbm>>) dst(%dma_wait3A_649 : memref<128xi32, #tpu.memory_space<vmem>>)
        %dma_wait3A_653 = arith.constant 0 : i32
        %dma_wait3A_654 = arith.constant 0 : i32
        %dma_wait3A_655 = arith.constant 0 : i32
        %dma_wait3A_656 = arith.constant 768 : i32
        %dma_wait3A_657 = tpu.memref_slice %arg6[%and3A_534, %dma_wait3A_656] : memref<2x1024xi32, #tpu.memory_space<vmem>> -> memref<1x128xi32, #tpu.memory_space<vmem>>
        %dma_wait3A_658 = tpu.memref_squeeze %dma_wait3A_657 : memref<1x128xi32, #tpu.memory_space<vmem>> -> memref<128xi32, #tpu.memory_space<vmem>>
        %dma_wait3A_659 = arith.constant 0 : i32
        %dma_wait3A_660 = tpu.memref_slice %arg3[%dma_wait3A_653, %dma_wait3A_654, %dma_wait3A_655, %dma_wait3A_659] : memref<25x8x8x128xi32, #tpu.memory_space<hbm>> -> memref<1x1x1x128xi32, #tpu.memory_space<hbm>>
        %dma_wait3A_661 = tpu.memref_squeeze %dma_wait3A_660 : memref<1x1x1x128xi32, #tpu.memory_space<hbm>> -> memref<128xi32, #tpu.memory_space<hbm>>
        %dma_wait3A_662 = arith.constant 768 : i32
        %dma_wait3A_663 = tpu.memref_slice %arg6[%and3A_534, %dma_wait3A_662] : memref<2x1024xi32, #tpu.memory_space<vmem>> -> memref<1x128xi32, #tpu.memory_space<vmem>>
        %dma_wait3A_664 = tpu.memref_squeeze %dma_wait3A_663 : memref<1x128xi32, #tpu.memory_space<vmem>> -> memref<128xi32, #tpu.memory_space<vmem>>
        %dma_wait3A_665 = arith.constant 0 : i32
        %dma_wait3A_666 = tpu.memref_slice %arg3[%dma_wait3A_653, %dma_wait3A_654, %dma_wait3A_655, %dma_wait3A_665] : memref<25x8x8x128xi32, #tpu.memory_space<hbm>> -> memref<1x1x1x128xi32, #tpu.memory_space<hbm>>
        %dma_wait3A_667 = tpu.memref_squeeze %dma_wait3A_666 : memref<1x1x1x128xi32, #tpu.memory_space<hbm>> -> memref<128xi32, #tpu.memory_space<hbm>>
        tpu.wait_dma2 semaphore(%arg12 : memref<!tpu.dma_semaphore, #tpu.memory_space<semaphore_mem>>) src(%dma_wait3A_667 : memref<128xi32, #tpu.memory_space<hbm>>) dst(%dma_wait3A_664 : memref<128xi32, #tpu.memory_space<vmem>>)
        %dma_wait3A_668 = arith.constant 0 : i32
        %dma_wait3A_669 = arith.constant 0 : i32
        %dma_wait3A_670 = arith.constant 0 : i32
        %dma_wait3A_671 = arith.constant 896 : i32
        %dma_wait3A_672 = tpu.memref_slice %arg6[%and3A_534, %dma_wait3A_671] : memref<2x1024xi32, #tpu.memory_space<vmem>> -> memref<1x128xi32, #tpu.memory_space<vmem>>
        %dma_wait3A_673 = tpu.memref_squeeze %dma_wait3A_672 : memref<1x128xi32, #tpu.memory_space<vmem>> -> memref<128xi32, #tpu.memory_space<vmem>>
        %dma_wait3A_674 = arith.constant 0 : i32
        %dma_wait3A_675 = tpu.memref_slice %arg3[%dma_wait3A_668, %dma_wait3A_669, %dma_wait3A_670, %dma_wait3A_674] : memref<25x8x8x128xi32, #tpu.memory_space<hbm>> -> memref<1x1x1x128xi32, #tpu.memory_space<hbm>>
        %dma_wait3A_676 = tpu.memref_squeeze %dma_wait3A_675 : memref<1x1x1x128xi32, #tpu.memory_space<hbm>> -> memref<128xi32, #tpu.memory_space<hbm>>
        %dma_wait3A_677 = arith.constant 896 : i32
        %dma_wait3A_678 = tpu.memref_slice %arg6[%and3A_534, %dma_wait3A_677] : memref<2x1024xi32, #tpu.memory_space<vmem>> -> memref<1x128xi32, #tpu.memory_space<vmem>>
        %dma_wait3A_679 = tpu.memref_squeeze %dma_wait3A_678 : memref<1x128xi32, #tpu.memory_space<vmem>> -> memref<128xi32, #tpu.memory_space<vmem>>
        %dma_wait3A_680 = arith.constant 0 : i32
        %dma_wait3A_681 = tpu.memref_slice %arg3[%dma_wait3A_668, %dma_wait3A_669, %dma_wait3A_670, %dma_wait3A_680] : memref<25x8x8x128xi32, #tpu.memory_space<hbm>> -> memref<1x1x1x128xi32, #tpu.memory_space<hbm>>
        %dma_wait3A_682 = tpu.memref_squeeze %dma_wait3A_681 : memref<1x1x1x128xi32, #tpu.memory_space<hbm>> -> memref<128xi32, #tpu.memory_space<hbm>>
        tpu.wait_dma2 semaphore(%arg12 : memref<!tpu.dma_semaphore, #tpu.memory_space<semaphore_mem>>) src(%dma_wait3A_682 : memref<128xi32, #tpu.memory_space<hbm>>) dst(%dma_wait3A_679 : memref<128xi32, #tpu.memory_space<vmem>>)
      } else {
      }
      %eq3A_538 = arith.constant 3 : i32
      %eq3A_539 = arith.cmpi eq, %and3A_532, %eq3A_538 : i32
      %sub3A = arith.constant 1 : i32
      %sub3A_540 = arith.subi %add3A_353, %sub3A : i32
      %eq3A_541 = arith.cmpi eq, %while3A_528, %sub3A_540 : i32
      %or3A_542 = arith.ori %eq3A_539, %eq3A_541 : i1
      %add3A_543 = arith.constant 1 : i32
      %add3A_544 = arith.addi %while3A_528, %add3A_543 : i32
      %lt3A = arith.cmpi slt, %add3A_544, %add3A_353 : i32
      %and3A_545 = arith.andi %or3A_542, %lt3A : i1
      %convert_element_type3A_546 = arith.extui %and3A_545 : i1 to i32
      %cond3A_547 = arith.constant 0 : i32
      %cond3A_548 = arith.cmpi ne, %convert_element_type3A_546, %cond3A_547 : i32
      scf.if %cond3A_548 {
        %add3A_563 = arith.constant 1 : i32
        %add3A_564 = arith.addi %shift_right_arithmetic3A_530, %add3A_563 : i32
        %shift_right_arithmetic3A_565 = arith.constant 3 : i32
        %shift_right_arithmetic3A_566 = arith.shrsi %add3A_564, %shift_right_arithmetic3A_565 : i32
        %and3A_567 = arith.constant 7 : i32
        %and3A_568 = arith.andi %add3A_564, %and3A_567 : i32
        %sub3A_569 = arith.constant 1 : i32
        %sub3A_570 = arith.subi %sub3A_569, %and3A_534 : i32
        %dma_start3A_571 = arith.constant 0 : i32
        %dma_start3A_572 = arith.constant 0 : i32
        %dma_start3A_573 = tpu.memref_slice %arg6[%sub3A_570, %dma_start3A_572] : memref<2x1024xi32, #tpu.memory_space<vmem>> -> memref<1x128xi32, #tpu.memory_space<vmem>>
        %dma_start3A_574 = tpu.memref_squeeze %dma_start3A_573 : memref<1x128xi32, #tpu.memory_space<vmem>> -> memref<128xi32, #tpu.memory_space<vmem>>
        %dma_start3A_575 = arith.constant 0 : i32
        %dma_start3A_576 = tpu.memref_slice %arg3[%shift_right_arithmetic3A_566, %dma_start3A_571, %and3A_568, %dma_start3A_575] : memref<25x8x8x128xi32, #tpu.memory_space<hbm>> -> memref<1x1x1x128xi32, #tpu.memory_space<hbm>>
        %dma_start3A_577 = tpu.memref_squeeze %dma_start3A_576 : memref<1x1x1x128xi32, #tpu.memory_space<hbm>> -> memref<128xi32, #tpu.memory_space<hbm>>
        %dma_start3A_578 = arith.constant 0 : i32
        %dma_start3A_579 = tpu.memref_slice %arg6[%sub3A_570, %dma_start3A_578] : memref<2x1024xi32, #tpu.memory_space<vmem>> -> memref<1x128xi32, #tpu.memory_space<vmem>>
        %dma_start3A_580 = tpu.memref_squeeze %dma_start3A_579 : memref<1x128xi32, #tpu.memory_space<vmem>> -> memref<128xi32, #tpu.memory_space<vmem>>
        %dma_start3A_581 = arith.constant 0 : i32
        %dma_start3A_582 = tpu.memref_slice %arg3[%shift_right_arithmetic3A_566, %dma_start3A_571, %and3A_568, %dma_start3A_581] : memref<25x8x8x128xi32, #tpu.memory_space<hbm>> -> memref<1x1x1x128xi32, #tpu.memory_space<hbm>>
        %dma_start3A_583 = tpu.memref_squeeze %dma_start3A_582 : memref<1x1x1x128xi32, #tpu.memory_space<hbm>> -> memref<128xi32, #tpu.memory_space<hbm>>
        tpu.enqueue_dma source(%dma_start3A_583 : memref<128xi32, #tpu.memory_space<hbm>>) target(%dma_start3A_580 : memref<128xi32, #tpu.memory_space<vmem>>) target_semaphore(%arg12 : memref<!tpu.dma_semaphore, #tpu.memory_space<semaphore_mem>>)
        %shift_right_arithmetic3A_584 = arith.constant 3 : i32
        %shift_right_arithmetic3A_585 = arith.shrsi %add3A_564, %shift_right_arithmetic3A_584 : i32
        %and3A_586 = arith.constant 7 : i32
        %and3A_587 = arith.andi %add3A_564, %and3A_586 : i32
        %sub3A_588 = arith.constant 1 : i32
        %sub3A_589 = arith.subi %sub3A_588, %and3A_534 : i32
        %dma_start3A_590 = arith.constant 1 : i32
        %dma_start3A_591 = arith.constant 128 : i32
        %dma_start3A_592 = tpu.memref_slice %arg6[%sub3A_589, %dma_start3A_591] : memref<2x1024xi32, #tpu.memory_space<vmem>> -> memref<1x128xi32, #tpu.memory_space<vmem>>
        %dma_start3A_593 = tpu.memref_squeeze %dma_start3A_592 : memref<1x128xi32, #tpu.memory_space<vmem>> -> memref<128xi32, #tpu.memory_space<vmem>>
        %dma_start3A_594 = arith.constant 0 : i32
        %dma_start3A_595 = tpu.memref_slice %arg3[%shift_right_arithmetic3A_585, %dma_start3A_590, %and3A_587, %dma_start3A_594] : memref<25x8x8x128xi32, #tpu.memory_space<hbm>> -> memref<1x1x1x128xi32, #tpu.memory_space<hbm>>
        %dma_start3A_596 = tpu.memref_squeeze %dma_start3A_595 : memref<1x1x1x128xi32, #tpu.memory_space<hbm>> -> memref<128xi32, #tpu.memory_space<hbm>>
        %dma_start3A_597 = arith.constant 128 : i32
        %dma_start3A_598 = tpu.memref_slice %arg6[%sub3A_589, %dma_start3A_597] : memref<2x1024xi32, #tpu.memory_space<vmem>> -> memref<1x128xi32, #tpu.memory_space<vmem>>
        %dma_start3A_599 = tpu.memref_squeeze %dma_start3A_598 : memref<1x128xi32, #tpu.memory_space<vmem>> -> memref<128xi32, #tpu.memory_space<vmem>>
        %dma_start3A_600 = arith.constant 0 : i32
        %dma_start3A_601 = tpu.memref_slice %arg3[%shift_right_arithmetic3A_585, %dma_start3A_590, %and3A_587, %dma_start3A_600] : memref<25x8x8x128xi32, #tpu.memory_space<hbm>> -> memref<1x1x1x128xi32, #tpu.memory_space<hbm>>
        %dma_start3A_602 = tpu.memref_squeeze %dma_start3A_601 : memref<1x1x1x128xi32, #tpu.memory_space<hbm>> -> memref<128xi32, #tpu.memory_space<hbm>>
        tpu.enqueue_dma source(%dma_start3A_602 : memref<128xi32, #tpu.memory_space<hbm>>) target(%dma_start3A_599 : memref<128xi32, #tpu.memory_space<vmem>>) target_semaphore(%arg12 : memref<!tpu.dma_semaphore, #tpu.memory_space<semaphore_mem>>)
        %shift_right_arithmetic3A_603 = arith.constant 3 : i32
        %shift_right_arithmetic3A_604 = arith.shrsi %add3A_564, %shift_right_arithmetic3A_603 : i32
        %and3A_605 = arith.constant 7 : i32
        %and3A_606 = arith.andi %add3A_564, %and3A_605 : i32
        %sub3A_607 = arith.constant 1 : i32
        %sub3A_608 = arith.subi %sub3A_607, %and3A_534 : i32
        %dma_start3A_609 = arith.constant 2 : i32
        %dma_start3A_610 = arith.constant 256 : i32
        %dma_start3A_611 = tpu.memref_slice %arg6[%sub3A_608, %dma_start3A_610] : memref<2x1024xi32, #tpu.memory_space<vmem>> -> memref<1x128xi32, #tpu.memory_space<vmem>>
        %dma_start3A_612 = tpu.memref_squeeze %dma_start3A_611 : memref<1x128xi32, #tpu.memory_space<vmem>> -> memref<128xi32, #tpu.memory_space<vmem>>
        %dma_start3A_613 = arith.constant 0 : i32
        %dma_start3A_614 = tpu.memref_slice %arg3[%shift_right_arithmetic3A_604, %dma_start3A_609, %and3A_606, %dma_start3A_613] : memref<25x8x8x128xi32, #tpu.memory_space<hbm>> -> memref<1x1x1x128xi32, #tpu.memory_space<hbm>>
        %dma_start3A_615 = tpu.memref_squeeze %dma_start3A_614 : memref<1x1x1x128xi32, #tpu.memory_space<hbm>> -> memref<128xi32, #tpu.memory_space<hbm>>
        %dma_start3A_616 = arith.constant 256 : i32
        %dma_start3A_617 = tpu.memref_slice %arg6[%sub3A_608, %dma_start3A_616] : memref<2x1024xi32, #tpu.memory_space<vmem>> -> memref<1x128xi32, #tpu.memory_space<vmem>>
        %dma_start3A_618 = tpu.memref_squeeze %dma_start3A_617 : memref<1x128xi32, #tpu.memory_space<vmem>> -> memref<128xi32, #tpu.memory_space<vmem>>
        %dma_start3A_619 = arith.constant 0 : i32
        %dma_start3A_620 = tpu.memref_slice %arg3[%shift_right_arithmetic3A_604, %dma_start3A_609, %and3A_606, %dma_start3A_619] : memref<25x8x8x128xi32, #tpu.memory_space<hbm>> -> memref<1x1x1x128xi32, #tpu.memory_space<hbm>>
        %dma_start3A_621 = tpu.memref_squeeze %dma_start3A_620 : memref<1x1x1x128xi32, #tpu.memory_space<hbm>> -> memref<128xi32, #tpu.memory_space<hbm>>
        tpu.enqueue_dma source(%dma_start3A_621 : memref<128xi32, #tpu.memory_space<hbm>>) target(%dma_start3A_618 : memref<128xi32, #tpu.memory_space<vmem>>) target_semaphore(%arg12 : memref<!tpu.dma_semaphore, #tpu.memory_space<semaphore_mem>>)
        %shift_right_arithmetic3A_622 = arith.constant 3 : i32
        %shift_right_arithmetic3A_623 = arith.shrsi %add3A_564, %shift_right_arithmetic3A_622 : i32
        %and3A_624 = arith.constant 7 : i32
        %and3A_625 = arith.andi %add3A_564, %and3A_624 : i32
        %sub3A_626 = arith.constant 1 : i32
        %sub3A_627 = arith.subi %sub3A_626, %and3A_534 : i32
        %dma_start3A_628 = arith.constant 3 : i32
        %dma_start3A_629 = arith.constant 384 : i32
        %dma_start3A_630 = tpu.memref_slice %arg6[%sub3A_627, %dma_start3A_629] : memref<2x1024xi32, #tpu.memory_space<vmem>> -> memref<1x128xi32, #tpu.memory_space<vmem>>
        %dma_start3A_631 = tpu.memref_squeeze %dma_start3A_630 : memref<1x128xi32, #tpu.memory_space<vmem>> -> memref<128xi32, #tpu.memory_space<vmem>>
        %dma_start3A_632 = arith.constant 0 : i32
        %dma_start3A_633 = tpu.memref_slice %arg3[%shift_right_arithmetic3A_623, %dma_start3A_628, %and3A_625, %dma_start3A_632] : memref<25x8x8x128xi32, #tpu.memory_space<hbm>> -> memref<1x1x1x128xi32, #tpu.memory_space<hbm>>
        %dma_start3A_634 = tpu.memref_squeeze %dma_start3A_633 : memref<1x1x1x128xi32, #tpu.memory_space<hbm>> -> memref<128xi32, #tpu.memory_space<hbm>>
        %dma_start3A_635 = arith.constant 384 : i32
        %dma_start3A_636 = tpu.memref_slice %arg6[%sub3A_627, %dma_start3A_635] : memref<2x1024xi32, #tpu.memory_space<vmem>> -> memref<1x128xi32, #tpu.memory_space<vmem>>
        %dma_start3A_637 = tpu.memref_squeeze %dma_start3A_636 : memref<1x128xi32, #tpu.memory_space<vmem>> -> memref<128xi32, #tpu.memory_space<vmem>>
        %dma_start3A_638 = arith.constant 0 : i32
        %dma_start3A_639 = tpu.memref_slice %arg3[%shift_right_arithmetic3A_623, %dma_start3A_628, %and3A_625, %dma_start3A_638] : memref<25x8x8x128xi32, #tpu.memory_space<hbm>> -> memref<1x1x1x128xi32, #tpu.memory_space<hbm>>
        %dma_start3A_640 = tpu.memref_squeeze %dma_start3A_639 : memref<1x1x1x128xi32, #tpu.memory_space<hbm>> -> memref<128xi32, #tpu.memory_space<hbm>>
        tpu.enqueue_dma source(%dma_start3A_640 : memref<128xi32, #tpu.memory_space<hbm>>) target(%dma_start3A_637 : memref<128xi32, #tpu.memory_space<vmem>>) target_semaphore(%arg12 : memref<!tpu.dma_semaphore, #tpu.memory_space<semaphore_mem>>)
        %shift_right_arithmetic3A_641 = arith.constant 3 : i32
        %shift_right_arithmetic3A_642 = arith.shrsi %add3A_564, %shift_right_arithmetic3A_641 : i32
        %and3A_643 = arith.constant 7 : i32
        %and3A_644 = arith.andi %add3A_564, %and3A_643 : i32
        %sub3A_645 = arith.constant 1 : i32
        %sub3A_646 = arith.subi %sub3A_645, %and3A_534 : i32
        %dma_start3A_647 = arith.constant 4 : i32
        %dma_start3A_648 = arith.constant 512 : i32
        %dma_start3A_649 = tpu.memref_slice %arg6[%sub3A_646, %dma_start3A_648] : memref<2x1024xi32, #tpu.memory_space<vmem>> -> memref<1x128xi32, #tpu.memory_space<vmem>>
        %dma_start3A_650 = tpu.memref_squeeze %dma_start3A_649 : memref<1x128xi32, #tpu.memory_space<vmem>> -> memref<128xi32, #tpu.memory_space<vmem>>
        %dma_start3A_651 = arith.constant 0 : i32
        %dma_start3A_652 = tpu.memref_slice %arg3[%shift_right_arithmetic3A_642, %dma_start3A_647, %and3A_644, %dma_start3A_651] : memref<25x8x8x128xi32, #tpu.memory_space<hbm>> -> memref<1x1x1x128xi32, #tpu.memory_space<hbm>>
        %dma_start3A_653 = tpu.memref_squeeze %dma_start3A_652 : memref<1x1x1x128xi32, #tpu.memory_space<hbm>> -> memref<128xi32, #tpu.memory_space<hbm>>
        %dma_start3A_654 = arith.constant 512 : i32
        %dma_start3A_655 = tpu.memref_slice %arg6[%sub3A_646, %dma_start3A_654] : memref<2x1024xi32, #tpu.memory_space<vmem>> -> memref<1x128xi32, #tpu.memory_space<vmem>>
        %dma_start3A_656 = tpu.memref_squeeze %dma_start3A_655 : memref<1x128xi32, #tpu.memory_space<vmem>> -> memref<128xi32, #tpu.memory_space<vmem>>
        %dma_start3A_657 = arith.constant 0 : i32
        %dma_start3A_658 = tpu.memref_slice %arg3[%shift_right_arithmetic3A_642, %dma_start3A_647, %and3A_644, %dma_start3A_657] : memref<25x8x8x128xi32, #tpu.memory_space<hbm>> -> memref<1x1x1x128xi32, #tpu.memory_space<hbm>>
        %dma_start3A_659 = tpu.memref_squeeze %dma_start3A_658 : memref<1x1x1x128xi32, #tpu.memory_space<hbm>> -> memref<128xi32, #tpu.memory_space<hbm>>
        tpu.enqueue_dma source(%dma_start3A_659 : memref<128xi32, #tpu.memory_space<hbm>>) target(%dma_start3A_656 : memref<128xi32, #tpu.memory_space<vmem>>) target_semaphore(%arg12 : memref<!tpu.dma_semaphore, #tpu.memory_space<semaphore_mem>>)
        %shift_right_arithmetic3A_660 = arith.constant 3 : i32
        %shift_right_arithmetic3A_661 = arith.shrsi %add3A_564, %shift_right_arithmetic3A_660 : i32
        %and3A_662 = arith.constant 7 : i32
        %and3A_663 = arith.andi %add3A_564, %and3A_662 : i32
        %sub3A_664 = arith.constant 1 : i32
        %sub3A_665 = arith.subi %sub3A_664, %and3A_534 : i32
        %dma_start3A_666 = arith.constant 5 : i32
        %dma_start3A_667 = arith.constant 640 : i32
        %dma_start3A_668 = tpu.memref_slice %arg6[%sub3A_665, %dma_start3A_667] : memref<2x1024xi32, #tpu.memory_space<vmem>> -> memref<1x128xi32, #tpu.memory_space<vmem>>
        %dma_start3A_669 = tpu.memref_squeeze %dma_start3A_668 : memref<1x128xi32, #tpu.memory_space<vmem>> -> memref<128xi32, #tpu.memory_space<vmem>>
        %dma_start3A_670 = arith.constant 0 : i32
        %dma_start3A_671 = tpu.memref_slice %arg3[%shift_right_arithmetic3A_661, %dma_start3A_666, %and3A_663, %dma_start3A_670] : memref<25x8x8x128xi32, #tpu.memory_space<hbm>> -> memref<1x1x1x128xi32, #tpu.memory_space<hbm>>
        %dma_start3A_672 = tpu.memref_squeeze %dma_start3A_671 : memref<1x1x1x128xi32, #tpu.memory_space<hbm>> -> memref<128xi32, #tpu.memory_space<hbm>>
        %dma_start3A_673 = arith.constant 640 : i32
        %dma_start3A_674 = tpu.memref_slice %arg6[%sub3A_665, %dma_start3A_673] : memref<2x1024xi32, #tpu.memory_space<vmem>> -> memref<1x128xi32, #tpu.memory_space<vmem>>
        %dma_start3A_675 = tpu.memref_squeeze %dma_start3A_674 : memref<1x128xi32, #tpu.memory_space<vmem>> -> memref<128xi32, #tpu.memory_space<vmem>>
        %dma_start3A_676 = arith.constant 0 : i32
        %dma_start3A_677 = tpu.memref_slice %arg3[%shift_right_arithmetic3A_661, %dma_start3A_666, %and3A_663, %dma_start3A_676] : memref<25x8x8x128xi32, #tpu.memory_space<hbm>> -> memref<1x1x1x128xi32, #tpu.memory_space<hbm>>
        %dma_start3A_678 = tpu.memref_squeeze %dma_start3A_677 : memref<1x1x1x128xi32, #tpu.memory_space<hbm>> -> memref<128xi32, #tpu.memory_space<hbm>>
        tpu.enqueue_dma source(%dma_start3A_678 : memref<128xi32, #tpu.memory_space<hbm>>) target(%dma_start3A_675 : memref<128xi32, #tpu.memory_space<vmem>>) target_semaphore(%arg12 : memref<!tpu.dma_semaphore, #tpu.memory_space<semaphore_mem>>)
        %shift_right_arithmetic3A_679 = arith.constant 3 : i32
        %shift_right_arithmetic3A_680 = arith.shrsi %add3A_564, %shift_right_arithmetic3A_679 : i32
        %and3A_681 = arith.constant 7 : i32
        %and3A_682 = arith.andi %add3A_564, %and3A_681 : i32
        %sub3A_683 = arith.constant 1 : i32
        %sub3A_684 = arith.subi %sub3A_683, %and3A_534 : i32
        %dma_start3A_685 = arith.constant 6 : i32
        %dma_start3A_686 = arith.constant 768 : i32
        %dma_start3A_687 = tpu.memref_slice %arg6[%sub3A_684, %dma_start3A_686] : memref<2x1024xi32, #tpu.memory_space<vmem>> -> memref<1x128xi32, #tpu.memory_space<vmem>>
        %dma_start3A_688 = tpu.memref_squeeze %dma_start3A_687 : memref<1x128xi32, #tpu.memory_space<vmem>> -> memref<128xi32, #tpu.memory_space<vmem>>
        %dma_start3A_689 = arith.constant 0 : i32
        %dma_start3A_690 = tpu.memref_slice %arg3[%shift_right_arithmetic3A_680, %dma_start3A_685, %and3A_682, %dma_start3A_689] : memref<25x8x8x128xi32, #tpu.memory_space<hbm>> -> memref<1x1x1x128xi32, #tpu.memory_space<hbm>>
        %dma_start3A_691 = tpu.memref_squeeze %dma_start3A_690 : memref<1x1x1x128xi32, #tpu.memory_space<hbm>> -> memref<128xi32, #tpu.memory_space<hbm>>
        %dma_start3A_692 = arith.constant 768 : i32
        %dma_start3A_693 = tpu.memref_slice %arg6[%sub3A_684, %dma_start3A_692] : memref<2x1024xi32, #tpu.memory_space<vmem>> -> memref<1x128xi32, #tpu.memory_space<vmem>>
        %dma_start3A_694 = tpu.memref_squeeze %dma_start3A_693 : memref<1x128xi32, #tpu.memory_space<vmem>> -> memref<128xi32, #tpu.memory_space<vmem>>
        %dma_start3A_695 = arith.constant 0 : i32
        %dma_start3A_696 = tpu.memref_slice %arg3[%shift_right_arithmetic3A_680, %dma_start3A_685, %and3A_682, %dma_start3A_695] : memref<25x8x8x128xi32, #tpu.memory_space<hbm>> -> memref<1x1x1x128xi32, #tpu.memory_space<hbm>>
        %dma_start3A_697 = tpu.memref_squeeze %dma_start3A_696 : memref<1x1x1x128xi32, #tpu.memory_space<hbm>> -> memref<128xi32, #tpu.memory_space<hbm>>
        tpu.enqueue_dma source(%dma_start3A_697 : memref<128xi32, #tpu.memory_space<hbm>>) target(%dma_start3A_694 : memref<128xi32, #tpu.memory_space<vmem>>) target_semaphore(%arg12 : memref<!tpu.dma_semaphore, #tpu.memory_space<semaphore_mem>>)
        %shift_right_arithmetic3A_698 = arith.constant 3 : i32
        %shift_right_arithmetic3A_699 = arith.shrsi %add3A_564, %shift_right_arithmetic3A_698 : i32
        %and3A_700 = arith.constant 7 : i32
        %and3A_701 = arith.andi %add3A_564, %and3A_700 : i32
        %sub3A_702 = arith.constant 1 : i32
        %sub3A_703 = arith.subi %sub3A_702, %and3A_534 : i32
        %dma_start3A_704 = arith.constant 7 : i32
        %dma_start3A_705 = arith.constant 896 : i32
        %dma_start3A_706 = tpu.memref_slice %arg6[%sub3A_703, %dma_start3A_705] : memref<2x1024xi32, #tpu.memory_space<vmem>> -> memref<1x128xi32, #tpu.memory_space<vmem>>
        %dma_start3A_707 = tpu.memref_squeeze %dma_start3A_706 : memref<1x128xi32, #tpu.memory_space<vmem>> -> memref<128xi32, #tpu.memory_space<vmem>>
        %dma_start3A_708 = arith.constant 0 : i32
        %dma_start3A_709 = tpu.memref_slice %arg3[%shift_right_arithmetic3A_699, %dma_start3A_704, %and3A_701, %dma_start3A_708] : memref<25x8x8x128xi32, #tpu.memory_space<hbm>> -> memref<1x1x1x128xi32, #tpu.memory_space<hbm>>
        %dma_start3A_710 = tpu.memref_squeeze %dma_start3A_709 : memref<1x1x1x128xi32, #tpu.memory_space<hbm>> -> memref<128xi32, #tpu.memory_space<hbm>>
        %dma_start3A_711 = arith.constant 896 : i32
        %dma_start3A_712 = tpu.memref_slice %arg6[%sub3A_703, %dma_start3A_711] : memref<2x1024xi32, #tpu.memory_space<vmem>> -> memref<1x128xi32, #tpu.memory_space<vmem>>
        %dma_start3A_713 = tpu.memref_squeeze %dma_start3A_712 : memref<1x128xi32, #tpu.memory_space<vmem>> -> memref<128xi32, #tpu.memory_space<vmem>>
        %dma_start3A_714 = arith.constant 0 : i32
        %dma_start3A_715 = tpu.memref_slice %arg3[%shift_right_arithmetic3A_699, %dma_start3A_704, %and3A_701, %dma_start3A_714] : memref<25x8x8x128xi32, #tpu.memory_space<hbm>> -> memref<1x1x1x128xi32, #tpu.memory_space<hbm>>
        %dma_start3A_716 = tpu.memref_squeeze %dma_start3A_715 : memref<1x1x1x128xi32, #tpu.memory_space<hbm>> -> memref<128xi32, #tpu.memory_space<hbm>>
        tpu.enqueue_dma source(%dma_start3A_716 : memref<128xi32, #tpu.memory_space<hbm>>) target(%dma_start3A_713 : memref<128xi32, #tpu.memory_space<vmem>>) target_semaphore(%arg12 : memref<!tpu.dma_semaphore, #tpu.memory_space<semaphore_mem>>)
      } else {
      }
      %and3A_549 = arith.constant 1 : i32
      %and3A_550 = arith.andi %while3A_528, %and3A_549 : i32
      %eq3A_551 = arith.constant 0 : i32
      %eq3A_552 = arith.cmpi eq, %and3A_550, %eq3A_551 : i32
      %convert_element_type3A_553 = arith.extui %eq3A_552 : i1 to i32
      %cond3A_554 = arith.constant 0 : i32
      %cond3A_555 = arith.cmpi ne, %convert_element_type3A_553, %cond3A_554 : i32
      scf.if %cond3A_555 {
        %add3A_563 = arith.constant 2 : i32
        %add3A_564 = arith.addi %mul3A_351, %add3A_563 : i32
        %ge3A = arith.cmpi sge, %while3A_528, %add3A_564 : i32
        %convert_element_type3A_565 = arith.extui %ge3A : i1 to i32
        %cond3A_566 = arith.constant 0 : i32
        %cond3A_567 = arith.cmpi ne, %convert_element_type3A_565, %cond3A_566 : i32
        scf.if %cond3A_567 {
          %dma_wait3A_576 = arith.constant 0 : i32
          %dma_wait3A_577 = arith.constant 0 : i32
          %dma_wait3A_578 = tpu.memref_slice %arg4[%dma_wait3A_576, %dma_wait3A_577] : memref<800x16384xf32, #tpu.memory_space<hbm>> -> memref<1x16384xf32, #tpu.memory_space<hbm>>
          %dma_wait3A_579 = tpu.memref_squeeze %dma_wait3A_578 : memref<1x16384xf32, #tpu.memory_space<hbm>> -> memref<16384xf32, #tpu.memory_space<hbm>>
          %dma_wait3A_580 = arith.constant 0 : i32
          %dma_wait3A_581 = tpu.memref_slice %arg4[%dma_wait3A_576, %dma_wait3A_580] : memref<800x16384xf32, #tpu.memory_space<hbm>> -> memref<1x16384xf32, #tpu.memory_space<hbm>>
          %dma_wait3A_582 = tpu.memref_squeeze %dma_wait3A_581 : memref<1x16384xf32, #tpu.memory_space<hbm>> -> memref<16384xf32, #tpu.memory_space<hbm>>
          tpu.wait_dma2 semaphore(%arg10 : memref<!tpu.dma_semaphore, #tpu.memory_space<semaphore_mem>>) src(%dma_wait3A_582 : memref<16384xf32, #tpu.memory_space<hbm>>) dst(%arg8 : memref<16384xf32, #tpu.memory_space<vmem>>)
        } else {
        }
        %parallel_loop3A = arith.constant 0 : i32
        %parallel_loop3A_568 = arith.constant 64 : i32
        %parallel_loop3A_569 = arith.constant 1 : i32
        scf.for %parallel_loop3A_576 = %parallel_loop3A to %parallel_loop3A_568 step %parallel_loop3A_569  : i32 {
          %parallel_loop3A_577 = arith.constant 16 : i32
          %parallel_loop3A_578 = arith.muli %parallel_loop3A_576, %parallel_loop3A_577 : i32
          %parallel_loop3A_579 = arith.index_cast %and3A_534 : i32 to index
          %parallel_loop3A_580 = arith.index_cast %parallel_loop3A_578 : i32 to index
          %parallel_loop3A_581 = tpu.vector_load %arg6[%parallel_loop3A_579, %parallel_loop3A_580] {strides = array<i32>} : memref<2x1024xi32, #tpu.memory_space<vmem>>, vector<16xi32>,
          %parallel_loop3A_582 = arith.constant 64 : i32
          %parallel_loop3A_583 = vector.broadcast %parallel_loop3A_582 : i32 to vector<16xi32>
          %parallel_loop3A_584 = arith.muli %parallel_loop3A_581, %parallel_loop3A_583 : vector<16xi32>
          %parallel_loop3A_585 = arith.constant 3 : i32
          %parallel_loop3A_586 = arith.shrsi %parallel_loop3A_576, %parallel_loop3A_585 : i32
          %parallel_loop3A_587 = arith.constant 1024 : i32
          %parallel_loop3A_588 = arith.muli %parallel_loop3A_586, %parallel_loop3A_587 : i32
          %parallel_loop3A_589 = arith.constant 7 : i32
          %parallel_loop3A_590 = arith.andi %parallel_loop3A_576, %parallel_loop3A_589 : i32
          %parallel_loop3A_591 = arith.constant 16 : i32
          %parallel_loop3A_592 = arith.muli %parallel_loop3A_590, %parallel_loop3A_591 : i32
          %parallel_loop3A_593 = arith.addi %parallel_loop3A_588, %parallel_loop3A_592 : i32
          %parallel_loop3A_594 = arith.constant 16 : i32
          %parallel_loop3A_595 = arith.muli %and3A_532, %parallel_loop3A_594 : i32
          %parallel_loop3A_596 = arith.addi %parallel_loop3A_584, %iota3A : vector<16xi32>
          %parallel_loop3A_597 = tpu.memref_slice %arg5[%parallel_loop3A_595] : memref<1216xf32, #tpu.memory_space<vmem>> -> memref<1168xf32, #tpu.memory_space<vmem>>
          %parallel_loop3A_598 = tpu.vector_load_idx %parallel_loop3A_597[%parallel_loop3A_596] : memref<1168xf32, #tpu.memory_space<vmem>>[vector<16xi32>], vector<16xf32>,
          %parallel_loop3A_599 = arith.constant 0 : index
          %parallel_loop3A_600 = tpu.vector_load %arg7[%parallel_loop3A_599] {strides = array<i32>} : memref<256xi32, #tpu.memory_space<vmem>>, vector<16xi32>,
          %parallel_loop3A_601 = tpu.memref_slice %arg8[%parallel_loop3A_593] : memref<16384xf32, #tpu.memory_space<vmem>> -> memref<9104xf32, #tpu.memory_space<vmem>>
          tpu.vector_store_idx %parallel_loop3A_601[%parallel_loop3A_600], %parallel_loop3A_598 : memref<9104xf32, #tpu.memory_space<vmem>>[vector<16xi32>], vector<16xf32>,
          %parallel_loop3A_602 = arith.constant 1 : i32
          %parallel_loop3A_603 = vector.broadcast %parallel_loop3A_602 : i32 to vector<16xi32>
          %parallel_loop3A_604 = arith.addi %iota3A, %parallel_loop3A_603 : vector<16xi32>
          %parallel_loop3A_605 = arith.constant 15 : i32
          %parallel_loop3A_606 = vector.broadcast %parallel_loop3A_605 : i32 to vector<16xi32>
          %parallel_loop3A_607 = arith.andi %parallel_loop3A_604, %parallel_loop3A_606 : vector<16xi32>
          %parallel_loop3A_608 = arith.addi %parallel_loop3A_584, %parallel_loop3A_607 : vector<16xi32>
          %parallel_loop3A_609 = tpu.memref_slice %arg5[%parallel_loop3A_595] : memref<1216xf32, #tpu.memory_space<vmem>> -> memref<1168xf32, #tpu.memory_space<vmem>>
          %parallel_loop3A_610 = tpu.vector_load_idx %parallel_loop3A_609[%parallel_loop3A_608] : memref<1168xf32, #tpu.memory_space<vmem>>[vector<16xi32>], vector<16xf32>,
          %parallel_loop3A_611 = arith.constant 16 : index
          %parallel_loop3A_612 = tpu.vector_load %arg7[%parallel_loop3A_611] {strides = array<i32>} : memref<256xi32, #tpu.memory_space<vmem>>, vector<16xi32>,
          %parallel_loop3A_613 = tpu.memref_slice %arg8[%parallel_loop3A_593] : memref<16384xf32, #tpu.memory_space<vmem>> -> memref<9104xf32, #tpu.memory_space<vmem>>
          tpu.vector_store_idx %parallel_loop3A_613[%parallel_loop3A_612], %parallel_loop3A_610 : memref<9104xf32, #tpu.memory_space<vmem>>[vector<16xi32>], vector<16xf32>,
          %parallel_loop3A_614 = arith.constant 1 : i32
          %parallel_loop3A_615 = vector.broadcast %parallel_loop3A_614 : i32 to vector<16xi32>
          %parallel_loop3A_616 = arith.addi %parallel_loop3A_607, %parallel_loop3A_615 : vector<16xi32>
          %parallel_loop3A_617 = arith.constant 15 : i32
          %parallel_loop3A_618 = vector.broadcast %parallel_loop3A_617 : i32 to vector<16xi32>
          %parallel_loop3A_619 = arith.andi %parallel_loop3A_616, %parallel_loop3A_618 : vector<16xi32>
          %parallel_loop3A_620 = arith.addi %parallel_loop3A_584, %parallel_loop3A_619 : vector<16xi32>
          %parallel_loop3A_621 = tpu.memref_slice %arg5[%parallel_loop3A_595] : memref<1216xf32, #tpu.memory_space<vmem>> -> memref<1168xf32, #tpu.memory_space<vmem>>
          %parallel_loop3A_622 = tpu.vector_load_idx %parallel_loop3A_621[%parallel_loop3A_620] : memref<1168xf32, #tpu.memory_space<vmem>>[vector<16xi32>], vector<16xf32>,
          %parallel_loop3A_623 = arith.constant 32 : index
          %parallel_loop3A_624 = tpu.vector_load %arg7[%parallel_loop3A_623] {strides = array<i32>} : memref<256xi32, #tpu.memory_space<vmem>>, vector<16xi32>,
          %parallel_loop3A_625 = tpu.memref_slice %arg8[%parallel_loop3A_593] : memref<16384xf32, #tpu.memory_space<vmem>> -> memref<9104xf32, #tpu.memory_space<vmem>>
          tpu.vector_store_idx %parallel_loop3A_625[%parallel_loop3A_624], %parallel_loop3A_622 : memref<9104xf32, #tpu.memory_space<vmem>>[vector<16xi32>], vector<16xf32>,
          %parallel_loop3A_626 = arith.constant 1 : i32
          %parallel_loop3A_627 = vector.broadcast %parallel_loop3A_626 : i32 to vector<16xi32>
          %parallel_loop3A_628 = arith.addi %parallel_loop3A_619, %parallel_loop3A_627 : vector<16xi32>
          %parallel_loop3A_629 = arith.constant 15 : i32
          %parallel_loop3A_630 = vector.broadcast %parallel_loop3A_629 : i32 to vector<16xi32>
          %parallel_loop3A_631 = arith.andi %parallel_loop3A_628, %parallel_loop3A_630 : vector<16xi32>
          %parallel_loop3A_632 = arith.addi %parallel_loop3A_584, %parallel_loop3A_631 : vector<16xi32>
          %parallel_loop3A_633 = tpu.memref_slice %arg5[%parallel_loop3A_595] : memref<1216xf32, #tpu.memory_space<vmem>> -> memref<1168xf32, #tpu.memory_space<vmem>>
          %parallel_loop3A_634 = tpu.vector_load_idx %parallel_loop3A_633[%parallel_loop3A_632] : memref<1168xf32, #tpu.memory_space<vmem>>[vector<16xi32>], vector<16xf32>,
          %parallel_loop3A_635 = arith.constant 48 : index
          %parallel_loop3A_636 = tpu.vector_load %arg7[%parallel_loop3A_635] {strides = array<i32>} : memref<256xi32, #tpu.memory_space<vmem>>, vector<16xi32>,
          %parallel_loop3A_637 = tpu.memref_slice %arg8[%parallel_loop3A_593] : memref<16384xf32, #tpu.memory_space<vmem>> -> memref<9104xf32, #tpu.memory_space<vmem>>
          tpu.vector_store_idx %parallel_loop3A_637[%parallel_loop3A_636], %parallel_loop3A_634 : memref<9104xf32, #tpu.memory_space<vmem>>[vector<16xi32>], vector<16xf32>,
          %parallel_loop3A_638 = arith.constant 1 : i32
          %parallel_loop3A_639 = vector.broadcast %parallel_loop3A_638 : i32 to vector<16xi32>
          %parallel_loop3A_640 = arith.addi %parallel_loop3A_631, %parallel_loop3A_639 : vector<16xi32>
          %parallel_loop3A_641 = arith.constant 15 : i32
          %parallel_loop3A_642 = vector.broadcast %parallel_loop3A_641 : i32 to vector<16xi32>
          %parallel_loop3A_643 = arith.andi %parallel_loop3A_640, %parallel_loop3A_642 : vector<16xi32>
          %parallel_loop3A_644 = arith.addi %parallel_loop3A_584, %parallel_loop3A_643 : vector<16xi32>
          %parallel_loop3A_645 = tpu.memref_slice %arg5[%parallel_loop3A_595] : memref<1216xf32, #tpu.memory_space<vmem>> -> memref<1168xf32, #tpu.memory_space<vmem>>
          %parallel_loop3A_646 = tpu.vector_load_idx %parallel_loop3A_645[%parallel_loop3A_644] : memref<1168xf32, #tpu.memory_space<vmem>>[vector<16xi32>], vector<16xf32>,
          %parallel_loop3A_647 = arith.constant 64 : index
          %parallel_loop3A_648 = tpu.vector_load %arg7[%parallel_loop3A_647] {strides = array<i32>} : memref<256xi32, #tpu.memory_space<vmem>>, vector<16xi32>,
          %parallel_loop3A_649 = tpu.memref_slice %arg8[%parallel_loop3A_593] : memref<16384xf32, #tpu.memory_space<vmem>> -> memref<9104xf32, #tpu.memory_space<vmem>>
          tpu.vector_store_idx %parallel_loop3A_649[%parallel_loop3A_648], %parallel_loop3A_646 : memref<9104xf32, #tpu.memory_space<vmem>>[vector<16xi32>], vector<16xf32>,
          %parallel_loop3A_650 = arith.constant 1 : i32
          %parallel_loop3A_651 = vector.broadcast %parallel_loop3A_650 : i32 to vector<16xi32>
          %parallel_loop3A_652 = arith.addi %parallel_loop3A_643, %parallel_loop3A_651 : vector<16xi32>
          %parallel_loop3A_653 = arith.constant 15 : i32
          %parallel_loop3A_654 = vector.broadcast %parallel_loop3A_653 : i32 to vector<16xi32>
          %parallel_loop3A_655 = arith.andi %parallel_loop3A_652, %parallel_loop3A_654 : vector<16xi32>
          %parallel_loop3A_656 = arith.addi %parallel_loop3A_584, %parallel_loop3A_655 : vector<16xi32>
          %parallel_loop3A_657 = tpu.memref_slice %arg5[%parallel_loop3A_595] : memref<1216xf32, #tpu.memory_space<vmem>> -> memref<1168xf32, #tpu.memory_space<vmem>>
          %parallel_loop3A_658 = tpu.vector_load_idx %parallel_loop3A_657[%parallel_loop3A_656] : memref<1168xf32, #tpu.memory_space<vmem>>[vector<16xi32>], vector<16xf32>,
          %parallel_loop3A_659 = arith.constant 80 : index
          %parallel_loop3A_660 = tpu.vector_load %arg7[%parallel_loop3A_659] {strides = array<i32>} : memref<256xi32, #tpu.memory_space<vmem>>, vector<16xi32>,
          %parallel_loop3A_661 = tpu.memref_slice %arg8[%parallel_loop3A_593] : memref<16384xf32, #tpu.memory_space<vmem>> -> memref<9104xf32, #tpu.memory_space<vmem>>
          tpu.vector_store_idx %parallel_loop3A_661[%parallel_loop3A_660], %parallel_loop3A_658 : memref<9104xf32, #tpu.memory_space<vmem>>[vector<16xi32>], vector<16xf32>,
          %parallel_loop3A_662 = arith.constant 1 : i32
          %parallel_loop3A_663 = vector.broadcast %parallel_loop3A_662 : i32 to vector<16xi32>
          %parallel_loop3A_664 = arith.addi %parallel_loop3A_655, %parallel_loop3A_663 : vector<16xi32>
          %parallel_loop3A_665 = arith.constant 15 : i32
          %parallel_loop3A_666 = vector.broadcast %parallel_loop3A_665 : i32 to vector<16xi32>
          %parallel_loop3A_667 = arith.andi %parallel_loop3A_664, %parallel_loop3A_666 : vector<16xi32>
          %parallel_loop3A_668 = arith.addi %parallel_loop3A_584, %parallel_loop3A_667 : vector<16xi32>
          %parallel_loop3A_669 = tpu.memref_slice %arg5[%parallel_loop3A_595] : memref<1216xf32, #tpu.memory_space<vmem>> -> memref<1168xf32, #tpu.memory_space<vmem>>
          %parallel_loop3A_670 = tpu.vector_load_idx %parallel_loop3A_669[%parallel_loop3A_668] : memref<1168xf32, #tpu.memory_space<vmem>>[vector<16xi32>], vector<16xf32>,
          %parallel_loop3A_671 = arith.constant 96 : index
          %parallel_loop3A_672 = tpu.vector_load %arg7[%parallel_loop3A_671] {strides = array<i32>} : memref<256xi32, #tpu.memory_space<vmem>>, vector<16xi32>,
          %parallel_loop3A_673 = tpu.memref_slice %arg8[%parallel_loop3A_593] : memref<16384xf32, #tpu.memory_space<vmem>> -> memref<9104xf32, #tpu.memory_space<vmem>>
          tpu.vector_store_idx %parallel_loop3A_673[%parallel_loop3A_672], %parallel_loop3A_670 : memref<9104xf32, #tpu.memory_space<vmem>>[vector<16xi32>], vector<16xf32>,
          %parallel_loop3A_674 = arith.constant 1 : i32
          %parallel_loop3A_675 = vector.broadcast %parallel_loop3A_674 : i32 to vector<16xi32>
          %parallel_loop3A_676 = arith.addi %parallel_loop3A_667, %parallel_loop3A_675 : vector<16xi32>
          %parallel_loop3A_677 = arith.constant 15 : i32
          %parallel_loop3A_678 = vector.broadcast %parallel_loop3A_677 : i32 to vector<16xi32>
          %parallel_loop3A_679 = arith.andi %parallel_loop3A_676, %parallel_loop3A_678 : vector<16xi32>
          %parallel_loop3A_680 = arith.addi %parallel_loop3A_584, %parallel_loop3A_679 : vector<16xi32>
          %parallel_loop3A_681 = tpu.memref_slice %arg5[%parallel_loop3A_595] : memref<1216xf32, #tpu.memory_space<vmem>> -> memref<1168xf32, #tpu.memory_space<vmem>>
          %parallel_loop3A_682 = tpu.vector_load_idx %parallel_loop3A_681[%parallel_loop3A_680] : memref<1168xf32, #tpu.memory_space<vmem>>[vector<16xi32>], vector<16xf32>,
          %parallel_loop3A_683 = arith.constant 112 : index
          %parallel_loop3A_684 = tpu.vector_load %arg7[%parallel_loop3A_683] {strides = array<i32>} : memref<256xi32, #tpu.memory_space<vmem>>, vector<16xi32>,
          %parallel_loop3A_685 = tpu.memref_slice %arg8[%parallel_loop3A_593] : memref<16384xf32, #tpu.memory_space<vmem>> -> memref<9104xf32, #tpu.memory_space<vmem>>
          tpu.vector_store_idx %parallel_loop3A_685[%parallel_loop3A_684], %parallel_loop3A_682 : memref<9104xf32, #tpu.memory_space<vmem>>[vector<16xi32>], vector<16xf32>,
          %parallel_loop3A_686 = arith.constant 1 : i32
          %parallel_loop3A_687 = vector.broadcast %parallel_loop3A_686 : i32 to vector<16xi32>
          %parallel_loop3A_688 = arith.addi %parallel_loop3A_679, %parallel_loop3A_687 : vector<16xi32>
          %parallel_loop3A_689 = arith.constant 15 : i32
          %parallel_loop3A_690 = vector.broadcast %parallel_loop3A_689 : i32 to vector<16xi32>
          %parallel_loop3A_691 = arith.andi %parallel_loop3A_688, %parallel_loop3A_690 : vector<16xi32>
          %parallel_loop3A_692 = arith.addi %parallel_loop3A_584, %parallel_loop3A_691 : vector<16xi32>
          %parallel_loop3A_693 = tpu.memref_slice %arg5[%parallel_loop3A_595] : memref<1216xf32, #tpu.memory_space<vmem>> -> memref<1168xf32, #tpu.memory_space<vmem>>
          %parallel_loop3A_694 = tpu.vector_load_idx %parallel_loop3A_693[%parallel_loop3A_692] : memref<1168xf32, #tpu.memory_space<vmem>>[vector<16xi32>], vector<16xf32>,
          %parallel_loop3A_695 = arith.constant 128 : index
          %parallel_loop3A_696 = tpu.vector_load %arg7[%parallel_loop3A_695] {strides = array<i32>} : memref<256xi32, #tpu.memory_space<vmem>>, vector<16xi32>,
          %parallel_loop3A_697 = tpu.memref_slice %arg8[%parallel_loop3A_593] : memref<16384xf32, #tpu.memory_space<vmem>> -> memref<9104xf32, #tpu.memory_space<vmem>>
          tpu.vector_store_idx %parallel_loop3A_697[%parallel_loop3A_696], %parallel_loop3A_694 : memref<9104xf32, #tpu.memory_space<vmem>>[vector<16xi32>], vector<16xf32>,
          %parallel_loop3A_698 = arith.constant 1 : i32
          %parallel_loop3A_699 = vector.broadcast %parallel_loop3A_698 : i32 to vector<16xi32>
          %parallel_loop3A_700 = arith.addi %parallel_loop3A_691, %parallel_loop3A_699 : vector<16xi32>
          %parallel_loop3A_701 = arith.constant 15 : i32
          %parallel_loop3A_702 = vector.broadcast %parallel_loop3A_701 : i32 to vector<16xi32>
          %parallel_loop3A_703 = arith.andi %parallel_loop3A_700, %parallel_loop3A_702 : vector<16xi32>
          %parallel_loop3A_704 = arith.addi %parallel_loop3A_584, %parallel_loop3A_703 : vector<16xi32>
          %parallel_loop3A_705 = tpu.memref_slice %arg5[%parallel_loop3A_595] : memref<1216xf32, #tpu.memory_space<vmem>> -> memref<1168xf32, #tpu.memory_space<vmem>>
          %parallel_loop3A_706 = tpu.vector_load_idx %parallel_loop3A_705[%parallel_loop3A_704] : memref<1168xf32, #tpu.memory_space<vmem>>[vector<16xi32>], vector<16xf32>,
          %parallel_loop3A_707 = arith.constant 144 : index
          %parallel_loop3A_708 = tpu.vector_load %arg7[%parallel_loop3A_707] {strides = array<i32>} : memref<256xi32, #tpu.memory_space<vmem>>, vector<16xi32>,
          %parallel_loop3A_709 = tpu.memref_slice %arg8[%parallel_loop3A_593] : memref<16384xf32, #tpu.memory_space<vmem>> -> memref<9104xf32, #tpu.memory_space<vmem>>
          tpu.vector_store_idx %parallel_loop3A_709[%parallel_loop3A_708], %parallel_loop3A_706 : memref<9104xf32, #tpu.memory_space<vmem>>[vector<16xi32>], vector<16xf32>,
          %parallel_loop3A_710 = arith.constant 1 : i32
          %parallel_loop3A_711 = vector.broadcast %parallel_loop3A_710 : i32 to vector<16xi32>
          %parallel_loop3A_712 = arith.addi %parallel_loop3A_703, %parallel_loop3A_711 : vector<16xi32>
          %parallel_loop3A_713 = arith.constant 15 : i32
          %parallel_loop3A_714 = vector.broadcast %parallel_loop3A_713 : i32 to vector<16xi32>
          %parallel_loop3A_715 = arith.andi %parallel_loop3A_712, %parallel_loop3A_714 : vector<16xi32>
          %parallel_loop3A_716 = arith.addi %parallel_loop3A_584, %parallel_loop3A_715 : vector<16xi32>
          %parallel_loop3A_717 = tpu.memref_slice %arg5[%parallel_loop3A_595] : memref<1216xf32, #tpu.memory_space<vmem>> -> memref<1168xf32, #tpu.memory_space<vmem>>
          %parallel_loop3A_718 = tpu.vector_load_idx %parallel_loop3A_717[%parallel_loop3A_716] : memref<1168xf32, #tpu.memory_space<vmem>>[vector<16xi32>], vector<16xf32>,
          %parallel_loop3A_719 = arith.constant 160 : index
          %parallel_loop3A_720 = tpu.vector_load %arg7[%parallel_loop3A_719] {strides = array<i32>} : memref<256xi32, #tpu.memory_space<vmem>>, vector<16xi32>,
          %parallel_loop3A_721 = tpu.memref_slice %arg8[%parallel_loop3A_593] : memref<16384xf32, #tpu.memory_space<vmem>> -> memref<9104xf32, #tpu.memory_space<vmem>>
          tpu.vector_store_idx %parallel_loop3A_721[%parallel_loop3A_720], %parallel_loop3A_718 : memref<9104xf32, #tpu.memory_space<vmem>>[vector<16xi32>], vector<16xf32>,
          %parallel_loop3A_722 = arith.constant 1 : i32
          %parallel_loop3A_723 = vector.broadcast %parallel_loop3A_722 : i32 to vector<16xi32>
          %parallel_loop3A_724 = arith.addi %parallel_loop3A_715, %parallel_loop3A_723 : vector<16xi32>
          %parallel_loop3A_725 = arith.constant 15 : i32
          %parallel_loop3A_726 = vector.broadcast %parallel_loop3A_725 : i32 to vector<16xi32>
          %parallel_loop3A_727 = arith.andi %parallel_loop3A_724, %parallel_loop3A_726 : vector<16xi32>
          %parallel_loop3A_728 = arith.addi %parallel_loop3A_584, %parallel_loop3A_727 : vector<16xi32>
          %parallel_loop3A_729 = tpu.memref_slice %arg5[%parallel_loop3A_595] : memref<1216xf32, #tpu.memory_space<vmem>> -> memref<1168xf32, #tpu.memory_space<vmem>>
          %parallel_loop3A_730 = tpu.vector_load_idx %parallel_loop3A_729[%parallel_loop3A_728] : memref<1168xf32, #tpu.memory_space<vmem>>[vector<16xi32>], vector<16xf32>,
          %parallel_loop3A_731 = arith.constant 176 : index
          %parallel_loop3A_732 = tpu.vector_load %arg7[%parallel_loop3A_731] {strides = array<i32>} : memref<256xi32, #tpu.memory_space<vmem>>, vector<16xi32>,
          %parallel_loop3A_733 = tpu.memref_slice %arg8[%parallel_loop3A_593] : memref<16384xf32, #tpu.memory_space<vmem>> -> memref<9104xf32, #tpu.memory_space<vmem>>
          tpu.vector_store_idx %parallel_loop3A_733[%parallel_loop3A_732], %parallel_loop3A_730 : memref<9104xf32, #tpu.memory_space<vmem>>[vector<16xi32>], vector<16xf32>,
          %parallel_loop3A_734 = arith.constant 1 : i32
          %parallel_loop3A_735 = vector.broadcast %parallel_loop3A_734 : i32 to vector<16xi32>
          %parallel_loop3A_736 = arith.addi %parallel_loop3A_727, %parallel_loop3A_735 : vector<16xi32>
          %parallel_loop3A_737 = arith.constant 15 : i32
          %parallel_loop3A_738 = vector.broadcast %parallel_loop3A_737 : i32 to vector<16xi32>
          %parallel_loop3A_739 = arith.andi %parallel_loop3A_736, %parallel_loop3A_738 : vector<16xi32>
          %parallel_loop3A_740 = arith.addi %parallel_loop3A_584, %parallel_loop3A_739 : vector<16xi32>
          %parallel_loop3A_741 = tpu.memref_slice %arg5[%parallel_loop3A_595] : memref<1216xf32, #tpu.memory_space<vmem>> -> memref<1168xf32, #tpu.memory_space<vmem>>
          %parallel_loop3A_742 = tpu.vector_load_idx %parallel_loop3A_741[%parallel_loop3A_740] : memref<1168xf32, #tpu.memory_space<vmem>>[vector<16xi32>], vector<16xf32>,
          %parallel_loop3A_743 = arith.constant 192 : index
          %parallel_loop3A_744 = tpu.vector_load %arg7[%parallel_loop3A_743] {strides = array<i32>} : memref<256xi32, #tpu.memory_space<vmem>>, vector<16xi32>,
          %parallel_loop3A_745 = tpu.memref_slice %arg8[%parallel_loop3A_593] : memref<16384xf32, #tpu.memory_space<vmem>> -> memref<9104xf32, #tpu.memory_space<vmem>>
          tpu.vector_store_idx %parallel_loop3A_745[%parallel_loop3A_744], %parallel_loop3A_742 : memref<9104xf32, #tpu.memory_space<vmem>>[vector<16xi32>], vector<16xf32>,
          %parallel_loop3A_746 = arith.constant 1 : i32
          %parallel_loop3A_747 = vector.broadcast %parallel_loop3A_746 : i32 to vector<16xi32>
          %parallel_loop3A_748 = arith.addi %parallel_loop3A_739, %parallel_loop3A_747 : vector<16xi32>
          %parallel_loop3A_749 = arith.constant 15 : i32
          %parallel_loop3A_750 = vector.broadcast %parallel_loop3A_749 : i32 to vector<16xi32>
          %parallel_loop3A_751 = arith.andi %parallel_loop3A_748, %parallel_loop3A_750 : vector<16xi32>
          %parallel_loop3A_752 = arith.addi %parallel_loop3A_584, %parallel_loop3A_751 : vector<16xi32>
          %parallel_loop3A_753 = tpu.memref_slice %arg5[%parallel_loop3A_595] : memref<1216xf32, #tpu.memory_space<vmem>> -> memref<1168xf32, #tpu.memory_space<vmem>>
          %parallel_loop3A_754 = tpu.vector_load_idx %parallel_loop3A_753[%parallel_loop3A_752] : memref<1168xf32, #tpu.memory_space<vmem>>[vector<16xi32>], vector<16xf32>,
          %parallel_loop3A_755 = arith.constant 208 : index
          %parallel_loop3A_756 = tpu.vector_load %arg7[%parallel_loop3A_755] {strides = array<i32>} : memref<256xi32, #tpu.memory_space<vmem>>, vector<16xi32>,
          %parallel_loop3A_757 = tpu.memref_slice %arg8[%parallel_loop3A_593] : memref<16384xf32, #tpu.memory_space<vmem>> -> memref<9104xf32, #tpu.memory_space<vmem>>
          tpu.vector_store_idx %parallel_loop3A_757[%parallel_loop3A_756], %parallel_loop3A_754 : memref<9104xf32, #tpu.memory_space<vmem>>[vector<16xi32>], vector<16xf32>,
          %parallel_loop3A_758 = arith.constant 1 : i32
          %parallel_loop3A_759 = vector.broadcast %parallel_loop3A_758 : i32 to vector<16xi32>
          %parallel_loop3A_760 = arith.addi %parallel_loop3A_751, %parallel_loop3A_759 : vector<16xi32>
          %parallel_loop3A_761 = arith.constant 15 : i32
          %parallel_loop3A_762 = vector.broadcast %parallel_loop3A_761 : i32 to vector<16xi32>
          %parallel_loop3A_763 = arith.andi %parallel_loop3A_760, %parallel_loop3A_762 : vector<16xi32>
          %parallel_loop3A_764 = arith.addi %parallel_loop3A_584, %parallel_loop3A_763 : vector<16xi32>
          %parallel_loop3A_765 = tpu.memref_slice %arg5[%parallel_loop3A_595] : memref<1216xf32, #tpu.memory_space<vmem>> -> memref<1168xf32, #tpu.memory_space<vmem>>
          %parallel_loop3A_766 = tpu.vector_load_idx %parallel_loop3A_765[%parallel_loop3A_764] : memref<1168xf32, #tpu.memory_space<vmem>>[vector<16xi32>], vector<16xf32>,
          %parallel_loop3A_767 = arith.constant 224 : index
          %parallel_loop3A_768 = tpu.vector_load %arg7[%parallel_loop3A_767] {strides = array<i32>} : memref<256xi32, #tpu.memory_space<vmem>>, vector<16xi32>,
          %parallel_loop3A_769 = tpu.memref_slice %arg8[%parallel_loop3A_593] : memref<16384xf32, #tpu.memory_space<vmem>> -> memref<9104xf32, #tpu.memory_space<vmem>>
          tpu.vector_store_idx %parallel_loop3A_769[%parallel_loop3A_768], %parallel_loop3A_766 : memref<9104xf32, #tpu.memory_space<vmem>>[vector<16xi32>], vector<16xf32>,
          %parallel_loop3A_770 = arith.constant 1 : i32
          %parallel_loop3A_771 = vector.broadcast %parallel_loop3A_770 : i32 to vector<16xi32>
          %parallel_loop3A_772 = arith.addi %parallel_loop3A_763, %parallel_loop3A_771 : vector<16xi32>
          %parallel_loop3A_773 = arith.constant 15 : i32
          %parallel_loop3A_774 = vector.broadcast %parallel_loop3A_773 : i32 to vector<16xi32>
          %parallel_loop3A_775 = arith.andi %parallel_loop3A_772, %parallel_loop3A_774 : vector<16xi32>
          %parallel_loop3A_776 = arith.addi %parallel_loop3A_584, %parallel_loop3A_775 : vector<16xi32>
          %parallel_loop3A_777 = tpu.memref_slice %arg5[%parallel_loop3A_595] : memref<1216xf32, #tpu.memory_space<vmem>> -> memref<1168xf32, #tpu.memory_space<vmem>>
          %parallel_loop3A_778 = tpu.vector_load_idx %parallel_loop3A_777[%parallel_loop3A_776] : memref<1168xf32, #tpu.memory_space<vmem>>[vector<16xi32>], vector<16xf32>,
          %parallel_loop3A_779 = arith.constant 240 : index
          %parallel_loop3A_780 = tpu.vector_load %arg7[%parallel_loop3A_779] {strides = array<i32>} : memref<256xi32, #tpu.memory_space<vmem>>, vector<16xi32>,
          %parallel_loop3A_781 = tpu.memref_slice %arg8[%parallel_loop3A_593] : memref<16384xf32, #tpu.memory_space<vmem>> -> memref<9104xf32, #tpu.memory_space<vmem>>
          tpu.vector_store_idx %parallel_loop3A_781[%parallel_loop3A_780], %parallel_loop3A_778 : memref<9104xf32, #tpu.memory_space<vmem>>[vector<16xi32>], vector<16xf32>,
          %parallel_loop3A_782 = arith.constant 1 : i32
          %parallel_loop3A_783 = vector.broadcast %parallel_loop3A_782 : i32 to vector<16xi32>
          %parallel_loop3A_784 = arith.addi %parallel_loop3A_775, %parallel_loop3A_783 : vector<16xi32>
          %parallel_loop3A_785 = arith.constant 15 : i32
          %parallel_loop3A_786 = vector.broadcast %parallel_loop3A_785 : i32 to vector<16xi32>
          %parallel_loop3A_787 = arith.andi %parallel_loop3A_784, %parallel_loop3A_786 : vector<16xi32>
        } {sc.loop_unroll_factor = 2 : i64, sc.parallel_access}
        %dma_start3A_570 = arith.constant 0 : i32
        %dma_start3A_571 = tpu.memref_slice %arg4[%while3A_528, %dma_start3A_570] : memref<800x16384xf32, #tpu.memory_space<hbm>> -> memref<1x16384xf32, #tpu.memory_space<hbm>>
        %dma_start3A_572 = tpu.memref_squeeze %dma_start3A_571 : memref<1x16384xf32, #tpu.memory_space<hbm>> -> memref<16384xf32, #tpu.memory_space<hbm>>
        %dma_start3A_573 = arith.constant 0 : i32
        %dma_start3A_574 = tpu.memref_slice %arg4[%while3A_528, %dma_start3A_573] : memref<800x16384xf32, #tpu.memory_space<hbm>> -> memref<1x16384xf32, #tpu.memory_space<hbm>>
        %dma_start3A_575 = tpu.memref_squeeze %dma_start3A_574 : memref<1x16384xf32, #tpu.memory_space<hbm>> -> memref<16384xf32, #tpu.memory_space<hbm>>
        tpu.enqueue_dma source(%arg8 : memref<16384xf32, #tpu.memory_space<vmem>>) target(%dma_start3A_575 : memref<16384xf32, #tpu.memory_space<hbm>>) target_semaphore(%arg10 : memref<!tpu.dma_semaphore, #tpu.memory_space<semaphore_mem>>)
      } else {
      }
      %and3A_556 = arith.constant 1 : i32
      %and3A_557 = arith.andi %while3A_528, %and3A_556 : i32
      %eq3A_558 = arith.constant 1 : i32
      %eq3A_559 = arith.cmpi eq, %and3A_557, %eq3A_558 : i32
      %convert_element_type3A_560 = arith.extui %eq3A_559 : i1 to i32
      %cond3A_561 = arith.constant 0 : i32
      %cond3A_562 = arith.cmpi ne, %convert_element_type3A_560, %cond3A_561 : i32
      scf.if %cond3A_562 {
        %add3A_563 = arith.constant 2 : i32
        %add3A_564 = arith.addi %mul3A_351, %add3A_563 : i32
        %ge3A = arith.cmpi sge, %while3A_528, %add3A_564 : i32
        %convert_element_type3A_565 = arith.extui %ge3A : i1 to i32
        %cond3A_566 = arith.constant 0 : i32
        %cond3A_567 = arith.cmpi ne, %convert_element_type3A_565, %cond3A_566 : i32
        scf.if %cond3A_567 {
          %dma_wait3A_576 = arith.constant 0 : i32
          %dma_wait3A_577 = arith.constant 0 : i32
          %dma_wait3A_578 = tpu.memref_slice %arg4[%dma_wait3A_576, %dma_wait3A_577] : memref<800x16384xf32, #tpu.memory_space<hbm>> -> memref<1x16384xf32, #tpu.memory_space<hbm>>
          %dma_wait3A_579 = tpu.memref_squeeze %dma_wait3A_578 : memref<1x16384xf32, #tpu.memory_space<hbm>> -> memref<16384xf32, #tpu.memory_space<hbm>>
          %dma_wait3A_580 = arith.constant 0 : i32
          %dma_wait3A_581 = tpu.memref_slice %arg4[%dma_wait3A_576, %dma_wait3A_580] : memref<800x16384xf32, #tpu.memory_space<hbm>> -> memref<1x16384xf32, #tpu.memory_space<hbm>>
          %dma_wait3A_582 = tpu.memref_squeeze %dma_wait3A_581 : memref<1x16384xf32, #tpu.memory_space<hbm>> -> memref<16384xf32, #tpu.memory_space<hbm>>
          tpu.wait_dma2 semaphore(%arg11 : memref<!tpu.dma_semaphore, #tpu.memory_space<semaphore_mem>>) src(%dma_wait3A_582 : memref<16384xf32, #tpu.memory_space<hbm>>) dst(%arg9 : memref<16384xf32, #tpu.memory_space<vmem>>)
        } else {
        }
        %parallel_loop3A = arith.constant 0 : i32
        %parallel_loop3A_568 = arith.constant 64 : i32
        %parallel_loop3A_569 = arith.constant 1 : i32
        scf.for %parallel_loop3A_576 = %parallel_loop3A to %parallel_loop3A_568 step %parallel_loop3A_569  : i32 {
          %parallel_loop3A_577 = arith.constant 16 : i32
          %parallel_loop3A_578 = arith.muli %parallel_loop3A_576, %parallel_loop3A_577 : i32
          %parallel_loop3A_579 = arith.index_cast %and3A_534 : i32 to index
          %parallel_loop3A_580 = arith.index_cast %parallel_loop3A_578 : i32 to index
          %parallel_loop3A_581 = tpu.vector_load %arg6[%parallel_loop3A_579, %parallel_loop3A_580] {strides = array<i32>} : memref<2x1024xi32, #tpu.memory_space<vmem>>, vector<16xi32>,
          %parallel_loop3A_582 = arith.constant 64 : i32
          %parallel_loop3A_583 = vector.broadcast %parallel_loop3A_582 : i32 to vector<16xi32>
          %parallel_loop3A_584 = arith.muli %parallel_loop3A_581, %parallel_loop3A_583 : vector<16xi32>
          %parallel_loop3A_585 = arith.constant 3 : i32
          %parallel_loop3A_586 = arith.shrsi %parallel_loop3A_576, %parallel_loop3A_585 : i32
          %parallel_loop3A_587 = arith.constant 1024 : i32
          %parallel_loop3A_588 = arith.muli %parallel_loop3A_586, %parallel_loop3A_587 : i32
          %parallel_loop3A_589 = arith.constant 7 : i32
          %parallel_loop3A_590 = arith.andi %parallel_loop3A_576, %parallel_loop3A_589 : i32
          %parallel_loop3A_591 = arith.constant 16 : i32
          %parallel_loop3A_592 = arith.muli %parallel_loop3A_590, %parallel_loop3A_591 : i32
          %parallel_loop3A_593 = arith.addi %parallel_loop3A_588, %parallel_loop3A_592 : i32
          %parallel_loop3A_594 = arith.constant 16 : i32
          %parallel_loop3A_595 = arith.muli %and3A_532, %parallel_loop3A_594 : i32
          %parallel_loop3A_596 = arith.addi %parallel_loop3A_584, %iota3A : vector<16xi32>
          %parallel_loop3A_597 = tpu.memref_slice %arg5[%parallel_loop3A_595] : memref<1216xf32, #tpu.memory_space<vmem>> -> memref<1168xf32, #tpu.memory_space<vmem>>
          %parallel_loop3A_598 = tpu.vector_load_idx %parallel_loop3A_597[%parallel_loop3A_596] : memref<1168xf32, #tpu.memory_space<vmem>>[vector<16xi32>], vector<16xf32>,
          %parallel_loop3A_599 = arith.constant 0 : index
          %parallel_loop3A_600 = tpu.vector_load %arg7[%parallel_loop3A_599] {strides = array<i32>} : memref<256xi32, #tpu.memory_space<vmem>>, vector<16xi32>,
          %parallel_loop3A_601 = tpu.memref_slice %arg9[%parallel_loop3A_593] : memref<16384xf32, #tpu.memory_space<vmem>> -> memref<9104xf32, #tpu.memory_space<vmem>>
          tpu.vector_store_idx %parallel_loop3A_601[%parallel_loop3A_600], %parallel_loop3A_598 : memref<9104xf32, #tpu.memory_space<vmem>>[vector<16xi32>], vector<16xf32>,
          %parallel_loop3A_602 = arith.constant 1 : i32
          %parallel_loop3A_603 = vector.broadcast %parallel_loop3A_602 : i32 to vector<16xi32>
          %parallel_loop3A_604 = arith.addi %iota3A, %parallel_loop3A_603 : vector<16xi32>
          %parallel_loop3A_605 = arith.constant 15 : i32
          %parallel_loop3A_606 = vector.broadcast %parallel_loop3A_605 : i32 to vector<16xi32>
          %parallel_loop3A_607 = arith.andi %parallel_loop3A_604, %parallel_loop3A_606 : vector<16xi32>
          %parallel_loop3A_608 = arith.addi %parallel_loop3A_584, %parallel_loop3A_607 : vector<16xi32>
          %parallel_loop3A_609 = tpu.memref_slice %arg5[%parallel_loop3A_595] : memref<1216xf32, #tpu.memory_space<vmem>> -> memref<1168xf32, #tpu.memory_space<vmem>>
          %parallel_loop3A_610 = tpu.vector_load_idx %parallel_loop3A_609[%parallel_loop3A_608] : memref<1168xf32, #tpu.memory_space<vmem>>[vector<16xi32>], vector<16xf32>,
          %parallel_loop3A_611 = arith.constant 16 : index
          %parallel_loop3A_612 = tpu.vector_load %arg7[%parallel_loop3A_611] {strides = array<i32>} : memref<256xi32, #tpu.memory_space<vmem>>, vector<16xi32>,
          %parallel_loop3A_613 = tpu.memref_slice %arg9[%parallel_loop3A_593] : memref<16384xf32, #tpu.memory_space<vmem>> -> memref<9104xf32, #tpu.memory_space<vmem>>
          tpu.vector_store_idx %parallel_loop3A_613[%parallel_loop3A_612], %parallel_loop3A_610 : memref<9104xf32, #tpu.memory_space<vmem>>[vector<16xi32>], vector<16xf32>,
          %parallel_loop3A_614 = arith.constant 1 : i32
          %parallel_loop3A_615 = vector.broadcast %parallel_loop3A_614 : i32 to vector<16xi32>
          %parallel_loop3A_616 = arith.addi %parallel_loop3A_607, %parallel_loop3A_615 : vector<16xi32>
          %parallel_loop3A_617 = arith.constant 15 : i32
          %parallel_loop3A_618 = vector.broadcast %parallel_loop3A_617 : i32 to vector<16xi32>
          %parallel_loop3A_619 = arith.andi %parallel_loop3A_616, %parallel_loop3A_618 : vector<16xi32>
          %parallel_loop3A_620 = arith.addi %parallel_loop3A_584, %parallel_loop3A_619 : vector<16xi32>
          %parallel_loop3A_621 = tpu.memref_slice %arg5[%parallel_loop3A_595] : memref<1216xf32, #tpu.memory_space<vmem>> -> memref<1168xf32, #tpu.memory_space<vmem>>
          %parallel_loop3A_622 = tpu.vector_load_idx %parallel_loop3A_621[%parallel_loop3A_620] : memref<1168xf32, #tpu.memory_space<vmem>>[vector<16xi32>], vector<16xf32>,
          %parallel_loop3A_623 = arith.constant 32 : index
          %parallel_loop3A_624 = tpu.vector_load %arg7[%parallel_loop3A_623] {strides = array<i32>} : memref<256xi32, #tpu.memory_space<vmem>>, vector<16xi32>,
          %parallel_loop3A_625 = tpu.memref_slice %arg9[%parallel_loop3A_593] : memref<16384xf32, #tpu.memory_space<vmem>> -> memref<9104xf32, #tpu.memory_space<vmem>>
          tpu.vector_store_idx %parallel_loop3A_625[%parallel_loop3A_624], %parallel_loop3A_622 : memref<9104xf32, #tpu.memory_space<vmem>>[vector<16xi32>], vector<16xf32>,
          %parallel_loop3A_626 = arith.constant 1 : i32
          %parallel_loop3A_627 = vector.broadcast %parallel_loop3A_626 : i32 to vector<16xi32>
          %parallel_loop3A_628 = arith.addi %parallel_loop3A_619, %parallel_loop3A_627 : vector<16xi32>
          %parallel_loop3A_629 = arith.constant 15 : i32
          %parallel_loop3A_630 = vector.broadcast %parallel_loop3A_629 : i32 to vector<16xi32>
          %parallel_loop3A_631 = arith.andi %parallel_loop3A_628, %parallel_loop3A_630 : vector<16xi32>
          %parallel_loop3A_632 = arith.addi %parallel_loop3A_584, %parallel_loop3A_631 : vector<16xi32>
          %parallel_loop3A_633 = tpu.memref_slice %arg5[%parallel_loop3A_595] : memref<1216xf32, #tpu.memory_space<vmem>> -> memref<1168xf32, #tpu.memory_space<vmem>>
          %parallel_loop3A_634 = tpu.vector_load_idx %parallel_loop3A_633[%parallel_loop3A_632] : memref<1168xf32, #tpu.memory_space<vmem>>[vector<16xi32>], vector<16xf32>,
          %parallel_loop3A_635 = arith.constant 48 : index
          %parallel_loop3A_636 = tpu.vector_load %arg7[%parallel_loop3A_635] {strides = array<i32>} : memref<256xi32, #tpu.memory_space<vmem>>, vector<16xi32>,
          %parallel_loop3A_637 = tpu.memref_slice %arg9[%parallel_loop3A_593] : memref<16384xf32, #tpu.memory_space<vmem>> -> memref<9104xf32, #tpu.memory_space<vmem>>
          tpu.vector_store_idx %parallel_loop3A_637[%parallel_loop3A_636], %parallel_loop3A_634 : memref<9104xf32, #tpu.memory_space<vmem>>[vector<16xi32>], vector<16xf32>,
          %parallel_loop3A_638 = arith.constant 1 : i32
          %parallel_loop3A_639 = vector.broadcast %parallel_loop3A_638 : i32 to vector<16xi32>
          %parallel_loop3A_640 = arith.addi %parallel_loop3A_631, %parallel_loop3A_639 : vector<16xi32>
          %parallel_loop3A_641 = arith.constant 15 : i32
          %parallel_loop3A_642 = vector.broadcast %parallel_loop3A_641 : i32 to vector<16xi32>
          %parallel_loop3A_643 = arith.andi %parallel_loop3A_640, %parallel_loop3A_642 : vector<16xi32>
          %parallel_loop3A_644 = arith.addi %parallel_loop3A_584, %parallel_loop3A_643 : vector<16xi32>
          %parallel_loop3A_645 = tpu.memref_slice %arg5[%parallel_loop3A_595] : memref<1216xf32, #tpu.memory_space<vmem>> -> memref<1168xf32, #tpu.memory_space<vmem>>
          %parallel_loop3A_646 = tpu.vector_load_idx %parallel_loop3A_645[%parallel_loop3A_644] : memref<1168xf32, #tpu.memory_space<vmem>>[vector<16xi32>], vector<16xf32>,
          %parallel_loop3A_647 = arith.constant 64 : index
          %parallel_loop3A_648 = tpu.vector_load %arg7[%parallel_loop3A_647] {strides = array<i32>} : memref<256xi32, #tpu.memory_space<vmem>>, vector<16xi32>,
          %parallel_loop3A_649 = tpu.memref_slice %arg9[%parallel_loop3A_593] : memref<16384xf32, #tpu.memory_space<vmem>> -> memref<9104xf32, #tpu.memory_space<vmem>>
          tpu.vector_store_idx %parallel_loop3A_649[%parallel_loop3A_648], %parallel_loop3A_646 : memref<9104xf32, #tpu.memory_space<vmem>>[vector<16xi32>], vector<16xf32>,
          %parallel_loop3A_650 = arith.constant 1 : i32
          %parallel_loop3A_651 = vector.broadcast %parallel_loop3A_650 : i32 to vector<16xi32>
          %parallel_loop3A_652 = arith.addi %parallel_loop3A_643, %parallel_loop3A_651 : vector<16xi32>
          %parallel_loop3A_653 = arith.constant 15 : i32
          %parallel_loop3A_654 = vector.broadcast %parallel_loop3A_653 : i32 to vector<16xi32>
          %parallel_loop3A_655 = arith.andi %parallel_loop3A_652, %parallel_loop3A_654 : vector<16xi32>
          %parallel_loop3A_656 = arith.addi %parallel_loop3A_584, %parallel_loop3A_655 : vector<16xi32>
          %parallel_loop3A_657 = tpu.memref_slice %arg5[%parallel_loop3A_595] : memref<1216xf32, #tpu.memory_space<vmem>> -> memref<1168xf32, #tpu.memory_space<vmem>>
          %parallel_loop3A_658 = tpu.vector_load_idx %parallel_loop3A_657[%parallel_loop3A_656] : memref<1168xf32, #tpu.memory_space<vmem>>[vector<16xi32>], vector<16xf32>,
          %parallel_loop3A_659 = arith.constant 80 : index
          %parallel_loop3A_660 = tpu.vector_load %arg7[%parallel_loop3A_659] {strides = array<i32>} : memref<256xi32, #tpu.memory_space<vmem>>, vector<16xi32>,
          %parallel_loop3A_661 = tpu.memref_slice %arg9[%parallel_loop3A_593] : memref<16384xf32, #tpu.memory_space<vmem>> -> memref<9104xf32, #tpu.memory_space<vmem>>
          tpu.vector_store_idx %parallel_loop3A_661[%parallel_loop3A_660], %parallel_loop3A_658 : memref<9104xf32, #tpu.memory_space<vmem>>[vector<16xi32>], vector<16xf32>,
          %parallel_loop3A_662 = arith.constant 1 : i32
          %parallel_loop3A_663 = vector.broadcast %parallel_loop3A_662 : i32 to vector<16xi32>
          %parallel_loop3A_664 = arith.addi %parallel_loop3A_655, %parallel_loop3A_663 : vector<16xi32>
          %parallel_loop3A_665 = arith.constant 15 : i32
          %parallel_loop3A_666 = vector.broadcast %parallel_loop3A_665 : i32 to vector<16xi32>
          %parallel_loop3A_667 = arith.andi %parallel_loop3A_664, %parallel_loop3A_666 : vector<16xi32>
          %parallel_loop3A_668 = arith.addi %parallel_loop3A_584, %parallel_loop3A_667 : vector<16xi32>
          %parallel_loop3A_669 = tpu.memref_slice %arg5[%parallel_loop3A_595] : memref<1216xf32, #tpu.memory_space<vmem>> -> memref<1168xf32, #tpu.memory_space<vmem>>
          %parallel_loop3A_670 = tpu.vector_load_idx %parallel_loop3A_669[%parallel_loop3A_668] : memref<1168xf32, #tpu.memory_space<vmem>>[vector<16xi32>], vector<16xf32>,
          %parallel_loop3A_671 = arith.constant 96 : index
          %parallel_loop3A_672 = tpu.vector_load %arg7[%parallel_loop3A_671] {strides = array<i32>} : memref<256xi32, #tpu.memory_space<vmem>>, vector<16xi32>,
          %parallel_loop3A_673 = tpu.memref_slice %arg9[%parallel_loop3A_593] : memref<16384xf32, #tpu.memory_space<vmem>> -> memref<9104xf32, #tpu.memory_space<vmem>>
          tpu.vector_store_idx %parallel_loop3A_673[%parallel_loop3A_672], %parallel_loop3A_670 : memref<9104xf32, #tpu.memory_space<vmem>>[vector<16xi32>], vector<16xf32>,
          %parallel_loop3A_674 = arith.constant 1 : i32
          %parallel_loop3A_675 = vector.broadcast %parallel_loop3A_674 : i32 to vector<16xi32>
          %parallel_loop3A_676 = arith.addi %parallel_loop3A_667, %parallel_loop3A_675 : vector<16xi32>
          %parallel_loop3A_677 = arith.constant 15 : i32
          %parallel_loop3A_678 = vector.broadcast %parallel_loop3A_677 : i32 to vector<16xi32>
          %parallel_loop3A_679 = arith.andi %parallel_loop3A_676, %parallel_loop3A_678 : vector<16xi32>
          %parallel_loop3A_680 = arith.addi %parallel_loop3A_584, %parallel_loop3A_679 : vector<16xi32>
          %parallel_loop3A_681 = tpu.memref_slice %arg5[%parallel_loop3A_595] : memref<1216xf32, #tpu.memory_space<vmem>> -> memref<1168xf32, #tpu.memory_space<vmem>>
          %parallel_loop3A_682 = tpu.vector_load_idx %parallel_loop3A_681[%parallel_loop3A_680] : memref<1168xf32, #tpu.memory_space<vmem>>[vector<16xi32>], vector<16xf32>,
          %parallel_loop3A_683 = arith.constant 112 : index
          %parallel_loop3A_684 = tpu.vector_load %arg7[%parallel_loop3A_683] {strides = array<i32>} : memref<256xi32, #tpu.memory_space<vmem>>, vector<16xi32>,
          %parallel_loop3A_685 = tpu.memref_slice %arg9[%parallel_loop3A_593] : memref<16384xf32, #tpu.memory_space<vmem>> -> memref<9104xf32, #tpu.memory_space<vmem>>
          tpu.vector_store_idx %parallel_loop3A_685[%parallel_loop3A_684], %parallel_loop3A_682 : memref<9104xf32, #tpu.memory_space<vmem>>[vector<16xi32>], vector<16xf32>,
          %parallel_loop3A_686 = arith.constant 1 : i32
          %parallel_loop3A_687 = vector.broadcast %parallel_loop3A_686 : i32 to vector<16xi32>
          %parallel_loop3A_688 = arith.addi %parallel_loop3A_679, %parallel_loop3A_687 : vector<16xi32>
          %parallel_loop3A_689 = arith.constant 15 : i32
          %parallel_loop3A_690 = vector.broadcast %parallel_loop3A_689 : i32 to vector<16xi32>
          %parallel_loop3A_691 = arith.andi %parallel_loop3A_688, %parallel_loop3A_690 : vector<16xi32>
          %parallel_loop3A_692 = arith.addi %parallel_loop3A_584, %parallel_loop3A_691 : vector<16xi32>
          %parallel_loop3A_693 = tpu.memref_slice %arg5[%parallel_loop3A_595] : memref<1216xf32, #tpu.memory_space<vmem>> -> memref<1168xf32, #tpu.memory_space<vmem>>
          %parallel_loop3A_694 = tpu.vector_load_idx %parallel_loop3A_693[%parallel_loop3A_692] : memref<1168xf32, #tpu.memory_space<vmem>>[vector<16xi32>], vector<16xf32>,
          %parallel_loop3A_695 = arith.constant 128 : index
          %parallel_loop3A_696 = tpu.vector_load %arg7[%parallel_loop3A_695] {strides = array<i32>} : memref<256xi32, #tpu.memory_space<vmem>>, vector<16xi32>,
          %parallel_loop3A_697 = tpu.memref_slice %arg9[%parallel_loop3A_593] : memref<16384xf32, #tpu.memory_space<vmem>> -> memref<9104xf32, #tpu.memory_space<vmem>>
          tpu.vector_store_idx %parallel_loop3A_697[%parallel_loop3A_696], %parallel_loop3A_694 : memref<9104xf32, #tpu.memory_space<vmem>>[vector<16xi32>], vector<16xf32>,
          %parallel_loop3A_698 = arith.constant 1 : i32
          %parallel_loop3A_699 = vector.broadcast %parallel_loop3A_698 : i32 to vector<16xi32>
          %parallel_loop3A_700 = arith.addi %parallel_loop3A_691, %parallel_loop3A_699 : vector<16xi32>
          %parallel_loop3A_701 = arith.constant 15 : i32
          %parallel_loop3A_702 = vector.broadcast %parallel_loop3A_701 : i32 to vector<16xi32>
          %parallel_loop3A_703 = arith.andi %parallel_loop3A_700, %parallel_loop3A_702 : vector<16xi32>
          %parallel_loop3A_704 = arith.addi %parallel_loop3A_584, %parallel_loop3A_703 : vector<16xi32>
          %parallel_loop3A_705 = tpu.memref_slice %arg5[%parallel_loop3A_595] : memref<1216xf32, #tpu.memory_space<vmem>> -> memref<1168xf32, #tpu.memory_space<vmem>>
          %parallel_loop3A_706 = tpu.vector_load_idx %parallel_loop3A_705[%parallel_loop3A_704] : memref<1168xf32, #tpu.memory_space<vmem>>[vector<16xi32>], vector<16xf32>,
          %parallel_loop3A_707 = arith.constant 144 : index
          %parallel_loop3A_708 = tpu.vector_load %arg7[%parallel_loop3A_707] {strides = array<i32>} : memref<256xi32, #tpu.memory_space<vmem>>, vector<16xi32>,
          %parallel_loop3A_709 = tpu.memref_slice %arg9[%parallel_loop3A_593] : memref<16384xf32, #tpu.memory_space<vmem>> -> memref<9104xf32, #tpu.memory_space<vmem>>
          tpu.vector_store_idx %parallel_loop3A_709[%parallel_loop3A_708], %parallel_loop3A_706 : memref<9104xf32, #tpu.memory_space<vmem>>[vector<16xi32>], vector<16xf32>,
          %parallel_loop3A_710 = arith.constant 1 : i32
          %parallel_loop3A_711 = vector.broadcast %parallel_loop3A_710 : i32 to vector<16xi32>
          %parallel_loop3A_712 = arith.addi %parallel_loop3A_703, %parallel_loop3A_711 : vector<16xi32>
          %parallel_loop3A_713 = arith.constant 15 : i32
          %parallel_loop3A_714 = vector.broadcast %parallel_loop3A_713 : i32 to vector<16xi32>
          %parallel_loop3A_715 = arith.andi %parallel_loop3A_712, %parallel_loop3A_714 : vector<16xi32>
          %parallel_loop3A_716 = arith.addi %parallel_loop3A_584, %parallel_loop3A_715 : vector<16xi32>
          %parallel_loop3A_717 = tpu.memref_slice %arg5[%parallel_loop3A_595] : memref<1216xf32, #tpu.memory_space<vmem>> -> memref<1168xf32, #tpu.memory_space<vmem>>
          %parallel_loop3A_718 = tpu.vector_load_idx %parallel_loop3A_717[%parallel_loop3A_716] : memref<1168xf32, #tpu.memory_space<vmem>>[vector<16xi32>], vector<16xf32>,
          %parallel_loop3A_719 = arith.constant 160 : index
          %parallel_loop3A_720 = tpu.vector_load %arg7[%parallel_loop3A_719] {strides = array<i32>} : memref<256xi32, #tpu.memory_space<vmem>>, vector<16xi32>,
          %parallel_loop3A_721 = tpu.memref_slice %arg9[%parallel_loop3A_593] : memref<16384xf32, #tpu.memory_space<vmem>> -> memref<9104xf32, #tpu.memory_space<vmem>>
          tpu.vector_store_idx %parallel_loop3A_721[%parallel_loop3A_720], %parallel_loop3A_718 : memref<9104xf32, #tpu.memory_space<vmem>>[vector<16xi32>], vector<16xf32>,
          %parallel_loop3A_722 = arith.constant 1 : i32
          %parallel_loop3A_723 = vector.broadcast %parallel_loop3A_722 : i32 to vector<16xi32>
          %parallel_loop3A_724 = arith.addi %parallel_loop3A_715, %parallel_loop3A_723 : vector<16xi32>
          %parallel_loop3A_725 = arith.constant 15 : i32
          %parallel_loop3A_726 = vector.broadcast %parallel_loop3A_725 : i32 to vector<16xi32>
          %parallel_loop3A_727 = arith.andi %parallel_loop3A_724, %parallel_loop3A_726 : vector<16xi32>
          %parallel_loop3A_728 = arith.addi %parallel_loop3A_584, %parallel_loop3A_727 : vector<16xi32>
          %parallel_loop3A_729 = tpu.memref_slice %arg5[%parallel_loop3A_595] : memref<1216xf32, #tpu.memory_space<vmem>> -> memref<1168xf32, #tpu.memory_space<vmem>>
          %parallel_loop3A_730 = tpu.vector_load_idx %parallel_loop3A_729[%parallel_loop3A_728] : memref<1168xf32, #tpu.memory_space<vmem>>[vector<16xi32>], vector<16xf32>,
          %parallel_loop3A_731 = arith.constant 176 : index
          %parallel_loop3A_732 = tpu.vector_load %arg7[%parallel_loop3A_731] {strides = array<i32>} : memref<256xi32, #tpu.memory_space<vmem>>, vector<16xi32>,
          %parallel_loop3A_733 = tpu.memref_slice %arg9[%parallel_loop3A_593] : memref<16384xf32, #tpu.memory_space<vmem>> -> memref<9104xf32, #tpu.memory_space<vmem>>
          tpu.vector_store_idx %parallel_loop3A_733[%parallel_loop3A_732], %parallel_loop3A_730 : memref<9104xf32, #tpu.memory_space<vmem>>[vector<16xi32>], vector<16xf32>,
          %parallel_loop3A_734 = arith.constant 1 : i32
          %parallel_loop3A_735 = vector.broadcast %parallel_loop3A_734 : i32 to vector<16xi32>
          %parallel_loop3A_736 = arith.addi %parallel_loop3A_727, %parallel_loop3A_735 : vector<16xi32>
          %parallel_loop3A_737 = arith.constant 15 : i32
          %parallel_loop3A_738 = vector.broadcast %parallel_loop3A_737 : i32 to vector<16xi32>
          %parallel_loop3A_739 = arith.andi %parallel_loop3A_736, %parallel_loop3A_738 : vector<16xi32>
          %parallel_loop3A_740 = arith.addi %parallel_loop3A_584, %parallel_loop3A_739 : vector<16xi32>
          %parallel_loop3A_741 = tpu.memref_slice %arg5[%parallel_loop3A_595] : memref<1216xf32, #tpu.memory_space<vmem>> -> memref<1168xf32, #tpu.memory_space<vmem>>
          %parallel_loop3A_742 = tpu.vector_load_idx %parallel_loop3A_741[%parallel_loop3A_740] : memref<1168xf32, #tpu.memory_space<vmem>>[vector<16xi32>], vector<16xf32>,
          %parallel_loop3A_743 = arith.constant 192 : index
          %parallel_loop3A_744 = tpu.vector_load %arg7[%parallel_loop3A_743] {strides = array<i32>} : memref<256xi32, #tpu.memory_space<vmem>>, vector<16xi32>,
          %parallel_loop3A_745 = tpu.memref_slice %arg9[%parallel_loop3A_593] : memref<16384xf32, #tpu.memory_space<vmem>> -> memref<9104xf32, #tpu.memory_space<vmem>>
          tpu.vector_store_idx %parallel_loop3A_745[%parallel_loop3A_744], %parallel_loop3A_742 : memref<9104xf32, #tpu.memory_space<vmem>>[vector<16xi32>], vector<16xf32>,
          %parallel_loop3A_746 = arith.constant 1 : i32
          %parallel_loop3A_747 = vector.broadcast %parallel_loop3A_746 : i32 to vector<16xi32>
          %parallel_loop3A_748 = arith.addi %parallel_loop3A_739, %parallel_loop3A_747 : vector<16xi32>
          %parallel_loop3A_749 = arith.constant 15 : i32
          %parallel_loop3A_750 = vector.broadcast %parallel_loop3A_749 : i32 to vector<16xi32>
          %parallel_loop3A_751 = arith.andi %parallel_loop3A_748, %parallel_loop3A_750 : vector<16xi32>
          %parallel_loop3A_752 = arith.addi %parallel_loop3A_584, %parallel_loop3A_751 : vector<16xi32>
          %parallel_loop3A_753 = tpu.memref_slice %arg5[%parallel_loop3A_595] : memref<1216xf32, #tpu.memory_space<vmem>> -> memref<1168xf32, #tpu.memory_space<vmem>>
          %parallel_loop3A_754 = tpu.vector_load_idx %parallel_loop3A_753[%parallel_loop3A_752] : memref<1168xf32, #tpu.memory_space<vmem>>[vector<16xi32>], vector<16xf32>,
          %parallel_loop3A_755 = arith.constant 208 : index
          %parallel_loop3A_756 = tpu.vector_load %arg7[%parallel_loop3A_755] {strides = array<i32>} : memref<256xi32, #tpu.memory_space<vmem>>, vector<16xi32>,
          %parallel_loop3A_757 = tpu.memref_slice %arg9[%parallel_loop3A_593] : memref<16384xf32, #tpu.memory_space<vmem>> -> memref<9104xf32, #tpu.memory_space<vmem>>
          tpu.vector_store_idx %parallel_loop3A_757[%parallel_loop3A_756], %parallel_loop3A_754 : memref<9104xf32, #tpu.memory_space<vmem>>[vector<16xi32>], vector<16xf32>,
          %parallel_loop3A_758 = arith.constant 1 : i32
          %parallel_loop3A_759 = vector.broadcast %parallel_loop3A_758 : i32 to vector<16xi32>
          %parallel_loop3A_760 = arith.addi %parallel_loop3A_751, %parallel_loop3A_759 : vector<16xi32>
          %parallel_loop3A_761 = arith.constant 15 : i32
          %parallel_loop3A_762 = vector.broadcast %parallel_loop3A_761 : i32 to vector<16xi32>
          %parallel_loop3A_763 = arith.andi %parallel_loop3A_760, %parallel_loop3A_762 : vector<16xi32>
          %parallel_loop3A_764 = arith.addi %parallel_loop3A_584, %parallel_loop3A_763 : vector<16xi32>
          %parallel_loop3A_765 = tpu.memref_slice %arg5[%parallel_loop3A_595] : memref<1216xf32, #tpu.memory_space<vmem>> -> memref<1168xf32, #tpu.memory_space<vmem>>
          %parallel_loop3A_766 = tpu.vector_load_idx %parallel_loop3A_765[%parallel_loop3A_764] : memref<1168xf32, #tpu.memory_space<vmem>>[vector<16xi32>], vector<16xf32>,
          %parallel_loop3A_767 = arith.constant 224 : index
          %parallel_loop3A_768 = tpu.vector_load %arg7[%parallel_loop3A_767] {strides = array<i32>} : memref<256xi32, #tpu.memory_space<vmem>>, vector<16xi32>,
          %parallel_loop3A_769 = tpu.memref_slice %arg9[%parallel_loop3A_593] : memref<16384xf32, #tpu.memory_space<vmem>> -> memref<9104xf32, #tpu.memory_space<vmem>>
          tpu.vector_store_idx %parallel_loop3A_769[%parallel_loop3A_768], %parallel_loop3A_766 : memref<9104xf32, #tpu.memory_space<vmem>>[vector<16xi32>], vector<16xf32>,
          %parallel_loop3A_770 = arith.constant 1 : i32
          %parallel_loop3A_771 = vector.broadcast %parallel_loop3A_770 : i32 to vector<16xi32>
          %parallel_loop3A_772 = arith.addi %parallel_loop3A_763, %parallel_loop3A_771 : vector<16xi32>
          %parallel_loop3A_773 = arith.constant 15 : i32
          %parallel_loop3A_774 = vector.broadcast %parallel_loop3A_773 : i32 to vector<16xi32>
          %parallel_loop3A_775 = arith.andi %parallel_loop3A_772, %parallel_loop3A_774 : vector<16xi32>
          %parallel_loop3A_776 = arith.addi %parallel_loop3A_584, %parallel_loop3A_775 : vector<16xi32>
          %parallel_loop3A_777 = tpu.memref_slice %arg5[%parallel_loop3A_595] : memref<1216xf32, #tpu.memory_space<vmem>> -> memref<1168xf32, #tpu.memory_space<vmem>>
          %parallel_loop3A_778 = tpu.vector_load_idx %parallel_loop3A_777[%parallel_loop3A_776] : memref<1168xf32, #tpu.memory_space<vmem>>[vector<16xi32>], vector<16xf32>,
          %parallel_loop3A_779 = arith.constant 240 : index
          %parallel_loop3A_780 = tpu.vector_load %arg7[%parallel_loop3A_779] {strides = array<i32>} : memref<256xi32, #tpu.memory_space<vmem>>, vector<16xi32>,
          %parallel_loop3A_781 = tpu.memref_slice %arg9[%parallel_loop3A_593] : memref<16384xf32, #tpu.memory_space<vmem>> -> memref<9104xf32, #tpu.memory_space<vmem>>
          tpu.vector_store_idx %parallel_loop3A_781[%parallel_loop3A_780], %parallel_loop3A_778 : memref<9104xf32, #tpu.memory_space<vmem>>[vector<16xi32>], vector<16xf32>,
          %parallel_loop3A_782 = arith.constant 1 : i32
          %parallel_loop3A_783 = vector.broadcast %parallel_loop3A_782 : i32 to vector<16xi32>
          %parallel_loop3A_784 = arith.addi %parallel_loop3A_775, %parallel_loop3A_783 : vector<16xi32>
          %parallel_loop3A_785 = arith.constant 15 : i32
          %parallel_loop3A_786 = vector.broadcast %parallel_loop3A_785 : i32 to vector<16xi32>
          %parallel_loop3A_787 = arith.andi %parallel_loop3A_784, %parallel_loop3A_786 : vector<16xi32>
        } {sc.loop_unroll_factor = 2 : i64, sc.parallel_access}
        %dma_start3A_570 = arith.constant 0 : i32
        %dma_start3A_571 = tpu.memref_slice %arg4[%while3A_528, %dma_start3A_570] : memref<800x16384xf32, #tpu.memory_space<hbm>> -> memref<1x16384xf32, #tpu.memory_space<hbm>>
        %dma_start3A_572 = tpu.memref_squeeze %dma_start3A_571 : memref<1x16384xf32, #tpu.memory_space<hbm>> -> memref<16384xf32, #tpu.memory_space<hbm>>
        %dma_start3A_573 = arith.constant 0 : i32
        %dma_start3A_574 = tpu.memref_slice %arg4[%while3A_528, %dma_start3A_573] : memref<800x16384xf32, #tpu.memory_space<hbm>> -> memref<1x16384xf32, #tpu.memory_space<hbm>>
        %dma_start3A_575 = tpu.memref_squeeze %dma_start3A_574 : memref<1x16384xf32, #tpu.memory_space<hbm>> -> memref<16384xf32, #tpu.memory_space<hbm>>
        tpu.enqueue_dma source(%arg9 : memref<16384xf32, #tpu.memory_space<vmem>>) target(%dma_start3A_575 : memref<16384xf32, #tpu.memory_space<hbm>>) target_semaphore(%arg11 : memref<!tpu.dma_semaphore, #tpu.memory_space<semaphore_mem>>)
      } else {
      }
    }
    %while3A_514 = arith.constant 1 : i32
    scf.for %while3A_528 = %while3A_512 to %while3A_508 step %while3A_514  : i32 {
      %shift_right_arithmetic3A_529 = arith.constant 2 : i32
      %shift_right_arithmetic3A_530 = arith.shrsi %while3A_528, %shift_right_arithmetic3A_529 : i32
      %and3A_531 = arith.constant 3 : i32
      %and3A_532 = arith.andi %while3A_528, %and3A_531 : i32
      %and3A_533 = arith.constant 1 : i32
      %and3A_534 = arith.andi %shift_right_arithmetic3A_530, %and3A_533 : i32
      %eq3A = arith.constant 0 : i32
      %eq3A_535 = arith.cmpi eq, %and3A_532, %eq3A : i32
      %eq3A_536 = arith.cmpi eq, %while3A_528, %mul3A_351 : i32
      %or3A = arith.ori %eq3A_535, %eq3A_536 : i1
      %convert_element_type3A = arith.extui %or3A : i1 to i32
      %cond3A = arith.constant 0 : i32
      %cond3A_537 = arith.cmpi ne, %convert_element_type3A, %cond3A : i32
      scf.if %cond3A_537 {
        %dma_wait3A_563 = arith.constant 0 : i32
        %dma_wait3A_564 = arith.constant 0 : i32
        %dma_wait3A_565 = arith.constant 0 : i32
        %dma_wait3A_566 = arith.constant 0 : i32
        %dma_wait3A_567 = tpu.memref_slice %arg6[%and3A_534, %dma_wait3A_566] : memref<2x1024xi32, #tpu.memory_space<vmem>> -> memref<1x128xi32, #tpu.memory_space<vmem>>
        %dma_wait3A_568 = tpu.memref_squeeze %dma_wait3A_567 : memref<1x128xi32, #tpu.memory_space<vmem>> -> memref<128xi32, #tpu.memory_space<vmem>>
        %dma_wait3A_569 = arith.constant 0 : i32
        %dma_wait3A_570 = tpu.memref_slice %arg3[%dma_wait3A_563, %dma_wait3A_564, %dma_wait3A_565, %dma_wait3A_569] : memref<25x8x8x128xi32, #tpu.memory_space<hbm>> -> memref<1x1x1x128xi32, #tpu.memory_space<hbm>>
        %dma_wait3A_571 = tpu.memref_squeeze %dma_wait3A_570 : memref<1x1x1x128xi32, #tpu.memory_space<hbm>> -> memref<128xi32, #tpu.memory_space<hbm>>
        %dma_wait3A_572 = arith.constant 0 : i32
        %dma_wait3A_573 = tpu.memref_slice %arg6[%and3A_534, %dma_wait3A_572] : memref<2x1024xi32, #tpu.memory_space<vmem>> -> memref<1x128xi32, #tpu.memory_space<vmem>>
        %dma_wait3A_574 = tpu.memref_squeeze %dma_wait3A_573 : memref<1x128xi32, #tpu.memory_space<vmem>> -> memref<128xi32, #tpu.memory_space<vmem>>
        %dma_wait3A_575 = arith.constant 0 : i32
        %dma_wait3A_576 = tpu.memref_slice %arg3[%dma_wait3A_563, %dma_wait3A_564, %dma_wait3A_565, %dma_wait3A_575] : memref<25x8x8x128xi32, #tpu.memory_space<hbm>> -> memref<1x1x1x128xi32, #tpu.memory_space<hbm>>
        %dma_wait3A_577 = tpu.memref_squeeze %dma_wait3A_576 : memref<1x1x1x128xi32, #tpu.memory_space<hbm>> -> memref<128xi32, #tpu.memory_space<hbm>>
        tpu.wait_dma2 semaphore(%arg12 : memref<!tpu.dma_semaphore, #tpu.memory_space<semaphore_mem>>) src(%dma_wait3A_577 : memref<128xi32, #tpu.memory_space<hbm>>) dst(%dma_wait3A_574 : memref<128xi32, #tpu.memory_space<vmem>>)
        %dma_wait3A_578 = arith.constant 0 : i32
        %dma_wait3A_579 = arith.constant 0 : i32
        %dma_wait3A_580 = arith.constant 0 : i32
        %dma_wait3A_581 = arith.constant 128 : i32
        %dma_wait3A_582 = tpu.memref_slice %arg6[%and3A_534, %dma_wait3A_581] : memref<2x1024xi32, #tpu.memory_space<vmem>> -> memref<1x128xi32, #tpu.memory_space<vmem>>
        %dma_wait3A_583 = tpu.memref_squeeze %dma_wait3A_582 : memref<1x128xi32, #tpu.memory_space<vmem>> -> memref<128xi32, #tpu.memory_space<vmem>>
        %dma_wait3A_584 = arith.constant 0 : i32
        %dma_wait3A_585 = tpu.memref_slice %arg3[%dma_wait3A_578, %dma_wait3A_579, %dma_wait3A_580, %dma_wait3A_584] : memref<25x8x8x128xi32, #tpu.memory_space<hbm>> -> memref<1x1x1x128xi32, #tpu.memory_space<hbm>>
        %dma_wait3A_586 = tpu.memref_squeeze %dma_wait3A_585 : memref<1x1x1x128xi32, #tpu.memory_space<hbm>> -> memref<128xi32, #tpu.memory_space<hbm>>
        %dma_wait3A_587 = arith.constant 128 : i32
        %dma_wait3A_588 = tpu.memref_slice %arg6[%and3A_534, %dma_wait3A_587] : memref<2x1024xi32, #tpu.memory_space<vmem>> -> memref<1x128xi32, #tpu.memory_space<vmem>>
        %dma_wait3A_589 = tpu.memref_squeeze %dma_wait3A_588 : memref<1x128xi32, #tpu.memory_space<vmem>> -> memref<128xi32, #tpu.memory_space<vmem>>
        %dma_wait3A_590 = arith.constant 0 : i32
        %dma_wait3A_591 = tpu.memref_slice %arg3[%dma_wait3A_578, %dma_wait3A_579, %dma_wait3A_580, %dma_wait3A_590] : memref<25x8x8x128xi32, #tpu.memory_space<hbm>> -> memref<1x1x1x128xi32, #tpu.memory_space<hbm>>
        %dma_wait3A_592 = tpu.memref_squeeze %dma_wait3A_591 : memref<1x1x1x128xi32, #tpu.memory_space<hbm>> -> memref<128xi32, #tpu.memory_space<hbm>>
        tpu.wait_dma2 semaphore(%arg12 : memref<!tpu.dma_semaphore, #tpu.memory_space<semaphore_mem>>) src(%dma_wait3A_592 : memref<128xi32, #tpu.memory_space<hbm>>) dst(%dma_wait3A_589 : memref<128xi32, #tpu.memory_space<vmem>>)
        %dma_wait3A_593 = arith.constant 0 : i32
        %dma_wait3A_594 = arith.constant 0 : i32
        %dma_wait3A_595 = arith.constant 0 : i32
        %dma_wait3A_596 = arith.constant 256 : i32
        %dma_wait3A_597 = tpu.memref_slice %arg6[%and3A_534, %dma_wait3A_596] : memref<2x1024xi32, #tpu.memory_space<vmem>> -> memref<1x128xi32, #tpu.memory_space<vmem>>
        %dma_wait3A_598 = tpu.memref_squeeze %dma_wait3A_597 : memref<1x128xi32, #tpu.memory_space<vmem>> -> memref<128xi32, #tpu.memory_space<vmem>>
        %dma_wait3A_599 = arith.constant 0 : i32
        %dma_wait3A_600 = tpu.memref_slice %arg3[%dma_wait3A_593, %dma_wait3A_594, %dma_wait3A_595, %dma_wait3A_599] : memref<25x8x8x128xi32, #tpu.memory_space<hbm>> -> memref<1x1x1x128xi32, #tpu.memory_space<hbm>>
        %dma_wait3A_601 = tpu.memref_squeeze %dma_wait3A_600 : memref<1x1x1x128xi32, #tpu.memory_space<hbm>> -> memref<128xi32, #tpu.memory_space<hbm>>
        %dma_wait3A_602 = arith.constant 256 : i32
        %dma_wait3A_603 = tpu.memref_slice %arg6[%and3A_534, %dma_wait3A_602] : memref<2x1024xi32, #tpu.memory_space<vmem>> -> memref<1x128xi32, #tpu.memory_space<vmem>>
        %dma_wait3A_604 = tpu.memref_squeeze %dma_wait3A_603 : memref<1x128xi32, #tpu.memory_space<vmem>> -> memref<128xi32, #tpu.memory_space<vmem>>
        %dma_wait3A_605 = arith.constant 0 : i32
        %dma_wait3A_606 = tpu.memref_slice %arg3[%dma_wait3A_593, %dma_wait3A_594, %dma_wait3A_595, %dma_wait3A_605] : memref<25x8x8x128xi32, #tpu.memory_space<hbm>> -> memref<1x1x1x128xi32, #tpu.memory_space<hbm>>
        %dma_wait3A_607 = tpu.memref_squeeze %dma_wait3A_606 : memref<1x1x1x128xi32, #tpu.memory_space<hbm>> -> memref<128xi32, #tpu.memory_space<hbm>>
        tpu.wait_dma2 semaphore(%arg12 : memref<!tpu.dma_semaphore, #tpu.memory_space<semaphore_mem>>) src(%dma_wait3A_607 : memref<128xi32, #tpu.memory_space<hbm>>) dst(%dma_wait3A_604 : memref<128xi32, #tpu.memory_space<vmem>>)
        %dma_wait3A_608 = arith.constant 0 : i32
        %dma_wait3A_609 = arith.constant 0 : i32
        %dma_wait3A_610 = arith.constant 0 : i32
        %dma_wait3A_611 = arith.constant 384 : i32
        %dma_wait3A_612 = tpu.memref_slice %arg6[%and3A_534, %dma_wait3A_611] : memref<2x1024xi32, #tpu.memory_space<vmem>> -> memref<1x128xi32, #tpu.memory_space<vmem>>
        %dma_wait3A_613 = tpu.memref_squeeze %dma_wait3A_612 : memref<1x128xi32, #tpu.memory_space<vmem>> -> memref<128xi32, #tpu.memory_space<vmem>>
        %dma_wait3A_614 = arith.constant 0 : i32
        %dma_wait3A_615 = tpu.memref_slice %arg3[%dma_wait3A_608, %dma_wait3A_609, %dma_wait3A_610, %dma_wait3A_614] : memref<25x8x8x128xi32, #tpu.memory_space<hbm>> -> memref<1x1x1x128xi32, #tpu.memory_space<hbm>>
        %dma_wait3A_616 = tpu.memref_squeeze %dma_wait3A_615 : memref<1x1x1x128xi32, #tpu.memory_space<hbm>> -> memref<128xi32, #tpu.memory_space<hbm>>
        %dma_wait3A_617 = arith.constant 384 : i32
        %dma_wait3A_618 = tpu.memref_slice %arg6[%and3A_534, %dma_wait3A_617] : memref<2x1024xi32, #tpu.memory_space<vmem>> -> memref<1x128xi32, #tpu.memory_space<vmem>>
        %dma_wait3A_619 = tpu.memref_squeeze %dma_wait3A_618 : memref<1x128xi32, #tpu.memory_space<vmem>> -> memref<128xi32, #tpu.memory_space<vmem>>
        %dma_wait3A_620 = arith.constant 0 : i32
        %dma_wait3A_621 = tpu.memref_slice %arg3[%dma_wait3A_608, %dma_wait3A_609, %dma_wait3A_610, %dma_wait3A_620] : memref<25x8x8x128xi32, #tpu.memory_space<hbm>> -> memref<1x1x1x128xi32, #tpu.memory_space<hbm>>
        %dma_wait3A_622 = tpu.memref_squeeze %dma_wait3A_621 : memref<1x1x1x128xi32, #tpu.memory_space<hbm>> -> memref<128xi32, #tpu.memory_space<hbm>>
        tpu.wait_dma2 semaphore(%arg12 : memref<!tpu.dma_semaphore, #tpu.memory_space<semaphore_mem>>) src(%dma_wait3A_622 : memref<128xi32, #tpu.memory_space<hbm>>) dst(%dma_wait3A_619 : memref<128xi32, #tpu.memory_space<vmem>>)
        %dma_wait3A_623 = arith.constant 0 : i32
        %dma_wait3A_624 = arith.constant 0 : i32
        %dma_wait3A_625 = arith.constant 0 : i32
        %dma_wait3A_626 = arith.constant 512 : i32
        %dma_wait3A_627 = tpu.memref_slice %arg6[%and3A_534, %dma_wait3A_626] : memref<2x1024xi32, #tpu.memory_space<vmem>> -> memref<1x128xi32, #tpu.memory_space<vmem>>
        %dma_wait3A_628 = tpu.memref_squeeze %dma_wait3A_627 : memref<1x128xi32, #tpu.memory_space<vmem>> -> memref<128xi32, #tpu.memory_space<vmem>>
        %dma_wait3A_629 = arith.constant 0 : i32
        %dma_wait3A_630 = tpu.memref_slice %arg3[%dma_wait3A_623, %dma_wait3A_624, %dma_wait3A_625, %dma_wait3A_629] : memref<25x8x8x128xi32, #tpu.memory_space<hbm>> -> memref<1x1x1x128xi32, #tpu.memory_space<hbm>>
        %dma_wait3A_631 = tpu.memref_squeeze %dma_wait3A_630 : memref<1x1x1x128xi32, #tpu.memory_space<hbm>> -> memref<128xi32, #tpu.memory_space<hbm>>
        %dma_wait3A_632 = arith.constant 512 : i32
        %dma_wait3A_633 = tpu.memref_slice %arg6[%and3A_534, %dma_wait3A_632] : memref<2x1024xi32, #tpu.memory_space<vmem>> -> memref<1x128xi32, #tpu.memory_space<vmem>>
        %dma_wait3A_634 = tpu.memref_squeeze %dma_wait3A_633 : memref<1x128xi32, #tpu.memory_space<vmem>> -> memref<128xi32, #tpu.memory_space<vmem>>
        %dma_wait3A_635 = arith.constant 0 : i32
        %dma_wait3A_636 = tpu.memref_slice %arg3[%dma_wait3A_623, %dma_wait3A_624, %dma_wait3A_625, %dma_wait3A_635] : memref<25x8x8x128xi32, #tpu.memory_space<hbm>> -> memref<1x1x1x128xi32, #tpu.memory_space<hbm>>
        %dma_wait3A_637 = tpu.memref_squeeze %dma_wait3A_636 : memref<1x1x1x128xi32, #tpu.memory_space<hbm>> -> memref<128xi32, #tpu.memory_space<hbm>>
        tpu.wait_dma2 semaphore(%arg12 : memref<!tpu.dma_semaphore, #tpu.memory_space<semaphore_mem>>) src(%dma_wait3A_637 : memref<128xi32, #tpu.memory_space<hbm>>) dst(%dma_wait3A_634 : memref<128xi32, #tpu.memory_space<vmem>>)
        %dma_wait3A_638 = arith.constant 0 : i32
        %dma_wait3A_639 = arith.constant 0 : i32
        %dma_wait3A_640 = arith.constant 0 : i32
        %dma_wait3A_641 = arith.constant 640 : i32
        %dma_wait3A_642 = tpu.memref_slice %arg6[%and3A_534, %dma_wait3A_641] : memref<2x1024xi32, #tpu.memory_space<vmem>> -> memref<1x128xi32, #tpu.memory_space<vmem>>
        %dma_wait3A_643 = tpu.memref_squeeze %dma_wait3A_642 : memref<1x128xi32, #tpu.memory_space<vmem>> -> memref<128xi32, #tpu.memory_space<vmem>>
        %dma_wait3A_644 = arith.constant 0 : i32
        %dma_wait3A_645 = tpu.memref_slice %arg3[%dma_wait3A_638, %dma_wait3A_639, %dma_wait3A_640, %dma_wait3A_644] : memref<25x8x8x128xi32, #tpu.memory_space<hbm>> -> memref<1x1x1x128xi32, #tpu.memory_space<hbm>>
        %dma_wait3A_646 = tpu.memref_squeeze %dma_wait3A_645 : memref<1x1x1x128xi32, #tpu.memory_space<hbm>> -> memref<128xi32, #tpu.memory_space<hbm>>
        %dma_wait3A_647 = arith.constant 640 : i32
        %dma_wait3A_648 = tpu.memref_slice %arg6[%and3A_534, %dma_wait3A_647] : memref<2x1024xi32, #tpu.memory_space<vmem>> -> memref<1x128xi32, #tpu.memory_space<vmem>>
        %dma_wait3A_649 = tpu.memref_squeeze %dma_wait3A_648 : memref<1x128xi32, #tpu.memory_space<vmem>> -> memref<128xi32, #tpu.memory_space<vmem>>
        %dma_wait3A_650 = arith.constant 0 : i32
        %dma_wait3A_651 = tpu.memref_slice %arg3[%dma_wait3A_638, %dma_wait3A_639, %dma_wait3A_640, %dma_wait3A_650] : memref<25x8x8x128xi32, #tpu.memory_space<hbm>> -> memref<1x1x1x128xi32, #tpu.memory_space<hbm>>
        %dma_wait3A_652 = tpu.memref_squeeze %dma_wait3A_651 : memref<1x1x1x128xi32, #tpu.memory_space<hbm>> -> memref<128xi32, #tpu.memory_space<hbm>>
        tpu.wait_dma2 semaphore(%arg12 : memref<!tpu.dma_semaphore, #tpu.memory_space<semaphore_mem>>) src(%dma_wait3A_652 : memref<128xi32, #tpu.memory_space<hbm>>) dst(%dma_wait3A_649 : memref<128xi32, #tpu.memory_space<vmem>>)
        %dma_wait3A_653 = arith.constant 0 : i32
        %dma_wait3A_654 = arith.constant 0 : i32
        %dma_wait3A_655 = arith.constant 0 : i32
        %dma_wait3A_656 = arith.constant 768 : i32
        %dma_wait3A_657 = tpu.memref_slice %arg6[%and3A_534, %dma_wait3A_656] : memref<2x1024xi32, #tpu.memory_space<vmem>> -> memref<1x128xi32, #tpu.memory_space<vmem>>
        %dma_wait3A_658 = tpu.memref_squeeze %dma_wait3A_657 : memref<1x128xi32, #tpu.memory_space<vmem>> -> memref<128xi32, #tpu.memory_space<vmem>>
        %dma_wait3A_659 = arith.constant 0 : i32
        %dma_wait3A_660 = tpu.memref_slice %arg3[%dma_wait3A_653, %dma_wait3A_654, %dma_wait3A_655, %dma_wait3A_659] : memref<25x8x8x128xi32, #tpu.memory_space<hbm>> -> memref<1x1x1x128xi32, #tpu.memory_space<hbm>>
        %dma_wait3A_661 = tpu.memref_squeeze %dma_wait3A_660 : memref<1x1x1x128xi32, #tpu.memory_space<hbm>> -> memref<128xi32, #tpu.memory_space<hbm>>
        %dma_wait3A_662 = arith.constant 768 : i32
        %dma_wait3A_663 = tpu.memref_slice %arg6[%and3A_534, %dma_wait3A_662] : memref<2x1024xi32, #tpu.memory_space<vmem>> -> memref<1x128xi32, #tpu.memory_space<vmem>>
        %dma_wait3A_664 = tpu.memref_squeeze %dma_wait3A_663 : memref<1x128xi32, #tpu.memory_space<vmem>> -> memref<128xi32, #tpu.memory_space<vmem>>
        %dma_wait3A_665 = arith.constant 0 : i32
        %dma_wait3A_666 = tpu.memref_slice %arg3[%dma_wait3A_653, %dma_wait3A_654, %dma_wait3A_655, %dma_wait3A_665] : memref<25x8x8x128xi32, #tpu.memory_space<hbm>> -> memref<1x1x1x128xi32, #tpu.memory_space<hbm>>
        %dma_wait3A_667 = tpu.memref_squeeze %dma_wait3A_666 : memref<1x1x1x128xi32, #tpu.memory_space<hbm>> -> memref<128xi32, #tpu.memory_space<hbm>>
        tpu.wait_dma2 semaphore(%arg12 : memref<!tpu.dma_semaphore, #tpu.memory_space<semaphore_mem>>) src(%dma_wait3A_667 : memref<128xi32, #tpu.memory_space<hbm>>) dst(%dma_wait3A_664 : memref<128xi32, #tpu.memory_space<vmem>>)
        %dma_wait3A_668 = arith.constant 0 : i32
        %dma_wait3A_669 = arith.constant 0 : i32
        %dma_wait3A_670 = arith.constant 0 : i32
        %dma_wait3A_671 = arith.constant 896 : i32
        %dma_wait3A_672 = tpu.memref_slice %arg6[%and3A_534, %dma_wait3A_671] : memref<2x1024xi32, #tpu.memory_space<vmem>> -> memref<1x128xi32, #tpu.memory_space<vmem>>
        %dma_wait3A_673 = tpu.memref_squeeze %dma_wait3A_672 : memref<1x128xi32, #tpu.memory_space<vmem>> -> memref<128xi32, #tpu.memory_space<vmem>>
        %dma_wait3A_674 = arith.constant 0 : i32
        %dma_wait3A_675 = tpu.memref_slice %arg3[%dma_wait3A_668, %dma_wait3A_669, %dma_wait3A_670, %dma_wait3A_674] : memref<25x8x8x128xi32, #tpu.memory_space<hbm>> -> memref<1x1x1x128xi32, #tpu.memory_space<hbm>>
        %dma_wait3A_676 = tpu.memref_squeeze %dma_wait3A_675 : memref<1x1x1x128xi32, #tpu.memory_space<hbm>> -> memref<128xi32, #tpu.memory_space<hbm>>
        %dma_wait3A_677 = arith.constant 896 : i32
        %dma_wait3A_678 = tpu.memref_slice %arg6[%and3A_534, %dma_wait3A_677] : memref<2x1024xi32, #tpu.memory_space<vmem>> -> memref<1x128xi32, #tpu.memory_space<vmem>>
        %dma_wait3A_679 = tpu.memref_squeeze %dma_wait3A_678 : memref<1x128xi32, #tpu.memory_space<vmem>> -> memref<128xi32, #tpu.memory_space<vmem>>
        %dma_wait3A_680 = arith.constant 0 : i32
        %dma_wait3A_681 = tpu.memref_slice %arg3[%dma_wait3A_668, %dma_wait3A_669, %dma_wait3A_670, %dma_wait3A_680] : memref<25x8x8x128xi32, #tpu.memory_space<hbm>> -> memref<1x1x1x128xi32, #tpu.memory_space<hbm>>
        %dma_wait3A_682 = tpu.memref_squeeze %dma_wait3A_681 : memref<1x1x1x128xi32, #tpu.memory_space<hbm>> -> memref<128xi32, #tpu.memory_space<hbm>>
        tpu.wait_dma2 semaphore(%arg12 : memref<!tpu.dma_semaphore, #tpu.memory_space<semaphore_mem>>) src(%dma_wait3A_682 : memref<128xi32, #tpu.memory_space<hbm>>) dst(%dma_wait3A_679 : memref<128xi32, #tpu.memory_space<vmem>>)
      } else {
      }
      %eq3A_538 = arith.constant 3 : i32
      %eq3A_539 = arith.cmpi eq, %and3A_532, %eq3A_538 : i32
      %sub3A = arith.constant 1 : i32
      %sub3A_540 = arith.subi %add3A_353, %sub3A : i32
      %eq3A_541 = arith.cmpi eq, %while3A_528, %sub3A_540 : i32
      %or3A_542 = arith.ori %eq3A_539, %eq3A_541 : i1
      %add3A_543 = arith.constant 1 : i32
      %add3A_544 = arith.addi %while3A_528, %add3A_543 : i32
      %lt3A = arith.cmpi slt, %add3A_544, %add3A_353 : i32
      %and3A_545 = arith.andi %or3A_542, %lt3A : i1
      %convert_element_type3A_546 = arith.extui %and3A_545 : i1 to i32
      %cond3A_547 = arith.constant 0 : i32
      %cond3A_548 = arith.cmpi ne, %convert_element_type3A_546, %cond3A_547 : i32
      scf.if %cond3A_548 {
        %add3A_563 = arith.constant 1 : i32
        %add3A_564 = arith.addi %shift_right_arithmetic3A_530, %add3A_563 : i32
        %shift_right_arithmetic3A_565 = arith.constant 3 : i32
        %shift_right_arithmetic3A_566 = arith.shrsi %add3A_564, %shift_right_arithmetic3A_565 : i32
        %and3A_567 = arith.constant 7 : i32
        %and3A_568 = arith.andi %add3A_564, %and3A_567 : i32
        %sub3A_569 = arith.constant 1 : i32
        %sub3A_570 = arith.subi %sub3A_569, %and3A_534 : i32
        %dma_start3A_571 = arith.constant 0 : i32
        %dma_start3A_572 = arith.constant 0 : i32
        %dma_start3A_573 = tpu.memref_slice %arg6[%sub3A_570, %dma_start3A_572] : memref<2x1024xi32, #tpu.memory_space<vmem>> -> memref<1x128xi32, #tpu.memory_space<vmem>>
        %dma_start3A_574 = tpu.memref_squeeze %dma_start3A_573 : memref<1x128xi32, #tpu.memory_space<vmem>> -> memref<128xi32, #tpu.memory_space<vmem>>
        %dma_start3A_575 = arith.constant 0 : i32
        %dma_start3A_576 = tpu.memref_slice %arg3[%shift_right_arithmetic3A_566, %dma_start3A_571, %and3A_568, %dma_start3A_575] : memref<25x8x8x128xi32, #tpu.memory_space<hbm>> -> memref<1x1x1x128xi32, #tpu.memory_space<hbm>>
        %dma_start3A_577 = tpu.memref_squeeze %dma_start3A_576 : memref<1x1x1x128xi32, #tpu.memory_space<hbm>> -> memref<128xi32, #tpu.memory_space<hbm>>
        %dma_start3A_578 = arith.constant 0 : i32
        %dma_start3A_579 = tpu.memref_slice %arg6[%sub3A_570, %dma_start3A_578] : memref<2x1024xi32, #tpu.memory_space<vmem>> -> memref<1x128xi32, #tpu.memory_space<vmem>>
        %dma_start3A_580 = tpu.memref_squeeze %dma_start3A_579 : memref<1x128xi32, #tpu.memory_space<vmem>> -> memref<128xi32, #tpu.memory_space<vmem>>
        %dma_start3A_581 = arith.constant 0 : i32
        %dma_start3A_582 = tpu.memref_slice %arg3[%shift_right_arithmetic3A_566, %dma_start3A_571, %and3A_568, %dma_start3A_581] : memref<25x8x8x128xi32, #tpu.memory_space<hbm>> -> memref<1x1x1x128xi32, #tpu.memory_space<hbm>>
        %dma_start3A_583 = tpu.memref_squeeze %dma_start3A_582 : memref<1x1x1x128xi32, #tpu.memory_space<hbm>> -> memref<128xi32, #tpu.memory_space<hbm>>
        tpu.enqueue_dma source(%dma_start3A_583 : memref<128xi32, #tpu.memory_space<hbm>>) target(%dma_start3A_580 : memref<128xi32, #tpu.memory_space<vmem>>) target_semaphore(%arg12 : memref<!tpu.dma_semaphore, #tpu.memory_space<semaphore_mem>>)
        %shift_right_arithmetic3A_584 = arith.constant 3 : i32
        %shift_right_arithmetic3A_585 = arith.shrsi %add3A_564, %shift_right_arithmetic3A_584 : i32
        %and3A_586 = arith.constant 7 : i32
        %and3A_587 = arith.andi %add3A_564, %and3A_586 : i32
        %sub3A_588 = arith.constant 1 : i32
        %sub3A_589 = arith.subi %sub3A_588, %and3A_534 : i32
        %dma_start3A_590 = arith.constant 1 : i32
        %dma_start3A_591 = arith.constant 128 : i32
        %dma_start3A_592 = tpu.memref_slice %arg6[%sub3A_589, %dma_start3A_591] : memref<2x1024xi32, #tpu.memory_space<vmem>> -> memref<1x128xi32, #tpu.memory_space<vmem>>
        %dma_start3A_593 = tpu.memref_squeeze %dma_start3A_592 : memref<1x128xi32, #tpu.memory_space<vmem>> -> memref<128xi32, #tpu.memory_space<vmem>>
        %dma_start3A_594 = arith.constant 0 : i32
        %dma_start3A_595 = tpu.memref_slice %arg3[%shift_right_arithmetic3A_585, %dma_start3A_590, %and3A_587, %dma_start3A_594] : memref<25x8x8x128xi32, #tpu.memory_space<hbm>> -> memref<1x1x1x128xi32, #tpu.memory_space<hbm>>
        %dma_start3A_596 = tpu.memref_squeeze %dma_start3A_595 : memref<1x1x1x128xi32, #tpu.memory_space<hbm>> -> memref<128xi32, #tpu.memory_space<hbm>>
        %dma_start3A_597 = arith.constant 128 : i32
        %dma_start3A_598 = tpu.memref_slice %arg6[%sub3A_589, %dma_start3A_597] : memref<2x1024xi32, #tpu.memory_space<vmem>> -> memref<1x128xi32, #tpu.memory_space<vmem>>
        %dma_start3A_599 = tpu.memref_squeeze %dma_start3A_598 : memref<1x128xi32, #tpu.memory_space<vmem>> -> memref<128xi32, #tpu.memory_space<vmem>>
        %dma_start3A_600 = arith.constant 0 : i32
        %dma_start3A_601 = tpu.memref_slice %arg3[%shift_right_arithmetic3A_585, %dma_start3A_590, %and3A_587, %dma_start3A_600] : memref<25x8x8x128xi32, #tpu.memory_space<hbm>> -> memref<1x1x1x128xi32, #tpu.memory_space<hbm>>
        %dma_start3A_602 = tpu.memref_squeeze %dma_start3A_601 : memref<1x1x1x128xi32, #tpu.memory_space<hbm>> -> memref<128xi32, #tpu.memory_space<hbm>>
        tpu.enqueue_dma source(%dma_start3A_602 : memref<128xi32, #tpu.memory_space<hbm>>) target(%dma_start3A_599 : memref<128xi32, #tpu.memory_space<vmem>>) target_semaphore(%arg12 : memref<!tpu.dma_semaphore, #tpu.memory_space<semaphore_mem>>)
        %shift_right_arithmetic3A_603 = arith.constant 3 : i32
        %shift_right_arithmetic3A_604 = arith.shrsi %add3A_564, %shift_right_arithmetic3A_603 : i32
        %and3A_605 = arith.constant 7 : i32
        %and3A_606 = arith.andi %add3A_564, %and3A_605 : i32
        %sub3A_607 = arith.constant 1 : i32
        %sub3A_608 = arith.subi %sub3A_607, %and3A_534 : i32
        %dma_start3A_609 = arith.constant 2 : i32
        %dma_start3A_610 = arith.constant 256 : i32
        %dma_start3A_611 = tpu.memref_slice %arg6[%sub3A_608, %dma_start3A_610] : memref<2x1024xi32, #tpu.memory_space<vmem>> -> memref<1x128xi32, #tpu.memory_space<vmem>>
        %dma_start3A_612 = tpu.memref_squeeze %dma_start3A_611 : memref<1x128xi32, #tpu.memory_space<vmem>> -> memref<128xi32, #tpu.memory_space<vmem>>
        %dma_start3A_613 = arith.constant 0 : i32
        %dma_start3A_614 = tpu.memref_slice %arg3[%shift_right_arithmetic3A_604, %dma_start3A_609, %and3A_606, %dma_start3A_613] : memref<25x8x8x128xi32, #tpu.memory_space<hbm>> -> memref<1x1x1x128xi32, #tpu.memory_space<hbm>>
        %dma_start3A_615 = tpu.memref_squeeze %dma_start3A_614 : memref<1x1x1x128xi32, #tpu.memory_space<hbm>> -> memref<128xi32, #tpu.memory_space<hbm>>
        %dma_start3A_616 = arith.constant 256 : i32
        %dma_start3A_617 = tpu.memref_slice %arg6[%sub3A_608, %dma_start3A_616] : memref<2x1024xi32, #tpu.memory_space<vmem>> -> memref<1x128xi32, #tpu.memory_space<vmem>>
        %dma_start3A_618 = tpu.memref_squeeze %dma_start3A_617 : memref<1x128xi32, #tpu.memory_space<vmem>> -> memref<128xi32, #tpu.memory_space<vmem>>
        %dma_start3A_619 = arith.constant 0 : i32
        %dma_start3A_620 = tpu.memref_slice %arg3[%shift_right_arithmetic3A_604, %dma_start3A_609, %and3A_606, %dma_start3A_619] : memref<25x8x8x128xi32, #tpu.memory_space<hbm>> -> memref<1x1x1x128xi32, #tpu.memory_space<hbm>>
        %dma_start3A_621 = tpu.memref_squeeze %dma_start3A_620 : memref<1x1x1x128xi32, #tpu.memory_space<hbm>> -> memref<128xi32, #tpu.memory_space<hbm>>
        tpu.enqueue_dma source(%dma_start3A_621 : memref<128xi32, #tpu.memory_space<hbm>>) target(%dma_start3A_618 : memref<128xi32, #tpu.memory_space<vmem>>) target_semaphore(%arg12 : memref<!tpu.dma_semaphore, #tpu.memory_space<semaphore_mem>>)
        %shift_right_arithmetic3A_622 = arith.constant 3 : i32
        %shift_right_arithmetic3A_623 = arith.shrsi %add3A_564, %shift_right_arithmetic3A_622 : i32
        %and3A_624 = arith.constant 7 : i32
        %and3A_625 = arith.andi %add3A_564, %and3A_624 : i32
        %sub3A_626 = arith.constant 1 : i32
        %sub3A_627 = arith.subi %sub3A_626, %and3A_534 : i32
        %dma_start3A_628 = arith.constant 3 : i32
        %dma_start3A_629 = arith.constant 384 : i32
        %dma_start3A_630 = tpu.memref_slice %arg6[%sub3A_627, %dma_start3A_629] : memref<2x1024xi32, #tpu.memory_space<vmem>> -> memref<1x128xi32, #tpu.memory_space<vmem>>
        %dma_start3A_631 = tpu.memref_squeeze %dma_start3A_630 : memref<1x128xi32, #tpu.memory_space<vmem>> -> memref<128xi32, #tpu.memory_space<vmem>>
        %dma_start3A_632 = arith.constant 0 : i32
        %dma_start3A_633 = tpu.memref_slice %arg3[%shift_right_arithmetic3A_623, %dma_start3A_628, %and3A_625, %dma_start3A_632] : memref<25x8x8x128xi32, #tpu.memory_space<hbm>> -> memref<1x1x1x128xi32, #tpu.memory_space<hbm>>
        %dma_start3A_634 = tpu.memref_squeeze %dma_start3A_633 : memref<1x1x1x128xi32, #tpu.memory_space<hbm>> -> memref<128xi32, #tpu.memory_space<hbm>>
        %dma_start3A_635 = arith.constant 384 : i32
        %dma_start3A_636 = tpu.memref_slice %arg6[%sub3A_627, %dma_start3A_635] : memref<2x1024xi32, #tpu.memory_space<vmem>> -> memref<1x128xi32, #tpu.memory_space<vmem>>
        %dma_start3A_637 = tpu.memref_squeeze %dma_start3A_636 : memref<1x128xi32, #tpu.memory_space<vmem>> -> memref<128xi32, #tpu.memory_space<vmem>>
        %dma_start3A_638 = arith.constant 0 : i32
        %dma_start3A_639 = tpu.memref_slice %arg3[%shift_right_arithmetic3A_623, %dma_start3A_628, %and3A_625, %dma_start3A_638] : memref<25x8x8x128xi32, #tpu.memory_space<hbm>> -> memref<1x1x1x128xi32, #tpu.memory_space<hbm>>
        %dma_start3A_640 = tpu.memref_squeeze %dma_start3A_639 : memref<1x1x1x128xi32, #tpu.memory_space<hbm>> -> memref<128xi32, #tpu.memory_space<hbm>>
        tpu.enqueue_dma source(%dma_start3A_640 : memref<128xi32, #tpu.memory_space<hbm>>) target(%dma_start3A_637 : memref<128xi32, #tpu.memory_space<vmem>>) target_semaphore(%arg12 : memref<!tpu.dma_semaphore, #tpu.memory_space<semaphore_mem>>)
        %shift_right_arithmetic3A_641 = arith.constant 3 : i32
        %shift_right_arithmetic3A_642 = arith.shrsi %add3A_564, %shift_right_arithmetic3A_641 : i32
        %and3A_643 = arith.constant 7 : i32
        %and3A_644 = arith.andi %add3A_564, %and3A_643 : i32
        %sub3A_645 = arith.constant 1 : i32
        %sub3A_646 = arith.subi %sub3A_645, %and3A_534 : i32
        %dma_start3A_647 = arith.constant 4 : i32
        %dma_start3A_648 = arith.constant 512 : i32
        %dma_start3A_649 = tpu.memref_slice %arg6[%sub3A_646, %dma_start3A_648] : memref<2x1024xi32, #tpu.memory_space<vmem>> -> memref<1x128xi32, #tpu.memory_space<vmem>>
        %dma_start3A_650 = tpu.memref_squeeze %dma_start3A_649 : memref<1x128xi32, #tpu.memory_space<vmem>> -> memref<128xi32, #tpu.memory_space<vmem>>
        %dma_start3A_651 = arith.constant 0 : i32
        %dma_start3A_652 = tpu.memref_slice %arg3[%shift_right_arithmetic3A_642, %dma_start3A_647, %and3A_644, %dma_start3A_651] : memref<25x8x8x128xi32, #tpu.memory_space<hbm>> -> memref<1x1x1x128xi32, #tpu.memory_space<hbm>>
        %dma_start3A_653 = tpu.memref_squeeze %dma_start3A_652 : memref<1x1x1x128xi32, #tpu.memory_space<hbm>> -> memref<128xi32, #tpu.memory_space<hbm>>
        %dma_start3A_654 = arith.constant 512 : i32
        %dma_start3A_655 = tpu.memref_slice %arg6[%sub3A_646, %dma_start3A_654] : memref<2x1024xi32, #tpu.memory_space<vmem>> -> memref<1x128xi32, #tpu.memory_space<vmem>>
        %dma_start3A_656 = tpu.memref_squeeze %dma_start3A_655 : memref<1x128xi32, #tpu.memory_space<vmem>> -> memref<128xi32, #tpu.memory_space<vmem>>
        %dma_start3A_657 = arith.constant 0 : i32
        %dma_start3A_658 = tpu.memref_slice %arg3[%shift_right_arithmetic3A_642, %dma_start3A_647, %and3A_644, %dma_start3A_657] : memref<25x8x8x128xi32, #tpu.memory_space<hbm>> -> memref<1x1x1x128xi32, #tpu.memory_space<hbm>>
        %dma_start3A_659 = tpu.memref_squeeze %dma_start3A_658 : memref<1x1x1x128xi32, #tpu.memory_space<hbm>> -> memref<128xi32, #tpu.memory_space<hbm>>
        tpu.enqueue_dma source(%dma_start3A_659 : memref<128xi32, #tpu.memory_space<hbm>>) target(%dma_start3A_656 : memref<128xi32, #tpu.memory_space<vmem>>) target_semaphore(%arg12 : memref<!tpu.dma_semaphore, #tpu.memory_space<semaphore_mem>>)
        %shift_right_arithmetic3A_660 = arith.constant 3 : i32
        %shift_right_arithmetic3A_661 = arith.shrsi %add3A_564, %shift_right_arithmetic3A_660 : i32
        %and3A_662 = arith.constant 7 : i32
        %and3A_663 = arith.andi %add3A_564, %and3A_662 : i32
        %sub3A_664 = arith.constant 1 : i32
        %sub3A_665 = arith.subi %sub3A_664, %and3A_534 : i32
        %dma_start3A_666 = arith.constant 5 : i32
        %dma_start3A_667 = arith.constant 640 : i32
        %dma_start3A_668 = tpu.memref_slice %arg6[%sub3A_665, %dma_start3A_667] : memref<2x1024xi32, #tpu.memory_space<vmem>> -> memref<1x128xi32, #tpu.memory_space<vmem>>
        %dma_start3A_669 = tpu.memref_squeeze %dma_start3A_668 : memref<1x128xi32, #tpu.memory_space<vmem>> -> memref<128xi32, #tpu.memory_space<vmem>>
        %dma_start3A_670 = arith.constant 0 : i32
        %dma_start3A_671 = tpu.memref_slice %arg3[%shift_right_arithmetic3A_661, %dma_start3A_666, %and3A_663, %dma_start3A_670] : memref<25x8x8x128xi32, #tpu.memory_space<hbm>> -> memref<1x1x1x128xi32, #tpu.memory_space<hbm>>
        %dma_start3A_672 = tpu.memref_squeeze %dma_start3A_671 : memref<1x1x1x128xi32, #tpu.memory_space<hbm>> -> memref<128xi32, #tpu.memory_space<hbm>>
        %dma_start3A_673 = arith.constant 640 : i32
        %dma_start3A_674 = tpu.memref_slice %arg6[%sub3A_665, %dma_start3A_673] : memref<2x1024xi32, #tpu.memory_space<vmem>> -> memref<1x128xi32, #tpu.memory_space<vmem>>
        %dma_start3A_675 = tpu.memref_squeeze %dma_start3A_674 : memref<1x128xi32, #tpu.memory_space<vmem>> -> memref<128xi32, #tpu.memory_space<vmem>>
        %dma_start3A_676 = arith.constant 0 : i32
        %dma_start3A_677 = tpu.memref_slice %arg3[%shift_right_arithmetic3A_661, %dma_start3A_666, %and3A_663, %dma_start3A_676] : memref<25x8x8x128xi32, #tpu.memory_space<hbm>> -> memref<1x1x1x128xi32, #tpu.memory_space<hbm>>
        %dma_start3A_678 = tpu.memref_squeeze %dma_start3A_677 : memref<1x1x1x128xi32, #tpu.memory_space<hbm>> -> memref<128xi32, #tpu.memory_space<hbm>>
        tpu.enqueue_dma source(%dma_start3A_678 : memref<128xi32, #tpu.memory_space<hbm>>) target(%dma_start3A_675 : memref<128xi32, #tpu.memory_space<vmem>>) target_semaphore(%arg12 : memref<!tpu.dma_semaphore, #tpu.memory_space<semaphore_mem>>)
        %shift_right_arithmetic3A_679 = arith.constant 3 : i32
        %shift_right_arithmetic3A_680 = arith.shrsi %add3A_564, %shift_right_arithmetic3A_679 : i32
        %and3A_681 = arith.constant 7 : i32
        %and3A_682 = arith.andi %add3A_564, %and3A_681 : i32
        %sub3A_683 = arith.constant 1 : i32
        %sub3A_684 = arith.subi %sub3A_683, %and3A_534 : i32
        %dma_start3A_685 = arith.constant 6 : i32
        %dma_start3A_686 = arith.constant 768 : i32
        %dma_start3A_687 = tpu.memref_slice %arg6[%sub3A_684, %dma_start3A_686] : memref<2x1024xi32, #tpu.memory_space<vmem>> -> memref<1x128xi32, #tpu.memory_space<vmem>>
        %dma_start3A_688 = tpu.memref_squeeze %dma_start3A_687 : memref<1x128xi32, #tpu.memory_space<vmem>> -> memref<128xi32, #tpu.memory_space<vmem>>
        %dma_start3A_689 = arith.constant 0 : i32
        %dma_start3A_690 = tpu.memref_slice %arg3[%shift_right_arithmetic3A_680, %dma_start3A_685, %and3A_682, %dma_start3A_689] : memref<25x8x8x128xi32, #tpu.memory_space<hbm>> -> memref<1x1x1x128xi32, #tpu.memory_space<hbm>>
        %dma_start3A_691 = tpu.memref_squeeze %dma_start3A_690 : memref<1x1x1x128xi32, #tpu.memory_space<hbm>> -> memref<128xi32, #tpu.memory_space<hbm>>
        %dma_start3A_692 = arith.constant 768 : i32
        %dma_start3A_693 = tpu.memref_slice %arg6[%sub3A_684, %dma_start3A_692] : memref<2x1024xi32, #tpu.memory_space<vmem>> -> memref<1x128xi32, #tpu.memory_space<vmem>>
        %dma_start3A_694 = tpu.memref_squeeze %dma_start3A_693 : memref<1x128xi32, #tpu.memory_space<vmem>> -> memref<128xi32, #tpu.memory_space<vmem>>
        %dma_start3A_695 = arith.constant 0 : i32
        %dma_start3A_696 = tpu.memref_slice %arg3[%shift_right_arithmetic3A_680, %dma_start3A_685, %and3A_682, %dma_start3A_695] : memref<25x8x8x128xi32, #tpu.memory_space<hbm>> -> memref<1x1x1x128xi32, #tpu.memory_space<hbm>>
        %dma_start3A_697 = tpu.memref_squeeze %dma_start3A_696 : memref<1x1x1x128xi32, #tpu.memory_space<hbm>> -> memref<128xi32, #tpu.memory_space<hbm>>
        tpu.enqueue_dma source(%dma_start3A_697 : memref<128xi32, #tpu.memory_space<hbm>>) target(%dma_start3A_694 : memref<128xi32, #tpu.memory_space<vmem>>) target_semaphore(%arg12 : memref<!tpu.dma_semaphore, #tpu.memory_space<semaphore_mem>>)
        %shift_right_arithmetic3A_698 = arith.constant 3 : i32
        %shift_right_arithmetic3A_699 = arith.shrsi %add3A_564, %shift_right_arithmetic3A_698 : i32
        %and3A_700 = arith.constant 7 : i32
        %and3A_701 = arith.andi %add3A_564, %and3A_700 : i32
        %sub3A_702 = arith.constant 1 : i32
        %sub3A_703 = arith.subi %sub3A_702, %and3A_534 : i32
        %dma_start3A_704 = arith.constant 7 : i32
        %dma_start3A_705 = arith.constant 896 : i32
        %dma_start3A_706 = tpu.memref_slice %arg6[%sub3A_703, %dma_start3A_705] : memref<2x1024xi32, #tpu.memory_space<vmem>> -> memref<1x128xi32, #tpu.memory_space<vmem>>
        %dma_start3A_707 = tpu.memref_squeeze %dma_start3A_706 : memref<1x128xi32, #tpu.memory_space<vmem>> -> memref<128xi32, #tpu.memory_space<vmem>>
        %dma_start3A_708 = arith.constant 0 : i32
        %dma_start3A_709 = tpu.memref_slice %arg3[%shift_right_arithmetic3A_699, %dma_start3A_704, %and3A_701, %dma_start3A_708] : memref<25x8x8x128xi32, #tpu.memory_space<hbm>> -> memref<1x1x1x128xi32, #tpu.memory_space<hbm>>
        %dma_start3A_710 = tpu.memref_squeeze %dma_start3A_709 : memref<1x1x1x128xi32, #tpu.memory_space<hbm>> -> memref<128xi32, #tpu.memory_space<hbm>>
        %dma_start3A_711 = arith.constant 896 : i32
        %dma_start3A_712 = tpu.memref_slice %arg6[%sub3A_703, %dma_start3A_711] : memref<2x1024xi32, #tpu.memory_space<vmem>> -> memref<1x128xi32, #tpu.memory_space<vmem>>
        %dma_start3A_713 = tpu.memref_squeeze %dma_start3A_712 : memref<1x128xi32, #tpu.memory_space<vmem>> -> memref<128xi32, #tpu.memory_space<vmem>>
        %dma_start3A_714 = arith.constant 0 : i32
        %dma_start3A_715 = tpu.memref_slice %arg3[%shift_right_arithmetic3A_699, %dma_start3A_704, %and3A_701, %dma_start3A_714] : memref<25x8x8x128xi32, #tpu.memory_space<hbm>> -> memref<1x1x1x128xi32, #tpu.memory_space<hbm>>
        %dma_start3A_716 = tpu.memref_squeeze %dma_start3A_715 : memref<1x1x1x128xi32, #tpu.memory_space<hbm>> -> memref<128xi32, #tpu.memory_space<hbm>>
        tpu.enqueue_dma source(%dma_start3A_716 : memref<128xi32, #tpu.memory_space<hbm>>) target(%dma_start3A_713 : memref<128xi32, #tpu.memory_space<vmem>>) target_semaphore(%arg12 : memref<!tpu.dma_semaphore, #tpu.memory_space<semaphore_mem>>)
      } else {
      }
      %and3A_549 = arith.constant 1 : i32
      %and3A_550 = arith.andi %while3A_528, %and3A_549 : i32
      %eq3A_551 = arith.constant 0 : i32
      %eq3A_552 = arith.cmpi eq, %and3A_550, %eq3A_551 : i32
      %convert_element_type3A_553 = arith.extui %eq3A_552 : i1 to i32
      %cond3A_554 = arith.constant 0 : i32
      %cond3A_555 = arith.cmpi ne, %convert_element_type3A_553, %cond3A_554 : i32
      scf.if %cond3A_555 {
        %add3A_563 = arith.constant 2 : i32
        %add3A_564 = arith.addi %mul3A_351, %add3A_563 : i32
        %ge3A = arith.cmpi sge, %while3A_528, %add3A_564 : i32
        %convert_element_type3A_565 = arith.extui %ge3A : i1 to i32
        %cond3A_566 = arith.constant 0 : i32
        %cond3A_567 = arith.cmpi ne, %convert_element_type3A_565, %cond3A_566 : i32
        scf.if %cond3A_567 {
          %dma_wait3A_576 = arith.constant 0 : i32
          %dma_wait3A_577 = arith.constant 0 : i32
          %dma_wait3A_578 = tpu.memref_slice %arg4[%dma_wait3A_576, %dma_wait3A_577] : memref<800x16384xf32, #tpu.memory_space<hbm>> -> memref<1x16384xf32, #tpu.memory_space<hbm>>
          %dma_wait3A_579 = tpu.memref_squeeze %dma_wait3A_578 : memref<1x16384xf32, #tpu.memory_space<hbm>> -> memref<16384xf32, #tpu.memory_space<hbm>>
          %dma_wait3A_580 = arith.constant 0 : i32
          %dma_wait3A_581 = tpu.memref_slice %arg4[%dma_wait3A_576, %dma_wait3A_580] : memref<800x16384xf32, #tpu.memory_space<hbm>> -> memref<1x16384xf32, #tpu.memory_space<hbm>>
          %dma_wait3A_582 = tpu.memref_squeeze %dma_wait3A_581 : memref<1x16384xf32, #tpu.memory_space<hbm>> -> memref<16384xf32, #tpu.memory_space<hbm>>
          tpu.wait_dma2 semaphore(%arg10 : memref<!tpu.dma_semaphore, #tpu.memory_space<semaphore_mem>>) src(%dma_wait3A_582 : memref<16384xf32, #tpu.memory_space<hbm>>) dst(%arg8 : memref<16384xf32, #tpu.memory_space<vmem>>)
        } else {
        }
        %parallel_loop3A = arith.constant 0 : i32
        %parallel_loop3A_568 = arith.constant 64 : i32
        %parallel_loop3A_569 = arith.constant 1 : i32
        scf.for %parallel_loop3A_576 = %parallel_loop3A to %parallel_loop3A_568 step %parallel_loop3A_569  : i32 {
          %parallel_loop3A_577 = arith.constant 16 : i32
          %parallel_loop3A_578 = arith.muli %parallel_loop3A_576, %parallel_loop3A_577 : i32
          %parallel_loop3A_579 = arith.index_cast %and3A_534 : i32 to index
          %parallel_loop3A_580 = arith.index_cast %parallel_loop3A_578 : i32 to index
          %parallel_loop3A_581 = tpu.vector_load %arg6[%parallel_loop3A_579, %parallel_loop3A_580] {strides = array<i32>} : memref<2x1024xi32, #tpu.memory_space<vmem>>, vector<16xi32>,
          %parallel_loop3A_582 = arith.constant 64 : i32
          %parallel_loop3A_583 = vector.broadcast %parallel_loop3A_582 : i32 to vector<16xi32>
          %parallel_loop3A_584 = arith.muli %parallel_loop3A_581, %parallel_loop3A_583 : vector<16xi32>
          %parallel_loop3A_585 = arith.constant 3 : i32
          %parallel_loop3A_586 = arith.shrsi %parallel_loop3A_576, %parallel_loop3A_585 : i32
          %parallel_loop3A_587 = arith.constant 1024 : i32
          %parallel_loop3A_588 = arith.muli %parallel_loop3A_586, %parallel_loop3A_587 : i32
          %parallel_loop3A_589 = arith.constant 7 : i32
          %parallel_loop3A_590 = arith.andi %parallel_loop3A_576, %parallel_loop3A_589 : i32
          %parallel_loop3A_591 = arith.constant 16 : i32
          %parallel_loop3A_592 = arith.muli %parallel_loop3A_590, %parallel_loop3A_591 : i32
          %parallel_loop3A_593 = arith.addi %parallel_loop3A_588, %parallel_loop3A_592 : i32
          %parallel_loop3A_594 = arith.constant 16 : i32
          %parallel_loop3A_595 = arith.muli %and3A_532, %parallel_loop3A_594 : i32
          %parallel_loop3A_596 = arith.addi %parallel_loop3A_584, %iota3A : vector<16xi32>
          %parallel_loop3A_597 = tpu.memref_slice %arg5[%parallel_loop3A_595] : memref<1216xf32, #tpu.memory_space<vmem>> -> memref<1168xf32, #tpu.memory_space<vmem>>
          %parallel_loop3A_598 = tpu.vector_load_idx %parallel_loop3A_597[%parallel_loop3A_596] : memref<1168xf32, #tpu.memory_space<vmem>>[vector<16xi32>], vector<16xf32>,
          %parallel_loop3A_599 = arith.constant 0 : index
          %parallel_loop3A_600 = tpu.vector_load %arg7[%parallel_loop3A_599] {strides = array<i32>} : memref<256xi32, #tpu.memory_space<vmem>>, vector<16xi32>,
          %parallel_loop3A_601 = tpu.memref_slice %arg8[%parallel_loop3A_593] : memref<16384xf32, #tpu.memory_space<vmem>> -> memref<9104xf32, #tpu.memory_space<vmem>>
          tpu.vector_store_idx %parallel_loop3A_601[%parallel_loop3A_600], %parallel_loop3A_598 : memref<9104xf32, #tpu.memory_space<vmem>>[vector<16xi32>], vector<16xf32>,
          %parallel_loop3A_602 = arith.constant 1 : i32
          %parallel_loop3A_603 = vector.broadcast %parallel_loop3A_602 : i32 to vector<16xi32>
          %parallel_loop3A_604 = arith.addi %iota3A, %parallel_loop3A_603 : vector<16xi32>
          %parallel_loop3A_605 = arith.constant 15 : i32
          %parallel_loop3A_606 = vector.broadcast %parallel_loop3A_605 : i32 to vector<16xi32>
          %parallel_loop3A_607 = arith.andi %parallel_loop3A_604, %parallel_loop3A_606 : vector<16xi32>
          %parallel_loop3A_608 = arith.addi %parallel_loop3A_584, %parallel_loop3A_607 : vector<16xi32>
          %parallel_loop3A_609 = tpu.memref_slice %arg5[%parallel_loop3A_595] : memref<1216xf32, #tpu.memory_space<vmem>> -> memref<1168xf32, #tpu.memory_space<vmem>>
          %parallel_loop3A_610 = tpu.vector_load_idx %parallel_loop3A_609[%parallel_loop3A_608] : memref<1168xf32, #tpu.memory_space<vmem>>[vector<16xi32>], vector<16xf32>,
          %parallel_loop3A_611 = arith.constant 16 : index
          %parallel_loop3A_612 = tpu.vector_load %arg7[%parallel_loop3A_611] {strides = array<i32>} : memref<256xi32, #tpu.memory_space<vmem>>, vector<16xi32>,
          %parallel_loop3A_613 = tpu.memref_slice %arg8[%parallel_loop3A_593] : memref<16384xf32, #tpu.memory_space<vmem>> -> memref<9104xf32, #tpu.memory_space<vmem>>
          tpu.vector_store_idx %parallel_loop3A_613[%parallel_loop3A_612], %parallel_loop3A_610 : memref<9104xf32, #tpu.memory_space<vmem>>[vector<16xi32>], vector<16xf32>,
          %parallel_loop3A_614 = arith.constant 1 : i32
          %parallel_loop3A_615 = vector.broadcast %parallel_loop3A_614 : i32 to vector<16xi32>
          %parallel_loop3A_616 = arith.addi %parallel_loop3A_607, %parallel_loop3A_615 : vector<16xi32>
          %parallel_loop3A_617 = arith.constant 15 : i32
          %parallel_loop3A_618 = vector.broadcast %parallel_loop3A_617 : i32 to vector<16xi32>
          %parallel_loop3A_619 = arith.andi %parallel_loop3A_616, %parallel_loop3A_618 : vector<16xi32>
          %parallel_loop3A_620 = arith.addi %parallel_loop3A_584, %parallel_loop3A_619 : vector<16xi32>
          %parallel_loop3A_621 = tpu.memref_slice %arg5[%parallel_loop3A_595] : memref<1216xf32, #tpu.memory_space<vmem>> -> memref<1168xf32, #tpu.memory_space<vmem>>
          %parallel_loop3A_622 = tpu.vector_load_idx %parallel_loop3A_621[%parallel_loop3A_620] : memref<1168xf32, #tpu.memory_space<vmem>>[vector<16xi32>], vector<16xf32>,
          %parallel_loop3A_623 = arith.constant 32 : index
          %parallel_loop3A_624 = tpu.vector_load %arg7[%parallel_loop3A_623] {strides = array<i32>} : memref<256xi32, #tpu.memory_space<vmem>>, vector<16xi32>,
          %parallel_loop3A_625 = tpu.memref_slice %arg8[%parallel_loop3A_593] : memref<16384xf32, #tpu.memory_space<vmem>> -> memref<9104xf32, #tpu.memory_space<vmem>>
          tpu.vector_store_idx %parallel_loop3A_625[%parallel_loop3A_624], %parallel_loop3A_622 : memref<9104xf32, #tpu.memory_space<vmem>>[vector<16xi32>], vector<16xf32>,
          %parallel_loop3A_626 = arith.constant 1 : i32
          %parallel_loop3A_627 = vector.broadcast %parallel_loop3A_626 : i32 to vector<16xi32>
          %parallel_loop3A_628 = arith.addi %parallel_loop3A_619, %parallel_loop3A_627 : vector<16xi32>
          %parallel_loop3A_629 = arith.constant 15 : i32
          %parallel_loop3A_630 = vector.broadcast %parallel_loop3A_629 : i32 to vector<16xi32>
          %parallel_loop3A_631 = arith.andi %parallel_loop3A_628, %parallel_loop3A_630 : vector<16xi32>
          %parallel_loop3A_632 = arith.addi %parallel_loop3A_584, %parallel_loop3A_631 : vector<16xi32>
          %parallel_loop3A_633 = tpu.memref_slice %arg5[%parallel_loop3A_595] : memref<1216xf32, #tpu.memory_space<vmem>> -> memref<1168xf32, #tpu.memory_space<vmem>>
          %parallel_loop3A_634 = tpu.vector_load_idx %parallel_loop3A_633[%parallel_loop3A_632] : memref<1168xf32, #tpu.memory_space<vmem>>[vector<16xi32>], vector<16xf32>,
          %parallel_loop3A_635 = arith.constant 48 : index
          %parallel_loop3A_636 = tpu.vector_load %arg7[%parallel_loop3A_635] {strides = array<i32>} : memref<256xi32, #tpu.memory_space<vmem>>, vector<16xi32>,
          %parallel_loop3A_637 = tpu.memref_slice %arg8[%parallel_loop3A_593] : memref<16384xf32, #tpu.memory_space<vmem>> -> memref<9104xf32, #tpu.memory_space<vmem>>
          tpu.vector_store_idx %parallel_loop3A_637[%parallel_loop3A_636], %parallel_loop3A_634 : memref<9104xf32, #tpu.memory_space<vmem>>[vector<16xi32>], vector<16xf32>,
          %parallel_loop3A_638 = arith.constant 1 : i32
          %parallel_loop3A_639 = vector.broadcast %parallel_loop3A_638 : i32 to vector<16xi32>
          %parallel_loop3A_640 = arith.addi %parallel_loop3A_631, %parallel_loop3A_639 : vector<16xi32>
          %parallel_loop3A_641 = arith.constant 15 : i32
          %parallel_loop3A_642 = vector.broadcast %parallel_loop3A_641 : i32 to vector<16xi32>
          %parallel_loop3A_643 = arith.andi %parallel_loop3A_640, %parallel_loop3A_642 : vector<16xi32>
          %parallel_loop3A_644 = arith.addi %parallel_loop3A_584, %parallel_loop3A_643 : vector<16xi32>
          %parallel_loop3A_645 = tpu.memref_slice %arg5[%parallel_loop3A_595] : memref<1216xf32, #tpu.memory_space<vmem>> -> memref<1168xf32, #tpu.memory_space<vmem>>
          %parallel_loop3A_646 = tpu.vector_load_idx %parallel_loop3A_645[%parallel_loop3A_644] : memref<1168xf32, #tpu.memory_space<vmem>>[vector<16xi32>], vector<16xf32>,
          %parallel_loop3A_647 = arith.constant 64 : index
          %parallel_loop3A_648 = tpu.vector_load %arg7[%parallel_loop3A_647] {strides = array<i32>} : memref<256xi32, #tpu.memory_space<vmem>>, vector<16xi32>,
          %parallel_loop3A_649 = tpu.memref_slice %arg8[%parallel_loop3A_593] : memref<16384xf32, #tpu.memory_space<vmem>> -> memref<9104xf32, #tpu.memory_space<vmem>>
          tpu.vector_store_idx %parallel_loop3A_649[%parallel_loop3A_648], %parallel_loop3A_646 : memref<9104xf32, #tpu.memory_space<vmem>>[vector<16xi32>], vector<16xf32>,
          %parallel_loop3A_650 = arith.constant 1 : i32
          %parallel_loop3A_651 = vector.broadcast %parallel_loop3A_650 : i32 to vector<16xi32>
          %parallel_loop3A_652 = arith.addi %parallel_loop3A_643, %parallel_loop3A_651 : vector<16xi32>
          %parallel_loop3A_653 = arith.constant 15 : i32
          %parallel_loop3A_654 = vector.broadcast %parallel_loop3A_653 : i32 to vector<16xi32>
          %parallel_loop3A_655 = arith.andi %parallel_loop3A_652, %parallel_loop3A_654 : vector<16xi32>
          %parallel_loop3A_656 = arith.addi %parallel_loop3A_584, %parallel_loop3A_655 : vector<16xi32>
          %parallel_loop3A_657 = tpu.memref_slice %arg5[%parallel_loop3A_595] : memref<1216xf32, #tpu.memory_space<vmem>> -> memref<1168xf32, #tpu.memory_space<vmem>>
          %parallel_loop3A_658 = tpu.vector_load_idx %parallel_loop3A_657[%parallel_loop3A_656] : memref<1168xf32, #tpu.memory_space<vmem>>[vector<16xi32>], vector<16xf32>,
          %parallel_loop3A_659 = arith.constant 80 : index
          %parallel_loop3A_660 = tpu.vector_load %arg7[%parallel_loop3A_659] {strides = array<i32>} : memref<256xi32, #tpu.memory_space<vmem>>, vector<16xi32>,
          %parallel_loop3A_661 = tpu.memref_slice %arg8[%parallel_loop3A_593] : memref<16384xf32, #tpu.memory_space<vmem>> -> memref<9104xf32, #tpu.memory_space<vmem>>
          tpu.vector_store_idx %parallel_loop3A_661[%parallel_loop3A_660], %parallel_loop3A_658 : memref<9104xf32, #tpu.memory_space<vmem>>[vector<16xi32>], vector<16xf32>,
          %parallel_loop3A_662 = arith.constant 1 : i32
          %parallel_loop3A_663 = vector.broadcast %parallel_loop3A_662 : i32 to vector<16xi32>
          %parallel_loop3A_664 = arith.addi %parallel_loop3A_655, %parallel_loop3A_663 : vector<16xi32>
          %parallel_loop3A_665 = arith.constant 15 : i32
          %parallel_loop3A_666 = vector.broadcast %parallel_loop3A_665 : i32 to vector<16xi32>
          %parallel_loop3A_667 = arith.andi %parallel_loop3A_664, %parallel_loop3A_666 : vector<16xi32>
          %parallel_loop3A_668 = arith.addi %parallel_loop3A_584, %parallel_loop3A_667 : vector<16xi32>
          %parallel_loop3A_669 = tpu.memref_slice %arg5[%parallel_loop3A_595] : memref<1216xf32, #tpu.memory_space<vmem>> -> memref<1168xf32, #tpu.memory_space<vmem>>
          %parallel_loop3A_670 = tpu.vector_load_idx %parallel_loop3A_669[%parallel_loop3A_668] : memref<1168xf32, #tpu.memory_space<vmem>>[vector<16xi32>], vector<16xf32>,
          %parallel_loop3A_671 = arith.constant 96 : index
          %parallel_loop3A_672 = tpu.vector_load %arg7[%parallel_loop3A_671] {strides = array<i32>} : memref<256xi32, #tpu.memory_space<vmem>>, vector<16xi32>,
          %parallel_loop3A_673 = tpu.memref_slice %arg8[%parallel_loop3A_593] : memref<16384xf32, #tpu.memory_space<vmem>> -> memref<9104xf32, #tpu.memory_space<vmem>>
          tpu.vector_store_idx %parallel_loop3A_673[%parallel_loop3A_672], %parallel_loop3A_670 : memref<9104xf32, #tpu.memory_space<vmem>>[vector<16xi32>], vector<16xf32>,
          %parallel_loop3A_674 = arith.constant 1 : i32
          %parallel_loop3A_675 = vector.broadcast %parallel_loop3A_674 : i32 to vector<16xi32>
          %parallel_loop3A_676 = arith.addi %parallel_loop3A_667, %parallel_loop3A_675 : vector<16xi32>
          %parallel_loop3A_677 = arith.constant 15 : i32
          %parallel_loop3A_678 = vector.broadcast %parallel_loop3A_677 : i32 to vector<16xi32>
          %parallel_loop3A_679 = arith.andi %parallel_loop3A_676, %parallel_loop3A_678 : vector<16xi32>
          %parallel_loop3A_680 = arith.addi %parallel_loop3A_584, %parallel_loop3A_679 : vector<16xi32>
          %parallel_loop3A_681 = tpu.memref_slice %arg5[%parallel_loop3A_595] : memref<1216xf32, #tpu.memory_space<vmem>> -> memref<1168xf32, #tpu.memory_space<vmem>>
          %parallel_loop3A_682 = tpu.vector_load_idx %parallel_loop3A_681[%parallel_loop3A_680] : memref<1168xf32, #tpu.memory_space<vmem>>[vector<16xi32>], vector<16xf32>,
          %parallel_loop3A_683 = arith.constant 112 : index
          %parallel_loop3A_684 = tpu.vector_load %arg7[%parallel_loop3A_683] {strides = array<i32>} : memref<256xi32, #tpu.memory_space<vmem>>, vector<16xi32>,
          %parallel_loop3A_685 = tpu.memref_slice %arg8[%parallel_loop3A_593] : memref<16384xf32, #tpu.memory_space<vmem>> -> memref<9104xf32, #tpu.memory_space<vmem>>
          tpu.vector_store_idx %parallel_loop3A_685[%parallel_loop3A_684], %parallel_loop3A_682 : memref<9104xf32, #tpu.memory_space<vmem>>[vector<16xi32>], vector<16xf32>,
          %parallel_loop3A_686 = arith.constant 1 : i32
          %parallel_loop3A_687 = vector.broadcast %parallel_loop3A_686 : i32 to vector<16xi32>
          %parallel_loop3A_688 = arith.addi %parallel_loop3A_679, %parallel_loop3A_687 : vector<16xi32>
          %parallel_loop3A_689 = arith.constant 15 : i32
          %parallel_loop3A_690 = vector.broadcast %parallel_loop3A_689 : i32 to vector<16xi32>
          %parallel_loop3A_691 = arith.andi %parallel_loop3A_688, %parallel_loop3A_690 : vector<16xi32>
          %parallel_loop3A_692 = arith.addi %parallel_loop3A_584, %parallel_loop3A_691 : vector<16xi32>
          %parallel_loop3A_693 = tpu.memref_slice %arg5[%parallel_loop3A_595] : memref<1216xf32, #tpu.memory_space<vmem>> -> memref<1168xf32, #tpu.memory_space<vmem>>
          %parallel_loop3A_694 = tpu.vector_load_idx %parallel_loop3A_693[%parallel_loop3A_692] : memref<1168xf32, #tpu.memory_space<vmem>>[vector<16xi32>], vector<16xf32>,
          %parallel_loop3A_695 = arith.constant 128 : index
          %parallel_loop3A_696 = tpu.vector_load %arg7[%parallel_loop3A_695] {strides = array<i32>} : memref<256xi32, #tpu.memory_space<vmem>>, vector<16xi32>,
          %parallel_loop3A_697 = tpu.memref_slice %arg8[%parallel_loop3A_593] : memref<16384xf32, #tpu.memory_space<vmem>> -> memref<9104xf32, #tpu.memory_space<vmem>>
          tpu.vector_store_idx %parallel_loop3A_697[%parallel_loop3A_696], %parallel_loop3A_694 : memref<9104xf32, #tpu.memory_space<vmem>>[vector<16xi32>], vector<16xf32>,
          %parallel_loop3A_698 = arith.constant 1 : i32
          %parallel_loop3A_699 = vector.broadcast %parallel_loop3A_698 : i32 to vector<16xi32>
          %parallel_loop3A_700 = arith.addi %parallel_loop3A_691, %parallel_loop3A_699 : vector<16xi32>
          %parallel_loop3A_701 = arith.constant 15 : i32
          %parallel_loop3A_702 = vector.broadcast %parallel_loop3A_701 : i32 to vector<16xi32>
          %parallel_loop3A_703 = arith.andi %parallel_loop3A_700, %parallel_loop3A_702 : vector<16xi32>
          %parallel_loop3A_704 = arith.addi %parallel_loop3A_584, %parallel_loop3A_703 : vector<16xi32>
          %parallel_loop3A_705 = tpu.memref_slice %arg5[%parallel_loop3A_595] : memref<1216xf32, #tpu.memory_space<vmem>> -> memref<1168xf32, #tpu.memory_space<vmem>>
          %parallel_loop3A_706 = tpu.vector_load_idx %parallel_loop3A_705[%parallel_loop3A_704] : memref<1168xf32, #tpu.memory_space<vmem>>[vector<16xi32>], vector<16xf32>,
          %parallel_loop3A_707 = arith.constant 144 : index
          %parallel_loop3A_708 = tpu.vector_load %arg7[%parallel_loop3A_707] {strides = array<i32>} : memref<256xi32, #tpu.memory_space<vmem>>, vector<16xi32>,
          %parallel_loop3A_709 = tpu.memref_slice %arg8[%parallel_loop3A_593] : memref<16384xf32, #tpu.memory_space<vmem>> -> memref<9104xf32, #tpu.memory_space<vmem>>
          tpu.vector_store_idx %parallel_loop3A_709[%parallel_loop3A_708], %parallel_loop3A_706 : memref<9104xf32, #tpu.memory_space<vmem>>[vector<16xi32>], vector<16xf32>,
          %parallel_loop3A_710 = arith.constant 1 : i32
          %parallel_loop3A_711 = vector.broadcast %parallel_loop3A_710 : i32 to vector<16xi32>
          %parallel_loop3A_712 = arith.addi %parallel_loop3A_703, %parallel_loop3A_711 : vector<16xi32>
          %parallel_loop3A_713 = arith.constant 15 : i32
          %parallel_loop3A_714 = vector.broadcast %parallel_loop3A_713 : i32 to vector<16xi32>
          %parallel_loop3A_715 = arith.andi %parallel_loop3A_712, %parallel_loop3A_714 : vector<16xi32>
          %parallel_loop3A_716 = arith.addi %parallel_loop3A_584, %parallel_loop3A_715 : vector<16xi32>
          %parallel_loop3A_717 = tpu.memref_slice %arg5[%parallel_loop3A_595] : memref<1216xf32, #tpu.memory_space<vmem>> -> memref<1168xf32, #tpu.memory_space<vmem>>
          %parallel_loop3A_718 = tpu.vector_load_idx %parallel_loop3A_717[%parallel_loop3A_716] : memref<1168xf32, #tpu.memory_space<vmem>>[vector<16xi32>], vector<16xf32>,
          %parallel_loop3A_719 = arith.constant 160 : index
          %parallel_loop3A_720 = tpu.vector_load %arg7[%parallel_loop3A_719] {strides = array<i32>} : memref<256xi32, #tpu.memory_space<vmem>>, vector<16xi32>,
          %parallel_loop3A_721 = tpu.memref_slice %arg8[%parallel_loop3A_593] : memref<16384xf32, #tpu.memory_space<vmem>> -> memref<9104xf32, #tpu.memory_space<vmem>>
          tpu.vector_store_idx %parallel_loop3A_721[%parallel_loop3A_720], %parallel_loop3A_718 : memref<9104xf32, #tpu.memory_space<vmem>>[vector<16xi32>], vector<16xf32>,
          %parallel_loop3A_722 = arith.constant 1 : i32
          %parallel_loop3A_723 = vector.broadcast %parallel_loop3A_722 : i32 to vector<16xi32>
          %parallel_loop3A_724 = arith.addi %parallel_loop3A_715, %parallel_loop3A_723 : vector<16xi32>
          %parallel_loop3A_725 = arith.constant 15 : i32
          %parallel_loop3A_726 = vector.broadcast %parallel_loop3A_725 : i32 to vector<16xi32>
          %parallel_loop3A_727 = arith.andi %parallel_loop3A_724, %parallel_loop3A_726 : vector<16xi32>
          %parallel_loop3A_728 = arith.addi %parallel_loop3A_584, %parallel_loop3A_727 : vector<16xi32>
          %parallel_loop3A_729 = tpu.memref_slice %arg5[%parallel_loop3A_595] : memref<1216xf32, #tpu.memory_space<vmem>> -> memref<1168xf32, #tpu.memory_space<vmem>>
          %parallel_loop3A_730 = tpu.vector_load_idx %parallel_loop3A_729[%parallel_loop3A_728] : memref<1168xf32, #tpu.memory_space<vmem>>[vector<16xi32>], vector<16xf32>,
          %parallel_loop3A_731 = arith.constant 176 : index
          %parallel_loop3A_732 = tpu.vector_load %arg7[%parallel_loop3A_731] {strides = array<i32>} : memref<256xi32, #tpu.memory_space<vmem>>, vector<16xi32>,
          %parallel_loop3A_733 = tpu.memref_slice %arg8[%parallel_loop3A_593] : memref<16384xf32, #tpu.memory_space<vmem>> -> memref<9104xf32, #tpu.memory_space<vmem>>
          tpu.vector_store_idx %parallel_loop3A_733[%parallel_loop3A_732], %parallel_loop3A_730 : memref<9104xf32, #tpu.memory_space<vmem>>[vector<16xi32>], vector<16xf32>,
          %parallel_loop3A_734 = arith.constant 1 : i32
          %parallel_loop3A_735 = vector.broadcast %parallel_loop3A_734 : i32 to vector<16xi32>
          %parallel_loop3A_736 = arith.addi %parallel_loop3A_727, %parallel_loop3A_735 : vector<16xi32>
          %parallel_loop3A_737 = arith.constant 15 : i32
          %parallel_loop3A_738 = vector.broadcast %parallel_loop3A_737 : i32 to vector<16xi32>
          %parallel_loop3A_739 = arith.andi %parallel_loop3A_736, %parallel_loop3A_738 : vector<16xi32>
          %parallel_loop3A_740 = arith.addi %parallel_loop3A_584, %parallel_loop3A_739 : vector<16xi32>
          %parallel_loop3A_741 = tpu.memref_slice %arg5[%parallel_loop3A_595] : memref<1216xf32, #tpu.memory_space<vmem>> -> memref<1168xf32, #tpu.memory_space<vmem>>
          %parallel_loop3A_742 = tpu.vector_load_idx %parallel_loop3A_741[%parallel_loop3A_740] : memref<1168xf32, #tpu.memory_space<vmem>>[vector<16xi32>], vector<16xf32>,
          %parallel_loop3A_743 = arith.constant 192 : index
          %parallel_loop3A_744 = tpu.vector_load %arg7[%parallel_loop3A_743] {strides = array<i32>} : memref<256xi32, #tpu.memory_space<vmem>>, vector<16xi32>,
          %parallel_loop3A_745 = tpu.memref_slice %arg8[%parallel_loop3A_593] : memref<16384xf32, #tpu.memory_space<vmem>> -> memref<9104xf32, #tpu.memory_space<vmem>>
          tpu.vector_store_idx %parallel_loop3A_745[%parallel_loop3A_744], %parallel_loop3A_742 : memref<9104xf32, #tpu.memory_space<vmem>>[vector<16xi32>], vector<16xf32>,
          %parallel_loop3A_746 = arith.constant 1 : i32
          %parallel_loop3A_747 = vector.broadcast %parallel_loop3A_746 : i32 to vector<16xi32>
          %parallel_loop3A_748 = arith.addi %parallel_loop3A_739, %parallel_loop3A_747 : vector<16xi32>
          %parallel_loop3A_749 = arith.constant 15 : i32
          %parallel_loop3A_750 = vector.broadcast %parallel_loop3A_749 : i32 to vector<16xi32>
          %parallel_loop3A_751 = arith.andi %parallel_loop3A_748, %parallel_loop3A_750 : vector<16xi32>
          %parallel_loop3A_752 = arith.addi %parallel_loop3A_584, %parallel_loop3A_751 : vector<16xi32>
          %parallel_loop3A_753 = tpu.memref_slice %arg5[%parallel_loop3A_595] : memref<1216xf32, #tpu.memory_space<vmem>> -> memref<1168xf32, #tpu.memory_space<vmem>>
          %parallel_loop3A_754 = tpu.vector_load_idx %parallel_loop3A_753[%parallel_loop3A_752] : memref<1168xf32, #tpu.memory_space<vmem>>[vector<16xi32>], vector<16xf32>,
          %parallel_loop3A_755 = arith.constant 208 : index
          %parallel_loop3A_756 = tpu.vector_load %arg7[%parallel_loop3A_755] {strides = array<i32>} : memref<256xi32, #tpu.memory_space<vmem>>, vector<16xi32>,
          %parallel_loop3A_757 = tpu.memref_slice %arg8[%parallel_loop3A_593] : memref<16384xf32, #tpu.memory_space<vmem>> -> memref<9104xf32, #tpu.memory_space<vmem>>
          tpu.vector_store_idx %parallel_loop3A_757[%parallel_loop3A_756], %parallel_loop3A_754 : memref<9104xf32, #tpu.memory_space<vmem>>[vector<16xi32>], vector<16xf32>,
          %parallel_loop3A_758 = arith.constant 1 : i32
          %parallel_loop3A_759 = vector.broadcast %parallel_loop3A_758 : i32 to vector<16xi32>
          %parallel_loop3A_760 = arith.addi %parallel_loop3A_751, %parallel_loop3A_759 : vector<16xi32>
          %parallel_loop3A_761 = arith.constant 15 : i32
          %parallel_loop3A_762 = vector.broadcast %parallel_loop3A_761 : i32 to vector<16xi32>
          %parallel_loop3A_763 = arith.andi %parallel_loop3A_760, %parallel_loop3A_762 : vector<16xi32>
          %parallel_loop3A_764 = arith.addi %parallel_loop3A_584, %parallel_loop3A_763 : vector<16xi32>
          %parallel_loop3A_765 = tpu.memref_slice %arg5[%parallel_loop3A_595] : memref<1216xf32, #tpu.memory_space<vmem>> -> memref<1168xf32, #tpu.memory_space<vmem>>
          %parallel_loop3A_766 = tpu.vector_load_idx %parallel_loop3A_765[%parallel_loop3A_764] : memref<1168xf32, #tpu.memory_space<vmem>>[vector<16xi32>], vector<16xf32>,
          %parallel_loop3A_767 = arith.constant 224 : index
          %parallel_loop3A_768 = tpu.vector_load %arg7[%parallel_loop3A_767] {strides = array<i32>} : memref<256xi32, #tpu.memory_space<vmem>>, vector<16xi32>,
          %parallel_loop3A_769 = tpu.memref_slice %arg8[%parallel_loop3A_593] : memref<16384xf32, #tpu.memory_space<vmem>> -> memref<9104xf32, #tpu.memory_space<vmem>>
          tpu.vector_store_idx %parallel_loop3A_769[%parallel_loop3A_768], %parallel_loop3A_766 : memref<9104xf32, #tpu.memory_space<vmem>>[vector<16xi32>], vector<16xf32>,
          %parallel_loop3A_770 = arith.constant 1 : i32
          %parallel_loop3A_771 = vector.broadcast %parallel_loop3A_770 : i32 to vector<16xi32>
          %parallel_loop3A_772 = arith.addi %parallel_loop3A_763, %parallel_loop3A_771 : vector<16xi32>
          %parallel_loop3A_773 = arith.constant 15 : i32
          %parallel_loop3A_774 = vector.broadcast %parallel_loop3A_773 : i32 to vector<16xi32>
          %parallel_loop3A_775 = arith.andi %parallel_loop3A_772, %parallel_loop3A_774 : vector<16xi32>
          %parallel_loop3A_776 = arith.addi %parallel_loop3A_584, %parallel_loop3A_775 : vector<16xi32>
          %parallel_loop3A_777 = tpu.memref_slice %arg5[%parallel_loop3A_595] : memref<1216xf32, #tpu.memory_space<vmem>> -> memref<1168xf32, #tpu.memory_space<vmem>>
          %parallel_loop3A_778 = tpu.vector_load_idx %parallel_loop3A_777[%parallel_loop3A_776] : memref<1168xf32, #tpu.memory_space<vmem>>[vector<16xi32>], vector<16xf32>,
          %parallel_loop3A_779 = arith.constant 240 : index
          %parallel_loop3A_780 = tpu.vector_load %arg7[%parallel_loop3A_779] {strides = array<i32>} : memref<256xi32, #tpu.memory_space<vmem>>, vector<16xi32>,
          %parallel_loop3A_781 = tpu.memref_slice %arg8[%parallel_loop3A_593] : memref<16384xf32, #tpu.memory_space<vmem>> -> memref<9104xf32, #tpu.memory_space<vmem>>
          tpu.vector_store_idx %parallel_loop3A_781[%parallel_loop3A_780], %parallel_loop3A_778 : memref<9104xf32, #tpu.memory_space<vmem>>[vector<16xi32>], vector<16xf32>,
          %parallel_loop3A_782 = arith.constant 1 : i32
          %parallel_loop3A_783 = vector.broadcast %parallel_loop3A_782 : i32 to vector<16xi32>
          %parallel_loop3A_784 = arith.addi %parallel_loop3A_775, %parallel_loop3A_783 : vector<16xi32>
          %parallel_loop3A_785 = arith.constant 15 : i32
          %parallel_loop3A_786 = vector.broadcast %parallel_loop3A_785 : i32 to vector<16xi32>
          %parallel_loop3A_787 = arith.andi %parallel_loop3A_784, %parallel_loop3A_786 : vector<16xi32>
        } {sc.loop_unroll_factor = 2 : i64, sc.parallel_access}
        %dma_start3A_570 = arith.constant 0 : i32
        %dma_start3A_571 = tpu.memref_slice %arg4[%while3A_528, %dma_start3A_570] : memref<800x16384xf32, #tpu.memory_space<hbm>> -> memref<1x16384xf32, #tpu.memory_space<hbm>>
        %dma_start3A_572 = tpu.memref_squeeze %dma_start3A_571 : memref<1x16384xf32, #tpu.memory_space<hbm>> -> memref<16384xf32, #tpu.memory_space<hbm>>
        %dma_start3A_573 = arith.constant 0 : i32
        %dma_start3A_574 = tpu.memref_slice %arg4[%while3A_528, %dma_start3A_573] : memref<800x16384xf32, #tpu.memory_space<hbm>> -> memref<1x16384xf32, #tpu.memory_space<hbm>>
        %dma_start3A_575 = tpu.memref_squeeze %dma_start3A_574 : memref<1x16384xf32, #tpu.memory_space<hbm>> -> memref<16384xf32, #tpu.memory_space<hbm>>
        tpu.enqueue_dma source(%arg8 : memref<16384xf32, #tpu.memory_space<vmem>>) target(%dma_start3A_575 : memref<16384xf32, #tpu.memory_space<hbm>>) target_semaphore(%arg10 : memref<!tpu.dma_semaphore, #tpu.memory_space<semaphore_mem>>)
      } else {
      }
      %and3A_556 = arith.constant 1 : i32
      %and3A_557 = arith.andi %while3A_528, %and3A_556 : i32
      %eq3A_558 = arith.constant 1 : i32
      %eq3A_559 = arith.cmpi eq, %and3A_557, %eq3A_558 : i32
      %convert_element_type3A_560 = arith.extui %eq3A_559 : i1 to i32
      %cond3A_561 = arith.constant 0 : i32
      %cond3A_562 = arith.cmpi ne, %convert_element_type3A_560, %cond3A_561 : i32
      scf.if %cond3A_562 {
        %add3A_563 = arith.constant 2 : i32
        %add3A_564 = arith.addi %mul3A_351, %add3A_563 : i32
        %ge3A = arith.cmpi sge, %while3A_528, %add3A_564 : i32
        %convert_element_type3A_565 = arith.extui %ge3A : i1 to i32
        %cond3A_566 = arith.constant 0 : i32
        %cond3A_567 = arith.cmpi ne, %convert_element_type3A_565, %cond3A_566 : i32
        scf.if %cond3A_567 {
          %dma_wait3A_576 = arith.constant 0 : i32
          %dma_wait3A_577 = arith.constant 0 : i32
          %dma_wait3A_578 = tpu.memref_slice %arg4[%dma_wait3A_576, %dma_wait3A_577] : memref<800x16384xf32, #tpu.memory_space<hbm>> -> memref<1x16384xf32, #tpu.memory_space<hbm>>
          %dma_wait3A_579 = tpu.memref_squeeze %dma_wait3A_578 : memref<1x16384xf32, #tpu.memory_space<hbm>> -> memref<16384xf32, #tpu.memory_space<hbm>>
          %dma_wait3A_580 = arith.constant 0 : i32
          %dma_wait3A_581 = tpu.memref_slice %arg4[%dma_wait3A_576, %dma_wait3A_580] : memref<800x16384xf32, #tpu.memory_space<hbm>> -> memref<1x16384xf32, #tpu.memory_space<hbm>>
          %dma_wait3A_582 = tpu.memref_squeeze %dma_wait3A_581 : memref<1x16384xf32, #tpu.memory_space<hbm>> -> memref<16384xf32, #tpu.memory_space<hbm>>
          tpu.wait_dma2 semaphore(%arg11 : memref<!tpu.dma_semaphore, #tpu.memory_space<semaphore_mem>>) src(%dma_wait3A_582 : memref<16384xf32, #tpu.memory_space<hbm>>) dst(%arg9 : memref<16384xf32, #tpu.memory_space<vmem>>)
        } else {
        }
        %parallel_loop3A = arith.constant 0 : i32
        %parallel_loop3A_568 = arith.constant 64 : i32
        %parallel_loop3A_569 = arith.constant 1 : i32
        scf.for %parallel_loop3A_576 = %parallel_loop3A to %parallel_loop3A_568 step %parallel_loop3A_569  : i32 {
          %parallel_loop3A_577 = arith.constant 16 : i32
          %parallel_loop3A_578 = arith.muli %parallel_loop3A_576, %parallel_loop3A_577 : i32
          %parallel_loop3A_579 = arith.index_cast %and3A_534 : i32 to index
          %parallel_loop3A_580 = arith.index_cast %parallel_loop3A_578 : i32 to index
          %parallel_loop3A_581 = tpu.vector_load %arg6[%parallel_loop3A_579, %parallel_loop3A_580] {strides = array<i32>} : memref<2x1024xi32, #tpu.memory_space<vmem>>, vector<16xi32>,
          %parallel_loop3A_582 = arith.constant 64 : i32
          %parallel_loop3A_583 = vector.broadcast %parallel_loop3A_582 : i32 to vector<16xi32>
          %parallel_loop3A_584 = arith.muli %parallel_loop3A_581, %parallel_loop3A_583 : vector<16xi32>
          %parallel_loop3A_585 = arith.constant 3 : i32
          %parallel_loop3A_586 = arith.shrsi %parallel_loop3A_576, %parallel_loop3A_585 : i32
          %parallel_loop3A_587 = arith.constant 1024 : i32
          %parallel_loop3A_588 = arith.muli %parallel_loop3A_586, %parallel_loop3A_587 : i32
          %parallel_loop3A_589 = arith.constant 7 : i32
          %parallel_loop3A_590 = arith.andi %parallel_loop3A_576, %parallel_loop3A_589 : i32
          %parallel_loop3A_591 = arith.constant 16 : i32
          %parallel_loop3A_592 = arith.muli %parallel_loop3A_590, %parallel_loop3A_591 : i32
          %parallel_loop3A_593 = arith.addi %parallel_loop3A_588, %parallel_loop3A_592 : i32
          %parallel_loop3A_594 = arith.constant 16 : i32
          %parallel_loop3A_595 = arith.muli %and3A_532, %parallel_loop3A_594 : i32
          %parallel_loop3A_596 = arith.addi %parallel_loop3A_584, %iota3A : vector<16xi32>
          %parallel_loop3A_597 = tpu.memref_slice %arg5[%parallel_loop3A_595] : memref<1216xf32, #tpu.memory_space<vmem>> -> memref<1168xf32, #tpu.memory_space<vmem>>
          %parallel_loop3A_598 = tpu.vector_load_idx %parallel_loop3A_597[%parallel_loop3A_596] : memref<1168xf32, #tpu.memory_space<vmem>>[vector<16xi32>], vector<16xf32>,
          %parallel_loop3A_599 = arith.constant 0 : index
          %parallel_loop3A_600 = tpu.vector_load %arg7[%parallel_loop3A_599] {strides = array<i32>} : memref<256xi32, #tpu.memory_space<vmem>>, vector<16xi32>,
          %parallel_loop3A_601 = tpu.memref_slice %arg9[%parallel_loop3A_593] : memref<16384xf32, #tpu.memory_space<vmem>> -> memref<9104xf32, #tpu.memory_space<vmem>>
          tpu.vector_store_idx %parallel_loop3A_601[%parallel_loop3A_600], %parallel_loop3A_598 : memref<9104xf32, #tpu.memory_space<vmem>>[vector<16xi32>], vector<16xf32>,
          %parallel_loop3A_602 = arith.constant 1 : i32
          %parallel_loop3A_603 = vector.broadcast %parallel_loop3A_602 : i32 to vector<16xi32>
          %parallel_loop3A_604 = arith.addi %iota3A, %parallel_loop3A_603 : vector<16xi32>
          %parallel_loop3A_605 = arith.constant 15 : i32
          %parallel_loop3A_606 = vector.broadcast %parallel_loop3A_605 : i32 to vector<16xi32>
          %parallel_loop3A_607 = arith.andi %parallel_loop3A_604, %parallel_loop3A_606 : vector<16xi32>
          %parallel_loop3A_608 = arith.addi %parallel_loop3A_584, %parallel_loop3A_607 : vector<16xi32>
          %parallel_loop3A_609 = tpu.memref_slice %arg5[%parallel_loop3A_595] : memref<1216xf32, #tpu.memory_space<vmem>> -> memref<1168xf32, #tpu.memory_space<vmem>>
          %parallel_loop3A_610 = tpu.vector_load_idx %parallel_loop3A_609[%parallel_loop3A_608] : memref<1168xf32, #tpu.memory_space<vmem>>[vector<16xi32>], vector<16xf32>,
          %parallel_loop3A_611 = arith.constant 16 : index
          %parallel_loop3A_612 = tpu.vector_load %arg7[%parallel_loop3A_611] {strides = array<i32>} : memref<256xi32, #tpu.memory_space<vmem>>, vector<16xi32>,
          %parallel_loop3A_613 = tpu.memref_slice %arg9[%parallel_loop3A_593] : memref<16384xf32, #tpu.memory_space<vmem>> -> memref<9104xf32, #tpu.memory_space<vmem>>
          tpu.vector_store_idx %parallel_loop3A_613[%parallel_loop3A_612], %parallel_loop3A_610 : memref<9104xf32, #tpu.memory_space<vmem>>[vector<16xi32>], vector<16xf32>,
          %parallel_loop3A_614 = arith.constant 1 : i32
          %parallel_loop3A_615 = vector.broadcast %parallel_loop3A_614 : i32 to vector<16xi32>
          %parallel_loop3A_616 = arith.addi %parallel_loop3A_607, %parallel_loop3A_615 : vector<16xi32>
          %parallel_loop3A_617 = arith.constant 15 : i32
          %parallel_loop3A_618 = vector.broadcast %parallel_loop3A_617 : i32 to vector<16xi32>
          %parallel_loop3A_619 = arith.andi %parallel_loop3A_616, %parallel_loop3A_618 : vector<16xi32>
          %parallel_loop3A_620 = arith.addi %parallel_loop3A_584, %parallel_loop3A_619 : vector<16xi32>
          %parallel_loop3A_621 = tpu.memref_slice %arg5[%parallel_loop3A_595] : memref<1216xf32, #tpu.memory_space<vmem>> -> memref<1168xf32, #tpu.memory_space<vmem>>
          %parallel_loop3A_622 = tpu.vector_load_idx %parallel_loop3A_621[%parallel_loop3A_620] : memref<1168xf32, #tpu.memory_space<vmem>>[vector<16xi32>], vector<16xf32>,
          %parallel_loop3A_623 = arith.constant 32 : index
          %parallel_loop3A_624 = tpu.vector_load %arg7[%parallel_loop3A_623] {strides = array<i32>} : memref<256xi32, #tpu.memory_space<vmem>>, vector<16xi32>,
          %parallel_loop3A_625 = tpu.memref_slice %arg9[%parallel_loop3A_593] : memref<16384xf32, #tpu.memory_space<vmem>> -> memref<9104xf32, #tpu.memory_space<vmem>>
          tpu.vector_store_idx %parallel_loop3A_625[%parallel_loop3A_624], %parallel_loop3A_622 : memref<9104xf32, #tpu.memory_space<vmem>>[vector<16xi32>], vector<16xf32>,
          %parallel_loop3A_626 = arith.constant 1 : i32
          %parallel_loop3A_627 = vector.broadcast %parallel_loop3A_626 : i32 to vector<16xi32>
          %parallel_loop3A_628 = arith.addi %parallel_loop3A_619, %parallel_loop3A_627 : vector<16xi32>
          %parallel_loop3A_629 = arith.constant 15 : i32
          %parallel_loop3A_630 = vector.broadcast %parallel_loop3A_629 : i32 to vector<16xi32>
          %parallel_loop3A_631 = arith.andi %parallel_loop3A_628, %parallel_loop3A_630 : vector<16xi32>
          %parallel_loop3A_632 = arith.addi %parallel_loop3A_584, %parallel_loop3A_631 : vector<16xi32>
          %parallel_loop3A_633 = tpu.memref_slice %arg5[%parallel_loop3A_595] : memref<1216xf32, #tpu.memory_space<vmem>> -> memref<1168xf32, #tpu.memory_space<vmem>>
          %parallel_loop3A_634 = tpu.vector_load_idx %parallel_loop3A_633[%parallel_loop3A_632] : memref<1168xf32, #tpu.memory_space<vmem>>[vector<16xi32>], vector<16xf32>,
          %parallel_loop3A_635 = arith.constant 48 : index
          %parallel_loop3A_636 = tpu.vector_load %arg7[%parallel_loop3A_635] {strides = array<i32>} : memref<256xi32, #tpu.memory_space<vmem>>, vector<16xi32>,
          %parallel_loop3A_637 = tpu.memref_slice %arg9[%parallel_loop3A_593] : memref<16384xf32, #tpu.memory_space<vmem>> -> memref<9104xf32, #tpu.memory_space<vmem>>
          tpu.vector_store_idx %parallel_loop3A_637[%parallel_loop3A_636], %parallel_loop3A_634 : memref<9104xf32, #tpu.memory_space<vmem>>[vector<16xi32>], vector<16xf32>,
          %parallel_loop3A_638 = arith.constant 1 : i32
          %parallel_loop3A_639 = vector.broadcast %parallel_loop3A_638 : i32 to vector<16xi32>
          %parallel_loop3A_640 = arith.addi %parallel_loop3A_631, %parallel_loop3A_639 : vector<16xi32>
          %parallel_loop3A_641 = arith.constant 15 : i32
          %parallel_loop3A_642 = vector.broadcast %parallel_loop3A_641 : i32 to vector<16xi32>
          %parallel_loop3A_643 = arith.andi %parallel_loop3A_640, %parallel_loop3A_642 : vector<16xi32>
          %parallel_loop3A_644 = arith.addi %parallel_loop3A_584, %parallel_loop3A_643 : vector<16xi32>
          %parallel_loop3A_645 = tpu.memref_slice %arg5[%parallel_loop3A_595] : memref<1216xf32, #tpu.memory_space<vmem>> -> memref<1168xf32, #tpu.memory_space<vmem>>
          %parallel_loop3A_646 = tpu.vector_load_idx %parallel_loop3A_645[%parallel_loop3A_644] : memref<1168xf32, #tpu.memory_space<vmem>>[vector<16xi32>], vector<16xf32>,
          %parallel_loop3A_647 = arith.constant 64 : index
          %parallel_loop3A_648 = tpu.vector_load %arg7[%parallel_loop3A_647] {strides = array<i32>} : memref<256xi32, #tpu.memory_space<vmem>>, vector<16xi32>,
          %parallel_loop3A_649 = tpu.memref_slice %arg9[%parallel_loop3A_593] : memref<16384xf32, #tpu.memory_space<vmem>> -> memref<9104xf32, #tpu.memory_space<vmem>>
          tpu.vector_store_idx %parallel_loop3A_649[%parallel_loop3A_648], %parallel_loop3A_646 : memref<9104xf32, #tpu.memory_space<vmem>>[vector<16xi32>], vector<16xf32>,
          %parallel_loop3A_650 = arith.constant 1 : i32
          %parallel_loop3A_651 = vector.broadcast %parallel_loop3A_650 : i32 to vector<16xi32>
          %parallel_loop3A_652 = arith.addi %parallel_loop3A_643, %parallel_loop3A_651 : vector<16xi32>
          %parallel_loop3A_653 = arith.constant 15 : i32
          %parallel_loop3A_654 = vector.broadcast %parallel_loop3A_653 : i32 to vector<16xi32>
          %parallel_loop3A_655 = arith.andi %parallel_loop3A_652, %parallel_loop3A_654 : vector<16xi32>
          %parallel_loop3A_656 = arith.addi %parallel_loop3A_584, %parallel_loop3A_655 : vector<16xi32>
          %parallel_loop3A_657 = tpu.memref_slice %arg5[%parallel_loop3A_595] : memref<1216xf32, #tpu.memory_space<vmem>> -> memref<1168xf32, #tpu.memory_space<vmem>>
          %parallel_loop3A_658 = tpu.vector_load_idx %parallel_loop3A_657[%parallel_loop3A_656] : memref<1168xf32, #tpu.memory_space<vmem>>[vector<16xi32>], vector<16xf32>,
          %parallel_loop3A_659 = arith.constant 80 : index
          %parallel_loop3A_660 = tpu.vector_load %arg7[%parallel_loop3A_659] {strides = array<i32>} : memref<256xi32, #tpu.memory_space<vmem>>, vector<16xi32>,
          %parallel_loop3A_661 = tpu.memref_slice %arg9[%parallel_loop3A_593] : memref<16384xf32, #tpu.memory_space<vmem>> -> memref<9104xf32, #tpu.memory_space<vmem>>
          tpu.vector_store_idx %parallel_loop3A_661[%parallel_loop3A_660], %parallel_loop3A_658 : memref<9104xf32, #tpu.memory_space<vmem>>[vector<16xi32>], vector<16xf32>,
          %parallel_loop3A_662 = arith.constant 1 : i32
          %parallel_loop3A_663 = vector.broadcast %parallel_loop3A_662 : i32 to vector<16xi32>
          %parallel_loop3A_664 = arith.addi %parallel_loop3A_655, %parallel_loop3A_663 : vector<16xi32>
          %parallel_loop3A_665 = arith.constant 15 : i32
          %parallel_loop3A_666 = vector.broadcast %parallel_loop3A_665 : i32 to vector<16xi32>
          %parallel_loop3A_667 = arith.andi %parallel_loop3A_664, %parallel_loop3A_666 : vector<16xi32>
          %parallel_loop3A_668 = arith.addi %parallel_loop3A_584, %parallel_loop3A_667 : vector<16xi32>
          %parallel_loop3A_669 = tpu.memref_slice %arg5[%parallel_loop3A_595] : memref<1216xf32, #tpu.memory_space<vmem>> -> memref<1168xf32, #tpu.memory_space<vmem>>
          %parallel_loop3A_670 = tpu.vector_load_idx %parallel_loop3A_669[%parallel_loop3A_668] : memref<1168xf32, #tpu.memory_space<vmem>>[vector<16xi32>], vector<16xf32>,
          %parallel_loop3A_671 = arith.constant 96 : index
          %parallel_loop3A_672 = tpu.vector_load %arg7[%parallel_loop3A_671] {strides = array<i32>} : memref<256xi32, #tpu.memory_space<vmem>>, vector<16xi32>,
          %parallel_loop3A_673 = tpu.memref_slice %arg9[%parallel_loop3A_593] : memref<16384xf32, #tpu.memory_space<vmem>> -> memref<9104xf32, #tpu.memory_space<vmem>>
          tpu.vector_store_idx %parallel_loop3A_673[%parallel_loop3A_672], %parallel_loop3A_670 : memref<9104xf32, #tpu.memory_space<vmem>>[vector<16xi32>], vector<16xf32>,
          %parallel_loop3A_674 = arith.constant 1 : i32
          %parallel_loop3A_675 = vector.broadcast %parallel_loop3A_674 : i32 to vector<16xi32>
          %parallel_loop3A_676 = arith.addi %parallel_loop3A_667, %parallel_loop3A_675 : vector<16xi32>
          %parallel_loop3A_677 = arith.constant 15 : i32
          %parallel_loop3A_678 = vector.broadcast %parallel_loop3A_677 : i32 to vector<16xi32>
          %parallel_loop3A_679 = arith.andi %parallel_loop3A_676, %parallel_loop3A_678 : vector<16xi32>
          %parallel_loop3A_680 = arith.addi %parallel_loop3A_584, %parallel_loop3A_679 : vector<16xi32>
          %parallel_loop3A_681 = tpu.memref_slice %arg5[%parallel_loop3A_595] : memref<1216xf32, #tpu.memory_space<vmem>> -> memref<1168xf32, #tpu.memory_space<vmem>>
          %parallel_loop3A_682 = tpu.vector_load_idx %parallel_loop3A_681[%parallel_loop3A_680] : memref<1168xf32, #tpu.memory_space<vmem>>[vector<16xi32>], vector<16xf32>,
          %parallel_loop3A_683 = arith.constant 112 : index
          %parallel_loop3A_684 = tpu.vector_load %arg7[%parallel_loop3A_683] {strides = array<i32>} : memref<256xi32, #tpu.memory_space<vmem>>, vector<16xi32>,
          %parallel_loop3A_685 = tpu.memref_slice %arg9[%parallel_loop3A_593] : memref<16384xf32, #tpu.memory_space<vmem>> -> memref<9104xf32, #tpu.memory_space<vmem>>
          tpu.vector_store_idx %parallel_loop3A_685[%parallel_loop3A_684], %parallel_loop3A_682 : memref<9104xf32, #tpu.memory_space<vmem>>[vector<16xi32>], vector<16xf32>,
          %parallel_loop3A_686 = arith.constant 1 : i32
          %parallel_loop3A_687 = vector.broadcast %parallel_loop3A_686 : i32 to vector<16xi32>
          %parallel_loop3A_688 = arith.addi %parallel_loop3A_679, %parallel_loop3A_687 : vector<16xi32>
          %parallel_loop3A_689 = arith.constant 15 : i32
          %parallel_loop3A_690 = vector.broadcast %parallel_loop3A_689 : i32 to vector<16xi32>
          %parallel_loop3A_691 = arith.andi %parallel_loop3A_688, %parallel_loop3A_690 : vector<16xi32>
          %parallel_loop3A_692 = arith.addi %parallel_loop3A_584, %parallel_loop3A_691 : vector<16xi32>
          %parallel_loop3A_693 = tpu.memref_slice %arg5[%parallel_loop3A_595] : memref<1216xf32, #tpu.memory_space<vmem>> -> memref<1168xf32, #tpu.memory_space<vmem>>
          %parallel_loop3A_694 = tpu.vector_load_idx %parallel_loop3A_693[%parallel_loop3A_692] : memref<1168xf32, #tpu.memory_space<vmem>>[vector<16xi32>], vector<16xf32>,
          %parallel_loop3A_695 = arith.constant 128 : index
          %parallel_loop3A_696 = tpu.vector_load %arg7[%parallel_loop3A_695] {strides = array<i32>} : memref<256xi32, #tpu.memory_space<vmem>>, vector<16xi32>,
          %parallel_loop3A_697 = tpu.memref_slice %arg9[%parallel_loop3A_593] : memref<16384xf32, #tpu.memory_space<vmem>> -> memref<9104xf32, #tpu.memory_space<vmem>>
          tpu.vector_store_idx %parallel_loop3A_697[%parallel_loop3A_696], %parallel_loop3A_694 : memref<9104xf32, #tpu.memory_space<vmem>>[vector<16xi32>], vector<16xf32>,
          %parallel_loop3A_698 = arith.constant 1 : i32
          %parallel_loop3A_699 = vector.broadcast %parallel_loop3A_698 : i32 to vector<16xi32>
          %parallel_loop3A_700 = arith.addi %parallel_loop3A_691, %parallel_loop3A_699 : vector<16xi32>
          %parallel_loop3A_701 = arith.constant 15 : i32
          %parallel_loop3A_702 = vector.broadcast %parallel_loop3A_701 : i32 to vector<16xi32>
          %parallel_loop3A_703 = arith.andi %parallel_loop3A_700, %parallel_loop3A_702 : vector<16xi32>
          %parallel_loop3A_704 = arith.addi %parallel_loop3A_584, %parallel_loop3A_703 : vector<16xi32>
          %parallel_loop3A_705 = tpu.memref_slice %arg5[%parallel_loop3A_595] : memref<1216xf32, #tpu.memory_space<vmem>> -> memref<1168xf32, #tpu.memory_space<vmem>>
          %parallel_loop3A_706 = tpu.vector_load_idx %parallel_loop3A_705[%parallel_loop3A_704] : memref<1168xf32, #tpu.memory_space<vmem>>[vector<16xi32>], vector<16xf32>,
          %parallel_loop3A_707 = arith.constant 144 : index
          %parallel_loop3A_708 = tpu.vector_load %arg7[%parallel_loop3A_707] {strides = array<i32>} : memref<256xi32, #tpu.memory_space<vmem>>, vector<16xi32>,
          %parallel_loop3A_709 = tpu.memref_slice %arg9[%parallel_loop3A_593] : memref<16384xf32, #tpu.memory_space<vmem>> -> memref<9104xf32, #tpu.memory_space<vmem>>
          tpu.vector_store_idx %parallel_loop3A_709[%parallel_loop3A_708], %parallel_loop3A_706 : memref<9104xf32, #tpu.memory_space<vmem>>[vector<16xi32>], vector<16xf32>,
          %parallel_loop3A_710 = arith.constant 1 : i32
          %parallel_loop3A_711 = vector.broadcast %parallel_loop3A_710 : i32 to vector<16xi32>
          %parallel_loop3A_712 = arith.addi %parallel_loop3A_703, %parallel_loop3A_711 : vector<16xi32>
          %parallel_loop3A_713 = arith.constant 15 : i32
          %parallel_loop3A_714 = vector.broadcast %parallel_loop3A_713 : i32 to vector<16xi32>
          %parallel_loop3A_715 = arith.andi %parallel_loop3A_712, %parallel_loop3A_714 : vector<16xi32>
          %parallel_loop3A_716 = arith.addi %parallel_loop3A_584, %parallel_loop3A_715 : vector<16xi32>
          %parallel_loop3A_717 = tpu.memref_slice %arg5[%parallel_loop3A_595] : memref<1216xf32, #tpu.memory_space<vmem>> -> memref<1168xf32, #tpu.memory_space<vmem>>
          %parallel_loop3A_718 = tpu.vector_load_idx %parallel_loop3A_717[%parallel_loop3A_716] : memref<1168xf32, #tpu.memory_space<vmem>>[vector<16xi32>], vector<16xf32>,
          %parallel_loop3A_719 = arith.constant 160 : index
          %parallel_loop3A_720 = tpu.vector_load %arg7[%parallel_loop3A_719] {strides = array<i32>} : memref<256xi32, #tpu.memory_space<vmem>>, vector<16xi32>,
          %parallel_loop3A_721 = tpu.memref_slice %arg9[%parallel_loop3A_593] : memref<16384xf32, #tpu.memory_space<vmem>> -> memref<9104xf32, #tpu.memory_space<vmem>>
          tpu.vector_store_idx %parallel_loop3A_721[%parallel_loop3A_720], %parallel_loop3A_718 : memref<9104xf32, #tpu.memory_space<vmem>>[vector<16xi32>], vector<16xf32>,
          %parallel_loop3A_722 = arith.constant 1 : i32
          %parallel_loop3A_723 = vector.broadcast %parallel_loop3A_722 : i32 to vector<16xi32>
          %parallel_loop3A_724 = arith.addi %parallel_loop3A_715, %parallel_loop3A_723 : vector<16xi32>
          %parallel_loop3A_725 = arith.constant 15 : i32
          %parallel_loop3A_726 = vector.broadcast %parallel_loop3A_725 : i32 to vector<16xi32>
          %parallel_loop3A_727 = arith.andi %parallel_loop3A_724, %parallel_loop3A_726 : vector<16xi32>
          %parallel_loop3A_728 = arith.addi %parallel_loop3A_584, %parallel_loop3A_727 : vector<16xi32>
          %parallel_loop3A_729 = tpu.memref_slice %arg5[%parallel_loop3A_595] : memref<1216xf32, #tpu.memory_space<vmem>> -> memref<1168xf32, #tpu.memory_space<vmem>>
          %parallel_loop3A_730 = tpu.vector_load_idx %parallel_loop3A_729[%parallel_loop3A_728] : memref<1168xf32, #tpu.memory_space<vmem>>[vector<16xi32>], vector<16xf32>,
          %parallel_loop3A_731 = arith.constant 176 : index
          %parallel_loop3A_732 = tpu.vector_load %arg7[%parallel_loop3A_731] {strides = array<i32>} : memref<256xi32, #tpu.memory_space<vmem>>, vector<16xi32>,
          %parallel_loop3A_733 = tpu.memref_slice %arg9[%parallel_loop3A_593] : memref<16384xf32, #tpu.memory_space<vmem>> -> memref<9104xf32, #tpu.memory_space<vmem>>
          tpu.vector_store_idx %parallel_loop3A_733[%parallel_loop3A_732], %parallel_loop3A_730 : memref<9104xf32, #tpu.memory_space<vmem>>[vector<16xi32>], vector<16xf32>,
          %parallel_loop3A_734 = arith.constant 1 : i32
          %parallel_loop3A_735 = vector.broadcast %parallel_loop3A_734 : i32 to vector<16xi32>
          %parallel_loop3A_736 = arith.addi %parallel_loop3A_727, %parallel_loop3A_735 : vector<16xi32>
          %parallel_loop3A_737 = arith.constant 15 : i32
          %parallel_loop3A_738 = vector.broadcast %parallel_loop3A_737 : i32 to vector<16xi32>
          %parallel_loop3A_739 = arith.andi %parallel_loop3A_736, %parallel_loop3A_738 : vector<16xi32>
          %parallel_loop3A_740 = arith.addi %parallel_loop3A_584, %parallel_loop3A_739 : vector<16xi32>
          %parallel_loop3A_741 = tpu.memref_slice %arg5[%parallel_loop3A_595] : memref<1216xf32, #tpu.memory_space<vmem>> -> memref<1168xf32, #tpu.memory_space<vmem>>
          %parallel_loop3A_742 = tpu.vector_load_idx %parallel_loop3A_741[%parallel_loop3A_740] : memref<1168xf32, #tpu.memory_space<vmem>>[vector<16xi32>], vector<16xf32>,
          %parallel_loop3A_743 = arith.constant 192 : index
          %parallel_loop3A_744 = tpu.vector_load %arg7[%parallel_loop3A_743] {strides = array<i32>} : memref<256xi32, #tpu.memory_space<vmem>>, vector<16xi32>,
          %parallel_loop3A_745 = tpu.memref_slice %arg9[%parallel_loop3A_593] : memref<16384xf32, #tpu.memory_space<vmem>> -> memref<9104xf32, #tpu.memory_space<vmem>>
          tpu.vector_store_idx %parallel_loop3A_745[%parallel_loop3A_744], %parallel_loop3A_742 : memref<9104xf32, #tpu.memory_space<vmem>>[vector<16xi32>], vector<16xf32>,
          %parallel_loop3A_746 = arith.constant 1 : i32
          %parallel_loop3A_747 = vector.broadcast %parallel_loop3A_746 : i32 to vector<16xi32>
          %parallel_loop3A_748 = arith.addi %parallel_loop3A_739, %parallel_loop3A_747 : vector<16xi32>
          %parallel_loop3A_749 = arith.constant 15 : i32
          %parallel_loop3A_750 = vector.broadcast %parallel_loop3A_749 : i32 to vector<16xi32>
          %parallel_loop3A_751 = arith.andi %parallel_loop3A_748, %parallel_loop3A_750 : vector<16xi32>
          %parallel_loop3A_752 = arith.addi %parallel_loop3A_584, %parallel_loop3A_751 : vector<16xi32>
          %parallel_loop3A_753 = tpu.memref_slice %arg5[%parallel_loop3A_595] : memref<1216xf32, #tpu.memory_space<vmem>> -> memref<1168xf32, #tpu.memory_space<vmem>>
          %parallel_loop3A_754 = tpu.vector_load_idx %parallel_loop3A_753[%parallel_loop3A_752] : memref<1168xf32, #tpu.memory_space<vmem>>[vector<16xi32>], vector<16xf32>,
          %parallel_loop3A_755 = arith.constant 208 : index
          %parallel_loop3A_756 = tpu.vector_load %arg7[%parallel_loop3A_755] {strides = array<i32>} : memref<256xi32, #tpu.memory_space<vmem>>, vector<16xi32>,
          %parallel_loop3A_757 = tpu.memref_slice %arg9[%parallel_loop3A_593] : memref<16384xf32, #tpu.memory_space<vmem>> -> memref<9104xf32, #tpu.memory_space<vmem>>
          tpu.vector_store_idx %parallel_loop3A_757[%parallel_loop3A_756], %parallel_loop3A_754 : memref<9104xf32, #tpu.memory_space<vmem>>[vector<16xi32>], vector<16xf32>,
          %parallel_loop3A_758 = arith.constant 1 : i32
          %parallel_loop3A_759 = vector.broadcast %parallel_loop3A_758 : i32 to vector<16xi32>
          %parallel_loop3A_760 = arith.addi %parallel_loop3A_751, %parallel_loop3A_759 : vector<16xi32>
          %parallel_loop3A_761 = arith.constant 15 : i32
          %parallel_loop3A_762 = vector.broadcast %parallel_loop3A_761 : i32 to vector<16xi32>
          %parallel_loop3A_763 = arith.andi %parallel_loop3A_760, %parallel_loop3A_762 : vector<16xi32>
          %parallel_loop3A_764 = arith.addi %parallel_loop3A_584, %parallel_loop3A_763 : vector<16xi32>
          %parallel_loop3A_765 = tpu.memref_slice %arg5[%parallel_loop3A_595] : memref<1216xf32, #tpu.memory_space<vmem>> -> memref<1168xf32, #tpu.memory_space<vmem>>
          %parallel_loop3A_766 = tpu.vector_load_idx %parallel_loop3A_765[%parallel_loop3A_764] : memref<1168xf32, #tpu.memory_space<vmem>>[vector<16xi32>], vector<16xf32>,
          %parallel_loop3A_767 = arith.constant 224 : index
          %parallel_loop3A_768 = tpu.vector_load %arg7[%parallel_loop3A_767] {strides = array<i32>} : memref<256xi32, #tpu.memory_space<vmem>>, vector<16xi32>,
          %parallel_loop3A_769 = tpu.memref_slice %arg9[%parallel_loop3A_593] : memref<16384xf32, #tpu.memory_space<vmem>> -> memref<9104xf32, #tpu.memory_space<vmem>>
          tpu.vector_store_idx %parallel_loop3A_769[%parallel_loop3A_768], %parallel_loop3A_766 : memref<9104xf32, #tpu.memory_space<vmem>>[vector<16xi32>], vector<16xf32>,
          %parallel_loop3A_770 = arith.constant 1 : i32
          %parallel_loop3A_771 = vector.broadcast %parallel_loop3A_770 : i32 to vector<16xi32>
          %parallel_loop3A_772 = arith.addi %parallel_loop3A_763, %parallel_loop3A_771 : vector<16xi32>
          %parallel_loop3A_773 = arith.constant 15 : i32
          %parallel_loop3A_774 = vector.broadcast %parallel_loop3A_773 : i32 to vector<16xi32>
          %parallel_loop3A_775 = arith.andi %parallel_loop3A_772, %parallel_loop3A_774 : vector<16xi32>
          %parallel_loop3A_776 = arith.addi %parallel_loop3A_584, %parallel_loop3A_775 : vector<16xi32>
          %parallel_loop3A_777 = tpu.memref_slice %arg5[%parallel_loop3A_595] : memref<1216xf32, #tpu.memory_space<vmem>> -> memref<1168xf32, #tpu.memory_space<vmem>>
          %parallel_loop3A_778 = tpu.vector_load_idx %parallel_loop3A_777[%parallel_loop3A_776] : memref<1168xf32, #tpu.memory_space<vmem>>[vector<16xi32>], vector<16xf32>,
          %parallel_loop3A_779 = arith.constant 240 : index
          %parallel_loop3A_780 = tpu.vector_load %arg7[%parallel_loop3A_779] {strides = array<i32>} : memref<256xi32, #tpu.memory_space<vmem>>, vector<16xi32>,
          %parallel_loop3A_781 = tpu.memref_slice %arg9[%parallel_loop3A_593] : memref<16384xf32, #tpu.memory_space<vmem>> -> memref<9104xf32, #tpu.memory_space<vmem>>
          tpu.vector_store_idx %parallel_loop3A_781[%parallel_loop3A_780], %parallel_loop3A_778 : memref<9104xf32, #tpu.memory_space<vmem>>[vector<16xi32>], vector<16xf32>,
          %parallel_loop3A_782 = arith.constant 1 : i32
          %parallel_loop3A_783 = vector.broadcast %parallel_loop3A_782 : i32 to vector<16xi32>
          %parallel_loop3A_784 = arith.addi %parallel_loop3A_775, %parallel_loop3A_783 : vector<16xi32>
          %parallel_loop3A_785 = arith.constant 15 : i32
          %parallel_loop3A_786 = vector.broadcast %parallel_loop3A_785 : i32 to vector<16xi32>
          %parallel_loop3A_787 = arith.andi %parallel_loop3A_784, %parallel_loop3A_786 : vector<16xi32>
        } {sc.loop_unroll_factor = 2 : i64, sc.parallel_access}
        %dma_start3A_570 = arith.constant 0 : i32
        %dma_start3A_571 = tpu.memref_slice %arg4[%while3A_528, %dma_start3A_570] : memref<800x16384xf32, #tpu.memory_space<hbm>> -> memref<1x16384xf32, #tpu.memory_space<hbm>>
        %dma_start3A_572 = tpu.memref_squeeze %dma_start3A_571 : memref<1x16384xf32, #tpu.memory_space<hbm>> -> memref<16384xf32, #tpu.memory_space<hbm>>
        %dma_start3A_573 = arith.constant 0 : i32
        %dma_start3A_574 = tpu.memref_slice %arg4[%while3A_528, %dma_start3A_573] : memref<800x16384xf32, #tpu.memory_space<hbm>> -> memref<1x16384xf32, #tpu.memory_space<hbm>>
        %dma_start3A_575 = tpu.memref_squeeze %dma_start3A_574 : memref<1x16384xf32, #tpu.memory_space<hbm>> -> memref<16384xf32, #tpu.memory_space<hbm>>
        tpu.enqueue_dma source(%arg9 : memref<16384xf32, #tpu.memory_space<vmem>>) target(%dma_start3A_575 : memref<16384xf32, #tpu.memory_space<hbm>>) target_semaphore(%arg11 : memref<!tpu.dma_semaphore, #tpu.memory_space<semaphore_mem>>)
      } else {
      }
    }
    %dma_wait3A = arith.constant 0 : i32
    %dma_wait3A_515 = arith.constant 0 : i32
    %dma_wait3A_516 = tpu.memref_slice %arg4[%dma_wait3A, %dma_wait3A_515] : memref<800x16384xf32, #tpu.memory_space<hbm>> -> memref<1x16384xf32, #tpu.memory_space<hbm>>
    %dma_wait3A_517 = tpu.memref_squeeze %dma_wait3A_516 : memref<1x16384xf32, #tpu.memory_space<hbm>> -> memref<16384xf32, #tpu.memory_space<hbm>>
    %dma_wait3A_518 = arith.constant 0 : i32
    %dma_wait3A_519 = tpu.memref_slice %arg4[%dma_wait3A, %dma_wait3A_518] : memref<800x16384xf32, #tpu.memory_space<hbm>> -> memref<1x16384xf32, #tpu.memory_space<hbm>>
    %dma_wait3A_520 = tpu.memref_squeeze %dma_wait3A_519 : memref<1x16384xf32, #tpu.memory_space<hbm>> -> memref<16384xf32, #tpu.memory_space<hbm>>
    tpu.wait_dma2 semaphore(%arg10 : memref<!tpu.dma_semaphore, #tpu.memory_space<semaphore_mem>>) src(%dma_wait3A_520 : memref<16384xf32, #tpu.memory_space<hbm>>) dst(%arg8 : memref<16384xf32, #tpu.memory_space<vmem>>)
    %dma_wait3A_521 = arith.constant 0 : i32
    %dma_wait3A_522 = arith.constant 0 : i32
    %dma_wait3A_523 = tpu.memref_slice %arg4[%dma_wait3A_521, %dma_wait3A_522] : memref<800x16384xf32, #tpu.memory_space<hbm>> -> memref<1x16384xf32, #tpu.memory_space<hbm>>
    %dma_wait3A_524 = tpu.memref_squeeze %dma_wait3A_523 : memref<1x16384xf32, #tpu.memory_space<hbm>> -> memref<16384xf32, #tpu.memory_space<hbm>>
    %dma_wait3A_525 = arith.constant 0 : i32
    %dma_wait3A_526 = tpu.memref_slice %arg4[%dma_wait3A_521, %dma_wait3A_525] : memref<800x16384xf32, #tpu.memory_space<hbm>> -> memref<1x16384xf32, #tpu.memory_space<hbm>>
    %dma_wait3A_527 = tpu.memref_squeeze %dma_wait3A_526 : memref<1x16384xf32, #tpu.memory_space<hbm>> -> memref<16384xf32, #tpu.memory_space<hbm>>
    tpu.wait_dma2 semaphore(%arg11 : memref<!tpu.dma_semaphore, #tpu.memory_space<semaphore_mem>>) src(%dma_wait3A_527 : memref<16384xf32, #tpu.memory_space<hbm>>) dst(%arg9 : memref<16384xf32, #tpu.memory_space<vmem>>)
    return
  }
}

module attributes {stable_mosaic.version = 14 : i64} {
  func.func @_table_body(%arg0: memref<18x12xf32, #tpu.memory_space<vmem>>, %arg1: memref<18x12xf32, #tpu.memory_space<vmem>>, %arg2: memref<12x32xf32, #tpu.memory_space<vmem>>, %arg3: memref<12x32xf32, #tpu.memory_space<vmem>>, %arg4: memref<19x64xf32, #tpu.memory_space<vmem>>) attributes {dimension_semantics = [], scalar_prefetch = 0 : i64, scratch_operands = 0 : i64, tpu.core_type = #tpu.core_type<tc>} {
    %broadcast_in_dim3A = arith.constant 0.000000e+00 : f32
    %broadcast_in_dim3A_0 = vector.broadcast %broadcast_in_dim3A : f32 to vector<1x12xf32>
    %get3A = arith.constant 0 : index
    %get3A_1 = arith.constant 0 : index
    %get3A_2 = vector.load %arg0[%get3A, %get3A_1] : memref<18x12xf32, #tpu.memory_space<vmem>>, vector<18x12xf32>
    %concatenate3A = tpu.concatenate %broadcast_in_dim3A_0, %get3A_2 in 0 : vector<1x12xf32>, vector<18x12xf32> -> vector<19x12xf32>
    %get3A_3 = arith.constant 0 : index
    %get3A_4 = arith.constant 0 : index
    %get3A_5 = vector.load %arg1[%get3A_3, %get3A_4] : memref<18x12xf32, #tpu.memory_space<vmem>>, vector<18x12xf32>
    %concatenate3A_6 = tpu.concatenate %broadcast_in_dim3A_0, %get3A_5 in 0 : vector<1x12xf32>, vector<18x12xf32> -> vector<19x12xf32>
    %get3A_7 = arith.constant 0 : index
    %get3A_8 = arith.constant 0 : index
    %get3A_9 = vector.load %arg2[%get3A_7, %get3A_8] : memref<12x32xf32, #tpu.memory_space<vmem>>, vector<12x32xf32>
    %dot_general3A = arith.constant dense<0.000000e+00> : vector<19x32xf32>
    %dot_general3A_10 = tpu.matmul %concatenate3A, %get3A_9, %dot_general3A {dimension_numbers = #tpu.dot_dimension_numbers<[1], [0], [0], [1], [0, 0, 1, 1], [], []>, precision = #tpu.contract_precision<fp32>, transpose_lhs_hint = false} : vector<19x12xf32>, vector<12x32xf32>, vector<19x32xf32> -> vector<19x32xf32>
    %get3A_11 = arith.constant 0 : index
    %get3A_12 = arith.constant 0 : index
    %get3A_13 = vector.load %arg3[%get3A_11, %get3A_12] : memref<12x32xf32, #tpu.memory_space<vmem>>, vector<12x32xf32>
    %dot_general3A_14 = arith.constant dense<0.000000e+00> : vector<19x32xf32>
    %dot_general3A_15 = tpu.matmul %concatenate3A_6, %get3A_13, %dot_general3A_14 {dimension_numbers = #tpu.dot_dimension_numbers<[1], [0], [0], [1], [0, 0, 1, 1], [], []>, precision = #tpu.contract_precision<fp32>, transpose_lhs_hint = false} : vector<19x12xf32>, vector<12x32xf32>, vector<19x32xf32> -> vector<19x32xf32>
    %concatenate3A_16 = tpu.concatenate %dot_general3A_10, %dot_general3A_15 in 1 : vector<19x32xf32>, vector<19x32xf32> -> vector<19x64xf32>
    %swap3A = arith.constant 0 : index
    %swap3A_17 = arith.constant 0 : index
    %swap3A_18 = vector.load %arg4[%swap3A, %swap3A_17] : memref<19x64xf32, #tpu.memory_space<vmem>>, vector<19x64xf32>
    tpu.vector_store %arg4[%swap3A, %swap3A_17], %concatenate3A_16 {strides = array<i32>} : memref<19x64xf32, #tpu.memory_space<vmem>>, vector<19x64xf32>,
    return
  }
}

</mosaic_0001>

<sc_bundles>
// kernel: kernel.4.cloned.1.call-start
scs
__scs_entry_jumppad:
0x0: {  	(pc) =	sbr.rel $0x88, $3  }
0x1: {  	(tag) =	ssettag $0x0;
	lr =	simm.s32 $0x1  }
0x2: {  	[smem:$0x3F9C] =	sst lr;
	_ =	strace $0xD0000000  }
0x3: {  	_ = 	snop  }
0x4: {  	_ = 	snop  }
0x5: {  	_ = 	snop  }
0x6: {  	_ = 	snop  }
0x7: {  	_ = 	snop  }
__scs_overlays_trampoline_lowered:
0x8: {  	[smem:$0x3FAB] =	sst s0  }
0x9: {  	[smem:$0x3FAC] =	sst s1  }
0xa: {  	[smem:$0x3FAD] =	sst s2  }
0xb: {  	[smem:$0x3FAE] =	sst s3  }
0xc: {  	[smem:$0x3FAF] =	sst s4  }
0xd: {  	[smem:$0x3FB0] =	sst s5  }
0xe: {  	[smem:$0x3FB1] =	sst s6  }
0xf: {  	[smem:$0x3FB2] =	sst s7  }
0x10: {  	[smem:$0x3FB3] =	sst s8  }
0x11: {  	[smem:$0x3FB4] =	sst s9;
	s0 =	simm.s32 @!p0 $0x0  }
0x12: {  	s1 =	sld [smem:$0x3F9A];
	s0 =	simm.s32 @p0 $0x1  }
0x13: {  	[smem:$0x3FB5] =	sst s0;
	s0 =	simm.s32 @!p1 $0x0  }
0x14: {  	s2 =	sld [smem:$0x3F99];
	s0 =	simm.s32 @p1 $0x1  }
0x15: {  	[smem:$0x3FB6] =	sst s0;
	s0 =	simm.s32 @!p2 $0x0  }
0x16: {  	s3 =	sld [smem:$0x3FDB];
	s0 =	simm.s32 @p2 $0x1  }
0x17: {  	s4 =	simm.s32 $0x1BF5;
	[smem:$0x3FB8] =	sst s0  }
0x18: {  	s0 =	sld [smem:$0x3F9B];
	_ =	swait.ge [sflag:s4], $0x0  }
0x19: {  	s7 =	sld [smem:$0x3F9C]  }
0x1a: {  	s8 =	sadd.s32 $0xFFFFE003, lr  }
0x1b: {  	s9 =	sadd.s32 $0xFFFFFEF7, lr;
	s5 =	simm.s32 $0xFFFFFFFF;
	p2 =	slt.u32 s8, $0xFFFFF086  }
0x1c: {  	p1 =	slt.u32 s9, $0xF7A;
	s5 =	simm.s32 @!p2 $0x0  }
0x1d: {  	s5 =	simm.s32 @p1 $0x1;
	p0 =	seq.s32 s7, s2  }
0x1e: {  	s7 =	smul.u32 @!p0 $0xF7A, s2;
	p2 =	seq.s32 @!p0 s5, $0x0  }
0x1f: {  	s9 =	smul.u32 $0xF7A, s1;
	s8 =	simm.s32 @!p0 $0x1BF5;
	p2 =	por !p2, p0  }
0x20: {  	[sflag:s8] =	ssyncset.s32 @!p0 $0xFFFFF086;
	s6 =	sadd.s32 @!p0 s3, s7;
	s7 =	simm.s32 @!p0 $0x108  }
0x21: {  	s3 =	sadd.s32 s3, s9;
	s6 =	sadd.s32 @!p0 $0x88, s6;
	s7 =	simm.s32 @p2 $0x1082  }
0x22: {  	[simem:s7], [sflag:s8] =	dma.local @!p0 [hbm:s6], $0xF7A  }
0x23: {  	s9 =	sor.u32 $0xD0000000, s2;
	s6 =	simm.s32 $0x108;
	_ =	swait.ge @!p0 [sflag:s8], $0x0  }
0x24: {  	s3 =	sadd.s32 $0x88, s3;
	s6 =	simm.s32 @!p1 $0x1082;
	[sflag:s4] =	ssyncset.s32 $0xFFFFF086  }
0x25: {  	[simem:s6], [sflag:s4] =	dma.local [hbm:s3], $0xF7A  }
0x26: {  	[smem:$0x3F9C] =	sst s1;
	(tag) =	ssettag s2;
	_ =	strace s9  }
0x27: {  	s1 =	sld [smem:$0x3FAC]  }
0x28: {  	s2 =	sld [smem:$0x3FAD]  }
0x29: {  	s4 =	sld [smem:$0x3FAF]  }
0x2a: {  	p0 =	seq.s32 s5, $0x0;
	s5 =	sld [smem:$0x3FB0]  }
0x2b: {  	s6 =	sld [smem:$0x3FB1]  }
0x2c: {  	s7 =	sld [smem:$0x3FB2]  }
0x2d: {  	s3 =	simm.s32 $0x108;
	s8 =	sld [smem:$0x3FB3]  }
0x2e: {  	s3 =	simm.s32 @!p0 $0x1082;
	s9 =	sld [smem:$0x3FB4]  }
0x2f: {  	lr =	sadd.s32 s0, s3;
	s0 =	sld [smem:$0x3FAB]  }
0x30: {  	s3 =	sld [smem:$0x3FAE]  }
0x31: {  	[smem:$0x3FB7] =	sst s10  }
0x32: {  	s10 =	sld [smem:$0x3FB5];
	_ =	sdelay $0x3  }
0x33: {  	p0 =	seq.s32 s10, $0x1;
	s10 =	sld [smem:$0x3FB7];
	_ =	sdelay $0x3  }
0x34: {  	[smem:$0x3FB7] =	sst s10  }
0x35: {  	s10 =	sld [smem:$0x3FB6];
	_ =	sdelay $0x3  }
0x36: {  	p1 =	seq.s32 s10, $0x1;
	s10 =	sld [smem:$0x3FB7];
	_ =	sdelay $0x3  }
0x37: {  	[smem:$0x3FB7] =	sst s10  }
0x38: {  	s10 =	sld [smem:$0x3FB8]  }
0x39: {  	_ = 	snop;
	(pc) =	sbr.ind lr, $3  }
0x3a: {  	_ = 	snop  }
0x3b: {  	_ = 	snop  }
0x3c: {  	p2 =	seq.s32 s10, $0x1;
	s10 =	sld [smem:$0x3FB7]  }
0x3d: {  	_ =	shalt  }
0x3e: {  	_ =	shalt  }
0x3f: {  	_ =	shalt  }
0x40: {  	_ =	shalt  }
0x41: {  	_ =	shalt  }
0x42: {  	_ =	shalt  }
0x43: {  	_ =	shalt  }
0x44: {  	_ =	shalt  }
0x45: {  	_ =	shalt  }
0x46: {  	_ =	shalt  }
0x47: {  	_ =	shalt  }
0x48: {  	_ =	shalt  }
0x49: {  	_ =	shalt  }
0x4a: {  	_ =	shalt  }
0x4b: {  	_ =	shalt  }
0x4c: {  	_ =	shalt  }
0x4d: {  	_ =	shalt  }
0x4e: {  	_ =	shalt  }
0x4f: {  	_ =	shalt  }
0x50: {  	_ =	shalt  }
0x51: {  	_ =	shalt  }
0x52: {  	_ =	shalt  }
0x53: {  	_ =	shalt  }
0x54: {  	_ =	shalt  }
0x55: {  	_ =	shalt  }
0x56: {  	_ =	shalt  }
0x57: {  	_ =	shalt  }
0x58: {  	_ =	shalt  }
0x59: {  	_ =	shalt  }
0x5a: {  	_ =	shalt  }
0x5b: {  	_ =	shalt  }
0x5c: {  	_ =	shalt  }
0x5d: {  	_ =	shalt  }
0x5e: {  	_ =	shalt  }
0x5f: {  	_ =	shalt  }
0x60: {  	_ =	shalt  }
0x61: {  	_ =	shalt  }
0x62: {  	_ =	shalt  }
0x63: {  	_ =	shalt  }
0x64: {  	_ =	shalt  }
0x65: {  	_ =	shalt  }
0x66: {  	_ =	shalt  }
0x67: {  	_ =	shalt  }
0x68: {  	_ =	shalt  }
0x69: {  	_ =	shalt  }
0x6a: {  	_ =	shalt  }
0x6b: {  	_ =	shalt  }
0x6c: {  	_ =	shalt  }
0x6d: {  	_ =	shalt  }
0x6e: {  	_ =	shalt  }
0x6f: {  	_ =	shalt  }
0x70: {  	_ =	shalt  }
0x71: {  	_ =	shalt  }
0x72: {  	_ =	shalt  }
0x73: {  	_ =	shalt  }
0x74: {  	_ =	shalt  }
0x75: {  	_ =	shalt  }
0x76: {  	_ =	shalt  }
0x77: {  	_ =	shalt  }
0x78: {  	_ =	shalt  }
0x79: {  	_ =	shalt  }
0x7a: {  	_ =	shalt  }
0x7b: {  	_ =	shalt  }
0x7c: {  	_ =	shalt  }
0x7d: {  	_ =	shalt  }
0x7e: {  	_ =	shalt  }
0x7f: {  	_ =	shalt  }
0x80: {  	_ =	shalt  }
0x81: {  	_ =	shalt  }
0x82: {  	_ =	shalt  }
0x83: {  	_ =	shalt  }
0x84: {  	_ =	shalt  }
0x85: {  	_ =	shalt  }
0x86: {  	_ =	shalt  }
0x87: {  	_ =	shalt  }
.Lfunc_end0:
.L_simem_size_0:
called_computation_lowered:
.L_overlay_start_0:
0x88: {  	s2 =	sld [smem:$0x3FD9]  }
0x89: {  	s3 =	sld [smem:$0x3FFE];
	_ =	sdelay $0x1  }
0x8a: {  	s1 =	srdreg.scid  }
0x8b: {  	s0 =	sand.u32 $0x1, s1  }
0x8c: {  	s17 =	sshll.u32 s0, $0xA;
	s2 =	sadd.s32 s3, s2  }
0x8d: {  	s2 =	sadd.s32 s2, s17  }
0x8e: {  	[smem:$0x3FC3] =	sst s2  }
0x8f: {  	_ = 	snop  }
0x90: {  	s2 =	sld [smem:$0x3FC9]  }
0x91: {  	s18 =	sld [smem:$0x3FD0];
	(tm) =	ssettm $0x1  }
0x92: {  	s4 =	sld [smem:$0x3FFB];
	_ =	sdelay $0x3  }
0x93: {  	_ =	strace s4  }
0x94: {  	s4 =	sld [smem:$0x3FFC];
	_ =	sdelay $0x3  }
0x95: {  	_ =	strace s4  }
0x96: {  	s4 =	sld [smem:$0x3FFD];
	_ =	sdelay $0x3  }
0x97: {  	_ =	strace s4  }
0x98: {  	_ =	strace $0x8FFFFFFF  }
0x99: {  	s19 =	sld [smem:$0x3FDB];
	_ =	sdelay $0x1  }
0x9a: {  	s5 =	simm.s32 $_scs_section_size  }
0x9b: {  	s6 =	simm.s32 $_size__tile_overlayer_lowered;
	s7 =	simm.s32 $_tile_overlayer_lowered  }
0x9c: {  	s22 =	simm.s32 $0x1BFF;
	s21 =	sshll.u32 s7, $0x1;
	s4 =	sadd.s32 s5, s19  }
0x9d: {  	s8 =	simm.s32 $0x0;
	s20 =	sshll.u32 s6, $0x1;
	s6 =	sadd.s32 s21, s4  }
0x9e: {  	[timem:s8], [sflag:s22] =	dma.local [hbm:s6], s20  }
0x9f: {  	_ =	swait.ge [sflag:s22], s20  }
0xa0: {  	s5 =	ssub.s32 $0x0, s20;
	[sflag:s22] =	ssyncset.done $0x0  }
0xa1: {  	[sflag:s22] =	ssyncadd.s32 s5;
	_ =	sdelay $0x1  }
0xa2: {  	s23 =	simm.s32 $0x1B8B  }
0xa3: {  	_ =	swait.ge [sflag:s23], $0x1  }
0xa4: {  	[sflag:s23] =	ssyncset.done $0x0  }
0xa5: {  	s25 =	simm.s32 $0x1B8E;
	s24 =	sld [smem:$0x3FFE];
	[sflag:s23] =	ssyncadd.s32 $0xFFFFFFFF  }
0xa6: {  	s26 =	simm.s32 $execute0_lowered;
	[smem:$0x3FD2] =	sst s25  }
0xa7: {  	s6 =	sshll.u32 s26, $0x1;
	_ =	strace $0x80000046;
	[dreg:$0x1] =	wrdreg $0xFFFFFFFF  }
0xa8: {  	s28 =	simm.s32 $_size_execute0_lowered;
	s4 =	sadd.s32 s4, s6;
	[dreg:$0x0] =	wrdreg $0x0  }
0xa9: {  	s6 =	sshll.u32 s28, $0x1;
	[dreg:$0x2] =	wrdreg s4  }
0xaa: {  	[dreg:$0x3] =	wrdreg s6  }
0xab: {  	[dreg:$0x4] =	wrdreg $0xC0  }
0xac: {  	_ =	task [dreg:s8], $0x5FFFF  }
0xad: {  	[dreg:$0x1] =	wrdreg $0xFFFFFFFF  }
0xae: {  	[dreg:$0x0] =	wrdreg $0x60  }
0xaf: {  	[dreg:$0x2] =	wrdreg s24  }
0xb0: {  	[dreg:$0x3] =	wrdreg s2  }
0xb1: {  	[dreg:$0x4] =	wrdreg s18  }
0xb2: {  	[dreg:$0x5] =	wrdreg $0x9  }
0xb3: {  	_ =	task.clear_ibuf [dreg:s8], $0x6FFFF;
	_ =	strace $0x90000046  }
0xb4: {  	s29 =	simm.s32 $0x9;
	_ =	strace $0x80000048  }
0xb5: {  	_ =	swait.ge [sflag:s29], $0x1  }
0xb6: {  	[sflag:s29] =	ssyncadd.s32 $0xFFFFFFFF  }
0xb7: {  	_ =	strace $0x90000048  }
0xb8: {  	_ =	sfence  }
0xb9: {  	s30 =	sld [smem:$0x0];
	_ =	sdelay $0x2  }
0xba: {  	s31 =	sshll.u32 s1, $0xD;
	s1 =	sshrl.u32 s1, $0x2  }
0xbb: {  	s3 =	sand.u32 $0x4000, s31;
	s1 =	sadd.s32 s1, s30  }
0xbc: {  	s0 =	sor.u32 s3, s0;
	s1 =	sshll.u32 s1, $0x11  }
0xbd: {  	s0 =	sor.u32 s1, s0  }
0xbe: {  	s0 =	sadd.s32 $0x8F2B, s0  }
0xbf: {  	[sflag:s0] =	ssyncadd.remote.s32 $0x1  }
0xc0: {  	_ =	sfence.sel $0xFFFF  }
0xc1: {  	[dreg:$0x0] =	wrdreg $0xFFFFFFFF;
	(pc) =	sbr.abs _section_cstart, $3  }
0xc2: {  	[dreg:$0x1] =	wrdreg $0xFFFFFFFF  }
0xc3: {  	_ =	task.clear_ibuf [dreg:s8], $0x2FFFF;
	_ =	strace $0x9FFFFFFF  }
0xc4: {  	(tm) =	ssettm $0x7FFFFFFF  }
0xc5: {  	_ =	shalt  }
tec
execute0_lowered:
.L_overlay_start_1:
0x0: {  	(tag) =	ssettag $0x1  }
0x1: {  	v0 =	vimm.s32 $0x238F;
	vm14 =	vcmask $0x300  }
0x2: {  	vm13 =	vcmask $0x704;
	vm12 =	vcmask $0xB08;
	vm11 =	vcmask $0xF0C  }
0x3: {  	vm10 =	vcmask $0x1310;
	vm9 =	vcmask $0x1714;
	vm8 =	vcmask $0x1B18  }
0x4: {  	vm7 =	vcmask $0x1F1C;
	vm6 =	vcmask $0x2320;
	vm5 =	vcmask $0x2724  }
0x5: {  	vm4 =	vcmask $0x2B28;
	vm1 =	vcmask $0x2F2C;
	vm2 =	vcmask $0x3330  }
0x6: {  	vm0 =	vcmask $0x3734;
	v1 =	vimm.s32 $0xF;
	vm3 =	vcmask $0x3B38  }
0x7: {  	v2 =	vimm.s32 $0x8F;
	v3 =	vimm.s32 $0x10F;
	v4 =	vimm.s32 $0x18F  }
0x8: {  	v5 =	vimm.s32 $0x20F;
	v6 =	vimm.s32 $0x28F;
	v7 =	vimm.s32 $0x30F  }
0x9: {  	v8 =	vimm.s32 $0x38F;
	v9 =	vimm.s32 $0x200F;
	v10 =	vimm.s32 $0x208F  }
0xa: {  	v11 =	vimm.s32 $0x210F;
	v12 =	vimm.s32 $0x218F;
	v13 =	vimm.s32 $0x220F  }
0xb: {  	v14 =	vimm.s32 $0x228F;
	v15 =	vimm.s32 $0x230F;
	v16 =	vimm.s32 $0xFEDCBA9  }
0xc: {  	v18 =	vimm.s32 $0x87654321;
	v19 =	vimm.s32 $0x98765432;
	v20 =	vimm.s32 $0x210FEDCB  }
0xd: {  	v21 =	vimm.s32 $0xA9876543;
	v31 =	vimm.s32 $0xCBA98765;
	v33 =	vimm.s32 $0x6543210F  }
0xe: {  	v34 =	vimm.s32 $0xEDCBA987;
	v35 =	vimm.s32 $0xFEDCBA98;
	v36 =	vimm.s32 $0x76543210  }
0xf: {  	v0 =	vsel vm14, $0x0, v0;
	v1 =	vsel vm14, $0x80, v1;
	v2 =	vsel vm14, $0x100, v2  }
0x10: {  	v3 =	vsel vm14, $0x180, v3;
	v4 =	vsel vm14, $0x200, v4;
	v5 =	vsel vm14, $0x280, v5  }
0x11: {  	v6 =	vsel vm14, $0x300, v6;
	v7 =	vsel vm14, $0x380, v7;
	v8 =	vsel vm14, $0x2000, v8  }
0x12: {  	v9 =	vsel vm14, $0x2080, v9;
	v10 =	vsel vm14, $0x2100, v10;
	v11 =	vsel vm14, $0x2180, v11  }
0x13: {  	v12 =	vsel vm14, $0x2200, v12;
	v13 =	vsel vm14, $0x2280, v13;
	v14 =	vsel vm14, $0x2300, v14  }
0x14: {  	v15 =	vsel vm14, $0x2380, v15;
	v17 =	vunpack.c.l.s4.s8 v16;
	v16 =	vlaneseq.u32  }
0x15: {  	v19 =	vunpack.c.l.s4.s8 v19;
	v20 =	vunpack.c.l.s4.s8 v20;
	v33 =	vunpack.c.l.s4.s8 v33  }
0x16: {  	v34 =	vunpack.c.l.s4.s8 v34;
	v35 =	vunpack.c.l.s4.s8 v35;
	v0 =	vsel vm13, $0x81, v0  }
0x17: {  	v1 =	vsel vm13, $0x101, v1;
	v2 =	vsel vm13, $0x181, v2;
	v3 =	vsel vm13, $0x201, v3  }
0x18: {  	v4 =	vsel vm13, $0x281, v4;
	v5 =	vsel vm13, $0x301, v5;
	v6 =	vsel vm13, $0x381, v6  }
0x19: {  	v7 =	vsel vm13, $0x2001, v7;
	v8 =	vsel vm13, $0x2081, v8;
	v9 =	vsel vm13, $0x2101, v9  }
0x1a: {  	v10 =	vsel vm13, $0x2181, v10;
	v11 =	vsel vm13, $0x2201, v11;
	v12 =	vsel vm13, $0x2281, v12  }
0x1b: {  	v13 =	vsel vm13, $0x2301, v13;
	v14 =	vsel vm13, $0x2381, v14;
	v15 =	vsel vm13, $0x1, v15  }
0x1c: {  	v0 =	vsel vm12, $0x102, v0;
	v1 =	vsel vm12, $0x182, v1;
	v2 =	vsel vm12, $0x202, v2  }
0x1d: {  	v3 =	vsel vm12, $0x282, v3;
	v4 =	vsel vm12, $0x302, v4;
	v5 =	vsel vm12, $0x382, v5  }
0x1e: {  	v6 =	vsel vm12, $0x2002, v6;
	v7 =	vsel vm12, $0x2082, v7;
	v8 =	vsel vm12, $0x2102, v8  }
0x1f: {  	v9 =	vsel vm12, $0x2182, v9;
	v10 =	vsel vm12, $0x2202, v10;
	v11 =	vsel vm12, $0x2282, v11  }
0x20: {  	v12 =	vsel vm12, $0x2302, v12;
	v13 =	vsel vm12, $0x2382, v13;
	v14 =	vsel vm12, $0x2, v14  }
0x21: {  	v15 =	vsel vm12, $0x82, v15;
	v23 =	vunpack.c.0.s8.s32 v17;
	v17 =	vunpack.c.l.s4.s8 v18  }
0x22: {  	v18 =	vimm.s32 $0x10FEDCBA;
	v26 =	vunpack.c.0.s8.s32 v19;
	v27 =	vunpack.c.0.s8.s32 v20  }
0x23: {  	v33 =	vunpack.c.0.s8.s32 v33;
	v34 =	vunpack.c.0.s8.s32 v34;
	v35 =	vunpack.c.0.s8.s32 v35  }
0x24: {  	v0 =	vsel vm11, $0x183, v0;
	v1 =	vsel vm11, $0x203, v1;
	v2 =	vsel vm11, $0x283, v2  }
0x25: {  	v3 =	vsel vm11, $0x303, v3;
	v4 =	vsel vm11, $0x383, v4;
	v5 =	vsel vm11, $0x2003, v5  }
0x26: {  	v6 =	vsel vm11, $0x2083, v6;
	v7 =	vsel vm11, $0x2103, v7;
	v8 =	vsel vm11, $0x2183, v8  }
0x27: {  	v9 =	vsel vm11, $0x2203, v9;
	v10 =	vsel vm11, $0x2283, v10;
	v11 =	vsel vm11, $0x2303, v11  }
0x28: {  	v12 =	vsel vm11, $0x2383, v12;
	v13 =	vsel vm11, $0x3, v13;
	v14 =	vsel vm11, $0x83, v14  }
0x29: {  	v15 =	vsel vm11, $0x103, v15;
	v18 =	vunpack.c.l.s4.s8 v18;
	v0 =	vsel vm10, $0x204, v0  }
0x2a: {  	v1 =	vsel vm10, $0x284, v1;
	v2 =	vsel vm10, $0x304, v2;
	v3 =	vsel vm10, $0x384, v3  }
0x2b: {  	v4 =	vsel vm10, $0x2004, v4;
	v5 =	vsel vm10, $0x2084, v5;
	v6 =	vsel vm10, $0x2104, v6  }
0x2c: {  	v7 =	vsel vm10, $0x2184, v7;
	v8 =	vsel vm10, $0x2204, v8;
	v9 =	vsel vm10, $0x2284, v9  }
0x2d: {  	v10 =	vsel vm10, $0x2304, v10;
	v11 =	vsel vm10, $0x2384, v11;
	v12 =	vsel vm10, $0x4, v12  }
0x2e: {  	v13 =	vsel vm10, $0x84, v13;
	v14 =	vsel vm10, $0x104, v14;
	v15 =	vsel vm10, $0x184, v15  }
0x2f: {  	v24 =	vunpack.c.0.s8.s32 v17;
	v17 =	vunpack.c.l.s4.s8 v21;
	v39 =	vcombine.low v34, v33  }
0x30: {  	v35 =	vand.u32 $0xF, v35;
	v0 =	vsel vm9, $0x285, v0;
	v1 =	vsel vm9, $0x305, v1  }
0x31: {  	v2 =	vsel vm9, $0x385, v2;
	v3 =	vsel vm9, $0x2005, v3;
	v4 =	vsel vm9, $0x2085, v4  }
0x32: {  	v5 =	vsel vm9, $0x2105, v5;
	v6 =	vsel vm9, $0x2185, v6;
	v7 =	vsel vm9, $0x2205, v7  }
0x33: {  	v8 =	vsel vm9, $0x2285, v8;
	v9 =	vsel vm9, $0x2305, v9;
	v10 =	vsel vm9, $0x2385, v10  }
0x34: {  	v11 =	vsel vm9, $0x5, v11;
	v12 =	vsel vm9, $0x85, v12;
	v13 =	vsel vm9, $0x105, v13  }
0x35: {  	v14 =	vsel vm9, $0x185, v14;
	v15 =	vsel vm9, $0x205, v15;
	v25 =	vunpack.c.0.s8.s32 v18  }
0x36: {  	v18 =	vimm.s32 $0x3210FEDC;
	v0 =	vsel vm8, $0x306, v0;
	v1 =	vsel vm8, $0x386, v1  }
0x37: {  	v2 =	vsel vm8, $0x2006, v2;
	v3 =	vsel vm8, $0x2086, v3;
	v4 =	vsel vm8, $0x2106, v4  }
0x38: {  	v5 =	vsel vm8, $0x2186, v5;
	v6 =	vsel vm8, $0x2206, v6;
	v7 =	vsel vm8, $0x2286, v7  }
0x39: {  	v8 =	vsel vm8, $0x2306, v8;
	v9 =	vsel vm8, $0x2386, v9;
	v10 =	vsel vm8, $0x6, v10  }
0x3a: {  	v11 =	vsel vm8, $0x86, v11;
	v12 =	vsel vm8, $0x106, v12;
	v13 =	vsel vm8, $0x186, v13  }
0x3b: {  	v14 =	vsel vm8, $0x206, v14;
	v15 =	vsel vm8, $0x286, v15;
	v28 =	vunpack.c.0.s8.s32 v17  }
0x3c: {  	v17 =	vunpack.c.l.s4.s8 v18;
	v18 =	vimm.s32 $0xBA987654;
	v19 =	vcombine.low v24, v23  }
0x3d: {  	v63 =	vcombine.low v23, v24;
	v24 =	vand.u32 $0xF, v39;
	v0 =	vsel vm7, $0x387, v0  }
0x3e: {  	v1 =	vsel vm7, $0x2007, v1;
	v2 =	vsel vm7, $0x2087, v2;
	v3 =	vsel vm7, $0x2107, v3  }
0x3f: {  	v4 =	vsel vm7, $0x2187, v4;
	v5 =	vsel vm7, $0x2207, v5;
	v6 =	vsel vm7, $0x2287, v6  }
0x40: {  	v7 =	vsel vm7, $0x2307, v7;
	v8 =	vsel vm7, $0x2387, v8;
	v9 =	vsel vm7, $0x7, v9  }
0x41: {  	v10 =	vsel vm7, $0x87, v10;
	v11 =	vsel vm7, $0x107, v11;
	v12 =	vsel vm7, $0x187, v12  }
0x42: {  	v13 =	vsel vm7, $0x207, v13;
	v14 =	vsel vm7, $0x287, v14;
	v15 =	vsel vm7, $0x307, v15  }
0x43: {  	v20 =	vcombine.low v26, v25;
	v18 =	vunpack.c.l.s4.s8 v18;
	v26 =	vcombine.low v25, v26  }
0x44: {  	v0 =	vsel vm6, $0x2008, v0;
	v1 =	vsel vm6, $0x2088, v1;
	v2 =	vsel vm6, $0x2108, v2  }
0x45: {  	v3 =	vsel vm6, $0x2188, v3;
	v4 =	vsel vm6, $0x2208, v4;
	v5 =	vsel vm6, $0x2288, v5  }
0x46: {  	v6 =	vsel vm6, $0x2308, v6;
	v7 =	vsel vm6, $0x2388, v7;
	v8 =	vsel vm6, $0x8, v8  }
0x47: {  	v9 =	vsel vm6, $0x88, v9;
	v10 =	vsel vm6, $0x108, v10;
	v11 =	vsel vm6, $0x188, v11  }
0x48: {  	v12 =	vsel vm6, $0x208, v12;
	v13 =	vsel vm6, $0x288, v13;
	v14 =	vsel vm6, $0x308, v14  }
0x49: {  	v15 =	vsel vm6, $0x388, v15;
	v21 =	vcombine.low v28, v27;
	v29 =	vunpack.c.0.s8.s32 v17  }
0x4a: {  	v17 =	vimm.s32 $0x43210FED;
	v27 =	vcombine.low v27, v28;
	v25 =	vand.u32 $0xF, v63  }
0x4b: {  	v0 =	vsel vm5, $0x2089, v0;
	v1 =	vsel vm5, $0x2109, v1;
	v2 =	vsel vm5, $0x2189, v2  }
0x4c: {  	v3 =	vsel vm5, $0x2209, v3;
	v4 =	vsel vm5, $0x2289, v4;
	v5 =	vsel vm5, $0x2309, v5  }
0x4d: {  	v6 =	vsel vm5, $0x2389, v6;
	v7 =	vsel vm5, $0x9, v7;
	v8 =	vsel vm5, $0x89, v8  }
0x4e: {  	v9 =	vsel vm5, $0x109, v9;
	v10 =	vsel vm5, $0x189, v10;
	v11 =	vsel vm5, $0x209, v11  }
0x4f: {  	v12 =	vsel vm5, $0x289, v12;
	v13 =	vsel vm5, $0x309, v13;
	v14 =	vsel vm5, $0x389, v14  }
0x50: {  	v15 =	vsel vm5, $0x2009, v15;
	v30 =	vunpack.c.0.s8.s32 v18;
	v22 =	vunpack.c.l.s4.s8 v17  }
0x51: {  	v17 =	vand.u32 $0xF, v19;
	v18 =	vand.u32 $0xF, v20;
	v20 =	vunpack.c.l.s4.s8 v31  }
0x52: {  	v26 =	vand.u32 $0xF, v26;
	v0 =	vsel vm4, $0x210A, v0;
	v1 =	vsel vm4, $0x218A, v1  }
0x53: {  	v2 =	vsel vm4, $0x220A, v2;
	v3 =	vsel vm4, $0x228A, v3;
	v4 =	vsel vm4, $0x230A, v4  }
0x54: {  	v5 =	vsel vm4, $0x238A, v5;
	v6 =	vsel vm4, $0xA, v6;
	v7 =	vsel vm4, $0x8A, v7  }
0x55: {  	v8 =	vsel vm4, $0x10A, v8;
	v9 =	vsel vm4, $0x18A, v9;
	v10 =	vsel vm4, $0x20A, v10  }
0x56: {  	v0 =	vsel vm1, $0x218B, v0;
	v1 =	vsel vm1, $0x220B, v1;
	v2 =	vsel vm1, $0x228B, v2  }
0x57: {  	v3 =	vsel vm1, $0x230B, v3;
	v4 =	vsel vm1, $0x238B, v4;
	v5 =	vsel vm1, $0xB, v5  }
0x58: {  	v6 =	vsel vm1, $0x8B, v6;
	v7 =	vsel vm1, $0x10B, v7;
	v0 =	vsel vm2, $0x220C, v0  }
0x59: {  	v8 =	vsel vm1, $0x18B, v8;
	v1 =	vsel vm2, $0x228C, v1;
	v0 =	vsel vm0, $0x228D, v0  }
0x5a: {  	v2 =	vsel vm2, $0x230C, v2;
	v1 =	vsel vm0, $0x230D, v1;
	v0 =	vsel vm3, $0x230E, v0  }
0x5b: {  	s2 =	srdreg.scid;
	s0 =	stileid.u32;
	v3 =	vsel vm2, $0x238C, v3;
	v2 =	vsel vm0, $0x238D, v2;
	v54 =	vsel vm3, $0x238E, v1;
	[tilespmem:$0x1FF70] =	vst v0  }
0x5c: {  	s2 =	sand.u32 $0x1, s2;
	s5 =	sshll.u32 s0, $0x1;
	v4 =	vsel vm2, $0xC, v4;
	v3 =	vsel vm0, $0xD, v3;
	v55 =	vsel vm3, $0xE, v2;
	[tilespmem:$0x1FF80] =	vst v54  }
0x5d: {  	s1 =	rddreg [dreg:$0x0];
	s5 =	sor.u32 s2, s5;
	v5 =	vsel vm2, $0x8C, v5;
	v4 =	vsel vm0, $0x8D, v4;
	v56 =	vsel vm3, $0x8E, v3;
	[tilespmem:$0x1FF90] =	vst v55  }
0x5e: {  	s30 =	rddreg [dreg:$0x1];
	s17 =	smul.u32 $0x19, s5;
	v6 =	vsel vm2, $0x10C, v6;
	v5 =	vsel vm0, $0x10D, v5;
	v57 =	vsel vm3, $0x10E, v4;
	[tilespmem:$0x1FFA0] =	vst v56  }
0x5f: {  	s31 =	rddreg [dreg:$0x2];
	s4 =	simm.s32 $0x0;
	s5 =	smul.u32 $0x1900, s5;
	v7 =	vsel vm2, $0x18C, v7;
	v6 =	vsel vm0, $0x18D, v6;
	v58 =	vsel vm3, $0x18E, v5;
	[tilespmem:$0x1FFB0] =	vst v57  }
0x60: {  	[smem:$0x7FF] =	sst s4;
	v8 =	vsel vm2, $0x20C, v8;
	v7 =	vsel vm0, $0x20D, v7;
	v59 =	vsel vm3, $0x20E, v6;
	[tilespmem:$0x1FFC0] =	vst v58  }
0x61: {  	s26 =	sshll.u32 s17, $0x5;
	s6 =	sshll.u32 s17, $0x8;
	s5 =	sand.u32 $0x3E000, s5;
	v11 =	vsel vm4, $0x28A, v11;
	v8 =	vsel vm0, $0x28D, v8;
	v60 =	vsel vm3, $0x28E, v7;
	[tilespmem:$0x1FFD0] =	vst v59  }
0x62: {  	s25 =	ssub.s32 $0x2, s2;
	s2 =	sand.u32 $0x380, s26;
	s6 =	sand.u32 $0x400, s6;
	v12 =	vsel vm4, $0x30A, v12;
	v13 =	vsel vm4, $0x38A, v13;
	v61 =	vsel vm3, $0x30E, v8;
	[tilespmem:$0x1FFE0] =	vst v60  }
0x63: {  	s24 =	sadd.s32 $0x800, s1;
	s2 =	sor.u32 s5, s2;
	s28 =	sadd.s32 $0x4C0, s6;
	v14 =	vsel vm4, $0x200A, v14;
	v15 =	vsel vm4, $0x208A, v15;
	v19 =	vand.u32 $0xF, v21;
	[tilespmem:$0x1FFF0] =	vst v61  }
0x64: {  	s2 =	sshrl.u32 s2, $0x3;
	v27 =	vand.u32 $0xF, v27;
	v9 =	vsel vm1, $0x20B, v9;
	v10 =	vsel vm1, $0x28B, v10;
	_ =	strace $0x80000047;
	[dreg:$0x4] =	wrdreg s24  }
0x65: {  	s10 =	sadd.s32 $0x80, s30;
	s3 =	sadd.s32 s30, s2;
	v11 =	vsel vm1, $0x30B, v11;
	v12 =	vsel vm1, $0x38B, v12;
	v13 =	vsel vm1, $0x200B, v13;
	[dreg:$0x5] =	wrdreg s28  }
0x66: {  	s7 =	sshrl.u32 s25, $0x1;
	s5 =	sadd.s32 $0x540, s6;
	v14 =	vsel vm1, $0x208B, v14;
	v15 =	vsel vm1, $0x210B, v15;
	v21 =	vcombine.low v30, v29;
	[dreg:$0x6] =	wrdreg s3  }
0x67: {  	s1 =	ssub.s32 s25, s7;
	s7 =	sadd.s32 s2, s10;
	v31 =	vunpack.c.0.s8.s32 v22;
	v32 =	vunpack.c.0.s8.s32 v20;
	v20 =	vimm.s32 $0x543210FE;
	[dreg:$0x7] =	wrdreg s5  }
0x68: {  	s13 =	sadd.s32 $0x100, s30;
	s8 =	sadd.s32 $0x5C0, s6;
	v22 =	vimm.s32 $0xDCBA9876;
	v28 =	vcombine.low v29, v30;
	v9 =	vsel vm2, $0x28C, v9;
	[dreg:$0x8] =	wrdreg s7  }
0x69: {  	s9 =	sadd.s32 s2, s13;
	v10 =	vsel vm2, $0x30C, v10;
	v11 =	vsel vm2, $0x38C, v11;
	v12 =	vsel vm2, $0x200C, v12;
	[dreg:$0x9] =	wrdreg s8  }
0x6a: {  	s16 =	sadd.s32 $0x180, s30;
	s11 =	sadd.s32 $0x640, s6;
	v13 =	vsel vm2, $0x208C, v13;
	v14 =	vsel vm2, $0x210C, v14;
	v15 =	vsel vm2, $0x218C, v15;
	[dreg:$0xa] =	wrdreg s9  }
0x6b: {  	s12 =	sadd.s32 s2, s16;
	v20 =	vunpack.c.l.s4.s8 v20;
	v22 =	vunpack.c.l.s4.s8 v22;
	v9 =	vsel vm0, $0x30D, v9;
	[dreg:$0xb] =	wrdreg s11  }
0x6c: {  	s19 =	sadd.s32 $0x200, s30;
	s14 =	sadd.s32 $0x6C0, s6;
	v10 =	vsel vm0, $0x38D, v10;
	v11 =	vsel vm0, $0x200D, v11;
	v12 =	vsel vm0, $0x208D, v12;
	[dreg:$0xc] =	wrdreg s12  }
0x6d: {  	s15 =	sadd.s32 s2, s19;
	v13 =	vsel vm0, $0x210D, v13;
	v14 =	vsel vm0, $0x218D, v14;
	v15 =	vsel vm0, $0x220D, v15;
	[dreg:$0xd] =	wrdreg s14  }
0x6e: {  	s29 =	sadd.s32 $0x380, s30;
	s18 =	sadd.s32 $0x740, s6;
	v29 =	vcombine.low v31, v32;
	v28 =	vand.u32 $0xF, v28;
	v9 =	vsel vm3, $0x38E, v9;
	[dreg:$0xe] =	wrdreg s15  }
0x6f: {  	s25 =	sadd.s32 $0x300, s30;
	s20 =	sadd.s32 $0x7C0, s6;
	v10 =	vsel vm3, $0x200E, v10;
	v11 =	vsel vm3, $0x208E, v11;
	v12 =	vsel vm3, $0x210E, v12;
	[dreg:$0xf] =	wrdreg s18  }
0x70: {  	s21 =	sor.u32 $0x840, s6;
	s6 =	sadd.s32 $0x2, s17;
	v13 =	vsel vm3, $0x218E, v13;
	v14 =	vsel vm3, $0x220E, v14;
	v15 =	vsel vm3, $0x228E, v15;
	[dreg:$0x10] =	wrdreg s20  }
.Ltmp0:
0x71: {  	s23 =	sadd.s32 s2, s25;
	v37 =	vunpack.c.0.s8.s32 v20;
	v38 =	vunpack.c.0.s8.s32 v22;
	v22 =	vunpack.c.l.s4.s8 v36;
	[dreg:$0x11] =	wrdreg s21;
	(pc) =	sbr.rel .LBB2_1-.Ltmp0, $4  }
0x72: {  	s26 =	sadd.s32 s2, s29;
	v20 =	vand.u32 $0xF, v21;
	v21 =	vcombine.low v32, v31;
	v31 =	vcombine.low v33, v34;
	s24 =	sadd.s32 $0x280, s30;
	[dreg:$0x13] =	wrdreg s23  }
0x73: {  	v22 =	vunpack.c.0.s8.s32 v22;
	v62 =	vcombine.low v38, v37;
	[dreg:$0x14] =	wrdreg s26;
	s28 =	smax.u32 s1, $0x1;
	v30 =	vcombine.low v37, v38;
	s1 =	sadd.s32 $0x18, s17  }
0x74: {  	v29 =	vand.u32 $0xF, v29;
	v21 =	vand.u32 $0xF, v21;
	s8 =	simm.s32 $0x3;
	v31 =	vand.u32 $0xF, v31;
	s22 =	sadd.s32 s2, s24;
	[dreg:$0x15] =	wrdreg s28  }
0x75: {  	s5 =	simm.s32 $0x0;
	s2 =	sadd.s32 $0x19, s17;
	v22 =	vcombine.low v35, v22;
	v23 =	vand.u32 $0xF, v62;
	[dreg:$0x12] =	wrdreg s22;
	v30 =	vand.u32 $0xF, v30  }
.LBB2_10:
0x76: {  	s0 =	simm.s32 $0x1  }
0x77: {  	_ =	swait.ge [sflag:s0], $0x4000  }
0x78: {  	[sflag:s0] =	ssyncset.done $0x0  }
0x79: {  	s3 =	simm.s32 $0x2;
	[sflag:s0] =	ssyncadd.s32 $0xFFFFC000  }
0x7a: {  	_ =	swait.ge [sflag:s3], $0x4000  }
0x7b: {  	s5 =	rddreg [dreg:$0x16]  }
0x7c: {  	s28 =	rddreg [dreg:$0x15];
	s5 =	sadd.s32 $0x1, s5  }
0x7d: {  	p0 =	sne.s32 s5, s28  }
.Ltmp1:
0x7e: {  	_ = 	snop;
	(pc) =	sbr.rel @!p0 .LBB2_11-.Ltmp1, $3  }
0x7f: {  	_ =	sdelay $0x1  }
0x80: {  	[sflag:s3] =	ssyncset.done $0x0  }
0x81: {  	[sflag:s3] =	ssyncadd.s32 $0xFFFFC000  }
.LBB2_1:
0x82: {  	[dreg:$0x16] =	wrdreg s5  }
0x83: {  	s0 =	rddreg [dreg:$0x4];
	s26 =	simm.s32 $0x4  }
0x84: {  	[tilespmem:s4], [sflag:$0x4] =	stream.linear.gather [hbm4b:s0+s4], $0x4C0, $0x38;
	[tilespmem:$0x8DC0] =	vst v63  }
0x85: {  	_ =	swait.ge [sflag:s26], $0x4C0  }
0x86: {  	[sflag:s26] =	ssyncset.done $0x0  }
0x87: {  	[sflag:s26] =	ssyncadd.s32 $0xFFFFFB40  }
0x88: {  	[tilespmem:$0xD50] =	vst v9  }
0x89: {  	[tilespmem:$0xD60] =	vst v10  }
0x8a: {  	v0 =	vld [tilespmem:$0x1FF70];
	[tilespmem:$0xD70] =	vst v11  }
0x8b: {  	v56 =	vld [tilespmem:$0x1FF80];
	[tilespmem:$0xD80] =	vst v12  }
0x8c: {  	v57 =	vld [tilespmem:$0x1FF90];
	[tilespmem:$0xD90] =	vst v13  }
0x8d: {  	v58 =	vld [tilespmem:$0x1FFA0];
	[tilespmem:$0xDA0] =	vst v14  }
0x8e: {  	v59 =	vld [tilespmem:$0x1FFB0];
	[tilespmem:$0xDB0] =	vst v15  }
0x8f: {  	v60 =	vld [tilespmem:$0x1FFC0];
	[tilespmem:$0xCC0] =	vst v0  }
0x90: {  	v61 =	vld [tilespmem:$0x1FFD0];
	s28 =	rddreg [dreg:$0x5];
	[tilespmem:$0xCD0] =	vst v56  }
0x91: {  	v62 =	vld [tilespmem:$0x1FFE0];
	s3 =	rddreg [dreg:$0x6];
	[tilespmem:$0xCE0] =	vst v57  }
0x92: {  	v63 =	vld [tilespmem:$0x1FFF0];
	s5 =	rddreg [dreg:$0x7];
	[tilespmem:$0xCF0] =	vst v58  }
0x93: {  	s7 =	rddreg [dreg:$0x8];
	[tilespmem:$0xD00] =	vst v59  }
0x94: {  	s9 =	rddreg [dreg:$0x9];
	[tilespmem:$0xD10] =	vst v60  }
0x95: {  	s11 =	rddreg [dreg:$0xa];
	[tilespmem:$0xD20] =	vst v61  }
0x96: {  	s12 =	rddreg [dreg:$0xb];
	[tilespmem:$0xD30] =	vst v62  }
0x97: {  	s14 =	rddreg [dreg:$0xc];
	[tilespmem:$0xD40] =	vst v63  }
0x98: {  	[tilespmem:s28], [sflag:$0x3] =	stream.linear.gather [hbm4b:s3+s4], $0x80, $0x38;
	[tilespmem:$0x8DC0] =	vst v63  }
0x99: {  	s15 =	rddreg [dreg:$0xd]  }
0x9a: {  	[tilespmem:s5], [sflag:$0x3] =	stream.linear.gather [hbm4b:s7+s4], $0x80, $0x38;
	[tilespmem:$0x8DC0] =	vst v63  }
0x9b: {  	s18 =	rddreg [dreg:$0xe]  }
0x9c: {  	[tilespmem:s9], [sflag:$0x3] =	stream.linear.gather [hbm4b:s11+s4], $0x80, $0x38;
	[tilespmem:$0x8DC0] =	vst v63  }
0x9d: {  	s20 =	rddreg [dreg:$0xf]  }
0x9e: {  	[tilespmem:s12], [sflag:$0x3] =	stream.linear.gather [hbm4b:s14+s4], $0x80, $0x38;
	[tilespmem:$0x8DC0] =	vst v63  }
0x9f: {  	s21 =	rddreg [dreg:$0x12]  }
0xa0: {  	[tilespmem:s15], [sflag:$0x3] =	stream.linear.gather [hbm4b:s18+s4], $0x80, $0x38;
	[tilespmem:$0x8DC0] =	vst v63  }
0xa1: {  	s22 =	rddreg [dreg:$0x10]  }
0xa2: {  	[tilespmem:s20], [sflag:$0x3] =	stream.linear.gather [hbm4b:s21+s4], $0x80, $0x38;
	[tilespmem:$0x8DC0] =	vst v63  }
.Ltmp2:
0xa3: {  	s23 =	rddreg [dreg:$0x13];
	(pc) =	sbr.rel .LBB2_2-.Ltmp2, $4  }
0xa4: {  	s26 =	rddreg [dreg:$0x11]  }
0xa5: {  	[tilespmem:s22], [sflag:$0x3] =	stream.linear.gather [hbm4b:s23+s4], $0x80, $0x38;
	[tilespmem:$0x8DC0] =	vst v63  }
0xa6: {  	s28 =	rddreg [dreg:$0x14];
	s5 =	smov.u32 s17  }
0xa7: {  	[tilespmem:s26], [sflag:$0x3] =	stream.linear.gather [hbm4b:s28+s4], $0x80, $0x38;
	[tilespmem:$0x8DC0] =	vst v63  }
.LBB2_9:
0xa8: {  	p0 =	slt.u32 s18, s2  }
.Ltmp3:
0xa9: {  	_ = 	snop;
	(pc) =	sbr.rel @!p0 .LBB2_10-.Ltmp3, $2  }
0xaa: {  	_ =	sdelay $0x2  }
0xab: {  	s5 =	smov.u32 s18  }
.LBB2_2:
0xac: {  	s20 =	sand.u32 $0x3, s5;
	p0 =	seq.s32 s5, s17  }
0xad: {  	p1 =	sne.s32 @!p0 s20, $0x0  }
0xae: {  	p0 =	por p0, !p1  }
0xaf: {  	_ =	swait.ge @p0 [sflag:s8], $0x80  }
0xb0: {  	[sflag:s8] =	ssyncset.done @p0 $0x0  }
0xb1: {  	[sflag:s8] =	ssyncadd.s32 @p0 $0xFFFFFF80  }
0xb2: {  	_ =	swait.ge @p0 [sflag:s8], $0x80  }
0xb3: {  	[sflag:s8] =	ssyncset.done @p0 $0x0  }
0xb4: {  	[sflag:s8] =	ssyncadd.s32 @p0 $0xFFFFFF80  }
0xb5: {  	_ =	swait.ge @p0 [sflag:s8], $0x80  }
0xb6: {  	[sflag:s8] =	ssyncset.done @p0 $0x0  }
0xb7: {  	[sflag:s8] =	ssyncadd.s32 @p0 $0xFFFFFF80  }
0xb8: {  	_ =	swait.ge @p0 [sflag:s8], $0x80  }
0xb9: {  	[sflag:s8] =	ssyncset.done @p0 $0x0  }
0xba: {  	[sflag:s8] =	ssyncadd.s32 @p0 $0xFFFFFF80  }
0xbb: {  	_ =	swait.ge @p0 [sflag:s8], $0x80  }
0xbc: {  	[sflag:s8] =	ssyncset.done @p0 $0x0  }
0xbd: {  	[sflag:s8] =	ssyncadd.s32 @p0 $0xFFFFFF80  }
0xbe: {  	_ =	swait.ge @p0 [sflag:s8], $0x80  }
0xbf: {  	[sflag:s8] =	ssyncset.done @p0 $0x0  }
0xc0: {  	[sflag:s8] =	ssyncadd.s32 @p0 $0xFFFFFF80  }
0xc1: {  	_ =	swait.ge @p0 [sflag:s8], $0x80  }
0xc2: {  	[sflag:s8] =	ssyncset.done @p0 $0x0  }
0xc3: {  	[sflag:s8] =	ssyncadd.s32 @p0 $0xFFFFFF80  }
0xc4: {  	p5 =	seq.s32 s5, s1;
	_ =	swait.ge @p0 [sflag:s8], $0x80  }
0xc5: {  	s18 =	sadd.s32 $0x1, s5;
	p4 =	seq.s32 s20, $0x3;
	[sflag:s8] =	ssyncset.done @p0 $0x0  }
0xc6: {  	p6 =	sge.u32 s18, s2;
	[sflag:s8] =	ssyncadd.s32 @p0 $0xFFFFFF80;
	p0 =	por p5, p4  }
0xc7: {  	s7 =	sshrl.u32 s5, $0x2;
	p0 =	por !p0, p6  }
0xc8: {  	s11 =	sadd.s32 @!p0 $0x1, s7  }
0xc9: {  	s12 =	sshll.u32 @!p0 s11, $0xA;
	s11 =	sshll.u32 @!p0 s11, $0x7  }
0xca: {  	s7 =	sand.u32 $0x1, s7;
	s12 =	sand.u32 @!p0 $0x7FFFE000, s12;
	s11 =	sand.u32 @!p0 $0x380, s11  }
0xcb: {  	s14 =	sshll.u32 @!p0 s7, $0xA;
	s11 =	sor.u32 @!p0 s11, s12  }
0xcc: {  	s12 =	sxor.u32 @!p0 $0x400, s14;
	s11 =	sshrl.u32 @!p0 s11, $0x3  }
0xcd: {  	s21 =	simm.s32 @!p0 $0x0;
	s12 =	sadd.s32 @!p0 $0x4C0, s12;
	s15 =	sadd.s32 @!p0 s30, s11  }
0xce: {  	[tilespmem:s12], [sflag:$0x3] =	stream.linear.gather @!p0 [hbm4b:s15+s21], $0x80, $0x38;
	[tilespmem:$0x8DC0] =	vst v63  }
0xcf: {  	s12 =	ssub.s32 @!p0 $0x940, s14;
	s15 =	sadd.s32 @!p0 s11, s10  }
0xd0: {  	[tilespmem:s12], [sflag:$0x3] =	stream.linear.gather @!p0 [hbm4b:s15+s21], $0x80, $0x38;
	[tilespmem:$0x8DC0] =	vst v63  }
0xd1: {  	s12 =	ssub.s32 @!p0 $0x9C0, s14;
	s15 =	sadd.s32 @!p0 s11, s13  }
0xd2: {  	[tilespmem:s12], [sflag:$0x3] =	stream.linear.gather @!p0 [hbm4b:s15+s21], $0x80, $0x38;
	[tilespmem:$0x8DC0] =	vst v63  }
0xd3: {  	s12 =	ssub.s32 @!p0 $0xA40, s14;
	s15 =	sadd.s32 @!p0 s11, s16  }
0xd4: {  	[tilespmem:s12], [sflag:$0x3] =	stream.linear.gather @!p0 [hbm4b:s15+s21], $0x80, $0x38;
	[tilespmem:$0x8DC0] =	vst v63  }
0xd5: {  	s12 =	ssub.s32 @!p0 $0xAC0, s14;
	s15 =	sadd.s32 @!p0 s11, s19  }
0xd6: {  	[tilespmem:s12], [sflag:$0x3] =	stream.linear.gather @!p0 [hbm4b:s15+s21], $0x80, $0x38;
	[tilespmem:$0x8DC0] =	vst v63  }
0xd7: {  	s12 =	ssub.s32 @!p0 $0xB40, s14;
	s15 =	sadd.s32 @!p0 s11, s24  }
0xd8: {  	[tilespmem:s12], [sflag:$0x3] =	stream.linear.gather @!p0 [hbm4b:s15+s21], $0x80, $0x38;
	[tilespmem:$0x8DC0] =	vst v63  }
0xd9: {  	s12 =	ssub.s32 @!p0 $0xBC0, s14;
	s15 =	sadd.s32 @!p0 s11, s25  }
0xda: {  	[tilespmem:s12], [sflag:$0x3] =	stream.linear.gather @!p0 [hbm4b:s15+s21], $0x80, $0x38;
	[tilespmem:$0x8DC0] =	vst v63  }
0xdb: {  	s22 =	sand.u32 $0x1, s5;
	s11 =	sadd.s32 @!p0 s11, s29;
	s12 =	sxor.u32 @!p0 $0xC40, s14  }
0xdc: {  	[tilespmem:s12], [sflag:$0x3] =	stream.linear.gather @!p0 [hbm4b:s11+s21], $0x80, $0x38;
	[tilespmem:$0x8DC0] =	vst v63  }
0xdd: {  	p0 =	seq.s32 s22, $0x1  }
.Ltmp4:
0xde: {  	_ = 	snop;
	(pc) =	sbr.rel @p0 .LBB2_6-.Ltmp4, $3  }
0xdf: {  	_ =	sdelay $0x1  }
0xe0: {  	s7 =	sshll.u32 s7, $0xA  }
0xe1: {  	s21 =	sadd.s32 $0x4D0, s7  }
0xe2: {  	p0 =	slt.u32 s5, s6  }
0xe3: {  	s7 =	simm.s32 @!p0 $0x1  }
0xe4: {  	_ =	swait.ge @!p0 [sflag:s7], $0x4000  }
0xe5: {  	[sflag:s7] =	ssyncset.done @!p0 $0x0  }
0xe6: {  	[sflag:s7] =	ssyncadd.s32 @!p0 $0xFFFFC000  }
0xe7: {  	v32 =	vld [tilespmem:s21+$0x0];
	_ =	sdelay $0x4  }
0xe8: {  	v33 =	vld [tilespmem:s21+$0xFFFFFFF0];
	v32 =	vshll.u32 v32, $0x6  }
0xe9: {  	v35 =	vor.u32 v16, v32;
	_ =	sdelay $0x1  }
0xea: {  	v36 =	vld [tilespmem:$0xCC0];
	_ =	sdelay $0x1  }
0xeb: {  	s23 =	sshll.u32 s20, $0x4;
	v34 =	vshll.u32 v33, $0x6  }
0xec: {  	v33 =	vor.u32 v16, v34;
	v35 =	vld.idx.msk [tilespmem:v35+s23+$0x0], $0xffff  }
0xed: {  	s26 =	simm.s32 $0x0  }
0xee: {  	s11 =	simm.s32 $0x10;
	s7 =	sand.u32 $0x1C00, s26  }
0xef: {  	s11 =	sand.u32 $0x70, s11;
	s7 =	sadd.s32 $0xDC0, s7  }
0xf0: {  	s26 =	sadd.s32 s11, s7;
	v37 =	vor.u32 v17, v32  }
0xf1: {  	v33 =	vld.idx.msk [tilespmem:v33+s23+$0x0], $0xffff;
	[tilespmem:v36+s26+$0x0] =	vst.idx.msk $0xffff, v35  }
0xf2: {  	v35 =	vld [tilespmem:$0xCD0];
	_ =	sdelay $0x1  }
0xf3: {  	s0 =	simm.s32 $0x0  }
0xf4: {  	s11 =	sand.u32 $0x60, s0;
	v38 =	vor.u32 v17, v34;
	v37 =	vld.idx.msk [tilespmem:v37+s23+$0x0], $0xffff  }
0xf5: {  	s28 =	sadd.s32 s11, s7  }
0xf6: {  	[tilespmem:v36+s28+$0x0] =	vst.idx.msk $0xffff, v33  }
0xf7: {  	v33 =	vld [tilespmem:$0xCD0]  }
0xf8: {  	v53 =	vor.u32 v18, v32  }
0xf9: {  	v38 =	vld.idx.msk [tilespmem:v38+s23+$0x0], $0xffff;
	[tilespmem:v35+s26+$0x0] =	vst.idx.msk $0xffff, v37  }
0xfa: {  	v35 =	vld [tilespmem:$0xCE0];
	_ =	sdelay $0x2  }
0xfb: {  	v54 =	vor.u32 v18, v34;
	v36 =	vld.idx.msk [tilespmem:v53+s23+$0x0], $0xffff;
	_ =	sdelay $0x1  }
0xfc: {  	[tilespmem:v33+s28+$0x0] =	vst.idx.msk $0xffff, v38  }
0xfd: {  	v33 =	vld [tilespmem:$0xCE0]  }
0xfe: {  	v55 =	vor.u32 v19, v32  }
0xff: {  	v37 =	vld.idx.msk [tilespmem:v54+s23+$0x0], $0xffff;
	[tilespmem:v35+s26+$0x0] =	vst.idx.msk $0xffff, v36  }
0x100: {  	v35 =	vld [tilespmem:$0xCF0];
	_ =	sdelay $0x2  }
0x101: {  	v56 =	vor.u32 v19, v34;
	v38 =	vld.idx.msk [tilespmem:v55+s23+$0x0], $0xffff;
	_ =	sdelay $0x1  }
0x102: {  	[tilespmem:v33+s28+$0x0] =	vst.idx.msk $0xffff, v37  }
0x103: {  	v33 =	vld [tilespmem:$0xCF0]  }
0x104: {  	v57 =	vor.u32 v20, v32  }
0x105: {  	v36 =	vld.idx.msk [tilespmem:v56+s23+$0x0], $0xffff;
	[tilespmem:v35+s26+$0x0] =	vst.idx.msk $0xffff, v38  }
0x106: {  	v35 =	vld [tilespmem:$0xD00];
	_ =	sdelay $0x2  }
0x107: {  	v58 =	vor.u32 v20, v34;
	v37 =	vld.idx.msk [tilespmem:v57+s23+$0x0], $0xffff;
	_ =	sdelay $0x1  }
0x108: {  	[tilespmem:v33+s28+$0x0] =	vst.idx.msk $0xffff, v36  }
0x109: {  	v33 =	vld [tilespmem:$0xD00]  }
0x10a: {  	v59 =	vor.u32 v21, v32  }
0x10b: {  	v38 =	vld.idx.msk [tilespmem:v58+s23+$0x0], $0xffff;
	[tilespmem:v35+s26+$0x0] =	vst.idx.msk $0xffff, v37  }
0x10c: {  	v35 =	vld [tilespmem:$0xD10];
	_ =	sdelay $0x2  }
0x10d: {  	v60 =	vor.u32 v21, v34;
	v36 =	vld.idx.msk [tilespmem:v59+s23+$0x0], $0xffff;
	_ =	sdelay $0x1  }
0x10e: {  	[tilespmem:v33+s28+$0x0] =	vst.idx.msk $0xffff, v38  }
0x10f: {  	v33 =	vld [tilespmem:$0xD10]  }
0x110: {  	v61 =	vor.u32 v23, v32  }
0x111: {  	v37 =	vld.idx.msk [tilespmem:v60+s23+$0x0], $0xffff;
	[tilespmem:v35+s26+$0x0] =	vst.idx.msk $0xffff, v36  }
0x112: {  	s14 =	sadd.s32 $0x20, s21;
	v35 =	vld [tilespmem:$0xD20]  }
0x113: {  	v62 =	vld [tilespmem:s14+$0x0]  }
0x114: {  	v63 =	vld [tilespmem:s14+$0xFFFFFFF0]  }
0x115: {  	v39 =	vor.u32 v23, v34;
	v38 =	vld.idx.msk [tilespmem:v61+s23+$0x0], $0xffff;
	_ =	sdelay $0x1  }
0x116: {  	[tilespmem:v33+s28+$0x0] =	vst.idx.msk $0xffff, v37  }
0x117: {  	v40 =	vld [tilespmem:$0xD20]  }
0x118: {  	v41 =	vor.u32 v24, v32;
	v33 =	vshll.u32 v62, $0x6  }
0x119: {  	v48 =	vshll.u32 v63, $0x6;
	v0 =	vld.idx.msk [tilespmem:v39+s23+$0x0], $0xffff;
	v1 =	vor.u32 v16, v33;
	[tilespmem:v35+s26+$0x0] =	vst.idx.msk $0xffff, v38  }
0x11a: {  	v37 =	vor.u32 v16, v48;
	v35 =	vld [tilespmem:$0xD30]  }
0x11b: {  	v2 =	vld [tilespmem:$0xCC0];
	_ =	sdelay $0x1  }
0x11c: {  	v42 =	vor.u32 v24, v34;
	v41 =	vld.idx.msk [tilespmem:v41+s23+$0x0], $0xffff  }
0x11d: {  	v39 =	vld.idx.msk [tilespmem:v1+s23+$0x0], $0xffff  }
0x11e: {  	s7 =	simm.s32 $0x100;
	v37 =	vld.idx.msk [tilespmem:v37+s23+$0x0], $0xffff;
	[tilespmem:v40+s28+$0x0] =	vst.idx.msk $0xffff, v0  }
0x11f: {  	s11 =	simm.s32 $0x30;
	s12 =	sand.u32 $0x1C00, s7;
	v36 =	vld [tilespmem:$0xD30]  }
0x120: {  	s9 =	simm.s32 $0x20;
	s15 =	sand.u32 $0x70, s11;
	s12 =	sadd.s32 $0xDC0, s12;
	v3 =	vor.u32 v22, v32  }
0x121: {  	s3 =	smov.u32 s30;
	s30 =	sadd.s32 s15, s12;
	s15 =	sand.u32 $0x60, s9;
	v43 =	vor.u32 v17, v33;
	v42 =	vld.idx.msk [tilespmem:v42+s23+$0x0], $0xffff;
	[tilespmem:v35+s26+$0x0] =	vst.idx.msk $0xffff, v41  }
0x122: {  	s4 =	smov.u32 s31;
	s31 =	sadd.s32 s15, s12;
	[tilespmem:v2+s30+$0x0] =	vst.idx.msk $0xffff, v39;
	v35 =	vld [tilespmem:$0xD40]  }
0x123: {  	[tilespmem:v2+s31+$0x0] =	vst.idx.msk $0xffff, v37;
	v39 =	vld [tilespmem:$0xCD0]  }
0x124: {  	v4 =	vor.u32 v17, v48;
	v38 =	vld [tilespmem:$0xCD0]  }
0x125: {  	v44 =	vor.u32 v22, v34;
	v40 =	vld.idx.msk [tilespmem:v3+s23+$0x0], $0xffff  }
0x126: {  	v5 =	vld.idx.msk [tilespmem:v43+s23+$0x0], $0xffff  }
0x127: {  	[tilespmem:v36+s28+$0x0] =	vst.idx.msk $0xffff, v42  }
0x128: {  	v7 =	vor.u32 v18, v33;
	v36 =	vld [tilespmem:$0xD40]  }
0x129: {  	v6 =	vor.u32 v25, v32;
	v41 =	vld.idx.msk [tilespmem:v4+s23+$0x0], $0xffff  }
0x12a: {  	v44 =	vld.idx.msk [tilespmem:v44+s23+$0x0], $0xffff;
	[tilespmem:v35+s26+$0x0] =	vst.idx.msk $0xffff, v40  }
0x12b: {  	[tilespmem:v39+s30+$0x0] =	vst.idx.msk $0xffff, v5;
	v35 =	vld [tilespmem:$0xD50]  }
0x12c: {  	v37 =	vld [tilespmem:$0xCE0]  }
0x12d: {  	v47 =	vor.u32 v18, v48;
	v50 =	vld.idx.msk [tilespmem:v7+s23+$0x0], $0xffff  }
0x12e: {  	v49 =	vor.u32 v25, v34;
	[tilespmem:v38+s31+$0x0] =	vst.idx.msk $0xffff, v41;
	v40 =	vld.idx.msk [tilespmem:v6+s23+$0x0], $0xffff  }
0x12f: {  	v41 =	vld [tilespmem:$0xCE0]  }
0x130: {  	[tilespmem:v36+s28+$0x0] =	vst.idx.msk $0xffff, v44  }
0x131: {  	v52 =	vor.u32 v19, v33;
	v36 =	vld [tilespmem:$0xD50]  }
0x132: {  	v51 =	vor.u32 v26, v32;
	v39 =	vld.idx.msk [tilespmem:v47+s23+$0x0], $0xffff  }
0x133: {  	v42 =	vld.idx.msk [tilespmem:v49+s23+$0x0], $0xffff;
	[tilespmem:v35+s26+$0x0] =	vst.idx.msk $0xffff, v40  }
0x134: {  	[tilespmem:v37+s30+$0x0] =	vst.idx.msk $0xffff, v50;
	v35 =	vld [tilespmem:$0xD60]  }
0x135: {  	v37 =	vld [tilespmem:$0xCF0]  }
0x136: {  	v53 =	vor.u32 v19, v48;
	v55 =	vld.idx.msk [tilespmem:v52+s23+$0x0], $0xffff  }
0x137: {  	v54 =	vor.u32 v26, v34;
	[tilespmem:v41+s31+$0x0] =	vst.idx.msk $0xffff, v39;
	v40 =	vld.idx.msk [tilespmem:v51+s23+$0x0], $0xffff  }
0x138: {  	v41 =	vld [tilespmem:$0xCF0]  }
0x139: {  	[tilespmem:v36+s28+$0x0] =	vst.idx.msk $0xffff, v42  }
0x13a: {  	v57 =	vor.u32 v20, v33;
	v36 =	vld [tilespmem:$0xD60]  }
0x13b: {  	v56 =	vor.u32 v27, v32;
	v38 =	vld.idx.msk [tilespmem:v53+s23+$0x0], $0xffff  }
0x13c: {  	v43 =	vld.idx.msk [tilespmem:v54+s23+$0x0], $0xffff;
	[tilespmem:v35+s26+$0x0] =	vst.idx.msk $0xffff, v40  }
0x13d: {  	[tilespmem:v37+s30+$0x0] =	vst.idx.msk $0xffff, v55;
	v35 =	vld [tilespmem:$0xD70]  }
0x13e: {  	v37 =	vld [tilespmem:$0xD00]  }
0x13f: {  	v58 =	vor.u32 v20, v48;
	v60 =	vld.idx.msk [tilespmem:v57+s23+$0x0], $0xffff  }
0x140: {  	v59 =	vor.u32 v27, v34;
	[tilespmem:v41+s31+$0x0] =	vst.idx.msk $0xffff, v38;
	v40 =	vld.idx.msk [tilespmem:v56+s23+$0x0], $0xffff  }
0x141: {  	v41 =	vld [tilespmem:$0xD00]  }
0x142: {  	[tilespmem:v36+s28+$0x0] =	vst.idx.msk $0xffff, v43  }
0x143: {  	v45 =	vor.u32 v21, v33;
	v36 =	vld [tilespmem:$0xD70]  }
0x144: {  	v61 =	vor.u32 v28, v32;
	v62 =	vld.idx.msk [tilespmem:v58+s23+$0x0], $0xffff  }
0x145: {  	v47 =	vld.idx.msk [tilespmem:v59+s23+$0x0], $0xffff;
	[tilespmem:v35+s26+$0x0] =	vst.idx.msk $0xffff, v40  }
0x146: {  	v63 =	vor.u32 v21, v48;
	[tilespmem:v37+s30+$0x0] =	vst.idx.msk $0xffff, v60;
	v49 =	vld [tilespmem:$0xD80]  }
0x147: {  	v53 =	vld [tilespmem:$0xD10]  }
0x148: {  	v46 =	vor.u32 v23, v48;
	v44 =	vor.u32 v22, v48;
	v51 =	vor.u32 v28, v34;
	v55 =	vld.idx.msk [tilespmem:v45+s23+$0x0], $0xffff  }
0x149: {  	v52 =	vor.u32 v29, v32;
	v39 =	vor.u32 v29, v34;
	[tilespmem:v41+s31+$0x0] =	vst.idx.msk $0xffff, v62;
	v50 =	vld.idx.msk [tilespmem:v61+s23+$0x0], $0xffff  }
0x14a: {  	v42 =	vor.u32 v26, v48;
	v57 =	vor.u32 v23, v33;
	v38 =	vor.u32 v29, v48;
	v54 =	vld [tilespmem:$0xD10]  }
0x14b: {  	v43 =	vor.u32 v25, v48;
	v37 =	vor.u32 v30, v48;
	v56 =	vld.idx.msk [tilespmem:v63+s23+$0x0], $0xffff;
	[tilespmem:v36+s28+$0x0] =	vst.idx.msk $0xffff, v47  }
0x14c: {  	v45 =	vor.u32 v24, v48;
	v41 =	vor.u32 v27, v48;
	v35 =	vor.u32 v30, v34;
	v47 =	vld [tilespmem:$0xD80]  }
0x14d: {  	s12 =	simm.s32 $0x2;
	s15 =	sadd.s32 $0x20, s14;
	v34 =	vor.u32 v31, v34;
	v40 =	vor.u32 v28, v48;
	v36 =	vor.u32 v31, v48;
	v51 =	vld.idx.msk [tilespmem:v51+s23+$0x0], $0xffff  }
.LBB2_4:
0x14e: {  	v48 =	vld [tilespmem:s15+$0x0];
	[tilespmem:v49+s26+$0x0] =	vst.idx.msk $0xffff, v50  }
0x14f: {  	[tilespmem:v53+s30+$0x0] =	vst.idx.msk $0xffff, v55;
	v49 =	vld [tilespmem:$0xD90]  }
0x150: {  	v50 =	vld [tilespmem:$0xD20]  }
0x151: {  	v52 =	vld.idx.msk [tilespmem:v52+s23+$0x0], $0xffff  }
0x152: {  	[tilespmem:v54+s31+$0x0] =	vst.idx.msk $0xffff, v56;
	v53 =	vld.idx.msk [tilespmem:v57+s23+$0x0], $0xffff  }
0x153: {  	s12 =	sadd.s32 $0x2, s12;
	v54 =	vld [tilespmem:s15+$0xFFFFFFF0]  }
0x154: {  	p0 =	slt.u32 s12, $0x3E;
	v55 =	vld [tilespmem:$0xD20];
	[tilespmem:v47+s28+$0x0] =	vst.idx.msk $0xffff, v51  }
0x155: {  	v51 =	vld.idx.msk [tilespmem:v46+s23+$0x0], $0xffff;
	v46 =	vor.u32 v30, v32  }
0x156: {  	v56 =	vor.u32 v24, v33;
	v57 =	vld [tilespmem:$0xD90]  }
0x157: {  	v59 =	vshll.u32 v48, $0x6;
	v58 =	vld [tilespmem:$0xCC0];
	[tilespmem:v49+s26+$0x0] =	vst.idx.msk $0xffff, v52  }
0x158: {  	v52 =	vshll.u32 v54, $0x6;
	v54 =	vor.u32 v16, v59;
	[tilespmem:v50+s30+$0x0] =	vst.idx.msk $0xffff, v53;
	v53 =	vld [tilespmem:$0xDA0]  }
0x159: {  	v60 =	vor.u32 v16, v52;
	v61 =	vor.u32 v17, v52;
	v62 =	vor.u32 v18, v52;
	v63 =	vld [tilespmem:$0xD30]  }
0x15a: {  	v0 =	vor.u32 v19, v52;
	v49 =	vor.u32 v20, v52;
	v47 =	vor.u32 v21, v52;
	v1 =	vld.idx.msk [tilespmem:v46+s23+$0x0], $0xffff  }
0x15b: {  	v2 =	vor.u32 v24, v52;
	v3 =	vor.u32 v22, v52;
	v46 =	vor.u32 v23, v52;
	v56 =	vld.idx.msk [tilespmem:v56+s23+$0x0], $0xffff  }
0x15c: {  	v4 =	vor.u32 v25, v52;
	v5 =	vor.u32 v26, v52;
	[tilespmem:v55+s31+$0x0] =	vst.idx.msk $0xffff, v51;
	v55 =	vld.idx.msk [tilespmem:v39+s23+$0x0], $0xffff  }
0x15d: {  	v50 =	vor.u32 v27, v52;
	v48 =	vor.u32 v28, v52;
	v6 =	vor.u32 v29, v52;
	v54 =	vld.idx.msk [tilespmem:v54+s23+$0x0], $0xffff  }
0x15e: {  	v7 =	vor.u32 v30, v52;
	v51 =	vor.u32 v31, v52;
	v52 =	vor.u32 v31, v32;
	v60 =	vld.idx.msk [tilespmem:v60+s23+$0x0], $0xffff  }
0x15f: {  	s7 =	sadd.s32 $0x100, s7;
	v32 =	vmovc v33;
	v33 =	vmov v59;
	v39 =	vmov v38;
	v38 =	vmov v6;
	v8 =	vld [tilespmem:$0xD30]  }
0x160: {  	s11 =	sadd.s32 $0x20, s11;
	s14 =	sand.u32 $0x1C00, s7;
	v59 =	vor.u32 v22, v32;
	v6 =	vld.idx.msk [tilespmem:v45+s23+$0x0], $0xffff;
	[tilespmem:v53+s26+$0x0] =	vst.idx.msk $0xffff, v1;
	v45 =	vmov v2  }
0x161: {  	s9 =	sadd.s32 $0xFFFFFFF0, s11;
	s0 =	sand.u32 $0x70, s11;
	s14 =	sadd.s32 $0xDC0, s14;
	v1 =	vor.u32 v17, v33;
	[tilespmem:v63+s30+$0x0] =	vst.idx.msk $0xffff, v56;
	v2 =	vld [tilespmem:$0xDB0]  }
0x162: {  	s9 =	sand.u32 $0x60, s9;
	s0 =	sadd.s32 s0, s14;
	v53 =	vld [tilespmem:$0xD40];
	[tilespmem:v57+s28+$0x0] =	vst.idx.msk $0xffff, v55  }
0x163: {  	s14 =	sadd.s32 s9, s14;
	[tilespmem:v58+s0+$0x0] =	vst.idx.msk $0xffff, v54;
	v52 =	vld.idx.msk [tilespmem:v52+s23+$0x0], $0xffff  }
0x164: {  	[tilespmem:v58+s14+$0x0] =	vst.idx.msk $0xffff, v60;
	v54 =	vld [tilespmem:$0xCD0]  }
0x165: {  	v55 =	vld.idx.msk [tilespmem:v59+s23+$0x0], $0xffff  }
0x166: {  	v1 =	vld.idx.msk [tilespmem:v1+s23+$0x0], $0xffff  }
0x167: {  	v56 =	vld [tilespmem:$0xCD0];
	[tilespmem:v8+s31+$0x0] =	vst.idx.msk $0xffff, v6  }
0x168: {  	v6 =	vld.idx.msk [tilespmem:v61+s23+$0x0], $0xffff  }
0x169: {  	v57 =	vor.u32 v25, v32;
	v8 =	vld [tilespmem:$0xD40];
	[tilespmem:v2+s26+$0x0] =	vst.idx.msk $0xffff, v52;
	s26 =	smov.u32 s30;
	s30 =	smov.u32 s0  }
0x16a: {  	v2 =	vor.u32 v18, v33;
	v52 =	vld.idx.msk [tilespmem:v44+s23+$0x0], $0xffff;
	v44 =	vmov v3  }
0x16b: {  	[tilespmem:v53+s26+$0x0] =	vst.idx.msk $0xffff, v55;
	v3 =	vld [tilespmem:$0xDA0]  }
0x16c: {  	[tilespmem:v54+s30+$0x0] =	vst.idx.msk $0xffff, v1;
	v1 =	vld [tilespmem:$0xD50]  }
0x16d: {  	v53 =	vld [tilespmem:$0xCE0]  }
0x16e: {  	v54 =	vld.idx.msk [tilespmem:v57+s23+$0x0], $0xffff  }
0x16f: {  	[tilespmem:v56+s14+$0x0] =	vst.idx.msk $0xffff, v6;
	v2 =	vld.idx.msk [tilespmem:v2+s23+$0x0], $0xffff  }
0x170: {  	v6 =	vld [tilespmem:$0xCE0]  }
0x171: {  	v55 =	vld.idx.msk [tilespmem:v62+s23+$0x0], $0xffff;
	[tilespmem:v8+s31+$0x0] =	vst.idx.msk $0xffff, v52  }
0x172: {  	v52 =	vor.u32 v26, v32;
	v8 =	vld [tilespmem:$0xD50]  }
0x173: {  	v56 =	vor.u32 v19, v33;
	v57 =	vld.idx.msk [tilespmem:v43+s23+$0x0], $0xffff;
	v43 =	vmov v4  }
0x174: {  	[tilespmem:v1+s26+$0x0] =	vst.idx.msk $0xffff, v54;
	v1 =	vld.idx.msk [tilespmem:v35+s23+$0x0], $0xffff;
	v35 =	vmov v37;
	v37 =	vmov v7  }
0x175: {  	[tilespmem:v53+s30+$0x0] =	vst.idx.msk $0xffff, v2;
	v2 =	vld [tilespmem:$0xD60]  }
0x176: {  	v4 =	vld [tilespmem:$0xCF0]  }
0x177: {  	v7 =	vld.idx.msk [tilespmem:v52+s23+$0x0], $0xffff  }
0x178: {  	[tilespmem:v6+s14+$0x0] =	vst.idx.msk $0xffff, v55;
	v6 =	vld.idx.msk [tilespmem:v56+s23+$0x0], $0xffff  }
0x179: {  	v52 =	vld [tilespmem:$0xCF0]  }
0x17a: {  	v0 =	vld.idx.msk [tilespmem:v0+s23+$0x0], $0xffff;
	[tilespmem:v8+s31+$0x0] =	vst.idx.msk $0xffff, v57  }
0x17b: {  	v53 =	vor.u32 v27, v32;
	v8 =	vld [tilespmem:$0xD60];
	[tilespmem:v3+s28+$0x0] =	vst.idx.msk $0xffff, v1  }
0x17c: {  	v1 =	vor.u32 v20, v33;
	v3 =	vld.idx.msk [tilespmem:v42+s23+$0x0], $0xffff;
	v42 =	vmov v5  }
0x17d: {  	[tilespmem:v2+s26+$0x0] =	vst.idx.msk $0xffff, v7;
	v2 =	vld [tilespmem:$0xDB0]  }
0x17e: {  	[tilespmem:v4+s30+$0x0] =	vst.idx.msk $0xffff, v6;
	v4 =	vld [tilespmem:$0xD70]  }
0x17f: {  	v5 =	vld [tilespmem:$0xD00]  }
0x180: {  	v6 =	vld.idx.msk [tilespmem:v53+s23+$0x0], $0xffff  }
0x181: {  	[tilespmem:v52+s14+$0x0] =	vst.idx.msk $0xffff, v0;
	v0 =	vld.idx.msk [tilespmem:v1+s23+$0x0], $0xffff  }
0x182: {  	v1 =	vld [tilespmem:$0xD00]  }
0x183: {  	v7 =	vld.idx.msk [tilespmem:v49+s23+$0x0], $0xffff;
	[tilespmem:v8+s31+$0x0] =	vst.idx.msk $0xffff, v3  }
0x184: {  	v8 =	vor.u32 v28, v32;
	v3 =	vld [tilespmem:$0xD70]  }
0x185: {  	v52 =	vor.u32 v21, v33;
	v57 =	vld.idx.msk [tilespmem:v41+s23+$0x0], $0xffff;
	v41 =	vmov v50  }
0x186: {  	[tilespmem:v4+s26+$0x0] =	vst.idx.msk $0xffff, v6;
	v4 =	vld.idx.msk [tilespmem:v34+s23+$0x0], $0xffff;
	v34 =	vmov v36;
	v36 =	vmov v51  }
0x187: {  	[tilespmem:v5+s30+$0x0] =	vst.idx.msk $0xffff, v0;
	v49 =	vld [tilespmem:$0xD80]  }
0x188: {  	v53 =	vld [tilespmem:$0xD10]  }
0x189: {  	v50 =	vld.idx.msk [tilespmem:v8+s23+$0x0], $0xffff  }
.Ltmp5:
0x18a: {  	[tilespmem:v1+s14+$0x0] =	vst.idx.msk $0xffff, v7;
	v55 =	vld.idx.msk [tilespmem:v52+s23+$0x0], $0xffff;
	(pc) =	sbr.rel @p0 .LBB2_4-.Ltmp5, $4  }
0x18b: {  	v54 =	vld [tilespmem:$0xD10]  }
0x18c: {  	v56 =	vld.idx.msk [tilespmem:v47+s23+$0x0], $0xffff;
	[tilespmem:v3+s31+$0x0] =	vst.idx.msk $0xffff, v57  }
0x18d: {  	v52 =	vor.u32 v29, v32;
	v47 =	vld [tilespmem:$0xD80];
	[tilespmem:v2+s28+$0x0] =	vst.idx.msk $0xffff, v4;
	s28 =	smov.u32 s31;
	s31 =	smov.u32 s14  }
0x18e: {  	s15 =	sadd.s32 $0x20, s15;
	v57 =	vor.u32 v23, v33;
	v51 =	vld.idx.msk [tilespmem:v40+s23+$0x0], $0xffff;
	v40 =	vmov v48  }
0x18f: {  	_ =	sdelay $0x3  }
0x190: {  	[tilespmem:v53+s30+$0x0] =	vst.idx.msk $0xffff, v55  }
0x191: {  	v0 =	vld [tilespmem:$0xD20];
	[tilespmem:v54+s31+$0x0] =	vst.idx.msk $0xffff, v56  }
0x192: {  	v1 =	vld [tilespmem:$0xD20];
	_ =	sdelay $0x1  }
0x193: {  	v2 =	vld.idx.msk [tilespmem:v57+s23+$0x0], $0xffff  }
0x194: {  	v3 =	vld.idx.msk [tilespmem:v46+s23+$0x0], $0xffff;
	_ =	sdelay $0x2  }
0x195: {  	v4 =	vor.u32 v24, v33  }
0x196: {  	[tilespmem:v0+s30+$0x0] =	vst.idx.msk $0xffff, v2  }
0x197: {  	v0 =	vld [tilespmem:$0xD30];
	[tilespmem:v1+s31+$0x0] =	vst.idx.msk $0xffff, v3  }
0x198: {  	v1 =	vld [tilespmem:$0xD30];
	_ =	sdelay $0x1  }
0x199: {  	v2 =	vld.idx.msk [tilespmem:v4+s23+$0x0], $0xffff  }
0x19a: {  	v3 =	vld.idx.msk [tilespmem:v45+s23+$0x0], $0xffff;
	_ =	sdelay $0x2  }
0x19b: {  	v63 =	vor.u32 v22, v33  }
0x19c: {  	[tilespmem:v0+s30+$0x0] =	vst.idx.msk $0xffff, v2  }
0x19d: {  	v0 =	vld [tilespmem:$0xD40];
	[tilespmem:v1+s31+$0x0] =	vst.idx.msk $0xffff, v3  }
0x19e: {  	v1 =	vld [tilespmem:$0xD40];
	_ =	sdelay $0x1  }
0x19f: {  	v2 =	vld.idx.msk [tilespmem:v63+s23+$0x0], $0xffff  }
0x1a0: {  	v3 =	vld.idx.msk [tilespmem:v44+s23+$0x0], $0xffff;
	_ =	sdelay $0x2  }
0x1a1: {  	v45 =	vor.u32 v25, v33  }
0x1a2: {  	[tilespmem:v0+s30+$0x0] =	vst.idx.msk $0xffff, v2  }
0x1a3: {  	v0 =	vld [tilespmem:$0xD50];
	[tilespmem:v1+s31+$0x0] =	vst.idx.msk $0xffff, v3  }
0x1a4: {  	v1 =	vld [tilespmem:$0xD50];
	_ =	sdelay $0x1  }
0x1a5: {  	v2 =	vld.idx.msk [tilespmem:v45+s23+$0x0], $0xffff  }
0x1a6: {  	v3 =	vld.idx.msk [tilespmem:v43+s23+$0x0], $0xffff;
	_ =	sdelay $0x2  }
0x1a7: {  	v46 =	vor.u32 v26, v33  }
0x1a8: {  	[tilespmem:v0+s30+$0x0] =	vst.idx.msk $0xffff, v2  }
0x1a9: {  	v0 =	vld [tilespmem:$0xD60];
	[tilespmem:v1+s31+$0x0] =	vst.idx.msk $0xffff, v3  }
0x1aa: {  	v1 =	vld [tilespmem:$0xD60];
	_ =	sdelay $0x1  }
0x1ab: {  	v2 =	vld.idx.msk [tilespmem:v46+s23+$0x0], $0xffff  }
0x1ac: {  	v3 =	vld.idx.msk [tilespmem:v42+s23+$0x0], $0xffff;
	_ =	sdelay $0x2  }
0x1ad: {  	v48 =	vor.u32 v27, v33  }
0x1ae: {  	[tilespmem:v0+s30+$0x0] =	vst.idx.msk $0xffff, v2  }
0x1af: {  	v0 =	vld [tilespmem:$0xD70];
	[tilespmem:v1+s31+$0x0] =	vst.idx.msk $0xffff, v3  }
0x1b0: {  	v1 =	vld [tilespmem:$0xD70];
	_ =	sdelay $0x1  }
0x1b1: {  	v2 =	vld.idx.msk [tilespmem:v48+s23+$0x0], $0xffff  }
0x1b2: {  	v3 =	vld.idx.msk [tilespmem:v41+s23+$0x0], $0xffff;
	_ =	sdelay $0x2  }
0x1b3: {  	v53 =	vor.u32 v28, v33  }
0x1b4: {  	[tilespmem:v0+s30+$0x0] =	vst.idx.msk $0xffff, v2  }
0x1b5: {  	v0 =	vld [tilespmem:$0xD80];
	[tilespmem:v1+s31+$0x0] =	vst.idx.msk $0xffff, v3  }
0x1b6: {  	v1 =	vld [tilespmem:$0xD80];
	_ =	sdelay $0x1  }
0x1b7: {  	v2 =	vld.idx.msk [tilespmem:v53+s23+$0x0], $0xffff  }
0x1b8: {  	[tilespmem:v49+s26+$0x0] =	vst.idx.msk $0xffff, v50;
	v3 =	vld.idx.msk [tilespmem:v40+s23+$0x0], $0xffff  }
0x1b9: {  	v5 =	vld.idx.msk [tilespmem:v52+s23+$0x0], $0xffff;
	[tilespmem:v47+s28+$0x0] =	vst.idx.msk $0xffff, v51  }
0x1ba: {  	v7 =	vld [tilespmem:$0xD90]  }
0x1bb: {  	v6 =	vor.u32 v29, v33;
	v54 =	vld [tilespmem:$0xD90]  }
0x1bc: {  	v56 =	vld.idx.msk [tilespmem:v39+s23+$0x0], $0xffff;
	[tilespmem:v0+s30+$0x0] =	vst.idx.msk $0xffff, v2  }
0x1bd: {  	v0 =	vld [tilespmem:$0xD90];
	[tilespmem:v1+s31+$0x0] =	vst.idx.msk $0xffff, v3  }
0x1be: {  	v1 =	vld [tilespmem:$0xD90];
	_ =	sdelay $0x1  }
0x1bf: {  	v6 =	vld.idx.msk [tilespmem:v6+s23+$0x0], $0xffff  }
0x1c0: {  	v8 =	vld.idx.msk [tilespmem:v38+s23+$0x0], $0xffff  }
0x1c1: {  	[tilespmem:v7+s28+$0x0] =	vst.idx.msk $0xffff, v56  }
0x1c2: {  	v55 =	vor.u32 v30, v32;
	[tilespmem:v54+s26+$0x0] =	vst.idx.msk $0xffff, v5;
	v58 =	vld [tilespmem:$0xDA0]  }
0x1c3: {  	v57 =	vor.u32 v30, v33;
	v4 =	vld [tilespmem:$0xDA0]  }
0x1c4: {  	v7 =	vld.idx.msk [tilespmem:v35+s23+$0x0], $0xffff;
	[tilespmem:v0+s30+$0x0] =	vst.idx.msk $0xffff, v6  }
0x1c5: {  	v0 =	vld [tilespmem:$0xDA0];
	[tilespmem:v1+s31+$0x0] =	vst.idx.msk $0xffff, v8  }
0x1c6: {  	v1 =	vld [tilespmem:$0xDA0]  }
0x1c7: {  	v2 =	vld.idx.msk [tilespmem:v55+s23+$0x0], $0xffff  }
0x1c8: {  	v3 =	vld.idx.msk [tilespmem:v57+s23+$0x0], $0xffff  }
0x1c9: {  	v8 =	vld.idx.msk [tilespmem:v37+s23+$0x0], $0xffff  }
0x1ca: {  	[tilespmem:v58+s28+$0x0] =	vst.idx.msk $0xffff, v7  }
0x1cb: {  	v59 =	vor.u32 v31, v32;
	v61 =	vld [tilespmem:$0xDB0]  }
0x1cc: {  	v60 =	vor.u32 v31, v33;
	v62 =	vld.idx.msk [tilespmem:v34+s23+$0x0], $0xffff;
	[tilespmem:v4+s26+$0x0] =	vst.idx.msk $0xffff, v2  }
0x1cd: {  	v2 =	vld [tilespmem:$0xDB0];
	[tilespmem:v0+s30+$0x0] =	vst.idx.msk $0xffff, v3  }
0x1ce: {  	v0 =	vld [tilespmem:$0xDB0];
	[tilespmem:v1+s31+$0x0] =	vst.idx.msk $0xffff, v8  }
0x1cf: {  	v1 =	vld [tilespmem:$0xDB0]  }
0x1d0: {  	v4 =	vld.idx.msk [tilespmem:v59+s23+$0x0], $0xffff  }
0x1d1: {  	v5 =	vld.idx.msk [tilespmem:v60+s23+$0x0], $0xffff  }
0x1d2: {  	v63 =	vld.idx.msk [tilespmem:v36+s23+$0x0], $0xffff  }
0x1d3: {  	p0 =	seq.s32 s22, $0x0  }
.Ltmp6:
0x1d4: {  	s0 =	sshll.u32 s5, $0xB;
	[tilespmem:v61+s28+$0x0] =	vst.idx.msk $0xffff, v62;
	(pc) =	sbr.rel @p0 .LBB2_9-.Ltmp6, $4  }
0x1d5: {  	s0 =	sand.u32 $0x1FFFF000, s0;
	[tilespmem:v2+s26+$0x0] =	vst.idx.msk $0xffff, v4  }
0x1d6: {  	s7 =	simm.s32 $0xDC0;
	s0 =	sadd.s32 s4, s0;
	[tilespmem:v0+s30+$0x0] =	vst.idx.msk $0xffff, v5  }
0x1d7: {  	s30 =	smov.u32 s3;
	[tilespmem:v1+s31+$0x0] =	vst.idx.msk $0xffff, v63;
	s31 =	smov.u32 s4;
	s4 =	simm.s32 $0x0  }
0x1d8: {  	[hbm4b:s0+s4] =	stream.linear.scatter [tilespmem:s7], [sflag:$0x1], $0x4000, $0x38;
	[tilespmem:$0x8DC0] =	vst v63  }
.LBB2_6:
0x1d9: {  	p0 =	slt.u32 s5, s6  }
0x1da: {  	s0 =	simm.s32 @!p0 $0x2  }
0x1db: {  	_ =	swait.ge @!p0 [sflag:s0], $0x4000  }
0x1dc: {  	[sflag:s0] =	ssyncset.done @!p0 $0x0  }
0x1dd: {  	[sflag:s0] =	ssyncadd.s32 @!p0 $0xFFFFC000  }
0x1de: {  	v0 =	vld [tilespmem:s21+$0x0];
	_ =	sdelay $0x4  }
0x1df: {  	v1 =	vld [tilespmem:s21+$0xFFFFFFF0];
	v32 =	vshll.u32 v0, $0x6  }
0x1e0: {  	v0 =	vor.u32 v16, v32;
	_ =	sdelay $0x1  }
0x1e1: {  	v2 =	vld [tilespmem:$0xCC0];
	_ =	sdelay $0x1  }
0x1e2: {  	s20 =	sshll.u32 s20, $0x4;
	v34 =	vshll.u32 v1, $0x6  }
0x1e3: {  	v1 =	vor.u32 v16, v34;
	v0 =	vld.idx.msk [tilespmem:v0+s20+$0x0], $0xffff  }
0x1e4: {  	s22 =	simm.s32 $0x0  }
0x1e5: {  	s7 =	simm.s32 $0x10;
	s0 =	sand.u32 $0x1C00, s22  }
0x1e6: {  	s7 =	sand.u32 $0x70, s7;
	s0 =	sadd.s32 $0x4DC0, s0  }
0x1e7: {  	s22 =	sadd.s32 s7, s0;
	v3 =	vor.u32 v17, v32  }
0x1e8: {  	v1 =	vld.idx.msk [tilespmem:v1+s20+$0x0], $0xffff;
	[tilespmem:v2+s22+$0x0] =	vst.idx.msk $0xffff, v0  }
0x1e9: {  	v0 =	vld [tilespmem:$0xCD0];
	_ =	sdelay $0x1  }
0x1ea: {  	s23 =	simm.s32 $0x0  }
0x1eb: {  	s7 =	sand.u32 $0x60, s23;
	v4 =	vor.u32 v17, v34;
	v3 =	vld.idx.msk [tilespmem:v3+s20+$0x0], $0xffff  }
0x1ec: {  	s23 =	sadd.s32 s7, s0  }
0x1ed: {  	[tilespmem:v2+s23+$0x0] =	vst.idx.msk $0xffff, v1  }
0x1ee: {  	v1 =	vld [tilespmem:$0xCD0]  }
0x1ef: {  	v60 =	vor.u32 v18, v32  }
0x1f0: {  	v4 =	vld.idx.msk [tilespmem:v4+s20+$0x0], $0xffff;
	[tilespmem:v0+s22+$0x0] =	vst.idx.msk $0xffff, v3  }
0x1f1: {  	v0 =	vld [tilespmem:$0xCE0];
	_ =	sdelay $0x2  }
0x1f2: {  	v61 =	vor.u32 v18, v34;
	v2 =	vld.idx.msk [tilespmem:v60+s20+$0x0], $0xffff;
	_ =	sdelay $0x1  }
0x1f3: {  	[tilespmem:v1+s23+$0x0] =	vst.idx.msk $0xffff, v4  }
0x1f4: {  	v1 =	vld [tilespmem:$0xCE0]  }
0x1f5: {  	v62 =	vor.u32 v19, v32  }
0x1f6: {  	v3 =	vld.idx.msk [tilespmem:v61+s20+$0x0], $0xffff;
	[tilespmem:v0+s22+$0x0] =	vst.idx.msk $0xffff, v2  }
0x1f7: {  	v0 =	vld [tilespmem:$0xCF0];
	_ =	sdelay $0x2  }
0x1f8: {  	v63 =	vor.u32 v19, v34;
	v4 =	vld.idx.msk [tilespmem:v62+s20+$0x0], $0xffff;
	_ =	sdelay $0x1  }
0x1f9: {  	[tilespmem:v1+s23+$0x0] =	vst.idx.msk $0xffff, v3  }
0x1fa: {  	v1 =	vld [tilespmem:$0xCF0]  }
0x1fb: {  	v33 =	vor.u32 v20, v32  }
0x1fc: {  	v2 =	vld.idx.msk [tilespmem:v63+s20+$0x0], $0xffff;
	[tilespmem:v0+s22+$0x0] =	vst.idx.msk $0xffff, v4  }
0x1fd: {  	v0 =	vld [tilespmem:$0xD00];
	_ =	sdelay $0x2  }
0x1fe: {  	v35 =	vor.u32 v20, v34;
	v3 =	vld.idx.msk [tilespmem:v33+s20+$0x0], $0xffff;
	_ =	sdelay $0x1  }
0x1ff: {  	[tilespmem:v1+s23+$0x0] =	vst.idx.msk $0xffff, v2  }
0x200: {  	v1 =	vld [tilespmem:$0xD00]  }
0x201: {  	v36 =	vor.u32 v21, v32  }
0x202: {  	v4 =	vld.idx.msk [tilespmem:v35+s20+$0x0], $0xffff;
	[tilespmem:v0+s22+$0x0] =	vst.idx.msk $0xffff, v3  }
0x203: {  	v0 =	vld [tilespmem:$0xD10];
	_ =	sdelay $0x2  }
0x204: {  	v37 =	vor.u32 v21, v34;
	v2 =	vld.idx.msk [tilespmem:v36+s20+$0x0], $0xffff;
	_ =	sdelay $0x1  }
0x205: {  	[tilespmem:v1+s23+$0x0] =	vst.idx.msk $0xffff, v4  }
0x206: {  	v1 =	vld [tilespmem:$0xD10]  }
0x207: {  	v38 =	vor.u32 v23, v32  }
0x208: {  	v3 =	vld.idx.msk [tilespmem:v37+s20+$0x0], $0xffff;
	[tilespmem:v0+s22+$0x0] =	vst.idx.msk $0xffff, v2  }
0x209: {  	v0 =	vld [tilespmem:$0xD20]  }
0x20a: {  	s14 =	sadd.s32 $0x20, s21  }
0x20b: {  	v39 =	vld [tilespmem:s14+$0x0]  }
0x20c: {  	v5 =	vor.u32 v23, v34;
	v4 =	vld.idx.msk [tilespmem:v38+s20+$0x0], $0xffff;
	_ =	sdelay $0x1  }
0x20d: {  	v40 =	vld [tilespmem:s14+$0xFFFFFFF0];
	[tilespmem:v1+s23+$0x0] =	vst.idx.msk $0xffff, v3  }
0x20e: {  	v3 =	vld [tilespmem:$0xD20]  }
0x20f: {  	v6 =	vor.u32 v24, v32;
	v33 =	vshll.u32 v39, $0x6  }
0x210: {  	v42 =	vor.u32 v16, v33;
	v41 =	vld.idx.msk [tilespmem:v5+s20+$0x0], $0xffff;
	[tilespmem:v0+s22+$0x0] =	vst.idx.msk $0xffff, v4  }
0x211: {  	v0 =	vld [tilespmem:$0xD30]  }
0x212: {  	v43 =	vld [tilespmem:$0xCC0];
	v1 =	vshll.u32 v40, $0x6  }
0x213: {  	v7 =	vor.u32 v16, v1  }
0x214: {  	v8 =	vor.u32 v24, v34;
	v6 =	vld.idx.msk [tilespmem:v6+s20+$0x0], $0xffff  }
0x215: {  	v5 =	vld.idx.msk [tilespmem:v42+s20+$0x0], $0xffff  }
0x216: {  	s7 =	simm.s32 $0x100;
	[tilespmem:v3+s23+$0x0] =	vst.idx.msk $0xffff, v41  }
0x217: {  	s11 =	simm.s32 $0x30;
	s26 =	sand.u32 $0x1C00, s7;
	v35 =	vor.u32 v17, v33;
	v2 =	vld [tilespmem:$0xD30]  }
0x218: {  	s9 =	sand.u32 $0x70, s11;
	s0 =	sadd.s32 $0x4DC0, s26;
	v44 =	vor.u32 v22, v32;
	v7 =	vld.idx.msk [tilespmem:v7+s20+$0x0], $0xffff  }
0x219: {  	s21 =	sadd.s32 s9, s0;
	v8 =	vld.idx.msk [tilespmem:v8+s20+$0x0], $0xffff;
	[tilespmem:v0+s22+$0x0] =	vst.idx.msk $0xffff, v6  }
0x21a: {  	s28 =	simm.s32 $0x20;
	[tilespmem:v43+s21+$0x0] =	vst.idx.msk $0xffff, v5;
	v0 =	vld [tilespmem:$0xD40]  }
0x21b: {  	s9 =	sand.u32 $0x60, s28;
	v5 =	vld [tilespmem:$0xCD0]  }
0x21c: {  	s26 =	sadd.s32 s9, s0;
	v45 =	vor.u32 v17, v1;
	v46 =	vld.idx.msk [tilespmem:v35+s20+$0x0], $0xffff  }
0x21d: {  	v36 =	vor.u32 v22, v34;
	[tilespmem:v43+s26+$0x0] =	vst.idx.msk $0xffff, v7;
	v3 =	vld.idx.msk [tilespmem:v44+s20+$0x0], $0xffff  }
0x21e: {  	v7 =	vld [tilespmem:$0xCD0]  }
0x21f: {  	[tilespmem:v2+s23+$0x0] =	vst.idx.msk $0xffff, v8  }
0x220: {  	v47 =	vor.u32 v18, v33;
	v2 =	vld [tilespmem:$0xD40]  }
0x221: {  	v8 =	vor.u32 v25, v32;
	v6 =	vld.idx.msk [tilespmem:v45+s20+$0x0], $0xffff  }
0x222: {  	v36 =	vld.idx.msk [tilespmem:v36+s20+$0x0], $0xffff;
	[tilespmem:v0+s22+$0x0] =	vst.idx.msk $0xffff, v3  }
0x223: {  	[tilespmem:v5+s21+$0x0] =	vst.idx.msk $0xffff, v46;
	v0 =	vld [tilespmem:$0xD50]  }
0x224: {  	v48 =	vld [tilespmem:$0xCE0]  }
0x225: {  	v49 =	vor.u32 v18, v1;
	v51 =	vld.idx.msk [tilespmem:v47+s20+$0x0], $0xffff  }
0x226: {  	[tilespmem:v7+s26+$0x0] =	vst.idx.msk $0xffff, v6;
	v50 =	vld.idx.msk [tilespmem:v8+s20+$0x0], $0xffff;
	v8 =	vor.u32 v25, v34  }
0x227: {  	v7 =	vld [tilespmem:$0xCE0]  }
0x228: {  	[tilespmem:v2+s23+$0x0] =	vst.idx.msk $0xffff, v36  }
0x229: {  	v53 =	vor.u32 v19, v33;
	v2 =	vld [tilespmem:$0xD50]  }
0x22a: {  	v52 =	vor.u32 v26, v32;
	v4 =	vld.idx.msk [tilespmem:v49+s20+$0x0], $0xffff  }
0x22b: {  	v8 =	vld.idx.msk [tilespmem:v8+s20+$0x0], $0xffff;
	[tilespmem:v0+s22+$0x0] =	vst.idx.msk $0xffff, v50  }
0x22c: {  	[tilespmem:v48+s21+$0x0] =	vst.idx.msk $0xffff, v51;
	v0 =	vld [tilespmem:$0xD60]  }
0x22d: {  	v3 =	vld [tilespmem:$0xCF0]  }
0x22e: {  	v54 =	vor.u32 v19, v1;
	v57 =	vld.idx.msk [tilespmem:v53+s20+$0x0], $0xffff  }
0x22f: {  	v56 =	vor.u32 v26, v34;
	[tilespmem:v7+s26+$0x0] =	vst.idx.msk $0xffff, v4;
	v55 =	vld.idx.msk [tilespmem:v52+s20+$0x0], $0xffff  }
0x230: {  	v7 =	vld [tilespmem:$0xCF0]  }
0x231: {  	[tilespmem:v2+s23+$0x0] =	vst.idx.msk $0xffff, v8  }
0x232: {  	v58 =	vor.u32 v20, v33;
	v2 =	vld [tilespmem:$0xD60]  }
0x233: {  	v5 =	vld.idx.msk [tilespmem:v54+s20+$0x0], $0xffff;
	v8 =	vor.u32 v27, v32  }
0x234: {  	v35 =	vld.idx.msk [tilespmem:v56+s20+$0x0], $0xffff;
	[tilespmem:v0+s22+$0x0] =	vst.idx.msk $0xffff, v55  }
0x235: {  	[tilespmem:v3+s21+$0x0] =	vst.idx.msk $0xffff, v57;
	v0 =	vld [tilespmem:$0xD70]  }
0x236: {  	v3 =	vld [tilespmem:$0xD00]  }
0x237: {  	v59 =	vor.u32 v20, v1;
	v60 =	vld.idx.msk [tilespmem:v58+s20+$0x0], $0xffff  }
0x238: {  	[tilespmem:v7+s26+$0x0] =	vst.idx.msk $0xffff, v5;
	v6 =	vld.idx.msk [tilespmem:v8+s20+$0x0], $0xffff;
	v8 =	vor.u32 v27, v34  }
0x239: {  	v7 =	vld [tilespmem:$0xD00]  }
0x23a: {  	[tilespmem:v2+s23+$0x0] =	vst.idx.msk $0xffff, v35  }
0x23b: {  	v37 =	vor.u32 v21, v33;
	v2 =	vld [tilespmem:$0xD70]  }
0x23c: {  	v61 =	vor.u32 v28, v32;
	v4 =	vld.idx.msk [tilespmem:v59+s20+$0x0], $0xffff  }
0x23d: {  	v8 =	vld.idx.msk [tilespmem:v8+s20+$0x0], $0xffff;
	[tilespmem:v0+s22+$0x0] =	vst.idx.msk $0xffff, v6  }
0x23e: {  	v62 =	vor.u32 v21, v1;
	[tilespmem:v3+s21+$0x0] =	vst.idx.msk $0xffff, v60;
	v49 =	vld [tilespmem:$0xD80]  }
0x23f: {  	v53 =	vld [tilespmem:$0xD10]  }
0x240: {  	v63 =	vor.u32 v28, v34;
	v39 =	vor.u32 v29, v34;
	v42 =	vor.u32 v26, v1;
	v55 =	vld.idx.msk [tilespmem:v37+s20+$0x0], $0xffff  }
0x241: {  	v40 =	vor.u32 v28, v1;
	v38 =	vor.u32 v29, v1;
	[tilespmem:v7+s26+$0x0] =	vst.idx.msk $0xffff, v4;
	v50 =	vld.idx.msk [tilespmem:v61+s20+$0x0], $0xffff  }
0x242: {  	v41 =	vor.u32 v27, v1;
	v43 =	vor.u32 v25, v1;
	v46 =	vor.u32 v23, v1;
	v54 =	vld [tilespmem:$0xD10]  }
0x243: {  	v45 =	vor.u32 v24, v1;
	v44 =	vor.u32 v22, v1;
	v56 =	vld.idx.msk [tilespmem:v62+s20+$0x0], $0xffff;
	[tilespmem:v2+s23+$0x0] =	vst.idx.msk $0xffff, v8  }
0x244: {  	v36 =	vor.u32 v31, v1;
	v57 =	vor.u32 v23, v33;
	v52 =	vor.u32 v29, v32;
	v47 =	vld [tilespmem:$0xD80]  }
0x245: {  	s12 =	simm.s32 $0x2;
	s15 =	sadd.s32 $0x20, s14;
	v37 =	vor.u32 v30, v1;
	v35 =	vor.u32 v30, v34;
	v34 =	vor.u32 v31, v34;
	v51 =	vld.idx.msk [tilespmem:v63+s20+$0x0], $0xffff  }
.LBB2_7:
0x246: {  	v0 =	vld [tilespmem:s15+$0x0];
	[tilespmem:v49+s22+$0x0] =	vst.idx.msk $0xffff, v50  }
0x247: {  	[tilespmem:v53+s21+$0x0] =	vst.idx.msk $0xffff, v55;
	v1 =	vld [tilespmem:$0xD90]  }
0x248: {  	v2 =	vld [tilespmem:$0xD20]  }
0x249: {  	v3 =	vld.idx.msk [tilespmem:v52+s20+$0x0], $0xffff  }
0x24a: {  	[tilespmem:v54+s26+$0x0] =	vst.idx.msk $0xffff, v56;
	v4 =	vld.idx.msk [tilespmem:v57+s20+$0x0], $0xffff  }
0x24b: {  	s12 =	sadd.s32 $0x2, s12;
	v5 =	vld [tilespmem:s15+$0xFFFFFFF0]  }
0x24c: {  	p0 =	slt.u32 s12, $0x3E;
	v6 =	vld [tilespmem:$0xD20];
	[tilespmem:v47+s23+$0x0] =	vst.idx.msk $0xffff, v51  }
0x24d: {  	v8 =	vor.u32 v30, v32;
	v7 =	vld.idx.msk [tilespmem:v46+s20+$0x0], $0xffff  }
0x24e: {  	v48 =	vor.u32 v24, v33;
	v52 =	vld [tilespmem:$0xD90]  }
0x24f: {  	v0 =	vshll.u32 v0, $0x6;
	v53 =	vld [tilespmem:$0xCC0];
	[tilespmem:v1+s22+$0x0] =	vst.idx.msk $0xffff, v3  }
0x250: {  	v3 =	vor.u32 v16, v0;
	v1 =	vshll.u32 v5, $0x6;
	[tilespmem:v2+s21+$0x0] =	vst.idx.msk $0xffff, v4;
	v2 =	vld [tilespmem:$0xDA0]  }
0x251: {  	v4 =	vor.u32 v16, v1;
	v5 =	vor.u32 v17, v1;
	v54 =	vor.u32 v18, v1;
	v55 =	vld [tilespmem:$0xD30]  }
0x252: {  	v56 =	vor.u32 v19, v1;
	v49 =	vor.u32 v20, v1;
	v47 =	vor.u32 v21, v1;
	v8 =	vld.idx.msk [tilespmem:v8+s20+$0x0], $0xffff  }
0x253: {  	v46 =	vor.u32 v23, v1;
	v57 =	vor.u32 v24, v1;
	v58 =	vor.u32 v22, v1;
	v59 =	vld.idx.msk [tilespmem:v48+s20+$0x0], $0xffff  }
0x254: {  	v60 =	vor.u32 v25, v1;
	v61 =	vor.u32 v26, v1;
	[tilespmem:v6+s26+$0x0] =	vst.idx.msk $0xffff, v7;
	v6 =	vld.idx.msk [tilespmem:v39+s20+$0x0], $0xffff  }
0x255: {  	v50 =	vor.u32 v27, v1;
	v48 =	vor.u32 v28, v1;
	v7 =	vor.u32 v29, v1;
	v3 =	vld.idx.msk [tilespmem:v3+s20+$0x0], $0xffff  }
0x256: {  	v62 =	vor.u32 v30, v1;
	v51 =	vor.u32 v31, v1;
	v1 =	vor.u32 v31, v32;
	v4 =	vld.idx.msk [tilespmem:v4+s20+$0x0], $0xffff  }
0x257: {  	s7 =	sadd.s32 $0x100, s7;
	v32 =	vmovc v33;
	v33 =	vmov v0;
	v39 =	vmov v38;
	v38 =	vmov v7;
	v63 =	vld [tilespmem:$0xD30]  }
0x258: {  	s11 =	sadd.s32 $0x20, s11;
	s0 =	sand.u32 $0x1C00, s7;
	v7 =	vor.u32 v22, v32;
	v0 =	vld.idx.msk [tilespmem:v45+s20+$0x0], $0xffff;
	[tilespmem:v2+s22+$0x0] =	vst.idx.msk $0xffff, v8;
	v45 =	vmov v57  }
0x259: {  	s9 =	sadd.s32 $0xFFFFFFF0, s11;
	s14 =	sand.u32 $0x70, s11;
	s0 =	sadd.s32 $0x4DC0, s0;
	v2 =	vor.u32 v17, v33;
	[tilespmem:v55+s21+$0x0] =	vst.idx.msk $0xffff, v59;
	v8 =	vld [tilespmem:$0xDB0]  }
0x25a: {  	s9 =	sand.u32 $0x60, s9;
	s28 =	sadd.s32 s14, s0;
	v55 =	vld [tilespmem:$0xD40];
	[tilespmem:v52+s23+$0x0] =	vst.idx.msk $0xffff, v6  }
0x25b: {  	s14 =	sadd.s32 s9, s0;
	[tilespmem:v53+s28+$0x0] =	vst.idx.msk $0xffff, v3;
	v1 =	vld.idx.msk [tilespmem:v1+s20+$0x0], $0xffff  }
0x25c: {  	[tilespmem:v53+s14+$0x0] =	vst.idx.msk $0xffff, v4;
	v3 =	vld [tilespmem:$0xCD0]  }
0x25d: {  	v4 =	vld.idx.msk [tilespmem:v7+s20+$0x0], $0xffff  }
0x25e: {  	v2 =	vld.idx.msk [tilespmem:v2+s20+$0x0], $0xffff  }
0x25f: {  	v6 =	vld [tilespmem:$0xCD0];
	[tilespmem:v63+s26+$0x0] =	vst.idx.msk $0xffff, v0  }
0x260: {  	v0 =	vld.idx.msk [tilespmem:v5+s20+$0x0], $0xffff  }
0x261: {  	v7 =	vor.u32 v25, v32;
	v5 =	vld [tilespmem:$0xD40];
	[tilespmem:v8+s22+$0x0] =	vst.idx.msk $0xffff, v1;
	s22 =	smov.u32 s21;
	s21 =	smov.u32 s28  }
0x262: {  	v1 =	vor.u32 v18, v33;
	v8 =	vld.idx.msk [tilespmem:v44+s20+$0x0], $0xffff;
	v44 =	vmov v58  }
0x263: {  	[tilespmem:v55+s22+$0x0] =	vst.idx.msk $0xffff, v4;
	v4 =	vld [tilespmem:$0xDA0]  }
0x264: {  	[tilespmem:v3+s21+$0x0] =	vst.idx.msk $0xffff, v2;
	v2 =	vld [tilespmem:$0xD50]  }
0x265: {  	v3 =	vld [tilespmem:$0xCE0]  }
0x266: {  	v7 =	vld.idx.msk [tilespmem:v7+s20+$0x0], $0xffff  }
0x267: {  	[tilespmem:v6+s14+$0x0] =	vst.idx.msk $0xffff, v0;
	v0 =	vld.idx.msk [tilespmem:v1+s20+$0x0], $0xffff  }
0x268: {  	v1 =	vld [tilespmem:$0xCE0]  }
0x269: {  	v6 =	vld.idx.msk [tilespmem:v54+s20+$0x0], $0xffff;
	[tilespmem:v5+s26+$0x0] =	vst.idx.msk $0xffff, v8  }
0x26a: {  	v8 =	vor.u32 v26, v32;
	v5 =	vld [tilespmem:$0xD50]  }
0x26b: {  	v52 =	vor.u32 v19, v33;
	v53 =	vld.idx.msk [tilespmem:v43+s20+$0x0], $0xffff;
	v43 =	vmov v60  }
0x26c: {  	[tilespmem:v2+s22+$0x0] =	vst.idx.msk $0xffff, v7;
	v2 =	vld.idx.msk [tilespmem:v35+s20+$0x0], $0xffff;
	v35 =	vmov v37;
	v37 =	vmov v62  }
0x26d: {  	[tilespmem:v3+s21+$0x0] =	vst.idx.msk $0xffff, v0;
	v0 =	vld [tilespmem:$0xD60]  }
0x26e: {  	v3 =	vld [tilespmem:$0xCF0]  }
0x26f: {  	v7 =	vld.idx.msk [tilespmem:v8+s20+$0x0], $0xffff  }
0x270: {  	[tilespmem:v1+s14+$0x0] =	vst.idx.msk $0xffff, v6;
	v1 =	vld.idx.msk [tilespmem:v52+s20+$0x0], $0xffff  }
0x271: {  	v6 =	vld [tilespmem:$0xCF0]  }
0x272: {  	v8 =	vld.idx.msk [tilespmem:v56+s20+$0x0], $0xffff;
	[tilespmem:v5+s26+$0x0] =	vst.idx.msk $0xffff, v53  }
0x273: {  	v52 =	vor.u32 v27, v32;
	v5 =	vld [tilespmem:$0xD60];
	[tilespmem:v4+s23+$0x0] =	vst.idx.msk $0xffff, v2  }
0x274: {  	v2 =	vor.u32 v20, v33;
	v4 =	vld.idx.msk [tilespmem:v42+s20+$0x0], $0xffff;
	v42 =	vmov v61  }
0x275: {  	[tilespmem:v0+s22+$0x0] =	vst.idx.msk $0xffff, v7;
	v0 =	vld [tilespmem:$0xDB0]  }
0x276: {  	[tilespmem:v3+s21+$0x0] =	vst.idx.msk $0xffff, v1;
	v1 =	vld [tilespmem:$0xD70]  }
0x277: {  	v3 =	vld [tilespmem:$0xD00]  }
0x278: {  	v7 =	vld.idx.msk [tilespmem:v52+s20+$0x0], $0xffff  }
0x279: {  	[tilespmem:v6+s14+$0x0] =	vst.idx.msk $0xffff, v8;
	v2 =	vld.idx.msk [tilespmem:v2+s20+$0x0], $0xffff  }
0x27a: {  	v6 =	vld [tilespmem:$0xD00]  }
0x27b: {  	v8 =	vld.idx.msk [tilespmem:v49+s20+$0x0], $0xffff;
	[tilespmem:v5+s26+$0x0] =	vst.idx.msk $0xffff, v4  }
0x27c: {  	v5 =	vor.u32 v28, v32;
	v4 =	vld [tilespmem:$0xD70]  }
0x27d: {  	v52 =	vor.u32 v21, v33;
	v57 =	vld.idx.msk [tilespmem:v41+s20+$0x0], $0xffff;
	v41 =	vmov v50  }
0x27e: {  	[tilespmem:v1+s22+$0x0] =	vst.idx.msk $0xffff, v7;
	v1 =	vld.idx.msk [tilespmem:v34+s20+$0x0], $0xffff;
	v34 =	vmov v36;
	v36 =	vmov v51  }
0x27f: {  	[tilespmem:v3+s21+$0x0] =	vst.idx.msk $0xffff, v2;
	v49 =	vld [tilespmem:$0xD80]  }
0x280: {  	v53 =	vld [tilespmem:$0xD10]  }
0x281: {  	v50 =	vld.idx.msk [tilespmem:v5+s20+$0x0], $0xffff  }
.Ltmp7:
0x282: {  	[tilespmem:v6+s14+$0x0] =	vst.idx.msk $0xffff, v8;
	v55 =	vld.idx.msk [tilespmem:v52+s20+$0x0], $0xffff;
	(pc) =	sbr.rel @p0 .LBB2_7-.Ltmp7, $4  }
0x283: {  	v54 =	vld [tilespmem:$0xD10]  }
0x284: {  	v56 =	vld.idx.msk [tilespmem:v47+s20+$0x0], $0xffff;
	[tilespmem:v4+s26+$0x0] =	vst.idx.msk $0xffff, v57  }
0x285: {  	v52 =	vor.u32 v29, v32;
	v47 =	vld [tilespmem:$0xD80];
	[tilespmem:v0+s23+$0x0] =	vst.idx.msk $0xffff, v1;
	s23 =	smov.u32 s26;
	s26 =	smov.u32 s14  }
0x286: {  	s15 =	sadd.s32 $0x20, s15;
	v57 =	vor.u32 v23, v33;
	v51 =	vld.idx.msk [tilespmem:v40+s20+$0x0], $0xffff;
	v40 =	vmov v48  }
0x287: {  	_ =	sdelay $0x3  }
0x288: {  	[tilespmem:v53+s21+$0x0] =	vst.idx.msk $0xffff, v55  }
0x289: {  	v0 =	vld [tilespmem:$0xD20];
	[tilespmem:v54+s26+$0x0] =	vst.idx.msk $0xffff, v56  }
0x28a: {  	v1 =	vld [tilespmem:$0xD20];
	_ =	sdelay $0x1  }
0x28b: {  	v2 =	vld.idx.msk [tilespmem:v57+s20+$0x0], $0xffff  }
0x28c: {  	v3 =	vld.idx.msk [tilespmem:v46+s20+$0x0], $0xffff;
	_ =	sdelay $0x2  }
0x28d: {  	v4 =	vor.u32 v24, v33  }
0x28e: {  	[tilespmem:v0+s21+$0x0] =	vst.idx.msk $0xffff, v2  }
0x28f: {  	v0 =	vld [tilespmem:$0xD30];
	[tilespmem:v1+s26+$0x0] =	vst.idx.msk $0xffff, v3  }
0x290: {  	v1 =	vld [tilespmem:$0xD30];
	_ =	sdelay $0x1  }
0x291: {  	v2 =	vld.idx.msk [tilespmem:v4+s20+$0x0], $0xffff  }
0x292: {  	v3 =	vld.idx.msk [tilespmem:v45+s20+$0x0], $0xffff;
	_ =	sdelay $0x2  }
0x293: {  	v63 =	vor.u32 v22, v33  }
0x294: {  	[tilespmem:v0+s21+$0x0] =	vst.idx.msk $0xffff, v2  }
0x295: {  	v0 =	vld [tilespmem:$0xD40];
	[tilespmem:v1+s26+$0x0] =	vst.idx.msk $0xffff, v3  }
0x296: {  	v1 =	vld [tilespmem:$0xD40];
	_ =	sdelay $0x1  }
0x297: {  	v2 =	vld.idx.msk [tilespmem:v63+s20+$0x0], $0xffff  }
0x298: {  	v3 =	vld.idx.msk [tilespmem:v44+s20+$0x0], $0xffff;
	_ =	sdelay $0x2  }
0x299: {  	v45 =	vor.u32 v25, v33  }
0x29a: {  	[tilespmem:v0+s21+$0x0] =	vst.idx.msk $0xffff, v2  }
0x29b: {  	v0 =	vld [tilespmem:$0xD50];
	[tilespmem:v1+s26+$0x0] =	vst.idx.msk $0xffff, v3  }
0x29c: {  	v1 =	vld [tilespmem:$0xD50];
	_ =	sdelay $0x1  }
0x29d: {  	v2 =	vld.idx.msk [tilespmem:v45+s20+$0x0], $0xffff  }
0x29e: {  	v3 =	vld.idx.msk [tilespmem:v43+s20+$0x0], $0xffff;
	_ =	sdelay $0x2  }
0x29f: {  	v46 =	vor.u32 v26, v33  }
0x2a0: {  	[tilespmem:v0+s21+$0x0] =	vst.idx.msk $0xffff, v2  }
0x2a1: {  	v0 =	vld [tilespmem:$0xD60];
	[tilespmem:v1+s26+$0x0] =	vst.idx.msk $0xffff, v3  }
0x2a2: {  	v1 =	vld [tilespmem:$0xD60];
	_ =	sdelay $0x1  }
0x2a3: {  	v2 =	vld.idx.msk [tilespmem:v46+s20+$0x0], $0xffff  }
0x2a4: {  	v3 =	vld.idx.msk [tilespmem:v42+s20+$0x0], $0xffff;
	_ =	sdelay $0x2  }
0x2a5: {  	v48 =	vor.u32 v27, v33  }
0x2a6: {  	[tilespmem:v0+s21+$0x0] =	vst.idx.msk $0xffff, v2  }
0x2a7: {  	v0 =	vld [tilespmem:$0xD70];
	[tilespmem:v1+s26+$0x0] =	vst.idx.msk $0xffff, v3  }
0x2a8: {  	v1 =	vld [tilespmem:$0xD70];
	_ =	sdelay $0x1  }
0x2a9: {  	v2 =	vld.idx.msk [tilespmem:v48+s20+$0x0], $0xffff  }
0x2aa: {  	v3 =	vld.idx.msk [tilespmem:v41+s20+$0x0], $0xffff;
	_ =	sdelay $0x2  }
0x2ab: {  	v53 =	vor.u32 v28, v33  }
0x2ac: {  	[tilespmem:v0+s21+$0x0] =	vst.idx.msk $0xffff, v2  }
0x2ad: {  	v0 =	vld [tilespmem:$0xD80];
	[tilespmem:v1+s26+$0x0] =	vst.idx.msk $0xffff, v3  }
0x2ae: {  	v1 =	vld [tilespmem:$0xD80];
	_ =	sdelay $0x1  }
0x2af: {  	v2 =	vld.idx.msk [tilespmem:v53+s20+$0x0], $0xffff  }
0x2b0: {  	[tilespmem:v49+s22+$0x0] =	vst.idx.msk $0xffff, v50;
	v3 =	vld.idx.msk [tilespmem:v40+s20+$0x0], $0xffff  }
0x2b1: {  	v5 =	vld.idx.msk [tilespmem:v52+s20+$0x0], $0xffff;
	[tilespmem:v47+s23+$0x0] =	vst.idx.msk $0xffff, v51  }
0x2b2: {  	v7 =	vld [tilespmem:$0xD90]  }
0x2b3: {  	v6 =	vor.u32 v29, v33;
	v54 =	vld [tilespmem:$0xD90]  }
0x2b4: {  	v56 =	vld.idx.msk [tilespmem:v39+s20+$0x0], $0xffff;
	[tilespmem:v0+s21+$0x0] =	vst.idx.msk $0xffff, v2  }
0x2b5: {  	v0 =	vld [tilespmem:$0xD90];
	[tilespmem:v1+s26+$0x0] =	vst.idx.msk $0xffff, v3  }
0x2b6: {  	v1 =	vld [tilespmem:$0xD90];
	_ =	sdelay $0x1  }
0x2b7: {  	v6 =	vld.idx.msk [tilespmem:v6+s20+$0x0], $0xffff  }
0x2b8: {  	v8 =	vld.idx.msk [tilespmem:v38+s20+$0x0], $0xffff  }
0x2b9: {  	[tilespmem:v7+s23+$0x0] =	vst.idx.msk $0xffff, v56  }
0x2ba: {  	v55 =	vor.u32 v30, v32;
	[tilespmem:v54+s22+$0x0] =	vst.idx.msk $0xffff, v5;
	v58 =	vld [tilespmem:$0xDA0]  }
0x2bb: {  	v57 =	vor.u32 v30, v33;
	v4 =	vld [tilespmem:$0xDA0]  }
0x2bc: {  	v7 =	vld.idx.msk [tilespmem:v35+s20+$0x0], $0xffff;
	[tilespmem:v0+s21+$0x0] =	vst.idx.msk $0xffff, v6  }
0x2bd: {  	v0 =	vld [tilespmem:$0xDA0];
	[tilespmem:v1+s26+$0x0] =	vst.idx.msk $0xffff, v8  }
0x2be: {  	v1 =	vld [tilespmem:$0xDA0]  }
0x2bf: {  	v2 =	vld.idx.msk [tilespmem:v55+s20+$0x0], $0xffff  }
0x2c0: {  	v3 =	vld.idx.msk [tilespmem:v57+s20+$0x0], $0xffff  }
0x2c1: {  	v8 =	vld.idx.msk [tilespmem:v37+s20+$0x0], $0xffff  }
0x2c2: {  	[tilespmem:v58+s23+$0x0] =	vst.idx.msk $0xffff, v7  }
0x2c3: {  	v59 =	vor.u32 v31, v32;
	v61 =	vld [tilespmem:$0xDB0]  }
0x2c4: {  	v60 =	vor.u32 v31, v33;
	v62 =	vld.idx.msk [tilespmem:v34+s20+$0x0], $0xffff;
	[tilespmem:v4+s22+$0x0] =	vst.idx.msk $0xffff, v2  }
0x2c5: {  	v2 =	vld [tilespmem:$0xDB0];
	[tilespmem:v0+s21+$0x0] =	vst.idx.msk $0xffff, v3  }
0x2c6: {  	v0 =	vld [tilespmem:$0xDB0];
	[tilespmem:v1+s26+$0x0] =	vst.idx.msk $0xffff, v8  }
0x2c7: {  	v1 =	vld [tilespmem:$0xDB0]  }
0x2c8: {  	v4 =	vld.idx.msk [tilespmem:v59+s20+$0x0], $0xffff  }
0x2c9: {  	v5 =	vld.idx.msk [tilespmem:v60+s20+$0x0], $0xffff  }
0x2ca: {  	v63 =	vld.idx.msk [tilespmem:v36+s20+$0x0], $0xffff;
	_ =	sdelay $0x1  }
.Ltmp8:
0x2cb: {  	[tilespmem:v61+s23+$0x0] =	vst.idx.msk $0xffff, v62;
	(pc) =	sbr.rel .LBB2_9-.Ltmp8, $4  }
0x2cc: {  	[tilespmem:v2+s22+$0x0] =	vst.idx.msk $0xffff, v4  }
0x2cd: {  	s0 =	sshll.u32 s5, $0xB;
	[tilespmem:v0+s21+$0x0] =	vst.idx.msk $0xffff, v5  }
0x2ce: {  	s3 =	simm.s32 $0x4DC0;
	s0 =	sadd.s32 s31, s0;
	[tilespmem:v1+s26+$0x0] =	vst.idx.msk $0xffff, v63  }
0x2cf: {  	[hbm4b:s0+s4] =	stream.linear.scatter [tilespmem:s3], [sflag:$0x2], $0x4000, $0x38;
	[tilespmem:$0x8DC0] =	vst v63  }
.LBB2_11:
0x2d0: {  	_ =	sfence.sel $0x180000  }
0x2d1: {  	[bflag:$0x0] =	sbarrier.arrive $0xFFFF  }
0x2d2: {  	_ =	strace $0x90000047  }
0x2d3: {  	s0 =	stileid.u32;
	[bflag:$0x2] =	sbarrier.arrive $0xFFFF  }
0x2d4: {  	p0 =	sne.s32 s0, $0x0;
	s0 =	rddreg [dreg:$0x3]  }
0x2d5: {  	s0 =	sadd.s32 @!p0 $0x100000, s0  }
0x2d6: {  	[sflag:s0] =	ssyncadd.tile.s32 @!p0 $0x1;
	_ =	shalt  }
.Lfunc_end2:
_tile_overlayer_lowered:
.L_overlay_start_2:
0x2d7: {  	(tag) =	ssettag $0x2  }
0x2d8: {  	s0 =	rddreg [dreg:$0x0];
	s2 =	stileid.u32  }
0x2d9: {  	s1 =	rddreg [dreg:$0x1];
	p0 =	sne.s32 s2, $0x0  }
0x2da: {  	s3 =	rddreg [dreg:$0x2];
	[bflag:$0x3] =	sbarrier.arrive $0xFFFF;
	s2 =	simm.s32 @!p0 $0x1C04  }
0x2db: {  	[timem:s3], [sflag:s2] =	dma.local @!p0 [hbm:s0], s1  }
0x2dc: {  	s0 =	simm.s32 @!p0 $0x4  }
0x2dd: {  	_ =	swait.ge @!p0 [sflag:s0], s1  }
0x2de: {  	s1 =	ssub.s32 @!p0 $0x0, s1;
	[sflag:s0] =	ssyncset.done @!p0 $0x0  }
0x2df: {  	[sflag:s0] =	ssyncadd.s32 @!p0 s1  }
0x2e0: {  	[bflag:$0x3] =	sbarrier.arrive $0xFFFF  }
0x2e1: {  	_ =	shalt  }

</sc_bundles>
